<compile_context>
chip_gen: v7x
topology: tpu7x:2x2x1
jax: 0.10.2.dev20260603
libtpu: 0.0.44.dev20260713+nightly
codegen_flags: <defaults>
</compile_context>

<pallas_src>
import functools

import jax
import jax.numpy as jnp
from jax import lax
from jax.experimental import pallas as pl
from jax.experimental.pallas import tpu as pltpu
from jax.experimental.pallas import tpu_sc as plsc


_CH = 128
_BR = 2000




def _make_sc_gather_pairs(pairs, base, NC, NS):
    NW = NC * NS
    n_it_total = pairs // _CH
    q, r = divmod(n_it_total, NW)
    max_it = q + (1 if r else 0)
    n_tri = -(-(max_it + 2) // 3)
    mesh = plsc.VectorSubcoreMesh(core_axis_name="c", subcore_axis_name="s")

    @functools.partial(
        pl.kernel,
        mesh=mesh,
        out_type=jax.ShapeDtypeStruct((pairs, _CH), jnp.int32),
        scratch_types=[
            pltpu.VMEM((max_it * _CH,), jnp.int32),
            pltpu.VMEM((max_it * _CH,), jnp.int32),
            pltpu.VMEM((3, _CH, _CH), jnp.int32),
        ] + [pltpu.SemaphoreType.DMA] * 9,
    )
    def gather_k(i0_hbm, i1_hbm, tlo_hbm, thi_hbm, out_hbm,
                 i0_v, i1_v, rows_v, *sems):
        gsem = sems[0:3]
        hsem = sems[3:6]
        wsem = sems[6:9]
        wid = lax.axis_index("s") * NC + lax.axis_index("c")
        n_w = q + (wid < r).astype(jnp.int32)
        row0 = (wid * q + jnp.minimum(wid, r)) * _CH
        pltpu.sync_copy(i0_hbm.at[pl.ds(base + row0, max_it * _CH)], i0_v)
        pltpu.sync_copy(i1_hbm.at[pl.ds(base + row0, max_it * _CH)], i1_v)

        def g1_start(it, s):
            pltpu.async_copy(tlo_hbm.at[i0_v.at[pl.ds(it * _CH, _CH)]],
                             rows_v.at[s], gsem[s])

        def g1_wait(s):
            pltpu.make_async_copy(tlo_hbm.at[i0_v.at[pl.ds(0, _CH)]],
                                  rows_v.at[s], gsem[s]).wait()

        def g2_start(it, s):
            pltpu.async_copy(thi_hbm.at[i1_v.at[pl.ds(it * _CH, _CH)]],
                             rows_v.at[s], hsem[s], add=True)

        def g2_wait(s):
            pltpu.make_async_copy(thi_hbm.at[i1_v.at[pl.ds(0, _CH)]],
                                  rows_v.at[s], hsem[s]).wait()

        def wo_start(it, s):
            pltpu.async_copy(rows_v.at[s],
                             out_hbm.at[pl.ds(row0 + it * _CH, _CH)],
                             wsem[s])

        def wo_drain(s):
            pltpu.make_async_copy(rows_v.at[s],
                                  out_hbm.at[pl.ds(0, _CH)], wsem[s]).wait()

        def tri_body(u, carry):
            for j in range(3):
                it = 3 * u + j

                @pl.when(jnp.logical_and(it >= 3, it < n_w))
                def _(s=j):
                    wo_drain(s)

                @pl.when(it < n_w)
                def _(s=j, it=it):
                    g1_start(it, s)

                @pl.when(jnp.logical_and(it - 1 >= 0, it - 1 < n_w))
                def _(s=(j - 1) % 3, it=it):
                    g1_wait(s)
                    g2_start(it - 1, s)

                @pl.when(jnp.logical_and(it - 2 >= 0, it - 2 < n_w))
                def _(s=(j - 2) % 3, it=it):
                    g2_wait(s)
                    wo_start(it - 2, s)
            return carry

        lax.fori_loop(0, n_tri, tri_body, 0)
        for s in range(3):
            @pl.when(n_w > s)
            def _(s=s):
                wo_drain(s)

    return gather_k




def _mish(h):
    e = jnp.exp(h)
    u = e * (e + 2.0)
    return jnp.where(h > 20.0, h, h * (u / (u + 2.0)))


def _mlp2(x, wi, bi, wo, bo):
    h = lax.dot_general(x.astype(jnp.bfloat16), wi, (((1,), (1,)), ((), ())),
                        preferred_element_type=jnp.float32) + bi
    h = _mish(h)
    o = lax.dot_general(h.astype(jnp.bfloat16), wo, (((1,), (1,)), ((), ())),
                        preferred_element_type=jnp.float32) + bo
    return x + o


def _unpack_pair(xi):
    x0 = lax.bitcast_convert_type(xi << 16, jnp.float32)
    x1 = lax.bitcast_convert_type(xi & jnp.int32(-65536), jnp.float32)
    return x0, x1


def _edge_body(buf_ref, x_ref, wie, bie, woe, boe, o_ref):
    del buf_ref
    x0, x1 = _unpack_pair(x_ref[...])
    x = jnp.concatenate([x0, x1], axis=1)
    o = _mlp2(x, wie[...], bie[...], woe[...], boe[...])
    o_ref[...] = o.reshape(_BR, 128)


def _label_body(buf_ref, x_ref, wil, bil, wol, bol, o_ref):
    del buf_ref
    x0, x1 = _unpack_pair(x_ref[...])
    o0 = _mlp2(x0, wil[...], bil[...], wol[...], bol[...])
    o1 = _mlp2(x1, wil[...], bil[...], wol[...], bol[...])
    o = jnp.stack([o0, o1], axis=1)
    o_ref[...] = o.reshape(_BR, 128)


def _chunk_call(body, buf, dummy, gathered_c, in_off, out_base, n_blocks,
                L, D, wi, bi, wo, bo, F):
    full = lambda j: (0, 0)
    kwargs = dict(
        grid=(n_blocks,),
        in_specs=[
            pl.BlockSpec((8, D), full),
            pl.BlockSpec((_BR // 2, D), lambda j, o=in_off: (o + j, 0)),
            pl.BlockSpec((F, F), full),
            pl.BlockSpec((1, F), full),
            pl.BlockSpec((F, F), full),
            pl.BlockSpec((1, F), full),
        ],
        out_specs=pl.BlockSpec((_BR, D), lambda j, b=out_base: (b + j, 0)),
        out_shape=jax.ShapeDtypeStruct((L, D), jnp.float32),
    )
    if buf is None:
        args = (dummy,)
    else:
        kwargs["input_output_aliases"] = {0: 0}
        args = (buf,)
    return pl.pallas_call(body, **kwargs)(
        *args, gathered_c, wi, bi.reshape(1, -1), wo, bo.reshape(1, -1))




def kernel(node_embeddings, atoms_edge, atoms_label,
           W_inner_edge, b_inner_edge, W_outer_edge, b_outer_edge,
           W_inner_label, b_inner_label, W_outer_label, b_outer_label):
    N, D = node_embeddings.shape
    E2 = atoms_edge.shape[0]
    PE = E2 // 2
    NL = atoms_label.shape[0]
    L = E2 + NL

    info = plsc.get_sparse_core_info()
    NC, NS = info.num_cores, info.num_subcores
    NW = NC * NS

    e32 = lax.bitcast_convert_type(node_embeddings, jnp.int32)
    rounded = e32 + jnp.int32(0x7FFF) + ((e32 >> 16) & 1)
    t_lo = (rounded >> 16) & jnp.int32(0xFFFF)
    t_hi = rounded & jnp.int32(-65536)

    unit = 16000
    assert PE % unit == 0 and NL % 2 == 0
    PL = NL // 2
    P_tot = -(-(PE + PL) // unit) * unit
    slack = NW * _CH
    n_pad = 2 * (P_tot + slack) - L
    flat_pad = jnp.concatenate([
        atoms_edge, atoms_label,
        jnp.arange(n_pad, dtype=jnp.int32) % N,
    ])

    units_e = PE // unit
    q, r = divmod(units_e - 1, 3)
    chunks_p = [unit * u for u in [1] + [q + 1] * r + [q] * (3 - r)]
    chunks_p.append(-(-PL // _CH) * _CH)
    bases_p = [sum(chunks_p[:c]) for c in range(len(chunks_p))]

    f2d = flat_pad.reshape(-1, 2 * _CH)
    over = slack // _CH

    gathered = []
    for cp, bp in zip(chunks_p, bases_p):
        r0 = bp // _CH
        r1 = (bp + cp) // _CH + over
        i0_c = f2d[r0:r1, 0::2].reshape(-1)
        i1_c = f2d[r0:r1, 1::2].reshape(-1)
        gk = _make_sc_gather_pairs(cp, 0, NC, NS)
        gathered.append(gk(i0_c, i1_c, t_lo, t_hi))

    wie = W_inner_edge.astype(jnp.bfloat16)
    woe = W_outer_edge.astype(jnp.bfloat16)
    wil = W_inner_label.astype(jnp.bfloat16)
    wol = W_outer_label.astype(jnp.bfloat16)

    pb = _BR // 2
    buf = None
    dummy = node_embeddings[:8]
    for c, (cp, bp) in enumerate(zip(chunks_p, bases_p)):
        e_pairs = min(cp, max(PE - bp, 0))
        if e_pairs:
            buf = _chunk_call(_edge_body, buf, dummy, gathered[c], 0,
                              bp // pb, e_pairs // pb, L, D,
                              wie, b_inner_edge, woe, b_outer_edge, 2 * D)
        l_lo = max(bp, PE)
        l_hi = min(bp + cp, PE + PL)
        if l_hi > l_lo:
            buf = _chunk_call(_label_body, buf, dummy,
                              gathered[c], (l_lo - bp) // pb, l_lo // pb,
                              (l_hi - l_lo) // pb, L, D,
                              wil, b_inner_label, wol, b_outer_label, D)

    output_indices = flat_pad[:L]
    return (buf, output_indices)

# --- scband reference (transcript-rebuilt; emitter-appended) ---
"""Pipeline reference for scband-relation-message-passing-base-10170482557014 (READ-ONLY COPY).

The authoritative reference and input builder live on the scoring server;
editing this copy changes nothing except your own understanding.
"""

import jax, jax.numpy as jnp
import numpy as np


def mish(x):
    return x * jnp.tanh(jax.nn.softplus(x))


def setup_inputs(seed: int = 0):
    key = jax.random.key(seed)
    ks = jax.random.split(key, 12)
    N, D = 10000, 128
    E = 320000  # binary atoms; flat index length 2*E
    node_embeddings = jax.random.normal(ks[0], (N, D), dtype=jnp.float32)
    atoms_edge = jax.random.randint(ks[1], (2 * E,), 0, N, dtype=jnp.int32)
    atoms_label = jax.random.randint(ks[2], (N,), 0, N, dtype=jnp.int32)
    s = 0.05
    # relation 'edge': arity 2 -> MLP(256 -> 256 -> 256)
    W_inner_edge = jax.random.normal(ks[3], (2 * D, 2 * D), dtype=jnp.float32) * s
    b_inner_edge = jax.random.normal(ks[4], (2 * D,), dtype=jnp.float32) * s
    W_outer_edge = jax.random.normal(ks[5], (2 * D, 2 * D), dtype=jnp.float32) * s
    b_outer_edge = jax.random.normal(ks[6], (2 * D,), dtype=jnp.float32) * s
    # relation 'label': arity 1 -> MLP(128 -> 128 -> 128)
    W_inner_label = jax.random.normal(ks[7], (D, D), dtype=jnp.float32) * s
    b_inner_label = jax.random.normal(ks[8], (D,), dtype=jnp.float32) * s
    W_outer_label = jax.random.normal(ks[9], (D, D), dtype=jnp.float32) * s
    b_outer_label = jax.random.normal(ks[10], (D,), dtype=jnp.float32) * s
    return {
        "node_embeddings": node_embeddings,
        "atoms_edge": atoms_edge,
        "atoms_label": atoms_label,
        "W_inner_edge": W_inner_edge,
        "b_inner_edge": b_inner_edge,
        "W_outer_edge": W_outer_edge,
        "b_outer_edge": b_outer_edge,
        "W_inner_label": W_inner_label,
        "b_inner_label": b_inner_label,
        "W_outer_label": W_outer_label,
        "b_outer_label": b_outer_label,
    }


def reference(node_embeddings, atoms_edge, atoms_label,
              W_inner_edge, b_inner_edge, W_outer_edge, b_outer_edge,
              W_inner_label, b_inner_label, W_outer_label, b_outer_label):
    D = node_embeddings.shape[1]
    # relation 'edge' (arity 2): gather -> view(-1, 2D) -> MLP with residual -> view(-1, D)
    inp_e = jnp.take(node_embeddings, atoms_edge, axis=0).reshape(-1, 2 * D)
    h_e = mish(inp_e @ W_inner_edge.T + b_inner_edge)
    out_e = h_e @ W_outer_edge.T + b_outer_edge
    msg_e = (inp_e + out_e).reshape(-1, D)
    # relation 'label' (arity 1)
    inp_l = jnp.take(node_embeddings, atoms_label, axis=0).reshape(-1, D)
    h_l = mish(inp_l @ W_inner_label.T + b_inner_label)
    out_l = h_l @ W_outer_label.T + b_outer_label
    msg_l = (inp_l + out_l).reshape(-1, D)
    output_messages = jnp.concatenate([msg_e, msg_l], axis=0)
    output_indices = jnp.concatenate([atoms_edge, atoms_label], axis=0)
    return (output_messages, output_indices)

if __name__ == "__main__":
    import jax
    _d = setup_inputs()
    print(jax.jit(kernel)(*tuple(_d.values())))

</pallas_src>

<mosaic_0001>
#map = affine_map<(d0, d1) -> (0)>
#map1 = affine_map<(d0, d1) -> (0, 0)>
module attributes {stable_mosaic.version = 14 : i64} {
  func.func @gather_k(%arg0: i32, %arg1: i32, %arg2: memref<20096xi32, #tpu.memory_space<hbm>>, %arg3: memref<20096xi32, #tpu.memory_space<hbm>>, %arg4: memref<10000x128xi32, #tpu.memory_space<hbm>>, %arg5: memref<10000x128xi32, #tpu.memory_space<hbm>>, %arg6: memref<16000x128xi32, #tpu.memory_space<hbm>>, %arg7: memref<512xi32, #tpu.memory_space<vmem>>, %arg8: memref<512xi32, #tpu.memory_space<vmem>>, %arg9: memref<3x128x128xi32, #tpu.memory_space<vmem>>, %arg10: memref<!tpu.dma_semaphore, #tpu.memory_space<semaphore_mem>>, %arg11: memref<!tpu.dma_semaphore, #tpu.memory_space<semaphore_mem>>, %arg12: memref<!tpu.dma_semaphore, #tpu.memory_space<semaphore_mem>>, %arg13: memref<!tpu.dma_semaphore, #tpu.memory_space<semaphore_mem>>, %arg14: memref<!tpu.dma_semaphore, #tpu.memory_space<semaphore_mem>>, %arg15: memref<!tpu.dma_semaphore, #tpu.memory_space<semaphore_mem>>, %arg16: memref<!tpu.dma_semaphore, #tpu.memory_space<semaphore_mem>>, %arg17: memref<!tpu.dma_semaphore, #tpu.memory_space<semaphore_mem>>, %arg18: memref<!tpu.dma_semaphore, #tpu.memory_space<semaphore_mem>>) attributes {dimension_semantics = [#tpu.dimension_semantics<core_parallel>, #tpu.dimension_semantics<subcore_parallel>], iteration_bounds = array<i64: 2, 16>, scalar_prefetch = 0 : i64, scratch_operands = 12 : i64, tpu.core_type = #tpu.core_type<sc_vector_subcore>, window_params = [{transform_indices = #map}, {transform_indices = #map}, {transform_indices = #map1}, {transform_indices = #map1}, {transform_indices = #map1}]} {
    %mul3A = arith.constant 2 : i32
    %mul3A_0 = arith.muli %arg1, %mul3A : i32
    %add3A = arith.addi %mul3A_0, %arg0 : i32
    %lt3A = arith.constant 29 : i32
    %lt3A_1 = arith.cmpi slt, %add3A, %lt3A : i32
    %convert_element_type3A = arith.extui %lt3A_1 : i1 to i32
    %add3A_2 = arith.constant 3 : i32
    %add3A_3 = arith.addi %add3A_2, %convert_element_type3A : i32
    %mul3A_4 = arith.constant 3 : i32
    %mul3A_5 = arith.muli %add3A, %mul3A_4 : i32
    %min3A = arith.constant 29 : i32
    %min3A_6 = arith.minsi %add3A, %min3A : i32
    %add3A_7 = arith.addi %mul3A_5, %min3A_6 : i32
    %mul3A_8 = arith.constant 128 : i32
    %mul3A_9 = arith.muli %add3A_7, %mul3A_8 : i32
    %add3A_10 = arith.constant 0 : i32
    %add3A_11 = arith.addi %add3A_10, %mul3A_9 : i32
    "tpu.region"() ({
      %run_scoped3A = tpu.sem_alloc : memref<!tpu.dma_semaphore, #tpu.memory_space<semaphore_mem>>
      %dma_start3A = tpu.memref_slice %arg2[%add3A_11] : memref<20096xi32, #tpu.memory_space<hbm>> -> memref<512xi32, #tpu.memory_space<hbm>>
      %dma_start3A_32 = tpu.memref_slice %arg2[%add3A_11] : memref<20096xi32, #tpu.memory_space<hbm>> -> memref<512xi32, #tpu.memory_space<hbm>>
      tpu.enqueue_dma source(%dma_start3A_32 : memref<512xi32, #tpu.memory_space<hbm>>) target(%arg7 : memref<512xi32, #tpu.memory_space<vmem>>) target_semaphore(%run_scoped3A : memref<!tpu.dma_semaphore, #tpu.memory_space<semaphore_mem>>)
      %dma_wait3A = tpu.memref_slice %arg2[%add3A_11] : memref<20096xi32, #tpu.memory_space<hbm>> -> memref<512xi32, #tpu.memory_space<hbm>>
      %dma_wait3A_33 = tpu.memref_slice %arg2[%add3A_11] : memref<20096xi32, #tpu.memory_space<hbm>> -> memref<512xi32, #tpu.memory_space<hbm>>
      tpu.wait_dma2 semaphore(%run_scoped3A : memref<!tpu.dma_semaphore, #tpu.memory_space<semaphore_mem>>) src(%dma_wait3A_33 : memref<512xi32, #tpu.memory_space<hbm>>) dst(%arg7 : memref<512xi32, #tpu.memory_space<vmem>>)
      tpu.yield
    }) : () -> ()
    %add3A_12 = arith.constant 0 : i32
    %add3A_13 = arith.addi %add3A_12, %mul3A_9 : i32
    "tpu.region"() ({
      %run_scoped3A = tpu.sem_alloc : memref<!tpu.dma_semaphore, #tpu.memory_space<semaphore_mem>>
      %dma_start3A = tpu.memref_slice %arg3[%add3A_13] : memref<20096xi32, #tpu.memory_space<hbm>> -> memref<512xi32, #tpu.memory_space<hbm>>
      %dma_start3A_32 = tpu.memref_slice %arg3[%add3A_13] : memref<20096xi32, #tpu.memory_space<hbm>> -> memref<512xi32, #tpu.memory_space<hbm>>
      tpu.enqueue_dma source(%dma_start3A_32 : memref<512xi32, #tpu.memory_space<hbm>>) target(%arg8 : memref<512xi32, #tpu.memory_space<vmem>>) target_semaphore(%run_scoped3A : memref<!tpu.dma_semaphore, #tpu.memory_space<semaphore_mem>>)
      %dma_wait3A = tpu.memref_slice %arg3[%add3A_13] : memref<20096xi32, #tpu.memory_space<hbm>> -> memref<512xi32, #tpu.memory_space<hbm>>
      %dma_wait3A_33 = tpu.memref_slice %arg3[%add3A_13] : memref<20096xi32, #tpu.memory_space<hbm>> -> memref<512xi32, #tpu.memory_space<hbm>>
      tpu.wait_dma2 semaphore(%run_scoped3A : memref<!tpu.dma_semaphore, #tpu.memory_space<semaphore_mem>>) src(%dma_wait3A_33 : memref<512xi32, #tpu.memory_space<hbm>>) dst(%arg8 : memref<512xi32, #tpu.memory_space<vmem>>)
      tpu.yield
    }) : () -> ()
    %scan3A = arith.constant 0 : i32
    %scan3A_14 = arith.constant 0 : i32
    %scan3A_15 = arith.constant 2 : i32
    %scan3A_16 = arith.addi %scan3A_14, %scan3A_15 : i32
    %scan3A_17 = arith.constant 1 : i32
    scf.for %scan3A_32 = %scan3A_14 to %scan3A_16 step %scan3A_17  : i32 {
      %mul3A_33 = arith.constant 3 : i32
      %mul3A_34 = arith.muli %mul3A_33, %scan3A_32 : i32
      %add3A_35 = arith.constant 0 : i32
      %add3A_36 = arith.addi %mul3A_34, %add3A_35 : i32
      %ge3A = arith.constant 3 : i32
      %ge3A_37 = arith.cmpi sge, %add3A_36, %ge3A : i32
      %lt3A_38 = arith.cmpi slt, %add3A_36, %add3A_3 : i32
      %and3A = arith.andi %ge3A_37, %lt3A_38 : i1
      %convert_element_type3A_39 = arith.extui %and3A : i1 to i32
      %cond3A_40 = arith.constant 0 : i32
      %cond3A_41 = arith.cmpi ne, %convert_element_type3A_39, %cond3A_40 : i32
      scf.if %cond3A_41 {
        %dma_wait3A = arith.constant 0 : i32
        %dma_wait3A_141 = arith.constant 0 : i32
        %dma_wait3A_142 = arith.constant 0 : i32
        %dma_wait3A_143 = tpu.memref_slice %arg9[%dma_wait3A, %dma_wait3A_141, %dma_wait3A_142] : memref<3x128x128xi32, #tpu.memory_space<vmem>> -> memref<1x128x128xi32, #tpu.memory_space<vmem>>
        %dma_wait3A_144 = tpu.memref_squeeze %dma_wait3A_143 : memref<1x128x128xi32, #tpu.memory_space<vmem>> -> memref<128x128xi32, #tpu.memory_space<vmem>>
        %dma_wait3A_145 = arith.constant 0 : i32
        %dma_wait3A_146 = arith.constant 0 : i32
        %dma_wait3A_147 = tpu.memref_slice %arg6[%dma_wait3A_145, %dma_wait3A_146] : memref<16000x128xi32, #tpu.memory_space<hbm>> -> memref<128x128xi32, #tpu.memory_space<hbm>>
        %dma_wait3A_148 = arith.constant 0 : i32
        %dma_wait3A_149 = arith.constant 0 : i32
        %dma_wait3A_150 = tpu.memref_slice %arg6[%dma_wait3A_148, %dma_wait3A_149] : memref<16000x128xi32, #tpu.memory_space<hbm>> -> memref<128x128xi32, #tpu.memory_space<hbm>>
        %dma_wait3A_151 = arith.constant 0 : i32
        %dma_wait3A_152 = arith.constant 0 : i32
        %dma_wait3A_153 = tpu.memref_slice %arg9[%dma_wait3A, %dma_wait3A_151, %dma_wait3A_152] : memref<3x128x128xi32, #tpu.memory_space<vmem>> -> memref<1x128x128xi32, #tpu.memory_space<vmem>>
        %dma_wait3A_154 = tpu.memref_squeeze %dma_wait3A_153 : memref<1x128x128xi32, #tpu.memory_space<vmem>> -> memref<128x128xi32, #tpu.memory_space<vmem>>
        tpu.wait_dma2 semaphore(%arg16 : memref<!tpu.dma_semaphore, #tpu.memory_space<semaphore_mem>>) src(%dma_wait3A_154 : memref<128x128xi32, #tpu.memory_space<vmem>>) dst(%dma_wait3A_150 : memref<128x128xi32, #tpu.memory_space<hbm>>)
      } else {
      }
      %lt3A_42 = arith.cmpi slt, %add3A_36, %add3A_3 : i32
      %convert_element_type3A_43 = arith.extui %lt3A_42 : i1 to i32
      %cond3A_44 = arith.constant 0 : i32
      %cond3A_45 = arith.cmpi ne, %convert_element_type3A_43, %cond3A_44 : i32
      scf.if %cond3A_45 {
        %mul3A_141 = arith.constant 128 : i32
        %mul3A_142 = arith.muli %add3A_36, %mul3A_141 : i32
        %dma_start3A = arith.constant 0 : i32
        %dma_start3A_143 = arith.constant 0 : i32
        %dma_start3A_144 = arith.constant 0 : i32
        %dma_start3A_145 = tpu.memref_slice %arg9[%dma_start3A, %dma_start3A_143, %dma_start3A_144] : memref<3x128x128xi32, #tpu.memory_space<vmem>> -> memref<1x128x128xi32, #tpu.memory_space<vmem>>
        %dma_start3A_146 = tpu.memref_squeeze %dma_start3A_145 : memref<1x128x128xi32, #tpu.memory_space<vmem>> -> memref<128x128xi32, #tpu.memory_space<vmem>>
        %dma_start3A_147 = tpu.memref_slice %arg7[%mul3A_142] : memref<512xi32, #tpu.memory_space<vmem>> -> memref<128xi32, #tpu.memory_space<vmem>>
        %dma_start3A_148 = arith.constant 0 : i32
        %dma_start3A_149 = arith.constant 0 : i32
        %dma_start3A_150 = tpu.memref_slice %arg4[%dma_start3A_148, %dma_start3A_149] : memref<10000x128xi32, #tpu.memory_space<hbm>> -> memref<10000x128xi32, #tpu.memory_space<hbm>>
        tpu.enqueue_indirect_dma source(%dma_start3A_150 : memref<10000x128xi32, #tpu.memory_space<hbm>>) target(%dma_start3A_146 : memref<128x128xi32, #tpu.memory_space<vmem>>) offsets(%dma_start3A_147 : memref<128xi32, #tpu.memory_space<vmem>>) semaphore(%arg10 : memref<!tpu.dma_semaphore, #tpu.memory_space<semaphore_mem>>)
      } else {
      }
      %sub3A = arith.constant 1 : i32
      %sub3A_46 = arith.subi %add3A_36, %sub3A : i32
      %ge3A_47 = arith.constant 0 : i32
      %ge3A_48 = arith.cmpi sge, %sub3A_46, %ge3A_47 : i32
      %sub3A_49 = arith.constant 1 : i32
      %sub3A_50 = arith.subi %add3A_36, %sub3A_49 : i32
      %lt3A_51 = arith.cmpi slt, %sub3A_50, %add3A_3 : i32
      %and3A_52 = arith.andi %ge3A_48, %lt3A_51 : i1
      %convert_element_type3A_53 = arith.extui %and3A_52 : i1 to i32
      %cond3A_54 = arith.constant 0 : i32
      %cond3A_55 = arith.cmpi ne, %convert_element_type3A_53, %cond3A_54 : i32
      scf.if %cond3A_55 {
        %dma_wait3A = arith.constant 2 : i32
        %dma_wait3A_141 = arith.constant 0 : i32
        %dma_wait3A_142 = arith.constant 0 : i32
        %dma_wait3A_143 = tpu.memref_slice %arg9[%dma_wait3A, %dma_wait3A_141, %dma_wait3A_142] : memref<3x128x128xi32, #tpu.memory_space<vmem>> -> memref<1x128x128xi32, #tpu.memory_space<vmem>>
        %dma_wait3A_144 = tpu.memref_squeeze %dma_wait3A_143 : memref<1x128x128xi32, #tpu.memory_space<vmem>> -> memref<128x128xi32, #tpu.memory_space<vmem>>
        %dma_wait3A_145 = arith.constant 0 : i32
        %dma_wait3A_146 = tpu.memref_slice %arg7[%dma_wait3A_145] : memref<512xi32, #tpu.memory_space<vmem>> -> memref<128xi32, #tpu.memory_space<vmem>>
        %dma_wait3A_147 = arith.constant 0 : i32
        %dma_wait3A_148 = arith.constant 0 : i32
        %dma_wait3A_149 = tpu.memref_slice %arg4[%dma_wait3A_147, %dma_wait3A_148] : memref<10000x128xi32, #tpu.memory_space<hbm>> -> memref<10000x128xi32, #tpu.memory_space<hbm>>
        tpu.wait_indirect_dma semaphore(%arg12 : memref<!tpu.dma_semaphore, #tpu.memory_space<semaphore_mem>>) src(%dma_wait3A_149 : memref<10000x128xi32, #tpu.memory_space<hbm>>) dst(%dma_wait3A_144 : memref<128x128xi32, #tpu.memory_space<vmem>>)
        %sub3A_150 = arith.constant 1 : i32
        %sub3A_151 = arith.subi %add3A_36, %sub3A_150 : i32
        %mul3A_152 = arith.constant 128 : i32
        %mul3A_153 = arith.muli %sub3A_151, %mul3A_152 : i32
        %dma_start3A = arith.constant 2 : i32
        %dma_start3A_154 = arith.constant 0 : i32
        %dma_start3A_155 = arith.constant 0 : i32
        %dma_start3A_156 = tpu.memref_slice %arg9[%dma_start3A, %dma_start3A_154, %dma_start3A_155] : memref<3x128x128xi32, #tpu.memory_space<vmem>> -> memref<1x128x128xi32, #tpu.memory_space<vmem>>
        %dma_start3A_157 = tpu.memref_squeeze %dma_start3A_156 : memref<1x128x128xi32, #tpu.memory_space<vmem>> -> memref<128x128xi32, #tpu.memory_space<vmem>>
        %dma_start3A_158 = tpu.memref_slice %arg8[%mul3A_153] : memref<512xi32, #tpu.memory_space<vmem>> -> memref<128xi32, #tpu.memory_space<vmem>>
        %dma_start3A_159 = arith.constant 0 : i32
        %dma_start3A_160 = arith.constant 0 : i32
        %dma_start3A_161 = tpu.memref_slice %arg5[%dma_start3A_159, %dma_start3A_160] : memref<10000x128xi32, #tpu.memory_space<hbm>> -> memref<10000x128xi32, #tpu.memory_space<hbm>>
        tpu.enqueue_indirect_dma source(%dma_start3A_161 : memref<10000x128xi32, #tpu.memory_space<hbm>>) target(%dma_start3A_157 : memref<128x128xi32, #tpu.memory_space<vmem>>) offsets(%dma_start3A_158 : memref<128xi32, #tpu.memory_space<vmem>>) semaphore(%arg15 : memref<!tpu.dma_semaphore, #tpu.memory_space<semaphore_mem>>) {add = true}
      } else {
      }
      %sub3A_56 = arith.constant 2 : i32
      %sub3A_57 = arith.subi %add3A_36, %sub3A_56 : i32
      %ge3A_58 = arith.constant 0 : i32
      %ge3A_59 = arith.cmpi sge, %sub3A_57, %ge3A_58 : i32
      %sub3A_60 = arith.constant 2 : i32
      %sub3A_61 = arith.subi %add3A_36, %sub3A_60 : i32
      %lt3A_62 = arith.cmpi slt, %sub3A_61, %add3A_3 : i32
      %and3A_63 = arith.andi %ge3A_59, %lt3A_62 : i1
      %convert_element_type3A_64 = arith.extui %and3A_63 : i1 to i32
      %cond3A_65 = arith.constant 0 : i32
      %cond3A_66 = arith.cmpi ne, %convert_element_type3A_64, %cond3A_65 : i32
      scf.if %cond3A_66 {
        %dma_wait3A = arith.constant 1 : i32
        %dma_wait3A_141 = arith.constant 0 : i32
        %dma_wait3A_142 = arith.constant 0 : i32
        %dma_wait3A_143 = tpu.memref_slice %arg9[%dma_wait3A, %dma_wait3A_141, %dma_wait3A_142] : memref<3x128x128xi32, #tpu.memory_space<vmem>> -> memref<1x128x128xi32, #tpu.memory_space<vmem>>
        %dma_wait3A_144 = tpu.memref_squeeze %dma_wait3A_143 : memref<1x128x128xi32, #tpu.memory_space<vmem>> -> memref<128x128xi32, #tpu.memory_space<vmem>>
        %dma_wait3A_145 = arith.constant 0 : i32
        %dma_wait3A_146 = tpu.memref_slice %arg8[%dma_wait3A_145] : memref<512xi32, #tpu.memory_space<vmem>> -> memref<128xi32, #tpu.memory_space<vmem>>
        %dma_wait3A_147 = arith.constant 0 : i32
        %dma_wait3A_148 = arith.constant 0 : i32
        %dma_wait3A_149 = tpu.memref_slice %arg5[%dma_wait3A_147, %dma_wait3A_148] : memref<10000x128xi32, #tpu.memory_space<hbm>> -> memref<10000x128xi32, #tpu.memory_space<hbm>>
        tpu.wait_indirect_dma semaphore(%arg14 : memref<!tpu.dma_semaphore, #tpu.memory_space<semaphore_mem>>) src(%dma_wait3A_149 : memref<10000x128xi32, #tpu.memory_space<hbm>>) dst(%dma_wait3A_144 : memref<128x128xi32, #tpu.memory_space<vmem>>)
        %sub3A_150 = arith.constant 2 : i32
        %sub3A_151 = arith.subi %add3A_36, %sub3A_150 : i32
        %mul3A_152 = arith.constant 128 : i32
        %mul3A_153 = arith.muli %sub3A_151, %mul3A_152 : i32
        %add3A_154 = arith.addi %mul3A_9, %mul3A_153 : i32
        %dma_start3A = arith.constant 1 : i32
        %dma_start3A_155 = arith.constant 0 : i32
        %dma_start3A_156 = arith.constant 0 : i32
        %dma_start3A_157 = tpu.memref_slice %arg9[%dma_start3A, %dma_start3A_155, %dma_start3A_156] : memref<3x128x128xi32, #tpu.memory_space<vmem>> -> memref<1x128x128xi32, #tpu.memory_space<vmem>>
        %dma_start3A_158 = tpu.memref_squeeze %dma_start3A_157 : memref<1x128x128xi32, #tpu.memory_space<vmem>> -> memref<128x128xi32, #tpu.memory_space<vmem>>
        %dma_start3A_159 = arith.constant 0 : i32
        %dma_start3A_160 = tpu.memref_slice %arg6[%add3A_154, %dma_start3A_159] : memref<16000x128xi32, #tpu.memory_space<hbm>> -> memref<128x128xi32, #tpu.memory_space<hbm>>
        %dma_start3A_161 = arith.constant 0 : i32
        %dma_start3A_162 = tpu.memref_slice %arg6[%add3A_154, %dma_start3A_161] : memref<16000x128xi32, #tpu.memory_space<hbm>> -> memref<128x128xi32, #tpu.memory_space<hbm>>
        %dma_start3A_163 = arith.constant 0 : i32
        %dma_start3A_164 = arith.constant 0 : i32
        %dma_start3A_165 = tpu.memref_slice %arg9[%dma_start3A, %dma_start3A_163, %dma_start3A_164] : memref<3x128x128xi32, #tpu.memory_space<vmem>> -> memref<1x128x128xi32, #tpu.memory_space<vmem>>
        %dma_start3A_166 = tpu.memref_squeeze %dma_start3A_165 : memref<1x128x128xi32, #tpu.memory_space<vmem>> -> memref<128x128xi32, #tpu.memory_space<vmem>>
        tpu.enqueue_dma source(%dma_start3A_166 : memref<128x128xi32, #tpu.memory_space<vmem>>) target(%dma_start3A_162 : memref<128x128xi32, #tpu.memory_space<hbm>>) target_semaphore(%arg17 : memref<!tpu.dma_semaphore, #tpu.memory_space<semaphore_mem>>)
      } else {
      }
      %mul3A_67 = arith.constant 3 : i32
      %mul3A_68 = arith.muli %mul3A_67, %scan3A_32 : i32
      %add3A_69 = arith.constant 1 : i32
      %add3A_70 = arith.addi %mul3A_68, %add3A_69 : i32
      %ge3A_71 = arith.constant 3 : i32
      %ge3A_72 = arith.cmpi sge, %add3A_70, %ge3A_71 : i32
      %lt3A_73 = arith.cmpi slt, %add3A_70, %add3A_3 : i32
      %and3A_74 = arith.andi %ge3A_72, %lt3A_73 : i1
      %convert_element_type3A_75 = arith.extui %and3A_74 : i1 to i32
      %cond3A_76 = arith.constant 0 : i32
      %cond3A_77 = arith.cmpi ne, %convert_element_type3A_75, %cond3A_76 : i32
      scf.if %cond3A_77 {
        %dma_wait3A = arith.constant 1 : i32
        %dma_wait3A_141 = arith.constant 0 : i32
        %dma_wait3A_142 = arith.constant 0 : i32
        %dma_wait3A_143 = tpu.memref_slice %arg9[%dma_wait3A, %dma_wait3A_141, %dma_wait3A_142] : memref<3x128x128xi32, #tpu.memory_space<vmem>> -> memref<1x128x128xi32, #tpu.memory_space<vmem>>
        %dma_wait3A_144 = tpu.memref_squeeze %dma_wait3A_143 : memref<1x128x128xi32, #tpu.memory_space<vmem>> -> memref<128x128xi32, #tpu.memory_space<vmem>>
        %dma_wait3A_145 = arith.constant 0 : i32
        %dma_wait3A_146 = arith.constant 0 : i32
        %dma_wait3A_147 = tpu.memref_slice %arg6[%dma_wait3A_145, %dma_wait3A_146] : memref<16000x128xi32, #tpu.memory_space<hbm>> -> memref<128x128xi32, #tpu.memory_space<hbm>>
        %dma_wait3A_148 = arith.constant 0 : i32
        %dma_wait3A_149 = arith.constant 0 : i32
        %dma_wait3A_150 = tpu.memref_slice %arg6[%dma_wait3A_148, %dma_wait3A_149] : memref<16000x128xi32, #tpu.memory_space<hbm>> -> memref<128x128xi32, #tpu.memory_space<hbm>>
        %dma_wait3A_151 = arith.constant 0 : i32
        %dma_wait3A_152 = arith.constant 0 : i32
        %dma_wait3A_153 = tpu.memref_slice %arg9[%dma_wait3A, %dma_wait3A_151, %dma_wait3A_152] : memref<3x128x128xi32, #tpu.memory_space<vmem>> -> memref<1x128x128xi32, #tpu.memory_space<vmem>>
        %dma_wait3A_154 = tpu.memref_squeeze %dma_wait3A_153 : memref<1x128x128xi32, #tpu.memory_space<vmem>> -> memref<128x128xi32, #tpu.memory_space<vmem>>
        tpu.wait_dma2 semaphore(%arg17 : memref<!tpu.dma_semaphore, #tpu.memory_space<semaphore_mem>>) src(%dma_wait3A_154 : memref<128x128xi32, #tpu.memory_space<vmem>>) dst(%dma_wait3A_150 : memref<128x128xi32, #tpu.memory_space<hbm>>)
      } else {
      }
      %lt3A_78 = arith.cmpi slt, %add3A_70, %add3A_3 : i32
      %convert_element_type3A_79 = arith.extui %lt3A_78 : i1 to i32
      %cond3A_80 = arith.constant 0 : i32
      %cond3A_81 = arith.cmpi ne, %convert_element_type3A_79, %cond3A_80 : i32
      scf.if %cond3A_81 {
        %mul3A_141 = arith.constant 128 : i32
        %mul3A_142 = arith.muli %add3A_70, %mul3A_141 : i32
        %dma_start3A = arith.constant 1 : i32
        %dma_start3A_143 = arith.constant 0 : i32
        %dma_start3A_144 = arith.constant 0 : i32
        %dma_start3A_145 = tpu.memref_slice %arg9[%dma_start3A, %dma_start3A_143, %dma_start3A_144] : memref<3x128x128xi32, #tpu.memory_space<vmem>> -> memref<1x128x128xi32, #tpu.memory_space<vmem>>
        %dma_start3A_146 = tpu.memref_squeeze %dma_start3A_145 : memref<1x128x128xi32, #tpu.memory_space<vmem>> -> memref<128x128xi32, #tpu.memory_space<vmem>>
        %dma_start3A_147 = tpu.memref_slice %arg7[%mul3A_142] : memref<512xi32, #tpu.memory_space<vmem>> -> memref<128xi32, #tpu.memory_space<vmem>>
        %dma_start3A_148 = arith.constant 0 : i32
        %dma_start3A_149 = arith.constant 0 : i32
        %dma_start3A_150 = tpu.memref_slice %arg4[%dma_start3A_148, %dma_start3A_149] : memref<10000x128xi32, #tpu.memory_space<hbm>> -> memref<10000x128xi32, #tpu.memory_space<hbm>>
        tpu.enqueue_indirect_dma source(%dma_start3A_150 : memref<10000x128xi32, #tpu.memory_space<hbm>>) target(%dma_start3A_146 : memref<128x128xi32, #tpu.memory_space<vmem>>) offsets(%dma_start3A_147 : memref<128xi32, #tpu.memory_space<vmem>>) semaphore(%arg11 : memref<!tpu.dma_semaphore, #tpu.memory_space<semaphore_mem>>)
      } else {
      }
      %sub3A_82 = arith.constant 1 : i32
      %sub3A_83 = arith.subi %add3A_70, %sub3A_82 : i32
      %ge3A_84 = arith.constant 0 : i32
      %ge3A_85 = arith.cmpi sge, %sub3A_83, %ge3A_84 : i32
      %sub3A_86 = arith.constant 1 : i32
      %sub3A_87 = arith.subi %add3A_70, %sub3A_86 : i32
      %lt3A_88 = arith.cmpi slt, %sub3A_87, %add3A_3 : i32
      %and3A_89 = arith.andi %ge3A_85, %lt3A_88 : i1
      %convert_element_type3A_90 = arith.extui %and3A_89 : i1 to i32
      %cond3A_91 = arith.constant 0 : i32
      %cond3A_92 = arith.cmpi ne, %convert_element_type3A_90, %cond3A_91 : i32
      scf.if %cond3A_92 {
        %dma_wait3A = arith.constant 0 : i32
        %dma_wait3A_141 = arith.constant 0 : i32
        %dma_wait3A_142 = arith.constant 0 : i32
        %dma_wait3A_143 = tpu.memref_slice %arg9[%dma_wait3A, %dma_wait3A_141, %dma_wait3A_142] : memref<3x128x128xi32, #tpu.memory_space<vmem>> -> memref<1x128x128xi32, #tpu.memory_space<vmem>>
        %dma_wait3A_144 = tpu.memref_squeeze %dma_wait3A_143 : memref<1x128x128xi32, #tpu.memory_space<vmem>> -> memref<128x128xi32, #tpu.memory_space<vmem>>
        %dma_wait3A_145 = arith.constant 0 : i32
        %dma_wait3A_146 = tpu.memref_slice %arg7[%dma_wait3A_145] : memref<512xi32, #tpu.memory_space<vmem>> -> memref<128xi32, #tpu.memory_space<vmem>>
        %dma_wait3A_147 = arith.constant 0 : i32
        %dma_wait3A_148 = arith.constant 0 : i32
        %dma_wait3A_149 = tpu.memref_slice %arg4[%dma_wait3A_147, %dma_wait3A_148] : memref<10000x128xi32, #tpu.memory_space<hbm>> -> memref<10000x128xi32, #tpu.memory_space<hbm>>
        tpu.wait_indirect_dma semaphore(%arg10 : memref<!tpu.dma_semaphore, #tpu.memory_space<semaphore_mem>>) src(%dma_wait3A_149 : memref<10000x128xi32, #tpu.memory_space<hbm>>) dst(%dma_wait3A_144 : memref<128x128xi32, #tpu.memory_space<vmem>>)
        %sub3A_150 = arith.constant 1 : i32
        %sub3A_151 = arith.subi %add3A_70, %sub3A_150 : i32
        %mul3A_152 = arith.constant 128 : i32
        %mul3A_153 = arith.muli %sub3A_151, %mul3A_152 : i32
        %dma_start3A = arith.constant 0 : i32
        %dma_start3A_154 = arith.constant 0 : i32
        %dma_start3A_155 = arith.constant 0 : i32
        %dma_start3A_156 = tpu.memref_slice %arg9[%dma_start3A, %dma_start3A_154, %dma_start3A_155] : memref<3x128x128xi32, #tpu.memory_space<vmem>> -> memref<1x128x128xi32, #tpu.memory_space<vmem>>
        %dma_start3A_157 = tpu.memref_squeeze %dma_start3A_156 : memref<1x128x128xi32, #tpu.memory_space<vmem>> -> memref<128x128xi32, #tpu.memory_space<vmem>>
        %dma_start3A_158 = tpu.memref_slice %arg8[%mul3A_153] : memref<512xi32, #tpu.memory_space<vmem>> -> memref<128xi32, #tpu.memory_space<vmem>>
        %dma_start3A_159 = arith.constant 0 : i32
        %dma_start3A_160 = arith.constant 0 : i32
        %dma_start3A_161 = tpu.memref_slice %arg5[%dma_start3A_159, %dma_start3A_160] : memref<10000x128xi32, #tpu.memory_space<hbm>> -> memref<10000x128xi32, #tpu.memory_space<hbm>>
        tpu.enqueue_indirect_dma source(%dma_start3A_161 : memref<10000x128xi32, #tpu.memory_space<hbm>>) target(%dma_start3A_157 : memref<128x128xi32, #tpu.memory_space<vmem>>) offsets(%dma_start3A_158 : memref<128xi32, #tpu.memory_space<vmem>>) semaphore(%arg13 : memref<!tpu.dma_semaphore, #tpu.memory_space<semaphore_mem>>) {add = true}
      } else {
      }
      %sub3A_93 = arith.constant 2 : i32
      %sub3A_94 = arith.subi %add3A_70, %sub3A_93 : i32
      %ge3A_95 = arith.constant 0 : i32
      %ge3A_96 = arith.cmpi sge, %sub3A_94, %ge3A_95 : i32
      %sub3A_97 = arith.constant 2 : i32
      %sub3A_98 = arith.subi %add3A_70, %sub3A_97 : i32
      %lt3A_99 = arith.cmpi slt, %sub3A_98, %add3A_3 : i32
      %and3A_100 = arith.andi %ge3A_96, %lt3A_99 : i1
      %convert_element_type3A_101 = arith.extui %and3A_100 : i1 to i32
      %cond3A_102 = arith.constant 0 : i32
      %cond3A_103 = arith.cmpi ne, %convert_element_type3A_101, %cond3A_102 : i32
      scf.if %cond3A_103 {
        %dma_wait3A = arith.constant 2 : i32
        %dma_wait3A_141 = arith.constant 0 : i32
        %dma_wait3A_142 = arith.constant 0 : i32
        %dma_wait3A_143 = tpu.memref_slice %arg9[%dma_wait3A, %dma_wait3A_141, %dma_wait3A_142] : memref<3x128x128xi32, #tpu.memory_space<vmem>> -> memref<1x128x128xi32, #tpu.memory_space<vmem>>
        %dma_wait3A_144 = tpu.memref_squeeze %dma_wait3A_143 : memref<1x128x128xi32, #tpu.memory_space<vmem>> -> memref<128x128xi32, #tpu.memory_space<vmem>>
        %dma_wait3A_145 = arith.constant 0 : i32
        %dma_wait3A_146 = tpu.memref_slice %arg8[%dma_wait3A_145] : memref<512xi32, #tpu.memory_space<vmem>> -> memref<128xi32, #tpu.memory_space<vmem>>
        %dma_wait3A_147 = arith.constant 0 : i32
        %dma_wait3A_148 = arith.constant 0 : i32
        %dma_wait3A_149 = tpu.memref_slice %arg5[%dma_wait3A_147, %dma_wait3A_148] : memref<10000x128xi32, #tpu.memory_space<hbm>> -> memref<10000x128xi32, #tpu.memory_space<hbm>>
        tpu.wait_indirect_dma semaphore(%arg15 : memref<!tpu.dma_semaphore, #tpu.memory_space<semaphore_mem>>) src(%dma_wait3A_149 : memref<10000x128xi32, #tpu.memory_space<hbm>>) dst(%dma_wait3A_144 : memref<128x128xi32, #tpu.memory_space<vmem>>)
        %sub3A_150 = arith.constant 2 : i32
        %sub3A_151 = arith.subi %add3A_70, %sub3A_150 : i32
        %mul3A_152 = arith.constant 128 : i32
        %mul3A_153 = arith.muli %sub3A_151, %mul3A_152 : i32
        %add3A_154 = arith.addi %mul3A_9, %mul3A_153 : i32
        %dma_start3A = arith.constant 2 : i32
        %dma_start3A_155 = arith.constant 0 : i32
        %dma_start3A_156 = arith.constant 0 : i32
        %dma_start3A_157 = tpu.memref_slice %arg9[%dma_start3A, %dma_start3A_155, %dma_start3A_156] : memref<3x128x128xi32, #tpu.memory_space<vmem>> -> memref<1x128x128xi32, #tpu.memory_space<vmem>>
        %dma_start3A_158 = tpu.memref_squeeze %dma_start3A_157 : memref<1x128x128xi32, #tpu.memory_space<vmem>> -> memref<128x128xi32, #tpu.memory_space<vmem>>
        %dma_start3A_159 = arith.constant 0 : i32
        %dma_start3A_160 = tpu.memref_slice %arg6[%add3A_154, %dma_start3A_159] : memref<16000x128xi32, #tpu.memory_space<hbm>> -> memref<128x128xi32, #tpu.memory_space<hbm>>
        %dma_start3A_161 = arith.constant 0 : i32
        %dma_start3A_162 = tpu.memref_slice %arg6[%add3A_154, %dma_start3A_161] : memref<16000x128xi32, #tpu.memory_space<hbm>> -> memref<128x128xi32, #tpu.memory_space<hbm>>
        %dma_start3A_163 = arith.constant 0 : i32
        %dma_start3A_164 = arith.constant 0 : i32
        %dma_start3A_165 = tpu.memref_slice %arg9[%dma_start3A, %dma_start3A_163, %dma_start3A_164] : memref<3x128x128xi32, #tpu.memory_space<vmem>> -> memref<1x128x128xi32, #tpu.memory_space<vmem>>
        %dma_start3A_166 = tpu.memref_squeeze %dma_start3A_165 : memref<1x128x128xi32, #tpu.memory_space<vmem>> -> memref<128x128xi32, #tpu.memory_space<vmem>>
        tpu.enqueue_dma source(%dma_start3A_166 : memref<128x128xi32, #tpu.memory_space<vmem>>) target(%dma_start3A_162 : memref<128x128xi32, #tpu.memory_space<hbm>>) target_semaphore(%arg18 : memref<!tpu.dma_semaphore, #tpu.memory_space<semaphore_mem>>)
      } else {
      }
      %mul3A_104 = arith.constant 3 : i32
      %mul3A_105 = arith.muli %mul3A_104, %scan3A_32 : i32
      %add3A_106 = arith.constant 2 : i32
      %add3A_107 = arith.addi %mul3A_105, %add3A_106 : i32
      %ge3A_108 = arith.constant 3 : i32
      %ge3A_109 = arith.cmpi sge, %add3A_107, %ge3A_108 : i32
      %lt3A_110 = arith.cmpi slt, %add3A_107, %add3A_3 : i32
      %and3A_111 = arith.andi %ge3A_109, %lt3A_110 : i1
      %convert_element_type3A_112 = arith.extui %and3A_111 : i1 to i32
      %cond3A_113 = arith.constant 0 : i32
      %cond3A_114 = arith.cmpi ne, %convert_element_type3A_112, %cond3A_113 : i32
      scf.if %cond3A_114 {
        %dma_wait3A = arith.constant 2 : i32
        %dma_wait3A_141 = arith.constant 0 : i32
        %dma_wait3A_142 = arith.constant 0 : i32
        %dma_wait3A_143 = tpu.memref_slice %arg9[%dma_wait3A, %dma_wait3A_141, %dma_wait3A_142] : memref<3x128x128xi32, #tpu.memory_space<vmem>> -> memref<1x128x128xi32, #tpu.memory_space<vmem>>
        %dma_wait3A_144 = tpu.memref_squeeze %dma_wait3A_143 : memref<1x128x128xi32, #tpu.memory_space<vmem>> -> memref<128x128xi32, #tpu.memory_space<vmem>>
        %dma_wait3A_145 = arith.constant 0 : i32
        %dma_wait3A_146 = arith.constant 0 : i32
        %dma_wait3A_147 = tpu.memref_slice %arg6[%dma_wait3A_145, %dma_wait3A_146] : memref<16000x128xi32, #tpu.memory_space<hbm>> -> memref<128x128xi32, #tpu.memory_space<hbm>>
        %dma_wait3A_148 = arith.constant 0 : i32
        %dma_wait3A_149 = arith.constant 0 : i32
        %dma_wait3A_150 = tpu.memref_slice %arg6[%dma_wait3A_148, %dma_wait3A_149] : memref<16000x128xi32, #tpu.memory_space<hbm>> -> memref<128x128xi32, #tpu.memory_space<hbm>>
        %dma_wait3A_151 = arith.constant 0 : i32
        %dma_wait3A_152 = arith.constant 0 : i32
        %dma_wait3A_153 = tpu.memref_slice %arg9[%dma_wait3A, %dma_wait3A_151, %dma_wait3A_152] : memref<3x128x128xi32, #tpu.memory_space<vmem>> -> memref<1x128x128xi32, #tpu.memory_space<vmem>>
        %dma_wait3A_154 = tpu.memref_squeeze %dma_wait3A_153 : memref<1x128x128xi32, #tpu.memory_space<vmem>> -> memref<128x128xi32, #tpu.memory_space<vmem>>
        tpu.wait_dma2 semaphore(%arg18 : memref<!tpu.dma_semaphore, #tpu.memory_space<semaphore_mem>>) src(%dma_wait3A_154 : memref<128x128xi32, #tpu.memory_space<vmem>>) dst(%dma_wait3A_150 : memref<128x128xi32, #tpu.memory_space<hbm>>)
      } else {
      }
      %lt3A_115 = arith.cmpi slt, %add3A_107, %add3A_3 : i32
      %convert_element_type3A_116 = arith.extui %lt3A_115 : i1 to i32
      %cond3A_117 = arith.constant 0 : i32
      %cond3A_118 = arith.cmpi ne, %convert_element_type3A_116, %cond3A_117 : i32
      scf.if %cond3A_118 {
        %mul3A_141 = arith.constant 128 : i32
        %mul3A_142 = arith.muli %add3A_107, %mul3A_141 : i32
        %dma_start3A = arith.constant 2 : i32
        %dma_start3A_143 = arith.constant 0 : i32
        %dma_start3A_144 = arith.constant 0 : i32
        %dma_start3A_145 = tpu.memref_slice %arg9[%dma_start3A, %dma_start3A_143, %dma_start3A_144] : memref<3x128x128xi32, #tpu.memory_space<vmem>> -> memref<1x128x128xi32, #tpu.memory_space<vmem>>
        %dma_start3A_146 = tpu.memref_squeeze %dma_start3A_145 : memref<1x128x128xi32, #tpu.memory_space<vmem>> -> memref<128x128xi32, #tpu.memory_space<vmem>>
        %dma_start3A_147 = tpu.memref_slice %arg7[%mul3A_142] : memref<512xi32, #tpu.memory_space<vmem>> -> memref<128xi32, #tpu.memory_space<vmem>>
        %dma_start3A_148 = arith.constant 0 : i32
        %dma_start3A_149 = arith.constant 0 : i32
        %dma_start3A_150 = tpu.memref_slice %arg4[%dma_start3A_148, %dma_start3A_149] : memref<10000x128xi32, #tpu.memory_space<hbm>> -> memref<10000x128xi32, #tpu.memory_space<hbm>>
        tpu.enqueue_indirect_dma source(%dma_start3A_150 : memref<10000x128xi32, #tpu.memory_space<hbm>>) target(%dma_start3A_146 : memref<128x128xi32, #tpu.memory_space<vmem>>) offsets(%dma_start3A_147 : memref<128xi32, #tpu.memory_space<vmem>>) semaphore(%arg12 : memref<!tpu.dma_semaphore, #tpu.memory_space<semaphore_mem>>)
      } else {
      }
      %sub3A_119 = arith.constant 1 : i32
      %sub3A_120 = arith.subi %add3A_107, %sub3A_119 : i32
      %ge3A_121 = arith.constant 0 : i32
      %ge3A_122 = arith.cmpi sge, %sub3A_120, %ge3A_121 : i32
      %sub3A_123 = arith.constant 1 : i32
      %sub3A_124 = arith.subi %add3A_107, %sub3A_123 : i32
      %lt3A_125 = arith.cmpi slt, %sub3A_124, %add3A_3 : i32
      %and3A_126 = arith.andi %ge3A_122, %lt3A_125 : i1
      %convert_element_type3A_127 = arith.extui %and3A_126 : i1 to i32
      %cond3A_128 = arith.constant 0 : i32
      %cond3A_129 = arith.cmpi ne, %convert_element_type3A_127, %cond3A_128 : i32
      scf.if %cond3A_129 {
        %dma_wait3A = arith.constant 1 : i32
        %dma_wait3A_141 = arith.constant 0 : i32
        %dma_wait3A_142 = arith.constant 0 : i32
        %dma_wait3A_143 = tpu.memref_slice %arg9[%dma_wait3A, %dma_wait3A_141, %dma_wait3A_142] : memref<3x128x128xi32, #tpu.memory_space<vmem>> -> memref<1x128x128xi32, #tpu.memory_space<vmem>>
        %dma_wait3A_144 = tpu.memref_squeeze %dma_wait3A_143 : memref<1x128x128xi32, #tpu.memory_space<vmem>> -> memref<128x128xi32, #tpu.memory_space<vmem>>
        %dma_wait3A_145 = arith.constant 0 : i32
        %dma_wait3A_146 = tpu.memref_slice %arg7[%dma_wait3A_145] : memref<512xi32, #tpu.memory_space<vmem>> -> memref<128xi32, #tpu.memory_space<vmem>>
        %dma_wait3A_147 = arith.constant 0 : i32
        %dma_wait3A_148 = arith.constant 0 : i32
        %dma_wait3A_149 = tpu.memref_slice %arg4[%dma_wait3A_147, %dma_wait3A_148] : memref<10000x128xi32, #tpu.memory_space<hbm>> -> memref<10000x128xi32, #tpu.memory_space<hbm>>
        tpu.wait_indirect_dma semaphore(%arg11 : memref<!tpu.dma_semaphore, #tpu.memory_space<semaphore_mem>>) src(%dma_wait3A_149 : memref<10000x128xi32, #tpu.memory_space<hbm>>) dst(%dma_wait3A_144 : memref<128x128xi32, #tpu.memory_space<vmem>>)
        %sub3A_150 = arith.constant 1 : i32
        %sub3A_151 = arith.subi %add3A_107, %sub3A_150 : i32
        %mul3A_152 = arith.constant 128 : i32
        %mul3A_153 = arith.muli %sub3A_151, %mul3A_152 : i32
        %dma_start3A = arith.constant 1 : i32
        %dma_start3A_154 = arith.constant 0 : i32
        %dma_start3A_155 = arith.constant 0 : i32
        %dma_start3A_156 = tpu.memref_slice %arg9[%dma_start3A, %dma_start3A_154, %dma_start3A_155] : memref<3x128x128xi32, #tpu.memory_space<vmem>> -> memref<1x128x128xi32, #tpu.memory_space<vmem>>
        %dma_start3A_157 = tpu.memref_squeeze %dma_start3A_156 : memref<1x128x128xi32, #tpu.memory_space<vmem>> -> memref<128x128xi32, #tpu.memory_space<vmem>>
        %dma_start3A_158 = tpu.memref_slice %arg8[%mul3A_153] : memref<512xi32, #tpu.memory_space<vmem>> -> memref<128xi32, #tpu.memory_space<vmem>>
        %dma_start3A_159 = arith.constant 0 : i32
        %dma_start3A_160 = arith.constant 0 : i32
        %dma_start3A_161 = tpu.memref_slice %arg5[%dma_start3A_159, %dma_start3A_160] : memref<10000x128xi32, #tpu.memory_space<hbm>> -> memref<10000x128xi32, #tpu.memory_space<hbm>>
        tpu.enqueue_indirect_dma source(%dma_start3A_161 : memref<10000x128xi32, #tpu.memory_space<hbm>>) target(%dma_start3A_157 : memref<128x128xi32, #tpu.memory_space<vmem>>) offsets(%dma_start3A_158 : memref<128xi32, #tpu.memory_space<vmem>>) semaphore(%arg14 : memref<!tpu.dma_semaphore, #tpu.memory_space<semaphore_mem>>) {add = true}
      } else {
      }
      %sub3A_130 = arith.constant 2 : i32
      %sub3A_131 = arith.subi %add3A_107, %sub3A_130 : i32
      %ge3A_132 = arith.constant 0 : i32
      %ge3A_133 = arith.cmpi sge, %sub3A_131, %ge3A_132 : i32
      %sub3A_134 = arith.constant 2 : i32
      %sub3A_135 = arith.subi %add3A_107, %sub3A_134 : i32
      %lt3A_136 = arith.cmpi slt, %sub3A_135, %add3A_3 : i32
      %and3A_137 = arith.andi %ge3A_133, %lt3A_136 : i1
      %convert_element_type3A_138 = arith.extui %and3A_137 : i1 to i32
      %cond3A_139 = arith.constant 0 : i32
      %cond3A_140 = arith.cmpi ne, %convert_element_type3A_138, %cond3A_139 : i32
      scf.if %cond3A_140 {
        %dma_wait3A = arith.constant 0 : i32
        %dma_wait3A_141 = arith.constant 0 : i32
        %dma_wait3A_142 = arith.constant 0 : i32
        %dma_wait3A_143 = tpu.memref_slice %arg9[%dma_wait3A, %dma_wait3A_141, %dma_wait3A_142] : memref<3x128x128xi32, #tpu.memory_space<vmem>> -> memref<1x128x128xi32, #tpu.memory_space<vmem>>
        %dma_wait3A_144 = tpu.memref_squeeze %dma_wait3A_143 : memref<1x128x128xi32, #tpu.memory_space<vmem>> -> memref<128x128xi32, #tpu.memory_space<vmem>>
        %dma_wait3A_145 = arith.constant 0 : i32
        %dma_wait3A_146 = tpu.memref_slice %arg8[%dma_wait3A_145] : memref<512xi32, #tpu.memory_space<vmem>> -> memref<128xi32, #tpu.memory_space<vmem>>
        %dma_wait3A_147 = arith.constant 0 : i32
        %dma_wait3A_148 = arith.constant 0 : i32
        %dma_wait3A_149 = tpu.memref_slice %arg5[%dma_wait3A_147, %dma_wait3A_148] : memref<10000x128xi32, #tpu.memory_space<hbm>> -> memref<10000x128xi32, #tpu.memory_space<hbm>>
        tpu.wait_indirect_dma semaphore(%arg13 : memref<!tpu.dma_semaphore, #tpu.memory_space<semaphore_mem>>) src(%dma_wait3A_149 : memref<10000x128xi32, #tpu.memory_space<hbm>>) dst(%dma_wait3A_144 : memref<128x128xi32, #tpu.memory_space<vmem>>)
        %sub3A_150 = arith.constant 2 : i32
        %sub3A_151 = arith.subi %add3A_107, %sub3A_150 : i32
        %mul3A_152 = arith.constant 128 : i32
        %mul3A_153 = arith.muli %sub3A_151, %mul3A_152 : i32
        %add3A_154 = arith.addi %mul3A_9, %mul3A_153 : i32
        %dma_start3A = arith.constant 0 : i32
        %dma_start3A_155 = arith.constant 0 : i32
        %dma_start3A_156 = arith.constant 0 : i32
        %dma_start3A_157 = tpu.memref_slice %arg9[%dma_start3A, %dma_start3A_155, %dma_start3A_156] : memref<3x128x128xi32, #tpu.memory_space<vmem>> -> memref<1x128x128xi32, #tpu.memory_space<vmem>>
        %dma_start3A_158 = tpu.memref_squeeze %dma_start3A_157 : memref<1x128x128xi32, #tpu.memory_space<vmem>> -> memref<128x128xi32, #tpu.memory_space<vmem>>
        %dma_start3A_159 = arith.constant 0 : i32
        %dma_start3A_160 = tpu.memref_slice %arg6[%add3A_154, %dma_start3A_159] : memref<16000x128xi32, #tpu.memory_space<hbm>> -> memref<128x128xi32, #tpu.memory_space<hbm>>
        %dma_start3A_161 = arith.constant 0 : i32
        %dma_start3A_162 = tpu.memref_slice %arg6[%add3A_154, %dma_start3A_161] : memref<16000x128xi32, #tpu.memory_space<hbm>> -> memref<128x128xi32, #tpu.memory_space<hbm>>
        %dma_start3A_163 = arith.constant 0 : i32
        %dma_start3A_164 = arith.constant 0 : i32
        %dma_start3A_165 = tpu.memref_slice %arg9[%dma_start3A, %dma_start3A_163, %dma_start3A_164] : memref<3x128x128xi32, #tpu.memory_space<vmem>> -> memref<1x128x128xi32, #tpu.memory_space<vmem>>
        %dma_start3A_166 = tpu.memref_squeeze %dma_start3A_165 : memref<1x128x128xi32, #tpu.memory_space<vmem>> -> memref<128x128xi32, #tpu.memory_space<vmem>>
        tpu.enqueue_dma source(%dma_start3A_166 : memref<128x128xi32, #tpu.memory_space<vmem>>) target(%dma_start3A_162 : memref<128x128xi32, #tpu.memory_space<hbm>>) target_semaphore(%arg16 : memref<!tpu.dma_semaphore, #tpu.memory_space<semaphore_mem>>)
      } else {
      }
    }
    %scan3A_18 = arith.constant 2 : i32
    %gt3A = arith.constant 0 : i32
    %gt3A_19 = arith.cmpi sgt, %add3A_3, %gt3A : i32
    %convert_element_type3A_20 = arith.extui %gt3A_19 : i1 to i32
    %cond3A = arith.constant 0 : i32
    %cond3A_21 = arith.cmpi ne, %convert_element_type3A_20, %cond3A : i32
    scf.if %cond3A_21 {
      %dma_wait3A = arith.constant 0 : i32
      %dma_wait3A_32 = arith.constant 0 : i32
      %dma_wait3A_33 = arith.constant 0 : i32
      %dma_wait3A_34 = tpu.memref_slice %arg9[%dma_wait3A, %dma_wait3A_32, %dma_wait3A_33] : memref<3x128x128xi32, #tpu.memory_space<vmem>> -> memref<1x128x128xi32, #tpu.memory_space<vmem>>
      %dma_wait3A_35 = tpu.memref_squeeze %dma_wait3A_34 : memref<1x128x128xi32, #tpu.memory_space<vmem>> -> memref<128x128xi32, #tpu.memory_space<vmem>>
      %dma_wait3A_36 = arith.constant 0 : i32
      %dma_wait3A_37 = arith.constant 0 : i32
      %dma_wait3A_38 = tpu.memref_slice %arg6[%dma_wait3A_36, %dma_wait3A_37] : memref<16000x128xi32, #tpu.memory_space<hbm>> -> memref<128x128xi32, #tpu.memory_space<hbm>>
      %dma_wait3A_39 = arith.constant 0 : i32
      %dma_wait3A_40 = arith.constant 0 : i32
      %dma_wait3A_41 = tpu.memref_slice %arg6[%dma_wait3A_39, %dma_wait3A_40] : memref<16000x128xi32, #tpu.memory_space<hbm>> -> memref<128x128xi32, #tpu.memory_space<hbm>>
      %dma_wait3A_42 = arith.constant 0 : i32
      %dma_wait3A_43 = arith.constant 0 : i32
      %dma_wait3A_44 = tpu.memref_slice %arg9[%dma_wait3A, %dma_wait3A_42, %dma_wait3A_43] : memref<3x128x128xi32, #tpu.memory_space<vmem>> -> memref<1x128x128xi32, #tpu.memory_space<vmem>>
      %dma_wait3A_45 = tpu.memref_squeeze %dma_wait3A_44 : memref<1x128x128xi32, #tpu.memory_space<vmem>> -> memref<128x128xi32, #tpu.memory_space<vmem>>
      tpu.wait_dma2 semaphore(%arg16 : memref<!tpu.dma_semaphore, #tpu.memory_space<semaphore_mem>>) src(%dma_wait3A_45 : memref<128x128xi32, #tpu.memory_space<vmem>>) dst(%dma_wait3A_41 : memref<128x128xi32, #tpu.memory_space<hbm>>)
    } else {
    }
    %gt3A_22 = arith.constant 1 : i32
    %gt3A_23 = arith.cmpi sgt, %add3A_3, %gt3A_22 : i32
    %convert_element_type3A_24 = arith.extui %gt3A_23 : i1 to i32
    %cond3A_25 = arith.constant 0 : i32
    %cond3A_26 = arith.cmpi ne, %convert_element_type3A_24, %cond3A_25 : i32
    scf.if %cond3A_26 {
      %dma_wait3A = arith.constant 1 : i32
      %dma_wait3A_32 = arith.constant 0 : i32
      %dma_wait3A_33 = arith.constant 0 : i32
      %dma_wait3A_34 = tpu.memref_slice %arg9[%dma_wait3A, %dma_wait3A_32, %dma_wait3A_33] : memref<3x128x128xi32, #tpu.memory_space<vmem>> -> memref<1x128x128xi32, #tpu.memory_space<vmem>>
      %dma_wait3A_35 = tpu.memref_squeeze %dma_wait3A_34 : memref<1x128x128xi32, #tpu.memory_space<vmem>> -> memref<128x128xi32, #tpu.memory_space<vmem>>
      %dma_wait3A_36 = arith.constant 0 : i32
      %dma_wait3A_37 = arith.constant 0 : i32
      %dma_wait3A_38 = tpu.memref_slice %arg6[%dma_wait3A_36, %dma_wait3A_37] : memref<16000x128xi32, #tpu.memory_space<hbm>> -> memref<128x128xi32, #tpu.memory_space<hbm>>
      %dma_wait3A_39 = arith.constant 0 : i32
      %dma_wait3A_40 = arith.constant 0 : i32
      %dma_wait3A_41 = tpu.memref_slice %arg6[%dma_wait3A_39, %dma_wait3A_40] : memref<16000x128xi32, #tpu.memory_space<hbm>> -> memref<128x128xi32, #tpu.memory_space<hbm>>
      %dma_wait3A_42 = arith.constant 0 : i32
      %dma_wait3A_43 = arith.constant 0 : i32
      %dma_wait3A_44 = tpu.memref_slice %arg9[%dma_wait3A, %dma_wait3A_42, %dma_wait3A_43] : memref<3x128x128xi32, #tpu.memory_space<vmem>> -> memref<1x128x128xi32, #tpu.memory_space<vmem>>
      %dma_wait3A_45 = tpu.memref_squeeze %dma_wait3A_44 : memref<1x128x128xi32, #tpu.memory_space<vmem>> -> memref<128x128xi32, #tpu.memory_space<vmem>>
      tpu.wait_dma2 semaphore(%arg17 : memref<!tpu.dma_semaphore, #tpu.memory_space<semaphore_mem>>) src(%dma_wait3A_45 : memref<128x128xi32, #tpu.memory_space<vmem>>) dst(%dma_wait3A_41 : memref<128x128xi32, #tpu.memory_space<hbm>>)
    } else {
    }
    %gt3A_27 = arith.constant 2 : i32
    %gt3A_28 = arith.cmpi sgt, %add3A_3, %gt3A_27 : i32
    %convert_element_type3A_29 = arith.extui %gt3A_28 : i1 to i32
    %cond3A_30 = arith.constant 0 : i32
    %cond3A_31 = arith.cmpi ne, %convert_element_type3A_29, %cond3A_30 : i32
    scf.if %cond3A_31 {
      %dma_wait3A = arith.constant 2 : i32
      %dma_wait3A_32 = arith.constant 0 : i32
      %dma_wait3A_33 = arith.constant 0 : i32
      %dma_wait3A_34 = tpu.memref_slice %arg9[%dma_wait3A, %dma_wait3A_32, %dma_wait3A_33] : memref<3x128x128xi32, #tpu.memory_space<vmem>> -> memref<1x128x128xi32, #tpu.memory_space<vmem>>
      %dma_wait3A_35 = tpu.memref_squeeze %dma_wait3A_34 : memref<1x128x128xi32, #tpu.memory_space<vmem>> -> memref<128x128xi32, #tpu.memory_space<vmem>>
      %dma_wait3A_36 = arith.constant 0 : i32
      %dma_wait3A_37 = arith.constant 0 : i32
      %dma_wait3A_38 = tpu.memref_slice %arg6[%dma_wait3A_36, %dma_wait3A_37] : memref<16000x128xi32, #tpu.memory_space<hbm>> -> memref<128x128xi32, #tpu.memory_space<hbm>>
      %dma_wait3A_39 = arith.constant 0 : i32
      %dma_wait3A_40 = arith.constant 0 : i32
      %dma_wait3A_41 = tpu.memref_slice %arg6[%dma_wait3A_39, %dma_wait3A_40] : memref<16000x128xi32, #tpu.memory_space<hbm>> -> memref<128x128xi32, #tpu.memory_space<hbm>>
      %dma_wait3A_42 = arith.constant 0 : i32
      %dma_wait3A_43 = arith.constant 0 : i32
      %dma_wait3A_44 = tpu.memref_slice %arg9[%dma_wait3A, %dma_wait3A_42, %dma_wait3A_43] : memref<3x128x128xi32, #tpu.memory_space<vmem>> -> memref<1x128x128xi32, #tpu.memory_space<vmem>>
      %dma_wait3A_45 = tpu.memref_squeeze %dma_wait3A_44 : memref<1x128x128xi32, #tpu.memory_space<vmem>> -> memref<128x128xi32, #tpu.memory_space<vmem>>
      tpu.wait_dma2 semaphore(%arg18 : memref<!tpu.dma_semaphore, #tpu.memory_space<semaphore_mem>>) src(%dma_wait3A_45 : memref<128x128xi32, #tpu.memory_space<vmem>>) dst(%dma_wait3A_41 : memref<128x128xi32, #tpu.memory_space<hbm>>)
    } else {
    }
    return
  }
}

#map = affine_map<(d0, d1) -> (0)>
#map1 = affine_map<(d0, d1) -> (0, 0)>
module attributes {stable_mosaic.version = 14 : i64} {
  func.func @gather_k(%arg0: i32, %arg1: i32, %arg2: memref<100096xi32, #tpu.memory_space<hbm>>, %arg3: memref<100096xi32, #tpu.memory_space<hbm>>, %arg4: memref<10000x128xi32, #tpu.memory_space<hbm>>, %arg5: memref<10000x128xi32, #tpu.memory_space<hbm>>, %arg6: memref<96000x128xi32, #tpu.memory_space<hbm>>, %arg7: memref<3072xi32, #tpu.memory_space<vmem>>, %arg8: memref<3072xi32, #tpu.memory_space<vmem>>, %arg9: memref<3x128x128xi32, #tpu.memory_space<vmem>>, %arg10: memref<!tpu.dma_semaphore, #tpu.memory_space<semaphore_mem>>, %arg11: memref<!tpu.dma_semaphore, #tpu.memory_space<semaphore_mem>>, %arg12: memref<!tpu.dma_semaphore, #tpu.memory_space<semaphore_mem>>, %arg13: memref<!tpu.dma_semaphore, #tpu.memory_space<semaphore_mem>>, %arg14: memref<!tpu.dma_semaphore, #tpu.memory_space<semaphore_mem>>, %arg15: memref<!tpu.dma_semaphore, #tpu.memory_space<semaphore_mem>>, %arg16: memref<!tpu.dma_semaphore, #tpu.memory_space<semaphore_mem>>, %arg17: memref<!tpu.dma_semaphore, #tpu.memory_space<semaphore_mem>>, %arg18: memref<!tpu.dma_semaphore, #tpu.memory_space<semaphore_mem>>) attributes {dimension_semantics = [#tpu.dimension_semantics<core_parallel>, #tpu.dimension_semantics<subcore_parallel>], iteration_bounds = array<i64: 2, 16>, scalar_prefetch = 0 : i64, scratch_operands = 12 : i64, tpu.core_type = #tpu.core_type<sc_vector_subcore>, window_params = [{transform_indices = #map}, {transform_indices = #map}, {transform_indices = #map1}, {transform_indices = #map1}, {transform_indices = #map1}]} {
    %mul3A = arith.constant 2 : i32
    %mul3A_0 = arith.muli %arg1, %mul3A : i32
    %add3A = arith.addi %mul3A_0, %arg0 : i32
    %lt3A = arith.constant 14 : i32
    %lt3A_1 = arith.cmpi slt, %add3A, %lt3A : i32
    %convert_element_type3A = arith.extui %lt3A_1 : i1 to i32
    %add3A_2 = arith.constant 23 : i32
    %add3A_3 = arith.addi %add3A_2, %convert_element_type3A : i32
    %mul3A_4 = arith.constant 23 : i32
    %mul3A_5 = arith.muli %add3A, %mul3A_4 : i32
    %min3A = arith.constant 14 : i32
    %min3A_6 = arith.minsi %add3A, %min3A : i32
    %add3A_7 = arith.addi %mul3A_5, %min3A_6 : i32
    %mul3A_8 = arith.constant 128 : i32
    %mul3A_9 = arith.muli %add3A_7, %mul3A_8 : i32
    %add3A_10 = arith.constant 0 : i32
    %add3A_11 = arith.addi %add3A_10, %mul3A_9 : i32
    "tpu.region"() ({
      %run_scoped3A = tpu.sem_alloc : memref<!tpu.dma_semaphore, #tpu.memory_space<semaphore_mem>>
      %dma_start3A = tpu.memref_slice %arg2[%add3A_11] : memref<100096xi32, #tpu.memory_space<hbm>> -> memref<3072xi32, #tpu.memory_space<hbm>>
      %dma_start3A_32 = tpu.memref_slice %arg2[%add3A_11] : memref<100096xi32, #tpu.memory_space<hbm>> -> memref<3072xi32, #tpu.memory_space<hbm>>
      tpu.enqueue_dma source(%dma_start3A_32 : memref<3072xi32, #tpu.memory_space<hbm>>) target(%arg7 : memref<3072xi32, #tpu.memory_space<vmem>>) target_semaphore(%run_scoped3A : memref<!tpu.dma_semaphore, #tpu.memory_space<semaphore_mem>>)
      %dma_wait3A = tpu.memref_slice %arg2[%add3A_11] : memref<100096xi32, #tpu.memory_space<hbm>> -> memref<3072xi32, #tpu.memory_space<hbm>>
      %dma_wait3A_33 = tpu.memref_slice %arg2[%add3A_11] : memref<100096xi32, #tpu.memory_space<hbm>> -> memref<3072xi32, #tpu.memory_space<hbm>>
      tpu.wait_dma2 semaphore(%run_scoped3A : memref<!tpu.dma_semaphore, #tpu.memory_space<semaphore_mem>>) src(%dma_wait3A_33 : memref<3072xi32, #tpu.memory_space<hbm>>) dst(%arg7 : memref<3072xi32, #tpu.memory_space<vmem>>)
      tpu.yield
    }) : () -> ()
    %add3A_12 = arith.constant 0 : i32
    %add3A_13 = arith.addi %add3A_12, %mul3A_9 : i32
    "tpu.region"() ({
      %run_scoped3A = tpu.sem_alloc : memref<!tpu.dma_semaphore, #tpu.memory_space<semaphore_mem>>
      %dma_start3A = tpu.memref_slice %arg3[%add3A_13] : memref<100096xi32, #tpu.memory_space<hbm>> -> memref<3072xi32, #tpu.memory_space<hbm>>
      %dma_start3A_32 = tpu.memref_slice %arg3[%add3A_13] : memref<100096xi32, #tpu.memory_space<hbm>> -> memref<3072xi32, #tpu.memory_space<hbm>>
      tpu.enqueue_dma source(%dma_start3A_32 : memref<3072xi32, #tpu.memory_space<hbm>>) target(%arg8 : memref<3072xi32, #tpu.memory_space<vmem>>) target_semaphore(%run_scoped3A : memref<!tpu.dma_semaphore, #tpu.memory_space<semaphore_mem>>)
      %dma_wait3A = tpu.memref_slice %arg3[%add3A_13] : memref<100096xi32, #tpu.memory_space<hbm>> -> memref<3072xi32, #tpu.memory_space<hbm>>
      %dma_wait3A_33 = tpu.memref_slice %arg3[%add3A_13] : memref<100096xi32, #tpu.memory_space<hbm>> -> memref<3072xi32, #tpu.memory_space<hbm>>
      tpu.wait_dma2 semaphore(%run_scoped3A : memref<!tpu.dma_semaphore, #tpu.memory_space<semaphore_mem>>) src(%dma_wait3A_33 : memref<3072xi32, #tpu.memory_space<hbm>>) dst(%arg8 : memref<3072xi32, #tpu.memory_space<vmem>>)
      tpu.yield
    }) : () -> ()
    %scan3A = arith.constant 0 : i32
    %scan3A_14 = arith.constant 0 : i32
    %scan3A_15 = arith.constant 9 : i32
    %scan3A_16 = arith.addi %scan3A_14, %scan3A_15 : i32
    %scan3A_17 = arith.constant 1 : i32
    scf.for %scan3A_32 = %scan3A_14 to %scan3A_16 step %scan3A_17  : i32 {
      %mul3A_33 = arith.constant 3 : i32
      %mul3A_34 = arith.muli %mul3A_33, %scan3A_32 : i32
      %add3A_35 = arith.constant 0 : i32
      %add3A_36 = arith.addi %mul3A_34, %add3A_35 : i32
      %ge3A = arith.constant 3 : i32
      %ge3A_37 = arith.cmpi sge, %add3A_36, %ge3A : i32
      %lt3A_38 = arith.cmpi slt, %add3A_36, %add3A_3 : i32
      %and3A = arith.andi %ge3A_37, %lt3A_38 : i1
      %convert_element_type3A_39 = arith.extui %and3A : i1 to i32
      %cond3A_40 = arith.constant 0 : i32
      %cond3A_41 = arith.cmpi ne, %convert_element_type3A_39, %cond3A_40 : i32
      scf.if %cond3A_41 {
        %dma_wait3A = arith.constant 0 : i32
        %dma_wait3A_141 = arith.constant 0 : i32
        %dma_wait3A_142 = arith.constant 0 : i32
        %dma_wait3A_143 = tpu.memref_slice %arg9[%dma_wait3A, %dma_wait3A_141, %dma_wait3A_142] : memref<3x128x128xi32, #tpu.memory_space<vmem>> -> memref<1x128x128xi32, #tpu.memory_space<vmem>>
        %dma_wait3A_144 = tpu.memref_squeeze %dma_wait3A_143 : memref<1x128x128xi32, #tpu.memory_space<vmem>> -> memref<128x128xi32, #tpu.memory_space<vmem>>
        %dma_wait3A_145 = arith.constant 0 : i32
        %dma_wait3A_146 = arith.constant 0 : i32
        %dma_wait3A_147 = tpu.memref_slice %arg6[%dma_wait3A_145, %dma_wait3A_146] : memref<96000x128xi32, #tpu.memory_space<hbm>> -> memref<128x128xi32, #tpu.memory_space<hbm>>
        %dma_wait3A_148 = arith.constant 0 : i32
        %dma_wait3A_149 = arith.constant 0 : i32
        %dma_wait3A_150 = tpu.memref_slice %arg6[%dma_wait3A_148, %dma_wait3A_149] : memref<96000x128xi32, #tpu.memory_space<hbm>> -> memref<128x128xi32, #tpu.memory_space<hbm>>
        %dma_wait3A_151 = arith.constant 0 : i32
        %dma_wait3A_152 = arith.constant 0 : i32
        %dma_wait3A_153 = tpu.memref_slice %arg9[%dma_wait3A, %dma_wait3A_151, %dma_wait3A_152] : memref<3x128x128xi32, #tpu.memory_space<vmem>> -> memref<1x128x128xi32, #tpu.memory_space<vmem>>
        %dma_wait3A_154 = tpu.memref_squeeze %dma_wait3A_153 : memref<1x128x128xi32, #tpu.memory_space<vmem>> -> memref<128x128xi32, #tpu.memory_space<vmem>>
        tpu.wait_dma2 semaphore(%arg16 : memref<!tpu.dma_semaphore, #tpu.memory_space<semaphore_mem>>) src(%dma_wait3A_154 : memref<128x128xi32, #tpu.memory_space<vmem>>) dst(%dma_wait3A_150 : memref<128x128xi32, #tpu.memory_space<hbm>>)
      } else {
      }
      %lt3A_42 = arith.cmpi slt, %add3A_36, %add3A_3 : i32
      %convert_element_type3A_43 = arith.extui %lt3A_42 : i1 to i32
      %cond3A_44 = arith.constant 0 : i32
      %cond3A_45 = arith.cmpi ne, %convert_element_type3A_43, %cond3A_44 : i32
      scf.if %cond3A_45 {
        %mul3A_141 = arith.constant 128 : i32
        %mul3A_142 = arith.muli %add3A_36, %mul3A_141 : i32
        %dma_start3A = arith.constant 0 : i32
        %dma_start3A_143 = arith.constant 0 : i32
        %dma_start3A_144 = arith.constant 0 : i32
        %dma_start3A_145 = tpu.memref_slice %arg9[%dma_start3A, %dma_start3A_143, %dma_start3A_144] : memref<3x128x128xi32, #tpu.memory_space<vmem>> -> memref<1x128x128xi32, #tpu.memory_space<vmem>>
        %dma_start3A_146 = tpu.memref_squeeze %dma_start3A_145 : memref<1x128x128xi32, #tpu.memory_space<vmem>> -> memref<128x128xi32, #tpu.memory_space<vmem>>
        %dma_start3A_147 = tpu.memref_slice %arg7[%mul3A_142] : memref<3072xi32, #tpu.memory_space<vmem>> -> memref<128xi32, #tpu.memory_space<vmem>>
        %dma_start3A_148 = arith.constant 0 : i32
        %dma_start3A_149 = arith.constant 0 : i32
        %dma_start3A_150 = tpu.memref_slice %arg4[%dma_start3A_148, %dma_start3A_149] : memref<10000x128xi32, #tpu.memory_space<hbm>> -> memref<10000x128xi32, #tpu.memory_space<hbm>>
        tpu.enqueue_indirect_dma source(%dma_start3A_150 : memref<10000x128xi32, #tpu.memory_space<hbm>>) target(%dma_start3A_146 : memref<128x128xi32, #tpu.memory_space<vmem>>) offsets(%dma_start3A_147 : memref<128xi32, #tpu.memory_space<vmem>>) semaphore(%arg10 : memref<!tpu.dma_semaphore, #tpu.memory_space<semaphore_mem>>)
      } else {
      }
      %sub3A = arith.constant 1 : i32
      %sub3A_46 = arith.subi %add3A_36, %sub3A : i32
      %ge3A_47 = arith.constant 0 : i32
      %ge3A_48 = arith.cmpi sge, %sub3A_46, %ge3A_47 : i32
      %sub3A_49 = arith.constant 1 : i32
      %sub3A_50 = arith.subi %add3A_36, %sub3A_49 : i32
      %lt3A_51 = arith.cmpi slt, %sub3A_50, %add3A_3 : i32
      %and3A_52 = arith.andi %ge3A_48, %lt3A_51 : i1
      %convert_element_type3A_53 = arith.extui %and3A_52 : i1 to i32
      %cond3A_54 = arith.constant 0 : i32
      %cond3A_55 = arith.cmpi ne, %convert_element_type3A_53, %cond3A_54 : i32
      scf.if %cond3A_55 {
        %dma_wait3A = arith.constant 2 : i32
        %dma_wait3A_141 = arith.constant 0 : i32
        %dma_wait3A_142 = arith.constant 0 : i32
        %dma_wait3A_143 = tpu.memref_slice %arg9[%dma_wait3A, %dma_wait3A_141, %dma_wait3A_142] : memref<3x128x128xi32, #tpu.memory_space<vmem>> -> memref<1x128x128xi32, #tpu.memory_space<vmem>>
        %dma_wait3A_144 = tpu.memref_squeeze %dma_wait3A_143 : memref<1x128x128xi32, #tpu.memory_space<vmem>> -> memref<128x128xi32, #tpu.memory_space<vmem>>
        %dma_wait3A_145 = arith.constant 0 : i32
        %dma_wait3A_146 = tpu.memref_slice %arg7[%dma_wait3A_145] : memref<3072xi32, #tpu.memory_space<vmem>> -> memref<128xi32, #tpu.memory_space<vmem>>
        %dma_wait3A_147 = arith.constant 0 : i32
        %dma_wait3A_148 = arith.constant 0 : i32
        %dma_wait3A_149 = tpu.memref_slice %arg4[%dma_wait3A_147, %dma_wait3A_148] : memref<10000x128xi32, #tpu.memory_space<hbm>> -> memref<10000x128xi32, #tpu.memory_space<hbm>>
        tpu.wait_indirect_dma semaphore(%arg12 : memref<!tpu.dma_semaphore, #tpu.memory_space<semaphore_mem>>) src(%dma_wait3A_149 : memref<10000x128xi32, #tpu.memory_space<hbm>>) dst(%dma_wait3A_144 : memref<128x128xi32, #tpu.memory_space<vmem>>)
        %sub3A_150 = arith.constant 1 : i32
        %sub3A_151 = arith.subi %add3A_36, %sub3A_150 : i32
        %mul3A_152 = arith.constant 128 : i32
        %mul3A_153 = arith.muli %sub3A_151, %mul3A_152 : i32
        %dma_start3A = arith.constant 2 : i32
        %dma_start3A_154 = arith.constant 0 : i32
        %dma_start3A_155 = arith.constant 0 : i32
        %dma_start3A_156 = tpu.memref_slice %arg9[%dma_start3A, %dma_start3A_154, %dma_start3A_155] : memref<3x128x128xi32, #tpu.memory_space<vmem>> -> memref<1x128x128xi32, #tpu.memory_space<vmem>>
        %dma_start3A_157 = tpu.memref_squeeze %dma_start3A_156 : memref<1x128x128xi32, #tpu.memory_space<vmem>> -> memref<128x128xi32, #tpu.memory_space<vmem>>
        %dma_start3A_158 = tpu.memref_slice %arg8[%mul3A_153] : memref<3072xi32, #tpu.memory_space<vmem>> -> memref<128xi32, #tpu.memory_space<vmem>>
        %dma_start3A_159 = arith.constant 0 : i32
        %dma_start3A_160 = arith.constant 0 : i32
        %dma_start3A_161 = tpu.memref_slice %arg5[%dma_start3A_159, %dma_start3A_160] : memref<10000x128xi32, #tpu.memory_space<hbm>> -> memref<10000x128xi32, #tpu.memory_space<hbm>>
        tpu.enqueue_indirect_dma source(%dma_start3A_161 : memref<10000x128xi32, #tpu.memory_space<hbm>>) target(%dma_start3A_157 : memref<128x128xi32, #tpu.memory_space<vmem>>) offsets(%dma_start3A_158 : memref<128xi32, #tpu.memory_space<vmem>>) semaphore(%arg15 : memref<!tpu.dma_semaphore, #tpu.memory_space<semaphore_mem>>) {add = true}
      } else {
      }
      %sub3A_56 = arith.constant 2 : i32
      %sub3A_57 = arith.subi %add3A_36, %sub3A_56 : i32
      %ge3A_58 = arith.constant 0 : i32
      %ge3A_59 = arith.cmpi sge, %sub3A_57, %ge3A_58 : i32
      %sub3A_60 = arith.constant 2 : i32
      %sub3A_61 = arith.subi %add3A_36, %sub3A_60 : i32
      %lt3A_62 = arith.cmpi slt, %sub3A_61, %add3A_3 : i32
      %and3A_63 = arith.andi %ge3A_59, %lt3A_62 : i1
      %convert_element_type3A_64 = arith.extui %and3A_63 : i1 to i32
      %cond3A_65 = arith.constant 0 : i32
      %cond3A_66 = arith.cmpi ne, %convert_element_type3A_64, %cond3A_65 : i32
      scf.if %cond3A_66 {
        %dma_wait3A = arith.constant 1 : i32
        %dma_wait3A_141 = arith.constant 0 : i32
        %dma_wait3A_142 = arith.constant 0 : i32
        %dma_wait3A_143 = tpu.memref_slice %arg9[%dma_wait3A, %dma_wait3A_141, %dma_wait3A_142] : memref<3x128x128xi32, #tpu.memory_space<vmem>> -> memref<1x128x128xi32, #tpu.memory_space<vmem>>
        %dma_wait3A_144 = tpu.memref_squeeze %dma_wait3A_143 : memref<1x128x128xi32, #tpu.memory_space<vmem>> -> memref<128x128xi32, #tpu.memory_space<vmem>>
        %dma_wait3A_145 = arith.constant 0 : i32
        %dma_wait3A_146 = tpu.memref_slice %arg8[%dma_wait3A_145] : memref<3072xi32, #tpu.memory_space<vmem>> -> memref<128xi32, #tpu.memory_space<vmem>>
        %dma_wait3A_147 = arith.constant 0 : i32
        %dma_wait3A_148 = arith.constant 0 : i32
        %dma_wait3A_149 = tpu.memref_slice %arg5[%dma_wait3A_147, %dma_wait3A_148] : memref<10000x128xi32, #tpu.memory_space<hbm>> -> memref<10000x128xi32, #tpu.memory_space<hbm>>
        tpu.wait_indirect_dma semaphore(%arg14 : memref<!tpu.dma_semaphore, #tpu.memory_space<semaphore_mem>>) src(%dma_wait3A_149 : memref<10000x128xi32, #tpu.memory_space<hbm>>) dst(%dma_wait3A_144 : memref<128x128xi32, #tpu.memory_space<vmem>>)
        %sub3A_150 = arith.constant 2 : i32
        %sub3A_151 = arith.subi %add3A_36, %sub3A_150 : i32
        %mul3A_152 = arith.constant 128 : i32
        %mul3A_153 = arith.muli %sub3A_151, %mul3A_152 : i32
        %add3A_154 = arith.addi %mul3A_9, %mul3A_153 : i32
        %dma_start3A = arith.constant 1 : i32
        %dma_start3A_155 = arith.constant 0 : i32
        %dma_start3A_156 = arith.constant 0 : i32
        %dma_start3A_157 = tpu.memref_slice %arg9[%dma_start3A, %dma_start3A_155, %dma_start3A_156] : memref<3x128x128xi32, #tpu.memory_space<vmem>> -> memref<1x128x128xi32, #tpu.memory_space<vmem>>
        %dma_start3A_158 = tpu.memref_squeeze %dma_start3A_157 : memref<1x128x128xi32, #tpu.memory_space<vmem>> -> memref<128x128xi32, #tpu.memory_space<vmem>>
        %dma_start3A_159 = arith.constant 0 : i32
        %dma_start3A_160 = tpu.memref_slice %arg6[%add3A_154, %dma_start3A_159] : memref<96000x128xi32, #tpu.memory_space<hbm>> -> memref<128x128xi32, #tpu.memory_space<hbm>>
        %dma_start3A_161 = arith.constant 0 : i32
        %dma_start3A_162 = tpu.memref_slice %arg6[%add3A_154, %dma_start3A_161] : memref<96000x128xi32, #tpu.memory_space<hbm>> -> memref<128x128xi32, #tpu.memory_space<hbm>>
        %dma_start3A_163 = arith.constant 0 : i32
        %dma_start3A_164 = arith.constant 0 : i32
        %dma_start3A_165 = tpu.memref_slice %arg9[%dma_start3A, %dma_start3A_163, %dma_start3A_164] : memref<3x128x128xi32, #tpu.memory_space<vmem>> -> memref<1x128x128xi32, #tpu.memory_space<vmem>>
        %dma_start3A_166 = tpu.memref_squeeze %dma_start3A_165 : memref<1x128x128xi32, #tpu.memory_space<vmem>> -> memref<128x128xi32, #tpu.memory_space<vmem>>
        tpu.enqueue_dma source(%dma_start3A_166 : memref<128x128xi32, #tpu.memory_space<vmem>>) target(%dma_start3A_162 : memref<128x128xi32, #tpu.memory_space<hbm>>) target_semaphore(%arg17 : memref<!tpu.dma_semaphore, #tpu.memory_space<semaphore_mem>>)
      } else {
      }
      %mul3A_67 = arith.constant 3 : i32
      %mul3A_68 = arith.muli %mul3A_67, %scan3A_32 : i32
      %add3A_69 = arith.constant 1 : i32
      %add3A_70 = arith.addi %mul3A_68, %add3A_69 : i32
      %ge3A_71 = arith.constant 3 : i32
      %ge3A_72 = arith.cmpi sge, %add3A_70, %ge3A_71 : i32
      %lt3A_73 = arith.cmpi slt, %add3A_70, %add3A_3 : i32
      %and3A_74 = arith.andi %ge3A_72, %lt3A_73 : i1
      %convert_element_type3A_75 = arith.extui %and3A_74 : i1 to i32
      %cond3A_76 = arith.constant 0 : i32
      %cond3A_77 = arith.cmpi ne, %convert_element_type3A_75, %cond3A_76 : i32
      scf.if %cond3A_77 {
        %dma_wait3A = arith.constant 1 : i32
        %dma_wait3A_141 = arith.constant 0 : i32
        %dma_wait3A_142 = arith.constant 0 : i32
        %dma_wait3A_143 = tpu.memref_slice %arg9[%dma_wait3A, %dma_wait3A_141, %dma_wait3A_142] : memref<3x128x128xi32, #tpu.memory_space<vmem>> -> memref<1x128x128xi32, #tpu.memory_space<vmem>>
        %dma_wait3A_144 = tpu.memref_squeeze %dma_wait3A_143 : memref<1x128x128xi32, #tpu.memory_space<vmem>> -> memref<128x128xi32, #tpu.memory_space<vmem>>
        %dma_wait3A_145 = arith.constant 0 : i32
        %dma_wait3A_146 = arith.constant 0 : i32
        %dma_wait3A_147 = tpu.memref_slice %arg6[%dma_wait3A_145, %dma_wait3A_146] : memref<96000x128xi32, #tpu.memory_space<hbm>> -> memref<128x128xi32, #tpu.memory_space<hbm>>
        %dma_wait3A_148 = arith.constant 0 : i32
        %dma_wait3A_149 = arith.constant 0 : i32
        %dma_wait3A_150 = tpu.memref_slice %arg6[%dma_wait3A_148, %dma_wait3A_149] : memref<96000x128xi32, #tpu.memory_space<hbm>> -> memref<128x128xi32, #tpu.memory_space<hbm>>
        %dma_wait3A_151 = arith.constant 0 : i32
        %dma_wait3A_152 = arith.constant 0 : i32
        %dma_wait3A_153 = tpu.memref_slice %arg9[%dma_wait3A, %dma_wait3A_151, %dma_wait3A_152] : memref<3x128x128xi32, #tpu.memory_space<vmem>> -> memref<1x128x128xi32, #tpu.memory_space<vmem>>
        %dma_wait3A_154 = tpu.memref_squeeze %dma_wait3A_153 : memref<1x128x128xi32, #tpu.memory_space<vmem>> -> memref<128x128xi32, #tpu.memory_space<vmem>>
        tpu.wait_dma2 semaphore(%arg17 : memref<!tpu.dma_semaphore, #tpu.memory_space<semaphore_mem>>) src(%dma_wait3A_154 : memref<128x128xi32, #tpu.memory_space<vmem>>) dst(%dma_wait3A_150 : memref<128x128xi32, #tpu.memory_space<hbm>>)
      } else {
      }
      %lt3A_78 = arith.cmpi slt, %add3A_70, %add3A_3 : i32
      %convert_element_type3A_79 = arith.extui %lt3A_78 : i1 to i32
      %cond3A_80 = arith.constant 0 : i32
      %cond3A_81 = arith.cmpi ne, %convert_element_type3A_79, %cond3A_80 : i32
      scf.if %cond3A_81 {
        %mul3A_141 = arith.constant 128 : i32
        %mul3A_142 = arith.muli %add3A_70, %mul3A_141 : i32
        %dma_start3A = arith.constant 1 : i32
        %dma_start3A_143 = arith.constant 0 : i32
        %dma_start3A_144 = arith.constant 0 : i32
        %dma_start3A_145 = tpu.memref_slice %arg9[%dma_start3A, %dma_start3A_143, %dma_start3A_144] : memref<3x128x128xi32, #tpu.memory_space<vmem>> -> memref<1x128x128xi32, #tpu.memory_space<vmem>>
        %dma_start3A_146 = tpu.memref_squeeze %dma_start3A_145 : memref<1x128x128xi32, #tpu.memory_space<vmem>> -> memref<128x128xi32, #tpu.memory_space<vmem>>
        %dma_start3A_147 = tpu.memref_slice %arg7[%mul3A_142] : memref<3072xi32, #tpu.memory_space<vmem>> -> memref<128xi32, #tpu.memory_space<vmem>>
        %dma_start3A_148 = arith.constant 0 : i32
        %dma_start3A_149 = arith.constant 0 : i32
        %dma_start3A_150 = tpu.memref_slice %arg4[%dma_start3A_148, %dma_start3A_149] : memref<10000x128xi32, #tpu.memory_space<hbm>> -> memref<10000x128xi32, #tpu.memory_space<hbm>>
        tpu.enqueue_indirect_dma source(%dma_start3A_150 : memref<10000x128xi32, #tpu.memory_space<hbm>>) target(%dma_start3A_146 : memref<128x128xi32, #tpu.memory_space<vmem>>) offsets(%dma_start3A_147 : memref<128xi32, #tpu.memory_space<vmem>>) semaphore(%arg11 : memref<!tpu.dma_semaphore, #tpu.memory_space<semaphore_mem>>)
      } else {
      }
      %sub3A_82 = arith.constant 1 : i32
      %sub3A_83 = arith.subi %add3A_70, %sub3A_82 : i32
      %ge3A_84 = arith.constant 0 : i32
      %ge3A_85 = arith.cmpi sge, %sub3A_83, %ge3A_84 : i32
      %sub3A_86 = arith.constant 1 : i32
      %sub3A_87 = arith.subi %add3A_70, %sub3A_86 : i32
      %lt3A_88 = arith.cmpi slt, %sub3A_87, %add3A_3 : i32
      %and3A_89 = arith.andi %ge3A_85, %lt3A_88 : i1
      %convert_element_type3A_90 = arith.extui %and3A_89 : i1 to i32
      %cond3A_91 = arith.constant 0 : i32
      %cond3A_92 = arith.cmpi ne, %convert_element_type3A_90, %cond3A_91 : i32
      scf.if %cond3A_92 {
        %dma_wait3A = arith.constant 0 : i32
        %dma_wait3A_141 = arith.constant 0 : i32
        %dma_wait3A_142 = arith.constant 0 : i32
        %dma_wait3A_143 = tpu.memref_slice %arg9[%dma_wait3A, %dma_wait3A_141, %dma_wait3A_142] : memref<3x128x128xi32, #tpu.memory_space<vmem>> -> memref<1x128x128xi32, #tpu.memory_space<vmem>>
        %dma_wait3A_144 = tpu.memref_squeeze %dma_wait3A_143 : memref<1x128x128xi32, #tpu.memory_space<vmem>> -> memref<128x128xi32, #tpu.memory_space<vmem>>
        %dma_wait3A_145 = arith.constant 0 : i32
        %dma_wait3A_146 = tpu.memref_slice %arg7[%dma_wait3A_145] : memref<3072xi32, #tpu.memory_space<vmem>> -> memref<128xi32, #tpu.memory_space<vmem>>
        %dma_wait3A_147 = arith.constant 0 : i32
        %dma_wait3A_148 = arith.constant 0 : i32
        %dma_wait3A_149 = tpu.memref_slice %arg4[%dma_wait3A_147, %dma_wait3A_148] : memref<10000x128xi32, #tpu.memory_space<hbm>> -> memref<10000x128xi32, #tpu.memory_space<hbm>>
        tpu.wait_indirect_dma semaphore(%arg10 : memref<!tpu.dma_semaphore, #tpu.memory_space<semaphore_mem>>) src(%dma_wait3A_149 : memref<10000x128xi32, #tpu.memory_space<hbm>>) dst(%dma_wait3A_144 : memref<128x128xi32, #tpu.memory_space<vmem>>)
        %sub3A_150 = arith.constant 1 : i32
        %sub3A_151 = arith.subi %add3A_70, %sub3A_150 : i32
        %mul3A_152 = arith.constant 128 : i32
        %mul3A_153 = arith.muli %sub3A_151, %mul3A_152 : i32
        %dma_start3A = arith.constant 0 : i32
        %dma_start3A_154 = arith.constant 0 : i32
        %dma_start3A_155 = arith.constant 0 : i32
        %dma_start3A_156 = tpu.memref_slice %arg9[%dma_start3A, %dma_start3A_154, %dma_start3A_155] : memref<3x128x128xi32, #tpu.memory_space<vmem>> -> memref<1x128x128xi32, #tpu.memory_space<vmem>>
        %dma_start3A_157 = tpu.memref_squeeze %dma_start3A_156 : memref<1x128x128xi32, #tpu.memory_space<vmem>> -> memref<128x128xi32, #tpu.memory_space<vmem>>
        %dma_start3A_158 = tpu.memref_slice %arg8[%mul3A_153] : memref<3072xi32, #tpu.memory_space<vmem>> -> memref<128xi32, #tpu.memory_space<vmem>>
        %dma_start3A_159 = arith.constant 0 : i32
        %dma_start3A_160 = arith.constant 0 : i32
        %dma_start3A_161 = tpu.memref_slice %arg5[%dma_start3A_159, %dma_start3A_160] : memref<10000x128xi32, #tpu.memory_space<hbm>> -> memref<10000x128xi32, #tpu.memory_space<hbm>>
        tpu.enqueue_indirect_dma source(%dma_start3A_161 : memref<10000x128xi32, #tpu.memory_space<hbm>>) target(%dma_start3A_157 : memref<128x128xi32, #tpu.memory_space<vmem>>) offsets(%dma_start3A_158 : memref<128xi32, #tpu.memory_space<vmem>>) semaphore(%arg13 : memref<!tpu.dma_semaphore, #tpu.memory_space<semaphore_mem>>) {add = true}
      } else {
      }
      %sub3A_93 = arith.constant 2 : i32
      %sub3A_94 = arith.subi %add3A_70, %sub3A_93 : i32
      %ge3A_95 = arith.constant 0 : i32
      %ge3A_96 = arith.cmpi sge, %sub3A_94, %ge3A_95 : i32
      %sub3A_97 = arith.constant 2 : i32
      %sub3A_98 = arith.subi %add3A_70, %sub3A_97 : i32
      %lt3A_99 = arith.cmpi slt, %sub3A_98, %add3A_3 : i32
      %and3A_100 = arith.andi %ge3A_96, %lt3A_99 : i1
      %convert_element_type3A_101 = arith.extui %and3A_100 : i1 to i32
      %cond3A_102 = arith.constant 0 : i32
      %cond3A_103 = arith.cmpi ne, %convert_element_type3A_101, %cond3A_102 : i32
      scf.if %cond3A_103 {
        %dma_wait3A = arith.constant 2 : i32
        %dma_wait3A_141 = arith.constant 0 : i32
        %dma_wait3A_142 = arith.constant 0 : i32
        %dma_wait3A_143 = tpu.memref_slice %arg9[%dma_wait3A, %dma_wait3A_141, %dma_wait3A_142] : memref<3x128x128xi32, #tpu.memory_space<vmem>> -> memref<1x128x128xi32, #tpu.memory_space<vmem>>
        %dma_wait3A_144 = tpu.memref_squeeze %dma_wait3A_143 : memref<1x128x128xi32, #tpu.memory_space<vmem>> -> memref<128x128xi32, #tpu.memory_space<vmem>>
        %dma_wait3A_145 = arith.constant 0 : i32
        %dma_wait3A_146 = tpu.memref_slice %arg8[%dma_wait3A_145] : memref<3072xi32, #tpu.memory_space<vmem>> -> memref<128xi32, #tpu.memory_space<vmem>>
        %dma_wait3A_147 = arith.constant 0 : i32
        %dma_wait3A_148 = arith.constant 0 : i32
        %dma_wait3A_149 = tpu.memref_slice %arg5[%dma_wait3A_147, %dma_wait3A_148] : memref<10000x128xi32, #tpu.memory_space<hbm>> -> memref<10000x128xi32, #tpu.memory_space<hbm>>
        tpu.wait_indirect_dma semaphore(%arg15 : memref<!tpu.dma_semaphore, #tpu.memory_space<semaphore_mem>>) src(%dma_wait3A_149 : memref<10000x128xi32, #tpu.memory_space<hbm>>) dst(%dma_wait3A_144 : memref<128x128xi32, #tpu.memory_space<vmem>>)
        %sub3A_150 = arith.constant 2 : i32
        %sub3A_151 = arith.subi %add3A_70, %sub3A_150 : i32
        %mul3A_152 = arith.constant 128 : i32
        %mul3A_153 = arith.muli %sub3A_151, %mul3A_152 : i32
        %add3A_154 = arith.addi %mul3A_9, %mul3A_153 : i32
        %dma_start3A = arith.constant 2 : i32
        %dma_start3A_155 = arith.constant 0 : i32
        %dma_start3A_156 = arith.constant 0 : i32
        %dma_start3A_157 = tpu.memref_slice %arg9[%dma_start3A, %dma_start3A_155, %dma_start3A_156] : memref<3x128x128xi32, #tpu.memory_space<vmem>> -> memref<1x128x128xi32, #tpu.memory_space<vmem>>
        %dma_start3A_158 = tpu.memref_squeeze %dma_start3A_157 : memref<1x128x128xi32, #tpu.memory_space<vmem>> -> memref<128x128xi32, #tpu.memory_space<vmem>>
        %dma_start3A_159 = arith.constant 0 : i32
        %dma_start3A_160 = tpu.memref_slice %arg6[%add3A_154, %dma_start3A_159] : memref<96000x128xi32, #tpu.memory_space<hbm>> -> memref<128x128xi32, #tpu.memory_space<hbm>>
        %dma_start3A_161 = arith.constant 0 : i32
        %dma_start3A_162 = tpu.memref_slice %arg6[%add3A_154, %dma_start3A_161] : memref<96000x128xi32, #tpu.memory_space<hbm>> -> memref<128x128xi32, #tpu.memory_space<hbm>>
        %dma_start3A_163 = arith.constant 0 : i32
        %dma_start3A_164 = arith.constant 0 : i32
        %dma_start3A_165 = tpu.memref_slice %arg9[%dma_start3A, %dma_start3A_163, %dma_start3A_164] : memref<3x128x128xi32, #tpu.memory_space<vmem>> -> memref<1x128x128xi32, #tpu.memory_space<vmem>>
        %dma_start3A_166 = tpu.memref_squeeze %dma_start3A_165 : memref<1x128x128xi32, #tpu.memory_space<vmem>> -> memref<128x128xi32, #tpu.memory_space<vmem>>
        tpu.enqueue_dma source(%dma_start3A_166 : memref<128x128xi32, #tpu.memory_space<vmem>>) target(%dma_start3A_162 : memref<128x128xi32, #tpu.memory_space<hbm>>) target_semaphore(%arg18 : memref<!tpu.dma_semaphore, #tpu.memory_space<semaphore_mem>>)
      } else {
      }
      %mul3A_104 = arith.constant 3 : i32
      %mul3A_105 = arith.muli %mul3A_104, %scan3A_32 : i32
      %add3A_106 = arith.constant 2 : i32
      %add3A_107 = arith.addi %mul3A_105, %add3A_106 : i32
      %ge3A_108 = arith.constant 3 : i32
      %ge3A_109 = arith.cmpi sge, %add3A_107, %ge3A_108 : i32
      %lt3A_110 = arith.cmpi slt, %add3A_107, %add3A_3 : i32
      %and3A_111 = arith.andi %ge3A_109, %lt3A_110 : i1
      %convert_element_type3A_112 = arith.extui %and3A_111 : i1 to i32
      %cond3A_113 = arith.constant 0 : i32
      %cond3A_114 = arith.cmpi ne, %convert_element_type3A_112, %cond3A_113 : i32
      scf.if %cond3A_114 {
        %dma_wait3A = arith.constant 2 : i32
        %dma_wait3A_141 = arith.constant 0 : i32
        %dma_wait3A_142 = arith.constant 0 : i32
        %dma_wait3A_143 = tpu.memref_slice %arg9[%dma_wait3A, %dma_wait3A_141, %dma_wait3A_142] : memref<3x128x128xi32, #tpu.memory_space<vmem>> -> memref<1x128x128xi32, #tpu.memory_space<vmem>>
        %dma_wait3A_144 = tpu.memref_squeeze %dma_wait3A_143 : memref<1x128x128xi32, #tpu.memory_space<vmem>> -> memref<128x128xi32, #tpu.memory_space<vmem>>
        %dma_wait3A_145 = arith.constant 0 : i32
        %dma_wait3A_146 = arith.constant 0 : i32
        %dma_wait3A_147 = tpu.memref_slice %arg6[%dma_wait3A_145, %dma_wait3A_146] : memref<96000x128xi32, #tpu.memory_space<hbm>> -> memref<128x128xi32, #tpu.memory_space<hbm>>
        %dma_wait3A_148 = arith.constant 0 : i32
        %dma_wait3A_149 = arith.constant 0 : i32
        %dma_wait3A_150 = tpu.memref_slice %arg6[%dma_wait3A_148, %dma_wait3A_149] : memref<96000x128xi32, #tpu.memory_space<hbm>> -> memref<128x128xi32, #tpu.memory_space<hbm>>
        %dma_wait3A_151 = arith.constant 0 : i32
        %dma_wait3A_152 = arith.constant 0 : i32
        %dma_wait3A_153 = tpu.memref_slice %arg9[%dma_wait3A, %dma_wait3A_151, %dma_wait3A_152] : memref<3x128x128xi32, #tpu.memory_space<vmem>> -> memref<1x128x128xi32, #tpu.memory_space<vmem>>
        %dma_wait3A_154 = tpu.memref_squeeze %dma_wait3A_153 : memref<1x128x128xi32, #tpu.memory_space<vmem>> -> memref<128x128xi32, #tpu.memory_space<vmem>>
        tpu.wait_dma2 semaphore(%arg18 : memref<!tpu.dma_semaphore, #tpu.memory_space<semaphore_mem>>) src(%dma_wait3A_154 : memref<128x128xi32, #tpu.memory_space<vmem>>) dst(%dma_wait3A_150 : memref<128x128xi32, #tpu.memory_space<hbm>>)
      } else {
      }
      %lt3A_115 = arith.cmpi slt, %add3A_107, %add3A_3 : i32
      %convert_element_type3A_116 = arith.extui %lt3A_115 : i1 to i32
      %cond3A_117 = arith.constant 0 : i32
      %cond3A_118 = arith.cmpi ne, %convert_element_type3A_116, %cond3A_117 : i32
      scf.if %cond3A_118 {
        %mul3A_141 = arith.constant 128 : i32
        %mul3A_142 = arith.muli %add3A_107, %mul3A_141 : i32
        %dma_start3A = arith.constant 2 : i32
        %dma_start3A_143 = arith.constant 0 : i32
        %dma_start3A_144 = arith.constant 0 : i32
        %dma_start3A_145 = tpu.memref_slice %arg9[%dma_start3A, %dma_start3A_143, %dma_start3A_144] : memref<3x128x128xi32, #tpu.memory_space<vmem>> -> memref<1x128x128xi32, #tpu.memory_space<vmem>>
        %dma_start3A_146 = tpu.memref_squeeze %dma_start3A_145 : memref<1x128x128xi32, #tpu.memory_space<vmem>> -> memref<128x128xi32, #tpu.memory_space<vmem>>
        %dma_start3A_147 = tpu.memref_slice %arg7[%mul3A_142] : memref<3072xi32, #tpu.memory_space<vmem>> -> memref<128xi32, #tpu.memory_space<vmem>>
        %dma_start3A_148 = arith.constant 0 : i32
        %dma_start3A_149 = arith.constant 0 : i32
        %dma_start3A_150 = tpu.memref_slice %arg4[%dma_start3A_148, %dma_start3A_149] : memref<10000x128xi32, #tpu.memory_space<hbm>> -> memref<10000x128xi32, #tpu.memory_space<hbm>>
        tpu.enqueue_indirect_dma source(%dma_start3A_150 : memref<10000x128xi32, #tpu.memory_space<hbm>>) target(%dma_start3A_146 : memref<128x128xi32, #tpu.memory_space<vmem>>) offsets(%dma_start3A_147 : memref<128xi32, #tpu.memory_space<vmem>>) semaphore(%arg12 : memref<!tpu.dma_semaphore, #tpu.memory_space<semaphore_mem>>)
      } else {
      }
      %sub3A_119 = arith.constant 1 : i32
      %sub3A_120 = arith.subi %add3A_107, %sub3A_119 : i32
      %ge3A_121 = arith.constant 0 : i32
      %ge3A_122 = arith.cmpi sge, %sub3A_120, %ge3A_121 : i32
      %sub3A_123 = arith.constant 1 : i32
      %sub3A_124 = arith.subi %add3A_107, %sub3A_123 : i32
      %lt3A_125 = arith.cmpi slt, %sub3A_124, %add3A_3 : i32
      %and3A_126 = arith.andi %ge3A_122, %lt3A_125 : i1
      %convert_element_type3A_127 = arith.extui %and3A_126 : i1 to i32
      %cond3A_128 = arith.constant 0 : i32
      %cond3A_129 = arith.cmpi ne, %convert_element_type3A_127, %cond3A_128 : i32
      scf.if %cond3A_129 {
        %dma_wait3A = arith.constant 1 : i32
        %dma_wait3A_141 = arith.constant 0 : i32
        %dma_wait3A_142 = arith.constant 0 : i32
        %dma_wait3A_143 = tpu.memref_slice %arg9[%dma_wait3A, %dma_wait3A_141, %dma_wait3A_142] : memref<3x128x128xi32, #tpu.memory_space<vmem>> -> memref<1x128x128xi32, #tpu.memory_space<vmem>>
        %dma_wait3A_144 = tpu.memref_squeeze %dma_wait3A_143 : memref<1x128x128xi32, #tpu.memory_space<vmem>> -> memref<128x128xi32, #tpu.memory_space<vmem>>
        %dma_wait3A_145 = arith.constant 0 : i32
        %dma_wait3A_146 = tpu.memref_slice %arg7[%dma_wait3A_145] : memref<3072xi32, #tpu.memory_space<vmem>> -> memref<128xi32, #tpu.memory_space<vmem>>
        %dma_wait3A_147 = arith.constant 0 : i32
        %dma_wait3A_148 = arith.constant 0 : i32
        %dma_wait3A_149 = tpu.memref_slice %arg4[%dma_wait3A_147, %dma_wait3A_148] : memref<10000x128xi32, #tpu.memory_space<hbm>> -> memref<10000x128xi32, #tpu.memory_space<hbm>>
        tpu.wait_indirect_dma semaphore(%arg11 : memref<!tpu.dma_semaphore, #tpu.memory_space<semaphore_mem>>) src(%dma_wait3A_149 : memref<10000x128xi32, #tpu.memory_space<hbm>>) dst(%dma_wait3A_144 : memref<128x128xi32, #tpu.memory_space<vmem>>)
        %sub3A_150 = arith.constant 1 : i32
        %sub3A_151 = arith.subi %add3A_107, %sub3A_150 : i32
        %mul3A_152 = arith.constant 128 : i32
        %mul3A_153 = arith.muli %sub3A_151, %mul3A_152 : i32
        %dma_start3A = arith.constant 1 : i32
        %dma_start3A_154 = arith.constant 0 : i32
        %dma_start3A_155 = arith.constant 0 : i32
        %dma_start3A_156 = tpu.memref_slice %arg9[%dma_start3A, %dma_start3A_154, %dma_start3A_155] : memref<3x128x128xi32, #tpu.memory_space<vmem>> -> memref<1x128x128xi32, #tpu.memory_space<vmem>>
        %dma_start3A_157 = tpu.memref_squeeze %dma_start3A_156 : memref<1x128x128xi32, #tpu.memory_space<vmem>> -> memref<128x128xi32, #tpu.memory_space<vmem>>
        %dma_start3A_158 = tpu.memref_slice %arg8[%mul3A_153] : memref<3072xi32, #tpu.memory_space<vmem>> -> memref<128xi32, #tpu.memory_space<vmem>>
        %dma_start3A_159 = arith.constant 0 : i32
        %dma_start3A_160 = arith.constant 0 : i32
        %dma_start3A_161 = tpu.memref_slice %arg5[%dma_start3A_159, %dma_start3A_160] : memref<10000x128xi32, #tpu.memory_space<hbm>> -> memref<10000x128xi32, #tpu.memory_space<hbm>>
        tpu.enqueue_indirect_dma source(%dma_start3A_161 : memref<10000x128xi32, #tpu.memory_space<hbm>>) target(%dma_start3A_157 : memref<128x128xi32, #tpu.memory_space<vmem>>) offsets(%dma_start3A_158 : memref<128xi32, #tpu.memory_space<vmem>>) semaphore(%arg14 : memref<!tpu.dma_semaphore, #tpu.memory_space<semaphore_mem>>) {add = true}
      } else {
      }
      %sub3A_130 = arith.constant 2 : i32
      %sub3A_131 = arith.subi %add3A_107, %sub3A_130 : i32
      %ge3A_132 = arith.constant 0 : i32
      %ge3A_133 = arith.cmpi sge, %sub3A_131, %ge3A_132 : i32
      %sub3A_134 = arith.constant 2 : i32
      %sub3A_135 = arith.subi %add3A_107, %sub3A_134 : i32
      %lt3A_136 = arith.cmpi slt, %sub3A_135, %add3A_3 : i32
      %and3A_137 = arith.andi %ge3A_133, %lt3A_136 : i1
      %convert_element_type3A_138 = arith.extui %and3A_137 : i1 to i32
      %cond3A_139 = arith.constant 0 : i32
      %cond3A_140 = arith.cmpi ne, %convert_element_type3A_138, %cond3A_139 : i32
      scf.if %cond3A_140 {
        %dma_wait3A = arith.constant 0 : i32
        %dma_wait3A_141 = arith.constant 0 : i32
        %dma_wait3A_142 = arith.constant 0 : i32
        %dma_wait3A_143 = tpu.memref_slice %arg9[%dma_wait3A, %dma_wait3A_141, %dma_wait3A_142] : memref<3x128x128xi32, #tpu.memory_space<vmem>> -> memref<1x128x128xi32, #tpu.memory_space<vmem>>
        %dma_wait3A_144 = tpu.memref_squeeze %dma_wait3A_143 : memref<1x128x128xi32, #tpu.memory_space<vmem>> -> memref<128x128xi32, #tpu.memory_space<vmem>>
        %dma_wait3A_145 = arith.constant 0 : i32
        %dma_wait3A_146 = tpu.memref_slice %arg8[%dma_wait3A_145] : memref<3072xi32, #tpu.memory_space<vmem>> -> memref<128xi32, #tpu.memory_space<vmem>>
        %dma_wait3A_147 = arith.constant 0 : i32
        %dma_wait3A_148 = arith.constant 0 : i32
        %dma_wait3A_149 = tpu.memref_slice %arg5[%dma_wait3A_147, %dma_wait3A_148] : memref<10000x128xi32, #tpu.memory_space<hbm>> -> memref<10000x128xi32, #tpu.memory_space<hbm>>
        tpu.wait_indirect_dma semaphore(%arg13 : memref<!tpu.dma_semaphore, #tpu.memory_space<semaphore_mem>>) src(%dma_wait3A_149 : memref<10000x128xi32, #tpu.memory_space<hbm>>) dst(%dma_wait3A_144 : memref<128x128xi32, #tpu.memory_space<vmem>>)
        %sub3A_150 = arith.constant 2 : i32
        %sub3A_151 = arith.subi %add3A_107, %sub3A_150 : i32
        %mul3A_152 = arith.constant 128 : i32
        %mul3A_153 = arith.muli %sub3A_151, %mul3A_152 : i32
        %add3A_154 = arith.addi %mul3A_9, %mul3A_153 : i32
        %dma_start3A = arith.constant 0 : i32
        %dma_start3A_155 = arith.constant 0 : i32
        %dma_start3A_156 = arith.constant 0 : i32
        %dma_start3A_157 = tpu.memref_slice %arg9[%dma_start3A, %dma_start3A_155, %dma_start3A_156] : memref<3x128x128xi32, #tpu.memory_space<vmem>> -> memref<1x128x128xi32, #tpu.memory_space<vmem>>
        %dma_start3A_158 = tpu.memref_squeeze %dma_start3A_157 : memref<1x128x128xi32, #tpu.memory_space<vmem>> -> memref<128x128xi32, #tpu.memory_space<vmem>>
        %dma_start3A_159 = arith.constant 0 : i32
        %dma_start3A_160 = tpu.memref_slice %arg6[%add3A_154, %dma_start3A_159] : memref<96000x128xi32, #tpu.memory_space<hbm>> -> memref<128x128xi32, #tpu.memory_space<hbm>>
        %dma_start3A_161 = arith.constant 0 : i32
        %dma_start3A_162 = tpu.memref_slice %arg6[%add3A_154, %dma_start3A_161] : memref<96000x128xi32, #tpu.memory_space<hbm>> -> memref<128x128xi32, #tpu.memory_space<hbm>>
        %dma_start3A_163 = arith.constant 0 : i32
        %dma_start3A_164 = arith.constant 0 : i32
        %dma_start3A_165 = tpu.memref_slice %arg9[%dma_start3A, %dma_start3A_163, %dma_start3A_164] : memref<3x128x128xi32, #tpu.memory_space<vmem>> -> memref<1x128x128xi32, #tpu.memory_space<vmem>>
        %dma_start3A_166 = tpu.memref_squeeze %dma_start3A_165 : memref<1x128x128xi32, #tpu.memory_space<vmem>> -> memref<128x128xi32, #tpu.memory_space<vmem>>
        tpu.enqueue_dma source(%dma_start3A_166 : memref<128x128xi32, #tpu.memory_space<vmem>>) target(%dma_start3A_162 : memref<128x128xi32, #tpu.memory_space<hbm>>) target_semaphore(%arg16 : memref<!tpu.dma_semaphore, #tpu.memory_space<semaphore_mem>>)
      } else {
      }
    }
    %scan3A_18 = arith.constant 9 : i32
    %gt3A = arith.constant 0 : i32
    %gt3A_19 = arith.cmpi sgt, %add3A_3, %gt3A : i32
    %convert_element_type3A_20 = arith.extui %gt3A_19 : i1 to i32
    %cond3A = arith.constant 0 : i32
    %cond3A_21 = arith.cmpi ne, %convert_element_type3A_20, %cond3A : i32
    scf.if %cond3A_21 {
      %dma_wait3A = arith.constant 0 : i32
      %dma_wait3A_32 = arith.constant 0 : i32
      %dma_wait3A_33 = arith.constant 0 : i32
      %dma_wait3A_34 = tpu.memref_slice %arg9[%dma_wait3A, %dma_wait3A_32, %dma_wait3A_33] : memref<3x128x128xi32, #tpu.memory_space<vmem>> -> memref<1x128x128xi32, #tpu.memory_space<vmem>>
      %dma_wait3A_35 = tpu.memref_squeeze %dma_wait3A_34 : memref<1x128x128xi32, #tpu.memory_space<vmem>> -> memref<128x128xi32, #tpu.memory_space<vmem>>
      %dma_wait3A_36 = arith.constant 0 : i32
      %dma_wait3A_37 = arith.constant 0 : i32
      %dma_wait3A_38 = tpu.memref_slice %arg6[%dma_wait3A_36, %dma_wait3A_37] : memref<96000x128xi32, #tpu.memory_space<hbm>> -> memref<128x128xi32, #tpu.memory_space<hbm>>
      %dma_wait3A_39 = arith.constant 0 : i32
      %dma_wait3A_40 = arith.constant 0 : i32
      %dma_wait3A_41 = tpu.memref_slice %arg6[%dma_wait3A_39, %dma_wait3A_40] : memref<96000x128xi32, #tpu.memory_space<hbm>> -> memref<128x128xi32, #tpu.memory_space<hbm>>
      %dma_wait3A_42 = arith.constant 0 : i32
      %dma_wait3A_43 = arith.constant 0 : i32
      %dma_wait3A_44 = tpu.memref_slice %arg9[%dma_wait3A, %dma_wait3A_42, %dma_wait3A_43] : memref<3x128x128xi32, #tpu.memory_space<vmem>> -> memref<1x128x128xi32, #tpu.memory_space<vmem>>
      %dma_wait3A_45 = tpu.memref_squeeze %dma_wait3A_44 : memref<1x128x128xi32, #tpu.memory_space<vmem>> -> memref<128x128xi32, #tpu.memory_space<vmem>>
      tpu.wait_dma2 semaphore(%arg16 : memref<!tpu.dma_semaphore, #tpu.memory_space<semaphore_mem>>) src(%dma_wait3A_45 : memref<128x128xi32, #tpu.memory_space<vmem>>) dst(%dma_wait3A_41 : memref<128x128xi32, #tpu.memory_space<hbm>>)
    } else {
    }
    %gt3A_22 = arith.constant 1 : i32
    %gt3A_23 = arith.cmpi sgt, %add3A_3, %gt3A_22 : i32
    %convert_element_type3A_24 = arith.extui %gt3A_23 : i1 to i32
    %cond3A_25 = arith.constant 0 : i32
    %cond3A_26 = arith.cmpi ne, %convert_element_type3A_24, %cond3A_25 : i32
    scf.if %cond3A_26 {
      %dma_wait3A = arith.constant 1 : i32
      %dma_wait3A_32 = arith.constant 0 : i32
      %dma_wait3A_33 = arith.constant 0 : i32
      %dma_wait3A_34 = tpu.memref_slice %arg9[%dma_wait3A, %dma_wait3A_32, %dma_wait3A_33] : memref<3x128x128xi32, #tpu.memory_space<vmem>> -> memref<1x128x128xi32, #tpu.memory_space<vmem>>
      %dma_wait3A_35 = tpu.memref_squeeze %dma_wait3A_34 : memref<1x128x128xi32, #tpu.memory_space<vmem>> -> memref<128x128xi32, #tpu.memory_space<vmem>>
      %dma_wait3A_36 = arith.constant 0 : i32
      %dma_wait3A_37 = arith.constant 0 : i32
      %dma_wait3A_38 = tpu.memref_slice %arg6[%dma_wait3A_36, %dma_wait3A_37] : memref<96000x128xi32, #tpu.memory_space<hbm>> -> memref<128x128xi32, #tpu.memory_space<hbm>>
      %dma_wait3A_39 = arith.constant 0 : i32
      %dma_wait3A_40 = arith.constant 0 : i32
      %dma_wait3A_41 = tpu.memref_slice %arg6[%dma_wait3A_39, %dma_wait3A_40] : memref<96000x128xi32, #tpu.memory_space<hbm>> -> memref<128x128xi32, #tpu.memory_space<hbm>>
      %dma_wait3A_42 = arith.constant 0 : i32
      %dma_wait3A_43 = arith.constant 0 : i32
      %dma_wait3A_44 = tpu.memref_slice %arg9[%dma_wait3A, %dma_wait3A_42, %dma_wait3A_43] : memref<3x128x128xi32, #tpu.memory_space<vmem>> -> memref<1x128x128xi32, #tpu.memory_space<vmem>>
      %dma_wait3A_45 = tpu.memref_squeeze %dma_wait3A_44 : memref<1x128x128xi32, #tpu.memory_space<vmem>> -> memref<128x128xi32, #tpu.memory_space<vmem>>
      tpu.wait_dma2 semaphore(%arg17 : memref<!tpu.dma_semaphore, #tpu.memory_space<semaphore_mem>>) src(%dma_wait3A_45 : memref<128x128xi32, #tpu.memory_space<vmem>>) dst(%dma_wait3A_41 : memref<128x128xi32, #tpu.memory_space<hbm>>)
    } else {
    }
    %gt3A_27 = arith.constant 2 : i32
    %gt3A_28 = arith.cmpi sgt, %add3A_3, %gt3A_27 : i32
    %convert_element_type3A_29 = arith.extui %gt3A_28 : i1 to i32
    %cond3A_30 = arith.constant 0 : i32
    %cond3A_31 = arith.cmpi ne, %convert_element_type3A_29, %cond3A_30 : i32
    scf.if %cond3A_31 {
      %dma_wait3A = arith.constant 2 : i32
      %dma_wait3A_32 = arith.constant 0 : i32
      %dma_wait3A_33 = arith.constant 0 : i32
      %dma_wait3A_34 = tpu.memref_slice %arg9[%dma_wait3A, %dma_wait3A_32, %dma_wait3A_33] : memref<3x128x128xi32, #tpu.memory_space<vmem>> -> memref<1x128x128xi32, #tpu.memory_space<vmem>>
      %dma_wait3A_35 = tpu.memref_squeeze %dma_wait3A_34 : memref<1x128x128xi32, #tpu.memory_space<vmem>> -> memref<128x128xi32, #tpu.memory_space<vmem>>
      %dma_wait3A_36 = arith.constant 0 : i32
      %dma_wait3A_37 = arith.constant 0 : i32
      %dma_wait3A_38 = tpu.memref_slice %arg6[%dma_wait3A_36, %dma_wait3A_37] : memref<96000x128xi32, #tpu.memory_space<hbm>> -> memref<128x128xi32, #tpu.memory_space<hbm>>
      %dma_wait3A_39 = arith.constant 0 : i32
      %dma_wait3A_40 = arith.constant 0 : i32
      %dma_wait3A_41 = tpu.memref_slice %arg6[%dma_wait3A_39, %dma_wait3A_40] : memref<96000x128xi32, #tpu.memory_space<hbm>> -> memref<128x128xi32, #tpu.memory_space<hbm>>
      %dma_wait3A_42 = arith.constant 0 : i32
      %dma_wait3A_43 = arith.constant 0 : i32
      %dma_wait3A_44 = tpu.memref_slice %arg9[%dma_wait3A, %dma_wait3A_42, %dma_wait3A_43] : memref<3x128x128xi32, #tpu.memory_space<vmem>> -> memref<1x128x128xi32, #tpu.memory_space<vmem>>
      %dma_wait3A_45 = tpu.memref_squeeze %dma_wait3A_44 : memref<1x128x128xi32, #tpu.memory_space<vmem>> -> memref<128x128xi32, #tpu.memory_space<vmem>>
      tpu.wait_dma2 semaphore(%arg18 : memref<!tpu.dma_semaphore, #tpu.memory_space<semaphore_mem>>) src(%dma_wait3A_45 : memref<128x128xi32, #tpu.memory_space<vmem>>) dst(%dma_wait3A_41 : memref<128x128xi32, #tpu.memory_space<hbm>>)
    } else {
    }
    return
  }
}

#map = affine_map<(d0, d1) -> (0)>
#map1 = affine_map<(d0, d1) -> (0, 0)>
module attributes {stable_mosaic.version = 14 : i64} {
  func.func @gather_k(%arg0: i32, %arg1: i32, %arg2: memref<100096xi32, #tpu.memory_space<hbm>>, %arg3: memref<100096xi32, #tpu.memory_space<hbm>>, %arg4: memref<10000x128xi32, #tpu.memory_space<hbm>>, %arg5: memref<10000x128xi32, #tpu.memory_space<hbm>>, %arg6: memref<96000x128xi32, #tpu.memory_space<hbm>>, %arg7: memref<3072xi32, #tpu.memory_space<vmem>>, %arg8: memref<3072xi32, #tpu.memory_space<vmem>>, %arg9: memref<3x128x128xi32, #tpu.memory_space<vmem>>, %arg10: memref<!tpu.dma_semaphore, #tpu.memory_space<semaphore_mem>>, %arg11: memref<!tpu.dma_semaphore, #tpu.memory_space<semaphore_mem>>, %arg12: memref<!tpu.dma_semaphore, #tpu.memory_space<semaphore_mem>>, %arg13: memref<!tpu.dma_semaphore, #tpu.memory_space<semaphore_mem>>, %arg14: memref<!tpu.dma_semaphore, #tpu.memory_space<semaphore_mem>>, %arg15: memref<!tpu.dma_semaphore, #tpu.memory_space<semaphore_mem>>, %arg16: memref<!tpu.dma_semaphore, #tpu.memory_space<semaphore_mem>>, %arg17: memref<!tpu.dma_semaphore, #tpu.memory_space<semaphore_mem>>, %arg18: memref<!tpu.dma_semaphore, #tpu.memory_space<semaphore_mem>>) attributes {dimension_semantics = [#tpu.dimension_semantics<core_parallel>, #tpu.dimension_semantics<subcore_parallel>], iteration_bounds = array<i64: 2, 16>, scalar_prefetch = 0 : i64, scratch_operands = 12 : i64, tpu.core_type = #tpu.core_type<sc_vector_subcore>, window_params = [{transform_indices = #map}, {transform_indices = #map}, {transform_indices = #map1}, {transform_indices = #map1}, {transform_indices = #map1}]} {
    %mul3A = arith.constant 2 : i32
    %mul3A_0 = arith.muli %arg1, %mul3A : i32
    %add3A = arith.addi %mul3A_0, %arg0 : i32
    %lt3A = arith.constant 14 : i32
    %lt3A_1 = arith.cmpi slt, %add3A, %lt3A : i32
    %convert_element_type3A = arith.extui %lt3A_1 : i1 to i32
    %add3A_2 = arith.constant 23 : i32
    %add3A_3 = arith.addi %add3A_2, %convert_element_type3A : i32
    %mul3A_4 = arith.constant 23 : i32
    %mul3A_5 = arith.muli %add3A, %mul3A_4 : i32
    %min3A = arith.constant 14 : i32
    %min3A_6 = arith.minsi %add3A, %min3A : i32
    %add3A_7 = arith.addi %mul3A_5, %min3A_6 : i32
    %mul3A_8 = arith.constant 128 : i32
    %mul3A_9 = arith.muli %add3A_7, %mul3A_8 : i32
    %add3A_10 = arith.constant 0 : i32
    %add3A_11 = arith.addi %add3A_10, %mul3A_9 : i32
    "tpu.region"() ({
      %run_scoped3A = tpu.sem_alloc : memref<!tpu.dma_semaphore, #tpu.memory_space<semaphore_mem>>
      %dma_start3A = tpu.memref_slice %arg2[%add3A_11] : memref<100096xi32, #tpu.memory_space<hbm>> -> memref<3072xi32, #tpu.memory_space<hbm>>
      %dma_start3A_32 = tpu.memref_slice %arg2[%add3A_11] : memref<100096xi32, #tpu.memory_space<hbm>> -> memref<3072xi32, #tpu.memory_space<hbm>>
      tpu.enqueue_dma source(%dma_start3A_32 : memref<3072xi32, #tpu.memory_space<hbm>>) target(%arg7 : memref<3072xi32, #tpu.memory_space<vmem>>) target_semaphore(%run_scoped3A : memref<!tpu.dma_semaphore, #tpu.memory_space<semaphore_mem>>)
      %dma_wait3A = tpu.memref_slice %arg2[%add3A_11] : memref<100096xi32, #tpu.memory_space<hbm>> -> memref<3072xi32, #tpu.memory_space<hbm>>
      %dma_wait3A_33 = tpu.memref_slice %arg2[%add3A_11] : memref<100096xi32, #tpu.memory_space<hbm>> -> memref<3072xi32, #tpu.memory_space<hbm>>
      tpu.wait_dma2 semaphore(%run_scoped3A : memref<!tpu.dma_semaphore, #tpu.memory_space<semaphore_mem>>) src(%dma_wait3A_33 : memref<3072xi32, #tpu.memory_space<hbm>>) dst(%arg7 : memref<3072xi32, #tpu.memory_space<vmem>>)
      tpu.yield
    }) : () -> ()
    %add3A_12 = arith.constant 0 : i32
    %add3A_13 = arith.addi %add3A_12, %mul3A_9 : i32
    "tpu.region"() ({
      %run_scoped3A = tpu.sem_alloc : memref<!tpu.dma_semaphore, #tpu.memory_space<semaphore_mem>>
      %dma_start3A = tpu.memref_slice %arg3[%add3A_13] : memref<100096xi32, #tpu.memory_space<hbm>> -> memref<3072xi32, #tpu.memory_space<hbm>>
      %dma_start3A_32 = tpu.memref_slice %arg3[%add3A_13] : memref<100096xi32, #tpu.memory_space<hbm>> -> memref<3072xi32, #tpu.memory_space<hbm>>
      tpu.enqueue_dma source(%dma_start3A_32 : memref<3072xi32, #tpu.memory_space<hbm>>) target(%arg8 : memref<3072xi32, #tpu.memory_space<vmem>>) target_semaphore(%run_scoped3A : memref<!tpu.dma_semaphore, #tpu.memory_space<semaphore_mem>>)
      %dma_wait3A = tpu.memref_slice %arg3[%add3A_13] : memref<100096xi32, #tpu.memory_space<hbm>> -> memref<3072xi32, #tpu.memory_space<hbm>>
      %dma_wait3A_33 = tpu.memref_slice %arg3[%add3A_13] : memref<100096xi32, #tpu.memory_space<hbm>> -> memref<3072xi32, #tpu.memory_space<hbm>>
      tpu.wait_dma2 semaphore(%run_scoped3A : memref<!tpu.dma_semaphore, #tpu.memory_space<semaphore_mem>>) src(%dma_wait3A_33 : memref<3072xi32, #tpu.memory_space<hbm>>) dst(%arg8 : memref<3072xi32, #tpu.memory_space<vmem>>)
      tpu.yield
    }) : () -> ()
    %scan3A = arith.constant 0 : i32
    %scan3A_14 = arith.constant 0 : i32
    %scan3A_15 = arith.constant 9 : i32
    %scan3A_16 = arith.addi %scan3A_14, %scan3A_15 : i32
    %scan3A_17 = arith.constant 1 : i32
    scf.for %scan3A_32 = %scan3A_14 to %scan3A_16 step %scan3A_17  : i32 {
      %mul3A_33 = arith.constant 3 : i32
      %mul3A_34 = arith.muli %mul3A_33, %scan3A_32 : i32
      %add3A_35 = arith.constant 0 : i32
      %add3A_36 = arith.addi %mul3A_34, %add3A_35 : i32
      %ge3A = arith.constant 3 : i32
      %ge3A_37 = arith.cmpi sge, %add3A_36, %ge3A : i32
      %lt3A_38 = arith.cmpi slt, %add3A_36, %add3A_3 : i32
      %and3A = arith.andi %ge3A_37, %lt3A_38 : i1
      %convert_element_type3A_39 = arith.extui %and3A : i1 to i32
      %cond3A_40 = arith.constant 0 : i32
      %cond3A_41 = arith.cmpi ne, %convert_element_type3A_39, %cond3A_40 : i32
      scf.if %cond3A_41 {
        %dma_wait3A = arith.constant 0 : i32
        %dma_wait3A_141 = arith.constant 0 : i32
        %dma_wait3A_142 = arith.constant 0 : i32
        %dma_wait3A_143 = tpu.memref_slice %arg9[%dma_wait3A, %dma_wait3A_141, %dma_wait3A_142] : memref<3x128x128xi32, #tpu.memory_space<vmem>> -> memref<1x128x128xi32, #tpu.memory_space<vmem>>
        %dma_wait3A_144 = tpu.memref_squeeze %dma_wait3A_143 : memref<1x128x128xi32, #tpu.memory_space<vmem>> -> memref<128x128xi32, #tpu.memory_space<vmem>>
        %dma_wait3A_145 = arith.constant 0 : i32
        %dma_wait3A_146 = arith.constant 0 : i32
        %dma_wait3A_147 = tpu.memref_slice %arg6[%dma_wait3A_145, %dma_wait3A_146] : memref<96000x128xi32, #tpu.memory_space<hbm>> -> memref<128x128xi32, #tpu.memory_space<hbm>>
        %dma_wait3A_148 = arith.constant 0 : i32
        %dma_wait3A_149 = arith.constant 0 : i32
        %dma_wait3A_150 = tpu.memref_slice %arg6[%dma_wait3A_148, %dma_wait3A_149] : memref<96000x128xi32, #tpu.memory_space<hbm>> -> memref<128x128xi32, #tpu.memory_space<hbm>>
        %dma_wait3A_151 = arith.constant 0 : i32
        %dma_wait3A_152 = arith.constant 0 : i32
        %dma_wait3A_153 = tpu.memref_slice %arg9[%dma_wait3A, %dma_wait3A_151, %dma_wait3A_152] : memref<3x128x128xi32, #tpu.memory_space<vmem>> -> memref<1x128x128xi32, #tpu.memory_space<vmem>>
        %dma_wait3A_154 = tpu.memref_squeeze %dma_wait3A_153 : memref<1x128x128xi32, #tpu.memory_space<vmem>> -> memref<128x128xi32, #tpu.memory_space<vmem>>
        tpu.wait_dma2 semaphore(%arg16 : memref<!tpu.dma_semaphore, #tpu.memory_space<semaphore_mem>>) src(%dma_wait3A_154 : memref<128x128xi32, #tpu.memory_space<vmem>>) dst(%dma_wait3A_150 : memref<128x128xi32, #tpu.memory_space<hbm>>)
      } else {
      }
      %lt3A_42 = arith.cmpi slt, %add3A_36, %add3A_3 : i32
      %convert_element_type3A_43 = arith.extui %lt3A_42 : i1 to i32
      %cond3A_44 = arith.constant 0 : i32
      %cond3A_45 = arith.cmpi ne, %convert_element_type3A_43, %cond3A_44 : i32
      scf.if %cond3A_45 {
        %mul3A_141 = arith.constant 128 : i32
        %mul3A_142 = arith.muli %add3A_36, %mul3A_141 : i32
        %dma_start3A = arith.constant 0 : i32
        %dma_start3A_143 = arith.constant 0 : i32
        %dma_start3A_144 = arith.constant 0 : i32
        %dma_start3A_145 = tpu.memref_slice %arg9[%dma_start3A, %dma_start3A_143, %dma_start3A_144] : memref<3x128x128xi32, #tpu.memory_space<vmem>> -> memref<1x128x128xi32, #tpu.memory_space<vmem>>
        %dma_start3A_146 = tpu.memref_squeeze %dma_start3A_145 : memref<1x128x128xi32, #tpu.memory_space<vmem>> -> memref<128x128xi32, #tpu.memory_space<vmem>>
        %dma_start3A_147 = tpu.memref_slice %arg7[%mul3A_142] : memref<3072xi32, #tpu.memory_space<vmem>> -> memref<128xi32, #tpu.memory_space<vmem>>
        %dma_start3A_148 = arith.constant 0 : i32
        %dma_start3A_149 = arith.constant 0 : i32
        %dma_start3A_150 = tpu.memref_slice %arg4[%dma_start3A_148, %dma_start3A_149] : memref<10000x128xi32, #tpu.memory_space<hbm>> -> memref<10000x128xi32, #tpu.memory_space<hbm>>
        tpu.enqueue_indirect_dma source(%dma_start3A_150 : memref<10000x128xi32, #tpu.memory_space<hbm>>) target(%dma_start3A_146 : memref<128x128xi32, #tpu.memory_space<vmem>>) offsets(%dma_start3A_147 : memref<128xi32, #tpu.memory_space<vmem>>) semaphore(%arg10 : memref<!tpu.dma_semaphore, #tpu.memory_space<semaphore_mem>>)
      } else {
      }
      %sub3A = arith.constant 1 : i32
      %sub3A_46 = arith.subi %add3A_36, %sub3A : i32
      %ge3A_47 = arith.constant 0 : i32
      %ge3A_48 = arith.cmpi sge, %sub3A_46, %ge3A_47 : i32
      %sub3A_49 = arith.constant 1 : i32
      %sub3A_50 = arith.subi %add3A_36, %sub3A_49 : i32
      %lt3A_51 = arith.cmpi slt, %sub3A_50, %add3A_3 : i32
      %and3A_52 = arith.andi %ge3A_48, %lt3A_51 : i1
      %convert_element_type3A_53 = arith.extui %and3A_52 : i1 to i32
      %cond3A_54 = arith.constant 0 : i32
      %cond3A_55 = arith.cmpi ne, %convert_element_type3A_53, %cond3A_54 : i32
      scf.if %cond3A_55 {
        %dma_wait3A = arith.constant 2 : i32
        %dma_wait3A_141 = arith.constant 0 : i32
        %dma_wait3A_142 = arith.constant 0 : i32
        %dma_wait3A_143 = tpu.memref_slice %arg9[%dma_wait3A, %dma_wait3A_141, %dma_wait3A_142] : memref<3x128x128xi32, #tpu.memory_space<vmem>> -> memref<1x128x128xi32, #tpu.memory_space<vmem>>
        %dma_wait3A_144 = tpu.memref_squeeze %dma_wait3A_143 : memref<1x128x128xi32, #tpu.memory_space<vmem>> -> memref<128x128xi32, #tpu.memory_space<vmem>>
        %dma_wait3A_145 = arith.constant 0 : i32
        %dma_wait3A_146 = tpu.memref_slice %arg7[%dma_wait3A_145] : memref<3072xi32, #tpu.memory_space<vmem>> -> memref<128xi32, #tpu.memory_space<vmem>>
        %dma_wait3A_147 = arith.constant 0 : i32
        %dma_wait3A_148 = arith.constant 0 : i32
        %dma_wait3A_149 = tpu.memref_slice %arg4[%dma_wait3A_147, %dma_wait3A_148] : memref<10000x128xi32, #tpu.memory_space<hbm>> -> memref<10000x128xi32, #tpu.memory_space<hbm>>
        tpu.wait_indirect_dma semaphore(%arg12 : memref<!tpu.dma_semaphore, #tpu.memory_space<semaphore_mem>>) src(%dma_wait3A_149 : memref<10000x128xi32, #tpu.memory_space<hbm>>) dst(%dma_wait3A_144 : memref<128x128xi32, #tpu.memory_space<vmem>>)
        %sub3A_150 = arith.constant 1 : i32
        %sub3A_151 = arith.subi %add3A_36, %sub3A_150 : i32
        %mul3A_152 = arith.constant 128 : i32
        %mul3A_153 = arith.muli %sub3A_151, %mul3A_152 : i32
        %dma_start3A = arith.constant 2 : i32
        %dma_start3A_154 = arith.constant 0 : i32
        %dma_start3A_155 = arith.constant 0 : i32
        %dma_start3A_156 = tpu.memref_slice %arg9[%dma_start3A, %dma_start3A_154, %dma_start3A_155] : memref<3x128x128xi32, #tpu.memory_space<vmem>> -> memref<1x128x128xi32, #tpu.memory_space<vmem>>
        %dma_start3A_157 = tpu.memref_squeeze %dma_start3A_156 : memref<1x128x128xi32, #tpu.memory_space<vmem>> -> memref<128x128xi32, #tpu.memory_space<vmem>>
        %dma_start3A_158 = tpu.memref_slice %arg8[%mul3A_153] : memref<3072xi32, #tpu.memory_space<vmem>> -> memref<128xi32, #tpu.memory_space<vmem>>
        %dma_start3A_159 = arith.constant 0 : i32
        %dma_start3A_160 = arith.constant 0 : i32
        %dma_start3A_161 = tpu.memref_slice %arg5[%dma_start3A_159, %dma_start3A_160] : memref<10000x128xi32, #tpu.memory_space<hbm>> -> memref<10000x128xi32, #tpu.memory_space<hbm>>
        tpu.enqueue_indirect_dma source(%dma_start3A_161 : memref<10000x128xi32, #tpu.memory_space<hbm>>) target(%dma_start3A_157 : memref<128x128xi32, #tpu.memory_space<vmem>>) offsets(%dma_start3A_158 : memref<128xi32, #tpu.memory_space<vmem>>) semaphore(%arg15 : memref<!tpu.dma_semaphore, #tpu.memory_space<semaphore_mem>>) {add = true}
      } else {
      }
      %sub3A_56 = arith.constant 2 : i32
      %sub3A_57 = arith.subi %add3A_36, %sub3A_56 : i32
      %ge3A_58 = arith.constant 0 : i32
      %ge3A_59 = arith.cmpi sge, %sub3A_57, %ge3A_58 : i32
      %sub3A_60 = arith.constant 2 : i32
      %sub3A_61 = arith.subi %add3A_36, %sub3A_60 : i32
      %lt3A_62 = arith.cmpi slt, %sub3A_61, %add3A_3 : i32
      %and3A_63 = arith.andi %ge3A_59, %lt3A_62 : i1
      %convert_element_type3A_64 = arith.extui %and3A_63 : i1 to i32
      %cond3A_65 = arith.constant 0 : i32
      %cond3A_66 = arith.cmpi ne, %convert_element_type3A_64, %cond3A_65 : i32
      scf.if %cond3A_66 {
        %dma_wait3A = arith.constant 1 : i32
        %dma_wait3A_141 = arith.constant 0 : i32
        %dma_wait3A_142 = arith.constant 0 : i32
        %dma_wait3A_143 = tpu.memref_slice %arg9[%dma_wait3A, %dma_wait3A_141, %dma_wait3A_142] : memref<3x128x128xi32, #tpu.memory_space<vmem>> -> memref<1x128x128xi32, #tpu.memory_space<vmem>>
        %dma_wait3A_144 = tpu.memref_squeeze %dma_wait3A_143 : memref<1x128x128xi32, #tpu.memory_space<vmem>> -> memref<128x128xi32, #tpu.memory_space<vmem>>
        %dma_wait3A_145 = arith.constant 0 : i32
        %dma_wait3A_146 = tpu.memref_slice %arg8[%dma_wait3A_145] : memref<3072xi32, #tpu.memory_space<vmem>> -> memref<128xi32, #tpu.memory_space<vmem>>
        %dma_wait3A_147 = arith.constant 0 : i32
        %dma_wait3A_148 = arith.constant 0 : i32
        %dma_wait3A_149 = tpu.memref_slice %arg5[%dma_wait3A_147, %dma_wait3A_148] : memref<10000x128xi32, #tpu.memory_space<hbm>> -> memref<10000x128xi32, #tpu.memory_space<hbm>>
        tpu.wait_indirect_dma semaphore(%arg14 : memref<!tpu.dma_semaphore, #tpu.memory_space<semaphore_mem>>) src(%dma_wait3A_149 : memref<10000x128xi32, #tpu.memory_space<hbm>>) dst(%dma_wait3A_144 : memref<128x128xi32, #tpu.memory_space<vmem>>)
        %sub3A_150 = arith.constant 2 : i32
        %sub3A_151 = arith.subi %add3A_36, %sub3A_150 : i32
        %mul3A_152 = arith.constant 128 : i32
        %mul3A_153 = arith.muli %sub3A_151, %mul3A_152 : i32
        %add3A_154 = arith.addi %mul3A_9, %mul3A_153 : i32
        %dma_start3A = arith.constant 1 : i32
        %dma_start3A_155 = arith.constant 0 : i32
        %dma_start3A_156 = arith.constant 0 : i32
        %dma_start3A_157 = tpu.memref_slice %arg9[%dma_start3A, %dma_start3A_155, %dma_start3A_156] : memref<3x128x128xi32, #tpu.memory_space<vmem>> -> memref<1x128x128xi32, #tpu.memory_space<vmem>>
        %dma_start3A_158 = tpu.memref_squeeze %dma_start3A_157 : memref<1x128x128xi32, #tpu.memory_space<vmem>> -> memref<128x128xi32, #tpu.memory_space<vmem>>
        %dma_start3A_159 = arith.constant 0 : i32
        %dma_start3A_160 = tpu.memref_slice %arg6[%add3A_154, %dma_start3A_159] : memref<96000x128xi32, #tpu.memory_space<hbm>> -> memref<128x128xi32, #tpu.memory_space<hbm>>
        %dma_start3A_161 = arith.constant 0 : i32
        %dma_start3A_162 = tpu.memref_slice %arg6[%add3A_154, %dma_start3A_161] : memref<96000x128xi32, #tpu.memory_space<hbm>> -> memref<128x128xi32, #tpu.memory_space<hbm>>
        %dma_start3A_163 = arith.constant 0 : i32
        %dma_start3A_164 = arith.constant 0 : i32
        %dma_start3A_165 = tpu.memref_slice %arg9[%dma_start3A, %dma_start3A_163, %dma_start3A_164] : memref<3x128x128xi32, #tpu.memory_space<vmem>> -> memref<1x128x128xi32, #tpu.memory_space<vmem>>
        %dma_start3A_166 = tpu.memref_squeeze %dma_start3A_165 : memref<1x128x128xi32, #tpu.memory_space<vmem>> -> memref<128x128xi32, #tpu.memory_space<vmem>>
        tpu.enqueue_dma source(%dma_start3A_166 : memref<128x128xi32, #tpu.memory_space<vmem>>) target(%dma_start3A_162 : memref<128x128xi32, #tpu.memory_space<hbm>>) target_semaphore(%arg17 : memref<!tpu.dma_semaphore, #tpu.memory_space<semaphore_mem>>)
      } else {
      }
      %mul3A_67 = arith.constant 3 : i32
      %mul3A_68 = arith.muli %mul3A_67, %scan3A_32 : i32
      %add3A_69 = arith.constant 1 : i32
      %add3A_70 = arith.addi %mul3A_68, %add3A_69 : i32
      %ge3A_71 = arith.constant 3 : i32
      %ge3A_72 = arith.cmpi sge, %add3A_70, %ge3A_71 : i32
      %lt3A_73 = arith.cmpi slt, %add3A_70, %add3A_3 : i32
      %and3A_74 = arith.andi %ge3A_72, %lt3A_73 : i1
      %convert_element_type3A_75 = arith.extui %and3A_74 : i1 to i32
      %cond3A_76 = arith.constant 0 : i32
      %cond3A_77 = arith.cmpi ne, %convert_element_type3A_75, %cond3A_76 : i32
      scf.if %cond3A_77 {
        %dma_wait3A = arith.constant 1 : i32
        %dma_wait3A_141 = arith.constant 0 : i32
        %dma_wait3A_142 = arith.constant 0 : i32
        %dma_wait3A_143 = tpu.memref_slice %arg9[%dma_wait3A, %dma_wait3A_141, %dma_wait3A_142] : memref<3x128x128xi32, #tpu.memory_space<vmem>> -> memref<1x128x128xi32, #tpu.memory_space<vmem>>
        %dma_wait3A_144 = tpu.memref_squeeze %dma_wait3A_143 : memref<1x128x128xi32, #tpu.memory_space<vmem>> -> memref<128x128xi32, #tpu.memory_space<vmem>>
        %dma_wait3A_145 = arith.constant 0 : i32
        %dma_wait3A_146 = arith.constant 0 : i32
        %dma_wait3A_147 = tpu.memref_slice %arg6[%dma_wait3A_145, %dma_wait3A_146] : memref<96000x128xi32, #tpu.memory_space<hbm>> -> memref<128x128xi32, #tpu.memory_space<hbm>>
        %dma_wait3A_148 = arith.constant 0 : i32
        %dma_wait3A_149 = arith.constant 0 : i32
        %dma_wait3A_150 = tpu.memref_slice %arg6[%dma_wait3A_148, %dma_wait3A_149] : memref<96000x128xi32, #tpu.memory_space<hbm>> -> memref<128x128xi32, #tpu.memory_space<hbm>>
        %dma_wait3A_151 = arith.constant 0 : i32
        %dma_wait3A_152 = arith.constant 0 : i32
        %dma_wait3A_153 = tpu.memref_slice %arg9[%dma_wait3A, %dma_wait3A_151, %dma_wait3A_152] : memref<3x128x128xi32, #tpu.memory_space<vmem>> -> memref<1x128x128xi32, #tpu.memory_space<vmem>>
        %dma_wait3A_154 = tpu.memref_squeeze %dma_wait3A_153 : memref<1x128x128xi32, #tpu.memory_space<vmem>> -> memref<128x128xi32, #tpu.memory_space<vmem>>
        tpu.wait_dma2 semaphore(%arg17 : memref<!tpu.dma_semaphore, #tpu.memory_space<semaphore_mem>>) src(%dma_wait3A_154 : memref<128x128xi32, #tpu.memory_space<vmem>>) dst(%dma_wait3A_150 : memref<128x128xi32, #tpu.memory_space<hbm>>)
      } else {
      }
      %lt3A_78 = arith.cmpi slt, %add3A_70, %add3A_3 : i32
      %convert_element_type3A_79 = arith.extui %lt3A_78 : i1 to i32
      %cond3A_80 = arith.constant 0 : i32
      %cond3A_81 = arith.cmpi ne, %convert_element_type3A_79, %cond3A_80 : i32
      scf.if %cond3A_81 {
        %mul3A_141 = arith.constant 128 : i32
        %mul3A_142 = arith.muli %add3A_70, %mul3A_141 : i32
        %dma_start3A = arith.constant 1 : i32
        %dma_start3A_143 = arith.constant 0 : i32
        %dma_start3A_144 = arith.constant 0 : i32
        %dma_start3A_145 = tpu.memref_slice %arg9[%dma_start3A, %dma_start3A_143, %dma_start3A_144] : memref<3x128x128xi32, #tpu.memory_space<vmem>> -> memref<1x128x128xi32, #tpu.memory_space<vmem>>
        %dma_start3A_146 = tpu.memref_squeeze %dma_start3A_145 : memref<1x128x128xi32, #tpu.memory_space<vmem>> -> memref<128x128xi32, #tpu.memory_space<vmem>>
        %dma_start3A_147 = tpu.memref_slice %arg7[%mul3A_142] : memref<3072xi32, #tpu.memory_space<vmem>> -> memref<128xi32, #tpu.memory_space<vmem>>
        %dma_start3A_148 = arith.constant 0 : i32
        %dma_start3A_149 = arith.constant 0 : i32
        %dma_start3A_150 = tpu.memref_slice %arg4[%dma_start3A_148, %dma_start3A_149] : memref<10000x128xi32, #tpu.memory_space<hbm>> -> memref<10000x128xi32, #tpu.memory_space<hbm>>
        tpu.enqueue_indirect_dma source(%dma_start3A_150 : memref<10000x128xi32, #tpu.memory_space<hbm>>) target(%dma_start3A_146 : memref<128x128xi32, #tpu.memory_space<vmem>>) offsets(%dma_start3A_147 : memref<128xi32, #tpu.memory_space<vmem>>) semaphore(%arg11 : memref<!tpu.dma_semaphore, #tpu.memory_space<semaphore_mem>>)
      } else {
      }
      %sub3A_82 = arith.constant 1 : i32
      %sub3A_83 = arith.subi %add3A_70, %sub3A_82 : i32
      %ge3A_84 = arith.constant 0 : i32
      %ge3A_85 = arith.cmpi sge, %sub3A_83, %ge3A_84 : i32
      %sub3A_86 = arith.constant 1 : i32
      %sub3A_87 = arith.subi %add3A_70, %sub3A_86 : i32
      %lt3A_88 = arith.cmpi slt, %sub3A_87, %add3A_3 : i32
      %and3A_89 = arith.andi %ge3A_85, %lt3A_88 : i1
      %convert_element_type3A_90 = arith.extui %and3A_89 : i1 to i32
      %cond3A_91 = arith.constant 0 : i32
      %cond3A_92 = arith.cmpi ne, %convert_element_type3A_90, %cond3A_91 : i32
      scf.if %cond3A_92 {
        %dma_wait3A = arith.constant 0 : i32
        %dma_wait3A_141 = arith.constant 0 : i32
        %dma_wait3A_142 = arith.constant 0 : i32
        %dma_wait3A_143 = tpu.memref_slice %arg9[%dma_wait3A, %dma_wait3A_141, %dma_wait3A_142] : memref<3x128x128xi32, #tpu.memory_space<vmem>> -> memref<1x128x128xi32, #tpu.memory_space<vmem>>
        %dma_wait3A_144 = tpu.memref_squeeze %dma_wait3A_143 : memref<1x128x128xi32, #tpu.memory_space<vmem>> -> memref<128x128xi32, #tpu.memory_space<vmem>>
        %dma_wait3A_145 = arith.constant 0 : i32
        %dma_wait3A_146 = tpu.memref_slice %arg7[%dma_wait3A_145] : memref<3072xi32, #tpu.memory_space<vmem>> -> memref<128xi32, #tpu.memory_space<vmem>>
        %dma_wait3A_147 = arith.constant 0 : i32
        %dma_wait3A_148 = arith.constant 0 : i32
        %dma_wait3A_149 = tpu.memref_slice %arg4[%dma_wait3A_147, %dma_wait3A_148] : memref<10000x128xi32, #tpu.memory_space<hbm>> -> memref<10000x128xi32, #tpu.memory_space<hbm>>
        tpu.wait_indirect_dma semaphore(%arg10 : memref<!tpu.dma_semaphore, #tpu.memory_space<semaphore_mem>>) src(%dma_wait3A_149 : memref<10000x128xi32, #tpu.memory_space<hbm>>) dst(%dma_wait3A_144 : memref<128x128xi32, #tpu.memory_space<vmem>>)
        %sub3A_150 = arith.constant 1 : i32
        %sub3A_151 = arith.subi %add3A_70, %sub3A_150 : i32
        %mul3A_152 = arith.constant 128 : i32
        %mul3A_153 = arith.muli %sub3A_151, %mul3A_152 : i32
        %dma_start3A = arith.constant 0 : i32
        %dma_start3A_154 = arith.constant 0 : i32
        %dma_start3A_155 = arith.constant 0 : i32
        %dma_start3A_156 = tpu.memref_slice %arg9[%dma_start3A, %dma_start3A_154, %dma_start3A_155] : memref<3x128x128xi32, #tpu.memory_space<vmem>> -> memref<1x128x128xi32, #tpu.memory_space<vmem>>
        %dma_start3A_157 = tpu.memref_squeeze %dma_start3A_156 : memref<1x128x128xi32, #tpu.memory_space<vmem>> -> memref<128x128xi32, #tpu.memory_space<vmem>>
        %dma_start3A_158 = tpu.memref_slice %arg8[%mul3A_153] : memref<3072xi32, #tpu.memory_space<vmem>> -> memref<128xi32, #tpu.memory_space<vmem>>
        %dma_start3A_159 = arith.constant 0 : i32
        %dma_start3A_160 = arith.constant 0 : i32
        %dma_start3A_161 = tpu.memref_slice %arg5[%dma_start3A_159, %dma_start3A_160] : memref<10000x128xi32, #tpu.memory_space<hbm>> -> memref<10000x128xi32, #tpu.memory_space<hbm>>
        tpu.enqueue_indirect_dma source(%dma_start3A_161 : memref<10000x128xi32, #tpu.memory_space<hbm>>) target(%dma_start3A_157 : memref<128x128xi32, #tpu.memory_space<vmem>>) offsets(%dma_start3A_158 : memref<128xi32, #tpu.memory_space<vmem>>) semaphore(%arg13 : memref<!tpu.dma_semaphore, #tpu.memory_space<semaphore_mem>>) {add = true}
      } else {
      }
      %sub3A_93 = arith.constant 2 : i32
      %sub3A_94 = arith.subi %add3A_70, %sub3A_93 : i32
      %ge3A_95 = arith.constant 0 : i32
      %ge3A_96 = arith.cmpi sge, %sub3A_94, %ge3A_95 : i32
      %sub3A_97 = arith.constant 2 : i32
      %sub3A_98 = arith.subi %add3A_70, %sub3A_97 : i32
      %lt3A_99 = arith.cmpi slt, %sub3A_98, %add3A_3 : i32
      %and3A_100 = arith.andi %ge3A_96, %lt3A_99 : i1
      %convert_element_type3A_101 = arith.extui %and3A_100 : i1 to i32
      %cond3A_102 = arith.constant 0 : i32
      %cond3A_103 = arith.cmpi ne, %convert_element_type3A_101, %cond3A_102 : i32
      scf.if %cond3A_103 {
        %dma_wait3A = arith.constant 2 : i32
        %dma_wait3A_141 = arith.constant 0 : i32
        %dma_wait3A_142 = arith.constant 0 : i32
        %dma_wait3A_143 = tpu.memref_slice %arg9[%dma_wait3A, %dma_wait3A_141, %dma_wait3A_142] : memref<3x128x128xi32, #tpu.memory_space<vmem>> -> memref<1x128x128xi32, #tpu.memory_space<vmem>>
        %dma_wait3A_144 = tpu.memref_squeeze %dma_wait3A_143 : memref<1x128x128xi32, #tpu.memory_space<vmem>> -> memref<128x128xi32, #tpu.memory_space<vmem>>
        %dma_wait3A_145 = arith.constant 0 : i32
        %dma_wait3A_146 = tpu.memref_slice %arg8[%dma_wait3A_145] : memref<3072xi32, #tpu.memory_space<vmem>> -> memref<128xi32, #tpu.memory_space<vmem>>
        %dma_wait3A_147 = arith.constant 0 : i32
        %dma_wait3A_148 = arith.constant 0 : i32
        %dma_wait3A_149 = tpu.memref_slice %arg5[%dma_wait3A_147, %dma_wait3A_148] : memref<10000x128xi32, #tpu.memory_space<hbm>> -> memref<10000x128xi32, #tpu.memory_space<hbm>>
        tpu.wait_indirect_dma semaphore(%arg15 : memref<!tpu.dma_semaphore, #tpu.memory_space<semaphore_mem>>) src(%dma_wait3A_149 : memref<10000x128xi32, #tpu.memory_space<hbm>>) dst(%dma_wait3A_144 : memref<128x128xi32, #tpu.memory_space<vmem>>)
        %sub3A_150 = arith.constant 2 : i32
        %sub3A_151 = arith.subi %add3A_70, %sub3A_150 : i32
        %mul3A_152 = arith.constant 128 : i32
        %mul3A_153 = arith.muli %sub3A_151, %mul3A_152 : i32
        %add3A_154 = arith.addi %mul3A_9, %mul3A_153 : i32
        %dma_start3A = arith.constant 2 : i32
        %dma_start3A_155 = arith.constant 0 : i32
        %dma_start3A_156 = arith.constant 0 : i32
        %dma_start3A_157 = tpu.memref_slice %arg9[%dma_start3A, %dma_start3A_155, %dma_start3A_156] : memref<3x128x128xi32, #tpu.memory_space<vmem>> -> memref<1x128x128xi32, #tpu.memory_space<vmem>>
        %dma_start3A_158 = tpu.memref_squeeze %dma_start3A_157 : memref<1x128x128xi32, #tpu.memory_space<vmem>> -> memref<128x128xi32, #tpu.memory_space<vmem>>
        %dma_start3A_159 = arith.constant 0 : i32
        %dma_start3A_160 = tpu.memref_slice %arg6[%add3A_154, %dma_start3A_159] : memref<96000x128xi32, #tpu.memory_space<hbm>> -> memref<128x128xi32, #tpu.memory_space<hbm>>
        %dma_start3A_161 = arith.constant 0 : i32
        %dma_start3A_162 = tpu.memref_slice %arg6[%add3A_154, %dma_start3A_161] : memref<96000x128xi32, #tpu.memory_space<hbm>> -> memref<128x128xi32, #tpu.memory_space<hbm>>
        %dma_start3A_163 = arith.constant 0 : i32
        %dma_start3A_164 = arith.constant 0 : i32
        %dma_start3A_165 = tpu.memref_slice %arg9[%dma_start3A, %dma_start3A_163, %dma_start3A_164] : memref<3x128x128xi32, #tpu.memory_space<vmem>> -> memref<1x128x128xi32, #tpu.memory_space<vmem>>
        %dma_start3A_166 = tpu.memref_squeeze %dma_start3A_165 : memref<1x128x128xi32, #tpu.memory_space<vmem>> -> memref<128x128xi32, #tpu.memory_space<vmem>>
        tpu.enqueue_dma source(%dma_start3A_166 : memref<128x128xi32, #tpu.memory_space<vmem>>) target(%dma_start3A_162 : memref<128x128xi32, #tpu.memory_space<hbm>>) target_semaphore(%arg18 : memref<!tpu.dma_semaphore, #tpu.memory_space<semaphore_mem>>)
      } else {
      }
      %mul3A_104 = arith.constant 3 : i32
      %mul3A_105 = arith.muli %mul3A_104, %scan3A_32 : i32
      %add3A_106 = arith.constant 2 : i32
      %add3A_107 = arith.addi %mul3A_105, %add3A_106 : i32
      %ge3A_108 = arith.constant 3 : i32
      %ge3A_109 = arith.cmpi sge, %add3A_107, %ge3A_108 : i32
      %lt3A_110 = arith.cmpi slt, %add3A_107, %add3A_3 : i32
      %and3A_111 = arith.andi %ge3A_109, %lt3A_110 : i1
      %convert_element_type3A_112 = arith.extui %and3A_111 : i1 to i32
      %cond3A_113 = arith.constant 0 : i32
      %cond3A_114 = arith.cmpi ne, %convert_element_type3A_112, %cond3A_113 : i32
      scf.if %cond3A_114 {
        %dma_wait3A = arith.constant 2 : i32
        %dma_wait3A_141 = arith.constant 0 : i32
        %dma_wait3A_142 = arith.constant 0 : i32
        %dma_wait3A_143 = tpu.memref_slice %arg9[%dma_wait3A, %dma_wait3A_141, %dma_wait3A_142] : memref<3x128x128xi32, #tpu.memory_space<vmem>> -> memref<1x128x128xi32, #tpu.memory_space<vmem>>
        %dma_wait3A_144 = tpu.memref_squeeze %dma_wait3A_143 : memref<1x128x128xi32, #tpu.memory_space<vmem>> -> memref<128x128xi32, #tpu.memory_space<vmem>>
        %dma_wait3A_145 = arith.constant 0 : i32
        %dma_wait3A_146 = arith.constant 0 : i32
        %dma_wait3A_147 = tpu.memref_slice %arg6[%dma_wait3A_145, %dma_wait3A_146] : memref<96000x128xi32, #tpu.memory_space<hbm>> -> memref<128x128xi32, #tpu.memory_space<hbm>>
        %dma_wait3A_148 = arith.constant 0 : i32
        %dma_wait3A_149 = arith.constant 0 : i32
        %dma_wait3A_150 = tpu.memref_slice %arg6[%dma_wait3A_148, %dma_wait3A_149] : memref<96000x128xi32, #tpu.memory_space<hbm>> -> memref<128x128xi32, #tpu.memory_space<hbm>>
        %dma_wait3A_151 = arith.constant 0 : i32
        %dma_wait3A_152 = arith.constant 0 : i32
        %dma_wait3A_153 = tpu.memref_slice %arg9[%dma_wait3A, %dma_wait3A_151, %dma_wait3A_152] : memref<3x128x128xi32, #tpu.memory_space<vmem>> -> memref<1x128x128xi32, #tpu.memory_space<vmem>>
        %dma_wait3A_154 = tpu.memref_squeeze %dma_wait3A_153 : memref<1x128x128xi32, #tpu.memory_space<vmem>> -> memref<128x128xi32, #tpu.memory_space<vmem>>
        tpu.wait_dma2 semaphore(%arg18 : memref<!tpu.dma_semaphore, #tpu.memory_space<semaphore_mem>>) src(%dma_wait3A_154 : memref<128x128xi32, #tpu.memory_space<vmem>>) dst(%dma_wait3A_150 : memref<128x128xi32, #tpu.memory_space<hbm>>)
      } else {
      }
      %lt3A_115 = arith.cmpi slt, %add3A_107, %add3A_3 : i32
      %convert_element_type3A_116 = arith.extui %lt3A_115 : i1 to i32
      %cond3A_117 = arith.constant 0 : i32
      %cond3A_118 = arith.cmpi ne, %convert_element_type3A_116, %cond3A_117 : i32
      scf.if %cond3A_118 {
        %mul3A_141 = arith.constant 128 : i32
        %mul3A_142 = arith.muli %add3A_107, %mul3A_141 : i32
        %dma_start3A = arith.constant 2 : i32
        %dma_start3A_143 = arith.constant 0 : i32
        %dma_start3A_144 = arith.constant 0 : i32
        %dma_start3A_145 = tpu.memref_slice %arg9[%dma_start3A, %dma_start3A_143, %dma_start3A_144] : memref<3x128x128xi32, #tpu.memory_space<vmem>> -> memref<1x128x128xi32, #tpu.memory_space<vmem>>
        %dma_start3A_146 = tpu.memref_squeeze %dma_start3A_145 : memref<1x128x128xi32, #tpu.memory_space<vmem>> -> memref<128x128xi32, #tpu.memory_space<vmem>>
        %dma_start3A_147 = tpu.memref_slice %arg7[%mul3A_142] : memref<3072xi32, #tpu.memory_space<vmem>> -> memref<128xi32, #tpu.memory_space<vmem>>
        %dma_start3A_148 = arith.constant 0 : i32
        %dma_start3A_149 = arith.constant 0 : i32
        %dma_start3A_150 = tpu.memref_slice %arg4[%dma_start3A_148, %dma_start3A_149] : memref<10000x128xi32, #tpu.memory_space<hbm>> -> memref<10000x128xi32, #tpu.memory_space<hbm>>
        tpu.enqueue_indirect_dma source(%dma_start3A_150 : memref<10000x128xi32, #tpu.memory_space<hbm>>) target(%dma_start3A_146 : memref<128x128xi32, #tpu.memory_space<vmem>>) offsets(%dma_start3A_147 : memref<128xi32, #tpu.memory_space<vmem>>) semaphore(%arg12 : memref<!tpu.dma_semaphore, #tpu.memory_space<semaphore_mem>>)
      } else {
      }
      %sub3A_119 = arith.constant 1 : i32
      %sub3A_120 = arith.subi %add3A_107, %sub3A_119 : i32
      %ge3A_121 = arith.constant 0 : i32
      %ge3A_122 = arith.cmpi sge, %sub3A_120, %ge3A_121 : i32
      %sub3A_123 = arith.constant 1 : i32
      %sub3A_124 = arith.subi %add3A_107, %sub3A_123 : i32
      %lt3A_125 = arith.cmpi slt, %sub3A_124, %add3A_3 : i32
      %and3A_126 = arith.andi %ge3A_122, %lt3A_125 : i1
      %convert_element_type3A_127 = arith.extui %and3A_126 : i1 to i32
      %cond3A_128 = arith.constant 0 : i32
      %cond3A_129 = arith.cmpi ne, %convert_element_type3A_127, %cond3A_128 : i32
      scf.if %cond3A_129 {
        %dma_wait3A = arith.constant 1 : i32
        %dma_wait3A_141 = arith.constant 0 : i32
        %dma_wait3A_142 = arith.constant 0 : i32
        %dma_wait3A_143 = tpu.memref_slice %arg9[%dma_wait3A, %dma_wait3A_141, %dma_wait3A_142] : memref<3x128x128xi32, #tpu.memory_space<vmem>> -> memref<1x128x128xi32, #tpu.memory_space<vmem>>
        %dma_wait3A_144 = tpu.memref_squeeze %dma_wait3A_143 : memref<1x128x128xi32, #tpu.memory_space<vmem>> -> memref<128x128xi32, #tpu.memory_space<vmem>>
        %dma_wait3A_145 = arith.constant 0 : i32
        %dma_wait3A_146 = tpu.memref_slice %arg7[%dma_wait3A_145] : memref<3072xi32, #tpu.memory_space<vmem>> -> memref<128xi32, #tpu.memory_space<vmem>>
        %dma_wait3A_147 = arith.constant 0 : i32
        %dma_wait3A_148 = arith.constant 0 : i32
        %dma_wait3A_149 = tpu.memref_slice %arg4[%dma_wait3A_147, %dma_wait3A_148] : memref<10000x128xi32, #tpu.memory_space<hbm>> -> memref<10000x128xi32, #tpu.memory_space<hbm>>
        tpu.wait_indirect_dma semaphore(%arg11 : memref<!tpu.dma_semaphore, #tpu.memory_space<semaphore_mem>>) src(%dma_wait3A_149 : memref<10000x128xi32, #tpu.memory_space<hbm>>) dst(%dma_wait3A_144 : memref<128x128xi32, #tpu.memory_space<vmem>>)
        %sub3A_150 = arith.constant 1 : i32
        %sub3A_151 = arith.subi %add3A_107, %sub3A_150 : i32
        %mul3A_152 = arith.constant 128 : i32
        %mul3A_153 = arith.muli %sub3A_151, %mul3A_152 : i32
        %dma_start3A = arith.constant 1 : i32
        %dma_start3A_154 = arith.constant 0 : i32
        %dma_start3A_155 = arith.constant 0 : i32
        %dma_start3A_156 = tpu.memref_slice %arg9[%dma_start3A, %dma_start3A_154, %dma_start3A_155] : memref<3x128x128xi32, #tpu.memory_space<vmem>> -> memref<1x128x128xi32, #tpu.memory_space<vmem>>
        %dma_start3A_157 = tpu.memref_squeeze %dma_start3A_156 : memref<1x128x128xi32, #tpu.memory_space<vmem>> -> memref<128x128xi32, #tpu.memory_space<vmem>>
        %dma_start3A_158 = tpu.memref_slice %arg8[%mul3A_153] : memref<3072xi32, #tpu.memory_space<vmem>> -> memref<128xi32, #tpu.memory_space<vmem>>
        %dma_start3A_159 = arith.constant 0 : i32
        %dma_start3A_160 = arith.constant 0 : i32
        %dma_start3A_161 = tpu.memref_slice %arg5[%dma_start3A_159, %dma_start3A_160] : memref<10000x128xi32, #tpu.memory_space<hbm>> -> memref<10000x128xi32, #tpu.memory_space<hbm>>
        tpu.enqueue_indirect_dma source(%dma_start3A_161 : memref<10000x128xi32, #tpu.memory_space<hbm>>) target(%dma_start3A_157 : memref<128x128xi32, #tpu.memory_space<vmem>>) offsets(%dma_start3A_158 : memref<128xi32, #tpu.memory_space<vmem>>) semaphore(%arg14 : memref<!tpu.dma_semaphore, #tpu.memory_space<semaphore_mem>>) {add = true}
      } else {
      }
      %sub3A_130 = arith.constant 2 : i32
      %sub3A_131 = arith.subi %add3A_107, %sub3A_130 : i32
      %ge3A_132 = arith.constant 0 : i32
      %ge3A_133 = arith.cmpi sge, %sub3A_131, %ge3A_132 : i32
      %sub3A_134 = arith.constant 2 : i32
      %sub3A_135 = arith.subi %add3A_107, %sub3A_134 : i32
      %lt3A_136 = arith.cmpi slt, %sub3A_135, %add3A_3 : i32
      %and3A_137 = arith.andi %ge3A_133, %lt3A_136 : i1
      %convert_element_type3A_138 = arith.extui %and3A_137 : i1 to i32
      %cond3A_139 = arith.constant 0 : i32
      %cond3A_140 = arith.cmpi ne, %convert_element_type3A_138, %cond3A_139 : i32
      scf.if %cond3A_140 {
        %dma_wait3A = arith.constant 0 : i32
        %dma_wait3A_141 = arith.constant 0 : i32
        %dma_wait3A_142 = arith.constant 0 : i32
        %dma_wait3A_143 = tpu.memref_slice %arg9[%dma_wait3A, %dma_wait3A_141, %dma_wait3A_142] : memref<3x128x128xi32, #tpu.memory_space<vmem>> -> memref<1x128x128xi32, #tpu.memory_space<vmem>>
        %dma_wait3A_144 = tpu.memref_squeeze %dma_wait3A_143 : memref<1x128x128xi32, #tpu.memory_space<vmem>> -> memref<128x128xi32, #tpu.memory_space<vmem>>
        %dma_wait3A_145 = arith.constant 0 : i32
        %dma_wait3A_146 = tpu.memref_slice %arg8[%dma_wait3A_145] : memref<3072xi32, #tpu.memory_space<vmem>> -> memref<128xi32, #tpu.memory_space<vmem>>
        %dma_wait3A_147 = arith.constant 0 : i32
        %dma_wait3A_148 = arith.constant 0 : i32
        %dma_wait3A_149 = tpu.memref_slice %arg5[%dma_wait3A_147, %dma_wait3A_148] : memref<10000x128xi32, #tpu.memory_space<hbm>> -> memref<10000x128xi32, #tpu.memory_space<hbm>>
        tpu.wait_indirect_dma semaphore(%arg13 : memref<!tpu.dma_semaphore, #tpu.memory_space<semaphore_mem>>) src(%dma_wait3A_149 : memref<10000x128xi32, #tpu.memory_space<hbm>>) dst(%dma_wait3A_144 : memref<128x128xi32, #tpu.memory_space<vmem>>)
        %sub3A_150 = arith.constant 2 : i32
        %sub3A_151 = arith.subi %add3A_107, %sub3A_150 : i32
        %mul3A_152 = arith.constant 128 : i32
        %mul3A_153 = arith.muli %sub3A_151, %mul3A_152 : i32
        %add3A_154 = arith.addi %mul3A_9, %mul3A_153 : i32
        %dma_start3A = arith.constant 0 : i32
        %dma_start3A_155 = arith.constant 0 : i32
        %dma_start3A_156 = arith.constant 0 : i32
        %dma_start3A_157 = tpu.memref_slice %arg9[%dma_start3A, %dma_start3A_155, %dma_start3A_156] : memref<3x128x128xi32, #tpu.memory_space<vmem>> -> memref<1x128x128xi32, #tpu.memory_space<vmem>>
        %dma_start3A_158 = tpu.memref_squeeze %dma_start3A_157 : memref<1x128x128xi32, #tpu.memory_space<vmem>> -> memref<128x128xi32, #tpu.memory_space<vmem>>
        %dma_start3A_159 = arith.constant 0 : i32
        %dma_start3A_160 = tpu.memref_slice %arg6[%add3A_154, %dma_start3A_159] : memref<96000x128xi32, #tpu.memory_space<hbm>> -> memref<128x128xi32, #tpu.memory_space<hbm>>
        %dma_start3A_161 = arith.constant 0 : i32
        %dma_start3A_162 = tpu.memref_slice %arg6[%add3A_154, %dma_start3A_161] : memref<96000x128xi32, #tpu.memory_space<hbm>> -> memref<128x128xi32, #tpu.memory_space<hbm>>
        %dma_start3A_163 = arith.constant 0 : i32
        %dma_start3A_164 = arith.constant 0 : i32
        %dma_start3A_165 = tpu.memref_slice %arg9[%dma_start3A, %dma_start3A_163, %dma_start3A_164] : memref<3x128x128xi32, #tpu.memory_space<vmem>> -> memref<1x128x128xi32, #tpu.memory_space<vmem>>
        %dma_start3A_166 = tpu.memref_squeeze %dma_start3A_165 : memref<1x128x128xi32, #tpu.memory_space<vmem>> -> memref<128x128xi32, #tpu.memory_space<vmem>>
        tpu.enqueue_dma source(%dma_start3A_166 : memref<128x128xi32, #tpu.memory_space<vmem>>) target(%dma_start3A_162 : memref<128x128xi32, #tpu.memory_space<hbm>>) target_semaphore(%arg16 : memref<!tpu.dma_semaphore, #tpu.memory_space<semaphore_mem>>)
      } else {
      }
    }
    %scan3A_18 = arith.constant 9 : i32
    %gt3A = arith.constant 0 : i32
    %gt3A_19 = arith.cmpi sgt, %add3A_3, %gt3A : i32
    %convert_element_type3A_20 = arith.extui %gt3A_19 : i1 to i32
    %cond3A = arith.constant 0 : i32
    %cond3A_21 = arith.cmpi ne, %convert_element_type3A_20, %cond3A : i32
    scf.if %cond3A_21 {
      %dma_wait3A = arith.constant 0 : i32
      %dma_wait3A_32 = arith.constant 0 : i32
      %dma_wait3A_33 = arith.constant 0 : i32
      %dma_wait3A_34 = tpu.memref_slice %arg9[%dma_wait3A, %dma_wait3A_32, %dma_wait3A_33] : memref<3x128x128xi32, #tpu.memory_space<vmem>> -> memref<1x128x128xi32, #tpu.memory_space<vmem>>
      %dma_wait3A_35 = tpu.memref_squeeze %dma_wait3A_34 : memref<1x128x128xi32, #tpu.memory_space<vmem>> -> memref<128x128xi32, #tpu.memory_space<vmem>>
      %dma_wait3A_36 = arith.constant 0 : i32
      %dma_wait3A_37 = arith.constant 0 : i32
      %dma_wait3A_38 = tpu.memref_slice %arg6[%dma_wait3A_36, %dma_wait3A_37] : memref<96000x128xi32, #tpu.memory_space<hbm>> -> memref<128x128xi32, #tpu.memory_space<hbm>>
      %dma_wait3A_39 = arith.constant 0 : i32
      %dma_wait3A_40 = arith.constant 0 : i32
      %dma_wait3A_41 = tpu.memref_slice %arg6[%dma_wait3A_39, %dma_wait3A_40] : memref<96000x128xi32, #tpu.memory_space<hbm>> -> memref<128x128xi32, #tpu.memory_space<hbm>>
      %dma_wait3A_42 = arith.constant 0 : i32
      %dma_wait3A_43 = arith.constant 0 : i32
      %dma_wait3A_44 = tpu.memref_slice %arg9[%dma_wait3A, %dma_wait3A_42, %dma_wait3A_43] : memref<3x128x128xi32, #tpu.memory_space<vmem>> -> memref<1x128x128xi32, #tpu.memory_space<vmem>>
      %dma_wait3A_45 = tpu.memref_squeeze %dma_wait3A_44 : memref<1x128x128xi32, #tpu.memory_space<vmem>> -> memref<128x128xi32, #tpu.memory_space<vmem>>
      tpu.wait_dma2 semaphore(%arg16 : memref<!tpu.dma_semaphore, #tpu.memory_space<semaphore_mem>>) src(%dma_wait3A_45 : memref<128x128xi32, #tpu.memory_space<vmem>>) dst(%dma_wait3A_41 : memref<128x128xi32, #tpu.memory_space<hbm>>)
    } else {
    }
    %gt3A_22 = arith.constant 1 : i32
    %gt3A_23 = arith.cmpi sgt, %add3A_3, %gt3A_22 : i32
    %convert_element_type3A_24 = arith.extui %gt3A_23 : i1 to i32
    %cond3A_25 = arith.constant 0 : i32
    %cond3A_26 = arith.cmpi ne, %convert_element_type3A_24, %cond3A_25 : i32
    scf.if %cond3A_26 {
      %dma_wait3A = arith.constant 1 : i32
      %dma_wait3A_32 = arith.constant 0 : i32
      %dma_wait3A_33 = arith.constant 0 : i32
      %dma_wait3A_34 = tpu.memref_slice %arg9[%dma_wait3A, %dma_wait3A_32, %dma_wait3A_33] : memref<3x128x128xi32, #tpu.memory_space<vmem>> -> memref<1x128x128xi32, #tpu.memory_space<vmem>>
      %dma_wait3A_35 = tpu.memref_squeeze %dma_wait3A_34 : memref<1x128x128xi32, #tpu.memory_space<vmem>> -> memref<128x128xi32, #tpu.memory_space<vmem>>
      %dma_wait3A_36 = arith.constant 0 : i32
      %dma_wait3A_37 = arith.constant 0 : i32
      %dma_wait3A_38 = tpu.memref_slice %arg6[%dma_wait3A_36, %dma_wait3A_37] : memref<96000x128xi32, #tpu.memory_space<hbm>> -> memref<128x128xi32, #tpu.memory_space<hbm>>
      %dma_wait3A_39 = arith.constant 0 : i32
      %dma_wait3A_40 = arith.constant 0 : i32
      %dma_wait3A_41 = tpu.memref_slice %arg6[%dma_wait3A_39, %dma_wait3A_40] : memref<96000x128xi32, #tpu.memory_space<hbm>> -> memref<128x128xi32, #tpu.memory_space<hbm>>
      %dma_wait3A_42 = arith.constant 0 : i32
      %dma_wait3A_43 = arith.constant 0 : i32
      %dma_wait3A_44 = tpu.memref_slice %arg9[%dma_wait3A, %dma_wait3A_42, %dma_wait3A_43] : memref<3x128x128xi32, #tpu.memory_space<vmem>> -> memref<1x128x128xi32, #tpu.memory_space<vmem>>
      %dma_wait3A_45 = tpu.memref_squeeze %dma_wait3A_44 : memref<1x128x128xi32, #tpu.memory_space<vmem>> -> memref<128x128xi32, #tpu.memory_space<vmem>>
      tpu.wait_dma2 semaphore(%arg17 : memref<!tpu.dma_semaphore, #tpu.memory_space<semaphore_mem>>) src(%dma_wait3A_45 : memref<128x128xi32, #tpu.memory_space<vmem>>) dst(%dma_wait3A_41 : memref<128x128xi32, #tpu.memory_space<hbm>>)
    } else {
    }
    %gt3A_27 = arith.constant 2 : i32
    %gt3A_28 = arith.cmpi sgt, %add3A_3, %gt3A_27 : i32
    %convert_element_type3A_29 = arith.extui %gt3A_28 : i1 to i32
    %cond3A_30 = arith.constant 0 : i32
    %cond3A_31 = arith.cmpi ne, %convert_element_type3A_29, %cond3A_30 : i32
    scf.if %cond3A_31 {
      %dma_wait3A = arith.constant 2 : i32
      %dma_wait3A_32 = arith.constant 0 : i32
      %dma_wait3A_33 = arith.constant 0 : i32
      %dma_wait3A_34 = tpu.memref_slice %arg9[%dma_wait3A, %dma_wait3A_32, %dma_wait3A_33] : memref<3x128x128xi32, #tpu.memory_space<vmem>> -> memref<1x128x128xi32, #tpu.memory_space<vmem>>
      %dma_wait3A_35 = tpu.memref_squeeze %dma_wait3A_34 : memref<1x128x128xi32, #tpu.memory_space<vmem>> -> memref<128x128xi32, #tpu.memory_space<vmem>>
      %dma_wait3A_36 = arith.constant 0 : i32
      %dma_wait3A_37 = arith.constant 0 : i32
      %dma_wait3A_38 = tpu.memref_slice %arg6[%dma_wait3A_36, %dma_wait3A_37] : memref<96000x128xi32, #tpu.memory_space<hbm>> -> memref<128x128xi32, #tpu.memory_space<hbm>>
      %dma_wait3A_39 = arith.constant 0 : i32
      %dma_wait3A_40 = arith.constant 0 : i32
      %dma_wait3A_41 = tpu.memref_slice %arg6[%dma_wait3A_39, %dma_wait3A_40] : memref<96000x128xi32, #tpu.memory_space<hbm>> -> memref<128x128xi32, #tpu.memory_space<hbm>>
      %dma_wait3A_42 = arith.constant 0 : i32
      %dma_wait3A_43 = arith.constant 0 : i32
      %dma_wait3A_44 = tpu.memref_slice %arg9[%dma_wait3A, %dma_wait3A_42, %dma_wait3A_43] : memref<3x128x128xi32, #tpu.memory_space<vmem>> -> memref<1x128x128xi32, #tpu.memory_space<vmem>>
      %dma_wait3A_45 = tpu.memref_squeeze %dma_wait3A_44 : memref<1x128x128xi32, #tpu.memory_space<vmem>> -> memref<128x128xi32, #tpu.memory_space<vmem>>
      tpu.wait_dma2 semaphore(%arg18 : memref<!tpu.dma_semaphore, #tpu.memory_space<semaphore_mem>>) src(%dma_wait3A_45 : memref<128x128xi32, #tpu.memory_space<vmem>>) dst(%dma_wait3A_41 : memref<128x128xi32, #tpu.memory_space<hbm>>)
    } else {
    }
    return
  }
}

#map = affine_map<(d0, d1) -> (0)>
#map1 = affine_map<(d0, d1) -> (0, 0)>
module attributes {stable_mosaic.version = 14 : i64} {
  func.func @gather_k(%arg0: i32, %arg1: i32, %arg2: memref<116096xi32, #tpu.memory_space<hbm>>, %arg3: memref<116096xi32, #tpu.memory_space<hbm>>, %arg4: memref<10000x128xi32, #tpu.memory_space<hbm>>, %arg5: memref<10000x128xi32, #tpu.memory_space<hbm>>, %arg6: memref<112000x128xi32, #tpu.memory_space<hbm>>, %arg7: memref<3584xi32, #tpu.memory_space<vmem>>, %arg8: memref<3584xi32, #tpu.memory_space<vmem>>, %arg9: memref<3x128x128xi32, #tpu.memory_space<vmem>>, %arg10: memref<!tpu.dma_semaphore, #tpu.memory_space<semaphore_mem>>, %arg11: memref<!tpu.dma_semaphore, #tpu.memory_space<semaphore_mem>>, %arg12: memref<!tpu.dma_semaphore, #tpu.memory_space<semaphore_mem>>, %arg13: memref<!tpu.dma_semaphore, #tpu.memory_space<semaphore_mem>>, %arg14: memref<!tpu.dma_semaphore, #tpu.memory_space<semaphore_mem>>, %arg15: memref<!tpu.dma_semaphore, #tpu.memory_space<semaphore_mem>>, %arg16: memref<!tpu.dma_semaphore, #tpu.memory_space<semaphore_mem>>, %arg17: memref<!tpu.dma_semaphore, #tpu.memory_space<semaphore_mem>>, %arg18: memref<!tpu.dma_semaphore, #tpu.memory_space<semaphore_mem>>) attributes {dimension_semantics = [#tpu.dimension_semantics<core_parallel>, #tpu.dimension_semantics<subcore_parallel>], iteration_bounds = array<i64: 2, 16>, scalar_prefetch = 0 : i64, scratch_operands = 12 : i64, tpu.core_type = #tpu.core_type<sc_vector_subcore>, window_params = [{transform_indices = #map}, {transform_indices = #map}, {transform_indices = #map1}, {transform_indices = #map1}, {transform_indices = #map1}]} {
    %mul3A = arith.constant 2 : i32
    %mul3A_0 = arith.muli %arg1, %mul3A : i32
    %add3A = arith.addi %mul3A_0, %arg0 : i32
    %lt3A = arith.constant 11 : i32
    %lt3A_1 = arith.cmpi slt, %add3A, %lt3A : i32
    %convert_element_type3A = arith.extui %lt3A_1 : i1 to i32
    %add3A_2 = arith.constant 27 : i32
    %add3A_3 = arith.addi %add3A_2, %convert_element_type3A : i32
    %mul3A_4 = arith.constant 27 : i32
    %mul3A_5 = arith.muli %add3A, %mul3A_4 : i32
    %min3A = arith.constant 11 : i32
    %min3A_6 = arith.minsi %add3A, %min3A : i32
    %add3A_7 = arith.addi %mul3A_5, %min3A_6 : i32
    %mul3A_8 = arith.constant 128 : i32
    %mul3A_9 = arith.muli %add3A_7, %mul3A_8 : i32
    %add3A_10 = arith.constant 0 : i32
    %add3A_11 = arith.addi %add3A_10, %mul3A_9 : i32
    "tpu.region"() ({
      %run_scoped3A = tpu.sem_alloc : memref<!tpu.dma_semaphore, #tpu.memory_space<semaphore_mem>>
      %dma_start3A = tpu.memref_slice %arg2[%add3A_11] : memref<116096xi32, #tpu.memory_space<hbm>> -> memref<3584xi32, #tpu.memory_space<hbm>>
      %dma_start3A_32 = tpu.memref_slice %arg2[%add3A_11] : memref<116096xi32, #tpu.memory_space<hbm>> -> memref<3584xi32, #tpu.memory_space<hbm>>
      tpu.enqueue_dma source(%dma_start3A_32 : memref<3584xi32, #tpu.memory_space<hbm>>) target(%arg7 : memref<3584xi32, #tpu.memory_space<vmem>>) target_semaphore(%run_scoped3A : memref<!tpu.dma_semaphore, #tpu.memory_space<semaphore_mem>>)
      %dma_wait3A = tpu.memref_slice %arg2[%add3A_11] : memref<116096xi32, #tpu.memory_space<hbm>> -> memref<3584xi32, #tpu.memory_space<hbm>>
      %dma_wait3A_33 = tpu.memref_slice %arg2[%add3A_11] : memref<116096xi32, #tpu.memory_space<hbm>> -> memref<3584xi32, #tpu.memory_space<hbm>>
      tpu.wait_dma2 semaphore(%run_scoped3A : memref<!tpu.dma_semaphore, #tpu.memory_space<semaphore_mem>>) src(%dma_wait3A_33 : memref<3584xi32, #tpu.memory_space<hbm>>) dst(%arg7 : memref<3584xi32, #tpu.memory_space<vmem>>)
      tpu.yield
    }) : () -> ()
    %add3A_12 = arith.constant 0 : i32
    %add3A_13 = arith.addi %add3A_12, %mul3A_9 : i32
    "tpu.region"() ({
      %run_scoped3A = tpu.sem_alloc : memref<!tpu.dma_semaphore, #tpu.memory_space<semaphore_mem>>
      %dma_start3A = tpu.memref_slice %arg3[%add3A_13] : memref<116096xi32, #tpu.memory_space<hbm>> -> memref<3584xi32, #tpu.memory_space<hbm>>
      %dma_start3A_32 = tpu.memref_slice %arg3[%add3A_13] : memref<116096xi32, #tpu.memory_space<hbm>> -> memref<3584xi32, #tpu.memory_space<hbm>>
      tpu.enqueue_dma source(%dma_start3A_32 : memref<3584xi32, #tpu.memory_space<hbm>>) target(%arg8 : memref<3584xi32, #tpu.memory_space<vmem>>) target_semaphore(%run_scoped3A : memref<!tpu.dma_semaphore, #tpu.memory_space<semaphore_mem>>)
      %dma_wait3A = tpu.memref_slice %arg3[%add3A_13] : memref<116096xi32, #tpu.memory_space<hbm>> -> memref<3584xi32, #tpu.memory_space<hbm>>
      %dma_wait3A_33 = tpu.memref_slice %arg3[%add3A_13] : memref<116096xi32, #tpu.memory_space<hbm>> -> memref<3584xi32, #tpu.memory_space<hbm>>
      tpu.wait_dma2 semaphore(%run_scoped3A : memref<!tpu.dma_semaphore, #tpu.memory_space<semaphore_mem>>) src(%dma_wait3A_33 : memref<3584xi32, #tpu.memory_space<hbm>>) dst(%arg8 : memref<3584xi32, #tpu.memory_space<vmem>>)
      tpu.yield
    }) : () -> ()
    %scan3A = arith.constant 0 : i32
    %scan3A_14 = arith.constant 0 : i32
    %scan3A_15 = arith.constant 10 : i32
    %scan3A_16 = arith.addi %scan3A_14, %scan3A_15 : i32
    %scan3A_17 = arith.constant 1 : i32
    scf.for %scan3A_32 = %scan3A_14 to %scan3A_16 step %scan3A_17  : i32 {
      %mul3A_33 = arith.constant 3 : i32
      %mul3A_34 = arith.muli %mul3A_33, %scan3A_32 : i32
      %add3A_35 = arith.constant 0 : i32
      %add3A_36 = arith.addi %mul3A_34, %add3A_35 : i32
      %ge3A = arith.constant 3 : i32
      %ge3A_37 = arith.cmpi sge, %add3A_36, %ge3A : i32
      %lt3A_38 = arith.cmpi slt, %add3A_36, %add3A_3 : i32
      %and3A = arith.andi %ge3A_37, %lt3A_38 : i1
      %convert_element_type3A_39 = arith.extui %and3A : i1 to i32
      %cond3A_40 = arith.constant 0 : i32
      %cond3A_41 = arith.cmpi ne, %convert_element_type3A_39, %cond3A_40 : i32
      scf.if %cond3A_41 {
        %dma_wait3A = arith.constant 0 : i32
        %dma_wait3A_141 = arith.constant 0 : i32
        %dma_wait3A_142 = arith.constant 0 : i32
        %dma_wait3A_143 = tpu.memref_slice %arg9[%dma_wait3A, %dma_wait3A_141, %dma_wait3A_142] : memref<3x128x128xi32, #tpu.memory_space<vmem>> -> memref<1x128x128xi32, #tpu.memory_space<vmem>>
        %dma_wait3A_144 = tpu.memref_squeeze %dma_wait3A_143 : memref<1x128x128xi32, #tpu.memory_space<vmem>> -> memref<128x128xi32, #tpu.memory_space<vmem>>
        %dma_wait3A_145 = arith.constant 0 : i32
        %dma_wait3A_146 = arith.constant 0 : i32
        %dma_wait3A_147 = tpu.memref_slice %arg6[%dma_wait3A_145, %dma_wait3A_146] : memref<112000x128xi32, #tpu.memory_space<hbm>> -> memref<128x128xi32, #tpu.memory_space<hbm>>
        %dma_wait3A_148 = arith.constant 0 : i32
        %dma_wait3A_149 = arith.constant 0 : i32
        %dma_wait3A_150 = tpu.memref_slice %arg6[%dma_wait3A_148, %dma_wait3A_149] : memref<112000x128xi32, #tpu.memory_space<hbm>> -> memref<128x128xi32, #tpu.memory_space<hbm>>
        %dma_wait3A_151 = arith.constant 0 : i32
        %dma_wait3A_152 = arith.constant 0 : i32
        %dma_wait3A_153 = tpu.memref_slice %arg9[%dma_wait3A, %dma_wait3A_151, %dma_wait3A_152] : memref<3x128x128xi32, #tpu.memory_space<vmem>> -> memref<1x128x128xi32, #tpu.memory_space<vmem>>
        %dma_wait3A_154 = tpu.memref_squeeze %dma_wait3A_153 : memref<1x128x128xi32, #tpu.memory_space<vmem>> -> memref<128x128xi32, #tpu.memory_space<vmem>>
        tpu.wait_dma2 semaphore(%arg16 : memref<!tpu.dma_semaphore, #tpu.memory_space<semaphore_mem>>) src(%dma_wait3A_154 : memref<128x128xi32, #tpu.memory_space<vmem>>) dst(%dma_wait3A_150 : memref<128x128xi32, #tpu.memory_space<hbm>>)
      } else {
      }
      %lt3A_42 = arith.cmpi slt, %add3A_36, %add3A_3 : i32
      %convert_element_type3A_43 = arith.extui %lt3A_42 : i1 to i32
      %cond3A_44 = arith.constant 0 : i32
      %cond3A_45 = arith.cmpi ne, %convert_element_type3A_43, %cond3A_44 : i32
      scf.if %cond3A_45 {
        %mul3A_141 = arith.constant 128 : i32
        %mul3A_142 = arith.muli %add3A_36, %mul3A_141 : i32
        %dma_start3A = arith.constant 0 : i32
        %dma_start3A_143 = arith.constant 0 : i32
        %dma_start3A_144 = arith.constant 0 : i32
        %dma_start3A_145 = tpu.memref_slice %arg9[%dma_start3A, %dma_start3A_143, %dma_start3A_144] : memref<3x128x128xi32, #tpu.memory_space<vmem>> -> memref<1x128x128xi32, #tpu.memory_space<vmem>>
        %dma_start3A_146 = tpu.memref_squeeze %dma_start3A_145 : memref<1x128x128xi32, #tpu.memory_space<vmem>> -> memref<128x128xi32, #tpu.memory_space<vmem>>
        %dma_start3A_147 = tpu.memref_slice %arg7[%mul3A_142] : memref<3584xi32, #tpu.memory_space<vmem>> -> memref<128xi32, #tpu.memory_space<vmem>>
        %dma_start3A_148 = arith.constant 0 : i32
        %dma_start3A_149 = arith.constant 0 : i32
        %dma_start3A_150 = tpu.memref_slice %arg4[%dma_start3A_148, %dma_start3A_149] : memref<10000x128xi32, #tpu.memory_space<hbm>> -> memref<10000x128xi32, #tpu.memory_space<hbm>>
        tpu.enqueue_indirect_dma source(%dma_start3A_150 : memref<10000x128xi32, #tpu.memory_space<hbm>>) target(%dma_start3A_146 : memref<128x128xi32, #tpu.memory_space<vmem>>) offsets(%dma_start3A_147 : memref<128xi32, #tpu.memory_space<vmem>>) semaphore(%arg10 : memref<!tpu.dma_semaphore, #tpu.memory_space<semaphore_mem>>)
      } else {
      }
      %sub3A = arith.constant 1 : i32
      %sub3A_46 = arith.subi %add3A_36, %sub3A : i32
      %ge3A_47 = arith.constant 0 : i32
      %ge3A_48 = arith.cmpi sge, %sub3A_46, %ge3A_47 : i32
      %sub3A_49 = arith.constant 1 : i32
      %sub3A_50 = arith.subi %add3A_36, %sub3A_49 : i32
      %lt3A_51 = arith.cmpi slt, %sub3A_50, %add3A_3 : i32
      %and3A_52 = arith.andi %ge3A_48, %lt3A_51 : i1
      %convert_element_type3A_53 = arith.extui %and3A_52 : i1 to i32
      %cond3A_54 = arith.constant 0 : i32
      %cond3A_55 = arith.cmpi ne, %convert_element_type3A_53, %cond3A_54 : i32
      scf.if %cond3A_55 {
        %dma_wait3A = arith.constant 2 : i32
        %dma_wait3A_141 = arith.constant 0 : i32
        %dma_wait3A_142 = arith.constant 0 : i32
        %dma_wait3A_143 = tpu.memref_slice %arg9[%dma_wait3A, %dma_wait3A_141, %dma_wait3A_142] : memref<3x128x128xi32, #tpu.memory_space<vmem>> -> memref<1x128x128xi32, #tpu.memory_space<vmem>>
        %dma_wait3A_144 = tpu.memref_squeeze %dma_wait3A_143 : memref<1x128x128xi32, #tpu.memory_space<vmem>> -> memref<128x128xi32, #tpu.memory_space<vmem>>
        %dma_wait3A_145 = arith.constant 0 : i32
        %dma_wait3A_146 = tpu.memref_slice %arg7[%dma_wait3A_145] : memref<3584xi32, #tpu.memory_space<vmem>> -> memref<128xi32, #tpu.memory_space<vmem>>
        %dma_wait3A_147 = arith.constant 0 : i32
        %dma_wait3A_148 = arith.constant 0 : i32
        %dma_wait3A_149 = tpu.memref_slice %arg4[%dma_wait3A_147, %dma_wait3A_148] : memref<10000x128xi32, #tpu.memory_space<hbm>> -> memref<10000x128xi32, #tpu.memory_space<hbm>>
        tpu.wait_indirect_dma semaphore(%arg12 : memref<!tpu.dma_semaphore, #tpu.memory_space<semaphore_mem>>) src(%dma_wait3A_149 : memref<10000x128xi32, #tpu.memory_space<hbm>>) dst(%dma_wait3A_144 : memref<128x128xi32, #tpu.memory_space<vmem>>)
        %sub3A_150 = arith.constant 1 : i32
        %sub3A_151 = arith.subi %add3A_36, %sub3A_150 : i32
        %mul3A_152 = arith.constant 128 : i32
        %mul3A_153 = arith.muli %sub3A_151, %mul3A_152 : i32
        %dma_start3A = arith.constant 2 : i32
        %dma_start3A_154 = arith.constant 0 : i32
        %dma_start3A_155 = arith.constant 0 : i32
        %dma_start3A_156 = tpu.memref_slice %arg9[%dma_start3A, %dma_start3A_154, %dma_start3A_155] : memref<3x128x128xi32, #tpu.memory_space<vmem>> -> memref<1x128x128xi32, #tpu.memory_space<vmem>>
        %dma_start3A_157 = tpu.memref_squeeze %dma_start3A_156 : memref<1x128x128xi32, #tpu.memory_space<vmem>> -> memref<128x128xi32, #tpu.memory_space<vmem>>
        %dma_start3A_158 = tpu.memref_slice %arg8[%mul3A_153] : memref<3584xi32, #tpu.memory_space<vmem>> -> memref<128xi32, #tpu.memory_space<vmem>>
        %dma_start3A_159 = arith.constant 0 : i32
        %dma_start3A_160 = arith.constant 0 : i32
        %dma_start3A_161 = tpu.memref_slice %arg5[%dma_start3A_159, %dma_start3A_160] : memref<10000x128xi32, #tpu.memory_space<hbm>> -> memref<10000x128xi32, #tpu.memory_space<hbm>>
        tpu.enqueue_indirect_dma source(%dma_start3A_161 : memref<10000x128xi32, #tpu.memory_space<hbm>>) target(%dma_start3A_157 : memref<128x128xi32, #tpu.memory_space<vmem>>) offsets(%dma_start3A_158 : memref<128xi32, #tpu.memory_space<vmem>>) semaphore(%arg15 : memref<!tpu.dma_semaphore, #tpu.memory_space<semaphore_mem>>) {add = true}
      } else {
      }
      %sub3A_56 = arith.constant 2 : i32
      %sub3A_57 = arith.subi %add3A_36, %sub3A_56 : i32
      %ge3A_58 = arith.constant 0 : i32
      %ge3A_59 = arith.cmpi sge, %sub3A_57, %ge3A_58 : i32
      %sub3A_60 = arith.constant 2 : i32
      %sub3A_61 = arith.subi %add3A_36, %sub3A_60 : i32
      %lt3A_62 = arith.cmpi slt, %sub3A_61, %add3A_3 : i32
      %and3A_63 = arith.andi %ge3A_59, %lt3A_62 : i1
      %convert_element_type3A_64 = arith.extui %and3A_63 : i1 to i32
      %cond3A_65 = arith.constant 0 : i32
      %cond3A_66 = arith.cmpi ne, %convert_element_type3A_64, %cond3A_65 : i32
      scf.if %cond3A_66 {
        %dma_wait3A = arith.constant 1 : i32
        %dma_wait3A_141 = arith.constant 0 : i32
        %dma_wait3A_142 = arith.constant 0 : i32
        %dma_wait3A_143 = tpu.memref_slice %arg9[%dma_wait3A, %dma_wait3A_141, %dma_wait3A_142] : memref<3x128x128xi32, #tpu.memory_space<vmem>> -> memref<1x128x128xi32, #tpu.memory_space<vmem>>
        %dma_wait3A_144 = tpu.memref_squeeze %dma_wait3A_143 : memref<1x128x128xi32, #tpu.memory_space<vmem>> -> memref<128x128xi32, #tpu.memory_space<vmem>>
        %dma_wait3A_145 = arith.constant 0 : i32
        %dma_wait3A_146 = tpu.memref_slice %arg8[%dma_wait3A_145] : memref<3584xi32, #tpu.memory_space<vmem>> -> memref<128xi32, #tpu.memory_space<vmem>>
        %dma_wait3A_147 = arith.constant 0 : i32
        %dma_wait3A_148 = arith.constant 0 : i32
        %dma_wait3A_149 = tpu.memref_slice %arg5[%dma_wait3A_147, %dma_wait3A_148] : memref<10000x128xi32, #tpu.memory_space<hbm>> -> memref<10000x128xi32, #tpu.memory_space<hbm>>
        tpu.wait_indirect_dma semaphore(%arg14 : memref<!tpu.dma_semaphore, #tpu.memory_space<semaphore_mem>>) src(%dma_wait3A_149 : memref<10000x128xi32, #tpu.memory_space<hbm>>) dst(%dma_wait3A_144 : memref<128x128xi32, #tpu.memory_space<vmem>>)
        %sub3A_150 = arith.constant 2 : i32
        %sub3A_151 = arith.subi %add3A_36, %sub3A_150 : i32
        %mul3A_152 = arith.constant 128 : i32
        %mul3A_153 = arith.muli %sub3A_151, %mul3A_152 : i32
        %add3A_154 = arith.addi %mul3A_9, %mul3A_153 : i32
        %dma_start3A = arith.constant 1 : i32
        %dma_start3A_155 = arith.constant 0 : i32
        %dma_start3A_156 = arith.constant 0 : i32
        %dma_start3A_157 = tpu.memref_slice %arg9[%dma_start3A, %dma_start3A_155, %dma_start3A_156] : memref<3x128x128xi32, #tpu.memory_space<vmem>> -> memref<1x128x128xi32, #tpu.memory_space<vmem>>
        %dma_start3A_158 = tpu.memref_squeeze %dma_start3A_157 : memref<1x128x128xi32, #tpu.memory_space<vmem>> -> memref<128x128xi32, #tpu.memory_space<vmem>>
        %dma_start3A_159 = arith.constant 0 : i32
        %dma_start3A_160 = tpu.memref_slice %arg6[%add3A_154, %dma_start3A_159] : memref<112000x128xi32, #tpu.memory_space<hbm>> -> memref<128x128xi32, #tpu.memory_space<hbm>>
        %dma_start3A_161 = arith.constant 0 : i32
        %dma_start3A_162 = tpu.memref_slice %arg6[%add3A_154, %dma_start3A_161] : memref<112000x128xi32, #tpu.memory_space<hbm>> -> memref<128x128xi32, #tpu.memory_space<hbm>>
        %dma_start3A_163 = arith.constant 0 : i32
        %dma_start3A_164 = arith.constant 0 : i32
        %dma_start3A_165 = tpu.memref_slice %arg9[%dma_start3A, %dma_start3A_163, %dma_start3A_164] : memref<3x128x128xi32, #tpu.memory_space<vmem>> -> memref<1x128x128xi32, #tpu.memory_space<vmem>>
        %dma_start3A_166 = tpu.memref_squeeze %dma_start3A_165 : memref<1x128x128xi32, #tpu.memory_space<vmem>> -> memref<128x128xi32, #tpu.memory_space<vmem>>
        tpu.enqueue_dma source(%dma_start3A_166 : memref<128x128xi32, #tpu.memory_space<vmem>>) target(%dma_start3A_162 : memref<128x128xi32, #tpu.memory_space<hbm>>) target_semaphore(%arg17 : memref<!tpu.dma_semaphore, #tpu.memory_space<semaphore_mem>>)
      } else {
      }
      %mul3A_67 = arith.constant 3 : i32
      %mul3A_68 = arith.muli %mul3A_67, %scan3A_32 : i32
      %add3A_69 = arith.constant 1 : i32
      %add3A_70 = arith.addi %mul3A_68, %add3A_69 : i32
      %ge3A_71 = arith.constant 3 : i32
      %ge3A_72 = arith.cmpi sge, %add3A_70, %ge3A_71 : i32
      %lt3A_73 = arith.cmpi slt, %add3A_70, %add3A_3 : i32
      %and3A_74 = arith.andi %ge3A_72, %lt3A_73 : i1
      %convert_element_type3A_75 = arith.extui %and3A_74 : i1 to i32
      %cond3A_76 = arith.constant 0 : i32
      %cond3A_77 = arith.cmpi ne, %convert_element_type3A_75, %cond3A_76 : i32
      scf.if %cond3A_77 {
        %dma_wait3A = arith.constant 1 : i32
        %dma_wait3A_141 = arith.constant 0 : i32
        %dma_wait3A_142 = arith.constant 0 : i32
        %dma_wait3A_143 = tpu.memref_slice %arg9[%dma_wait3A, %dma_wait3A_141, %dma_wait3A_142] : memref<3x128x128xi32, #tpu.memory_space<vmem>> -> memref<1x128x128xi32, #tpu.memory_space<vmem>>
        %dma_wait3A_144 = tpu.memref_squeeze %dma_wait3A_143 : memref<1x128x128xi32, #tpu.memory_space<vmem>> -> memref<128x128xi32, #tpu.memory_space<vmem>>
        %dma_wait3A_145 = arith.constant 0 : i32
        %dma_wait3A_146 = arith.constant 0 : i32
        %dma_wait3A_147 = tpu.memref_slice %arg6[%dma_wait3A_145, %dma_wait3A_146] : memref<112000x128xi32, #tpu.memory_space<hbm>> -> memref<128x128xi32, #tpu.memory_space<hbm>>
        %dma_wait3A_148 = arith.constant 0 : i32
        %dma_wait3A_149 = arith.constant 0 : i32
        %dma_wait3A_150 = tpu.memref_slice %arg6[%dma_wait3A_148, %dma_wait3A_149] : memref<112000x128xi32, #tpu.memory_space<hbm>> -> memref<128x128xi32, #tpu.memory_space<hbm>>
        %dma_wait3A_151 = arith.constant 0 : i32
        %dma_wait3A_152 = arith.constant 0 : i32
        %dma_wait3A_153 = tpu.memref_slice %arg9[%dma_wait3A, %dma_wait3A_151, %dma_wait3A_152] : memref<3x128x128xi32, #tpu.memory_space<vmem>> -> memref<1x128x128xi32, #tpu.memory_space<vmem>>
        %dma_wait3A_154 = tpu.memref_squeeze %dma_wait3A_153 : memref<1x128x128xi32, #tpu.memory_space<vmem>> -> memref<128x128xi32, #tpu.memory_space<vmem>>
        tpu.wait_dma2 semaphore(%arg17 : memref<!tpu.dma_semaphore, #tpu.memory_space<semaphore_mem>>) src(%dma_wait3A_154 : memref<128x128xi32, #tpu.memory_space<vmem>>) dst(%dma_wait3A_150 : memref<128x128xi32, #tpu.memory_space<hbm>>)
      } else {
      }
      %lt3A_78 = arith.cmpi slt, %add3A_70, %add3A_3 : i32
      %convert_element_type3A_79 = arith.extui %lt3A_78 : i1 to i32
      %cond3A_80 = arith.constant 0 : i32
      %cond3A_81 = arith.cmpi ne, %convert_element_type3A_79, %cond3A_80 : i32
      scf.if %cond3A_81 {
        %mul3A_141 = arith.constant 128 : i32
        %mul3A_142 = arith.muli %add3A_70, %mul3A_141 : i32
        %dma_start3A = arith.constant 1 : i32
        %dma_start3A_143 = arith.constant 0 : i32
        %dma_start3A_144 = arith.constant 0 : i32
        %dma_start3A_145 = tpu.memref_slice %arg9[%dma_start3A, %dma_start3A_143, %dma_start3A_144] : memref<3x128x128xi32, #tpu.memory_space<vmem>> -> memref<1x128x128xi32, #tpu.memory_space<vmem>>
        %dma_start3A_146 = tpu.memref_squeeze %dma_start3A_145 : memref<1x128x128xi32, #tpu.memory_space<vmem>> -> memref<128x128xi32, #tpu.memory_space<vmem>>
        %dma_start3A_147 = tpu.memref_slice %arg7[%mul3A_142] : memref<3584xi32, #tpu.memory_space<vmem>> -> memref<128xi32, #tpu.memory_space<vmem>>
        %dma_start3A_148 = arith.constant 0 : i32
        %dma_start3A_149 = arith.constant 0 : i32
        %dma_start3A_150 = tpu.memref_slice %arg4[%dma_start3A_148, %dma_start3A_149] : memref<10000x128xi32, #tpu.memory_space<hbm>> -> memref<10000x128xi32, #tpu.memory_space<hbm>>
        tpu.enqueue_indirect_dma source(%dma_start3A_150 : memref<10000x128xi32, #tpu.memory_space<hbm>>) target(%dma_start3A_146 : memref<128x128xi32, #tpu.memory_space<vmem>>) offsets(%dma_start3A_147 : memref<128xi32, #tpu.memory_space<vmem>>) semaphore(%arg11 : memref<!tpu.dma_semaphore, #tpu.memory_space<semaphore_mem>>)
      } else {
      }
      %sub3A_82 = arith.constant 1 : i32
      %sub3A_83 = arith.subi %add3A_70, %sub3A_82 : i32
      %ge3A_84 = arith.constant 0 : i32
      %ge3A_85 = arith.cmpi sge, %sub3A_83, %ge3A_84 : i32
      %sub3A_86 = arith.constant 1 : i32
      %sub3A_87 = arith.subi %add3A_70, %sub3A_86 : i32
      %lt3A_88 = arith.cmpi slt, %sub3A_87, %add3A_3 : i32
      %and3A_89 = arith.andi %ge3A_85, %lt3A_88 : i1
      %convert_element_type3A_90 = arith.extui %and3A_89 : i1 to i32
      %cond3A_91 = arith.constant 0 : i32
      %cond3A_92 = arith.cmpi ne, %convert_element_type3A_90, %cond3A_91 : i32
      scf.if %cond3A_92 {
        %dma_wait3A = arith.constant 0 : i32
        %dma_wait3A_141 = arith.constant 0 : i32
        %dma_wait3A_142 = arith.constant 0 : i32
        %dma_wait3A_143 = tpu.memref_slice %arg9[%dma_wait3A, %dma_wait3A_141, %dma_wait3A_142] : memref<3x128x128xi32, #tpu.memory_space<vmem>> -> memref<1x128x128xi32, #tpu.memory_space<vmem>>
        %dma_wait3A_144 = tpu.memref_squeeze %dma_wait3A_143 : memref<1x128x128xi32, #tpu.memory_space<vmem>> -> memref<128x128xi32, #tpu.memory_space<vmem>>
        %dma_wait3A_145 = arith.constant 0 : i32
        %dma_wait3A_146 = tpu.memref_slice %arg7[%dma_wait3A_145] : memref<3584xi32, #tpu.memory_space<vmem>> -> memref<128xi32, #tpu.memory_space<vmem>>
        %dma_wait3A_147 = arith.constant 0 : i32
        %dma_wait3A_148 = arith.constant 0 : i32
        %dma_wait3A_149 = tpu.memref_slice %arg4[%dma_wait3A_147, %dma_wait3A_148] : memref<10000x128xi32, #tpu.memory_space<hbm>> -> memref<10000x128xi32, #tpu.memory_space<hbm>>
        tpu.wait_indirect_dma semaphore(%arg10 : memref<!tpu.dma_semaphore, #tpu.memory_space<semaphore_mem>>) src(%dma_wait3A_149 : memref<10000x128xi32, #tpu.memory_space<hbm>>) dst(%dma_wait3A_144 : memref<128x128xi32, #tpu.memory_space<vmem>>)
        %sub3A_150 = arith.constant 1 : i32
        %sub3A_151 = arith.subi %add3A_70, %sub3A_150 : i32
        %mul3A_152 = arith.constant 128 : i32
        %mul3A_153 = arith.muli %sub3A_151, %mul3A_152 : i32
        %dma_start3A = arith.constant 0 : i32
        %dma_start3A_154 = arith.constant 0 : i32
        %dma_start3A_155 = arith.constant 0 : i32
        %dma_start3A_156 = tpu.memref_slice %arg9[%dma_start3A, %dma_start3A_154, %dma_start3A_155] : memref<3x128x128xi32, #tpu.memory_space<vmem>> -> memref<1x128x128xi32, #tpu.memory_space<vmem>>
        %dma_start3A_157 = tpu.memref_squeeze %dma_start3A_156 : memref<1x128x128xi32, #tpu.memory_space<vmem>> -> memref<128x128xi32, #tpu.memory_space<vmem>>
        %dma_start3A_158 = tpu.memref_slice %arg8[%mul3A_153] : memref<3584xi32, #tpu.memory_space<vmem>> -> memref<128xi32, #tpu.memory_space<vmem>>
        %dma_start3A_159 = arith.constant 0 : i32
        %dma_start3A_160 = arith.constant 0 : i32
        %dma_start3A_161 = tpu.memref_slice %arg5[%dma_start3A_159, %dma_start3A_160] : memref<10000x128xi32, #tpu.memory_space<hbm>> -> memref<10000x128xi32, #tpu.memory_space<hbm>>
        tpu.enqueue_indirect_dma source(%dma_start3A_161 : memref<10000x128xi32, #tpu.memory_space<hbm>>) target(%dma_start3A_157 : memref<128x128xi32, #tpu.memory_space<vmem>>) offsets(%dma_start3A_158 : memref<128xi32, #tpu.memory_space<vmem>>) semaphore(%arg13 : memref<!tpu.dma_semaphore, #tpu.memory_space<semaphore_mem>>) {add = true}
      } else {
      }
      %sub3A_93 = arith.constant 2 : i32
      %sub3A_94 = arith.subi %add3A_70, %sub3A_93 : i32
      %ge3A_95 = arith.constant 0 : i32
      %ge3A_96 = arith.cmpi sge, %sub3A_94, %ge3A_95 : i32
      %sub3A_97 = arith.constant 2 : i32
      %sub3A_98 = arith.subi %add3A_70, %sub3A_97 : i32
      %lt3A_99 = arith.cmpi slt, %sub3A_98, %add3A_3 : i32
      %and3A_100 = arith.andi %ge3A_96, %lt3A_99 : i1
      %convert_element_type3A_101 = arith.extui %and3A_100 : i1 to i32
      %cond3A_102 = arith.constant 0 : i32
      %cond3A_103 = arith.cmpi ne, %convert_element_type3A_101, %cond3A_102 : i32
      scf.if %cond3A_103 {
        %dma_wait3A = arith.constant 2 : i32
        %dma_wait3A_141 = arith.constant 0 : i32
        %dma_wait3A_142 = arith.constant 0 : i32
        %dma_wait3A_143 = tpu.memref_slice %arg9[%dma_wait3A, %dma_wait3A_141, %dma_wait3A_142] : memref<3x128x128xi32, #tpu.memory_space<vmem>> -> memref<1x128x128xi32, #tpu.memory_space<vmem>>
        %dma_wait3A_144 = tpu.memref_squeeze %dma_wait3A_143 : memref<1x128x128xi32, #tpu.memory_space<vmem>> -> memref<128x128xi32, #tpu.memory_space<vmem>>
        %dma_wait3A_145 = arith.constant 0 : i32
        %dma_wait3A_146 = tpu.memref_slice %arg8[%dma_wait3A_145] : memref<3584xi32, #tpu.memory_space<vmem>> -> memref<128xi32, #tpu.memory_space<vmem>>
        %dma_wait3A_147 = arith.constant 0 : i32
        %dma_wait3A_148 = arith.constant 0 : i32
        %dma_wait3A_149 = tpu.memref_slice %arg5[%dma_wait3A_147, %dma_wait3A_148] : memref<10000x128xi32, #tpu.memory_space<hbm>> -> memref<10000x128xi32, #tpu.memory_space<hbm>>
        tpu.wait_indirect_dma semaphore(%arg15 : memref<!tpu.dma_semaphore, #tpu.memory_space<semaphore_mem>>) src(%dma_wait3A_149 : memref<10000x128xi32, #tpu.memory_space<hbm>>) dst(%dma_wait3A_144 : memref<128x128xi32, #tpu.memory_space<vmem>>)
        %sub3A_150 = arith.constant 2 : i32
        %sub3A_151 = arith.subi %add3A_70, %sub3A_150 : i32
        %mul3A_152 = arith.constant 128 : i32
        %mul3A_153 = arith.muli %sub3A_151, %mul3A_152 : i32
        %add3A_154 = arith.addi %mul3A_9, %mul3A_153 : i32
        %dma_start3A = arith.constant 2 : i32
        %dma_start3A_155 = arith.constant 0 : i32
        %dma_start3A_156 = arith.constant 0 : i32
        %dma_start3A_157 = tpu.memref_slice %arg9[%dma_start3A, %dma_start3A_155, %dma_start3A_156] : memref<3x128x128xi32, #tpu.memory_space<vmem>> -> memref<1x128x128xi32, #tpu.memory_space<vmem>>
        %dma_start3A_158 = tpu.memref_squeeze %dma_start3A_157 : memref<1x128x128xi32, #tpu.memory_space<vmem>> -> memref<128x128xi32, #tpu.memory_space<vmem>>
        %dma_start3A_159 = arith.constant 0 : i32
        %dma_start3A_160 = tpu.memref_slice %arg6[%add3A_154, %dma_start3A_159] : memref<112000x128xi32, #tpu.memory_space<hbm>> -> memref<128x128xi32, #tpu.memory_space<hbm>>
        %dma_start3A_161 = arith.constant 0 : i32
        %dma_start3A_162 = tpu.memref_slice %arg6[%add3A_154, %dma_start3A_161] : memref<112000x128xi32, #tpu.memory_space<hbm>> -> memref<128x128xi32, #tpu.memory_space<hbm>>
        %dma_start3A_163 = arith.constant 0 : i32
        %dma_start3A_164 = arith.constant 0 : i32
        %dma_start3A_165 = tpu.memref_slice %arg9[%dma_start3A, %dma_start3A_163, %dma_start3A_164] : memref<3x128x128xi32, #tpu.memory_space<vmem>> -> memref<1x128x128xi32, #tpu.memory_space<vmem>>
        %dma_start3A_166 = tpu.memref_squeeze %dma_start3A_165 : memref<1x128x128xi32, #tpu.memory_space<vmem>> -> memref<128x128xi32, #tpu.memory_space<vmem>>
        tpu.enqueue_dma source(%dma_start3A_166 : memref<128x128xi32, #tpu.memory_space<vmem>>) target(%dma_start3A_162 : memref<128x128xi32, #tpu.memory_space<hbm>>) target_semaphore(%arg18 : memref<!tpu.dma_semaphore, #tpu.memory_space<semaphore_mem>>)
      } else {
      }
      %mul3A_104 = arith.constant 3 : i32
      %mul3A_105 = arith.muli %mul3A_104, %scan3A_32 : i32
      %add3A_106 = arith.constant 2 : i32
      %add3A_107 = arith.addi %mul3A_105, %add3A_106 : i32
      %ge3A_108 = arith.constant 3 : i32
      %ge3A_109 = arith.cmpi sge, %add3A_107, %ge3A_108 : i32
      %lt3A_110 = arith.cmpi slt, %add3A_107, %add3A_3 : i32
      %and3A_111 = arith.andi %ge3A_109, %lt3A_110 : i1
      %convert_element_type3A_112 = arith.extui %and3A_111 : i1 to i32
      %cond3A_113 = arith.constant 0 : i32
      %cond3A_114 = arith.cmpi ne, %convert_element_type3A_112, %cond3A_113 : i32
      scf.if %cond3A_114 {
        %dma_wait3A = arith.constant 2 : i32
        %dma_wait3A_141 = arith.constant 0 : i32
        %dma_wait3A_142 = arith.constant 0 : i32
        %dma_wait3A_143 = tpu.memref_slice %arg9[%dma_wait3A, %dma_wait3A_141, %dma_wait3A_142] : memref<3x128x128xi32, #tpu.memory_space<vmem>> -> memref<1x128x128xi32, #tpu.memory_space<vmem>>
        %dma_wait3A_144 = tpu.memref_squeeze %dma_wait3A_143 : memref<1x128x128xi32, #tpu.memory_space<vmem>> -> memref<128x128xi32, #tpu.memory_space<vmem>>
        %dma_wait3A_145 = arith.constant 0 : i32
        %dma_wait3A_146 = arith.constant 0 : i32
        %dma_wait3A_147 = tpu.memref_slice %arg6[%dma_wait3A_145, %dma_wait3A_146] : memref<112000x128xi32, #tpu.memory_space<hbm>> -> memref<128x128xi32, #tpu.memory_space<hbm>>
        %dma_wait3A_148 = arith.constant 0 : i32
        %dma_wait3A_149 = arith.constant 0 : i32
        %dma_wait3A_150 = tpu.memref_slice %arg6[%dma_wait3A_148, %dma_wait3A_149] : memref<112000x128xi32, #tpu.memory_space<hbm>> -> memref<128x128xi32, #tpu.memory_space<hbm>>
        %dma_wait3A_151 = arith.constant 0 : i32
        %dma_wait3A_152 = arith.constant 0 : i32
        %dma_wait3A_153 = tpu.memref_slice %arg9[%dma_wait3A, %dma_wait3A_151, %dma_wait3A_152] : memref<3x128x128xi32, #tpu.memory_space<vmem>> -> memref<1x128x128xi32, #tpu.memory_space<vmem>>
        %dma_wait3A_154 = tpu.memref_squeeze %dma_wait3A_153 : memref<1x128x128xi32, #tpu.memory_space<vmem>> -> memref<128x128xi32, #tpu.memory_space<vmem>>
        tpu.wait_dma2 semaphore(%arg18 : memref<!tpu.dma_semaphore, #tpu.memory_space<semaphore_mem>>) src(%dma_wait3A_154 : memref<128x128xi32, #tpu.memory_space<vmem>>) dst(%dma_wait3A_150 : memref<128x128xi32, #tpu.memory_space<hbm>>)
      } else {
      }
      %lt3A_115 = arith.cmpi slt, %add3A_107, %add3A_3 : i32
      %convert_element_type3A_116 = arith.extui %lt3A_115 : i1 to i32
      %cond3A_117 = arith.constant 0 : i32
      %cond3A_118 = arith.cmpi ne, %convert_element_type3A_116, %cond3A_117 : i32
      scf.if %cond3A_118 {
        %mul3A_141 = arith.constant 128 : i32
        %mul3A_142 = arith.muli %add3A_107, %mul3A_141 : i32
        %dma_start3A = arith.constant 2 : i32
        %dma_start3A_143 = arith.constant 0 : i32
        %dma_start3A_144 = arith.constant 0 : i32
        %dma_start3A_145 = tpu.memref_slice %arg9[%dma_start3A, %dma_start3A_143, %dma_start3A_144] : memref<3x128x128xi32, #tpu.memory_space<vmem>> -> memref<1x128x128xi32, #tpu.memory_space<vmem>>
        %dma_start3A_146 = tpu.memref_squeeze %dma_start3A_145 : memref<1x128x128xi32, #tpu.memory_space<vmem>> -> memref<128x128xi32, #tpu.memory_space<vmem>>
        %dma_start3A_147 = tpu.memref_slice %arg7[%mul3A_142] : memref<3584xi32, #tpu.memory_space<vmem>> -> memref<128xi32, #tpu.memory_space<vmem>>
        %dma_start3A_148 = arith.constant 0 : i32
        %dma_start3A_149 = arith.constant 0 : i32
        %dma_start3A_150 = tpu.memref_slice %arg4[%dma_start3A_148, %dma_start3A_149] : memref<10000x128xi32, #tpu.memory_space<hbm>> -> memref<10000x128xi32, #tpu.memory_space<hbm>>
        tpu.enqueue_indirect_dma source(%dma_start3A_150 : memref<10000x128xi32, #tpu.memory_space<hbm>>) target(%dma_start3A_146 : memref<128x128xi32, #tpu.memory_space<vmem>>) offsets(%dma_start3A_147 : memref<128xi32, #tpu.memory_space<vmem>>) semaphore(%arg12 : memref<!tpu.dma_semaphore, #tpu.memory_space<semaphore_mem>>)
      } else {
      }
      %sub3A_119 = arith.constant 1 : i32
      %sub3A_120 = arith.subi %add3A_107, %sub3A_119 : i32
      %ge3A_121 = arith.constant 0 : i32
      %ge3A_122 = arith.cmpi sge, %sub3A_120, %ge3A_121 : i32
      %sub3A_123 = arith.constant 1 : i32
      %sub3A_124 = arith.subi %add3A_107, %sub3A_123 : i32
      %lt3A_125 = arith.cmpi slt, %sub3A_124, %add3A_3 : i32
      %and3A_126 = arith.andi %ge3A_122, %lt3A_125 : i1
      %convert_element_type3A_127 = arith.extui %and3A_126 : i1 to i32
      %cond3A_128 = arith.constant 0 : i32
      %cond3A_129 = arith.cmpi ne, %convert_element_type3A_127, %cond3A_128 : i32
      scf.if %cond3A_129 {
        %dma_wait3A = arith.constant 1 : i32
        %dma_wait3A_141 = arith.constant 0 : i32
        %dma_wait3A_142 = arith.constant 0 : i32
        %dma_wait3A_143 = tpu.memref_slice %arg9[%dma_wait3A, %dma_wait3A_141, %dma_wait3A_142] : memref<3x128x128xi32, #tpu.memory_space<vmem>> -> memref<1x128x128xi32, #tpu.memory_space<vmem>>
        %dma_wait3A_144 = tpu.memref_squeeze %dma_wait3A_143 : memref<1x128x128xi32, #tpu.memory_space<vmem>> -> memref<128x128xi32, #tpu.memory_space<vmem>>
        %dma_wait3A_145 = arith.constant 0 : i32
        %dma_wait3A_146 = tpu.memref_slice %arg7[%dma_wait3A_145] : memref<3584xi32, #tpu.memory_space<vmem>> -> memref<128xi32, #tpu.memory_space<vmem>>
        %dma_wait3A_147 = arith.constant 0 : i32
        %dma_wait3A_148 = arith.constant 0 : i32
        %dma_wait3A_149 = tpu.memref_slice %arg4[%dma_wait3A_147, %dma_wait3A_148] : memref<10000x128xi32, #tpu.memory_space<hbm>> -> memref<10000x128xi32, #tpu.memory_space<hbm>>
        tpu.wait_indirect_dma semaphore(%arg11 : memref<!tpu.dma_semaphore, #tpu.memory_space<semaphore_mem>>) src(%dma_wait3A_149 : memref<10000x128xi32, #tpu.memory_space<hbm>>) dst(%dma_wait3A_144 : memref<128x128xi32, #tpu.memory_space<vmem>>)
        %sub3A_150 = arith.constant 1 : i32
        %sub3A_151 = arith.subi %add3A_107, %sub3A_150 : i32
        %mul3A_152 = arith.constant 128 : i32
        %mul3A_153 = arith.muli %sub3A_151, %mul3A_152 : i32
        %dma_start3A = arith.constant 1 : i32
        %dma_start3A_154 = arith.constant 0 : i32
        %dma_start3A_155 = arith.constant 0 : i32
        %dma_start3A_156 = tpu.memref_slice %arg9[%dma_start3A, %dma_start3A_154, %dma_start3A_155] : memref<3x128x128xi32, #tpu.memory_space<vmem>> -> memref<1x128x128xi32, #tpu.memory_space<vmem>>
        %dma_start3A_157 = tpu.memref_squeeze %dma_start3A_156 : memref<1x128x128xi32, #tpu.memory_space<vmem>> -> memref<128x128xi32, #tpu.memory_space<vmem>>
        %dma_start3A_158 = tpu.memref_slice %arg8[%mul3A_153] : memref<3584xi32, #tpu.memory_space<vmem>> -> memref<128xi32, #tpu.memory_space<vmem>>
        %dma_start3A_159 = arith.constant 0 : i32
        %dma_start3A_160 = arith.constant 0 : i32
        %dma_start3A_161 = tpu.memref_slice %arg5[%dma_start3A_159, %dma_start3A_160] : memref<10000x128xi32, #tpu.memory_space<hbm>> -> memref<10000x128xi32, #tpu.memory_space<hbm>>
        tpu.enqueue_indirect_dma source(%dma_start3A_161 : memref<10000x128xi32, #tpu.memory_space<hbm>>) target(%dma_start3A_157 : memref<128x128xi32, #tpu.memory_space<vmem>>) offsets(%dma_start3A_158 : memref<128xi32, #tpu.memory_space<vmem>>) semaphore(%arg14 : memref<!tpu.dma_semaphore, #tpu.memory_space<semaphore_mem>>) {add = true}
      } else {
      }
      %sub3A_130 = arith.constant 2 : i32
      %sub3A_131 = arith.subi %add3A_107, %sub3A_130 : i32
      %ge3A_132 = arith.constant 0 : i32
      %ge3A_133 = arith.cmpi sge, %sub3A_131, %ge3A_132 : i32
      %sub3A_134 = arith.constant 2 : i32
      %sub3A_135 = arith.subi %add3A_107, %sub3A_134 : i32
      %lt3A_136 = arith.cmpi slt, %sub3A_135, %add3A_3 : i32
      %and3A_137 = arith.andi %ge3A_133, %lt3A_136 : i1
      %convert_element_type3A_138 = arith.extui %and3A_137 : i1 to i32
      %cond3A_139 = arith.constant 0 : i32
      %cond3A_140 = arith.cmpi ne, %convert_element_type3A_138, %cond3A_139 : i32
      scf.if %cond3A_140 {
        %dma_wait3A = arith.constant 0 : i32
        %dma_wait3A_141 = arith.constant 0 : i32
        %dma_wait3A_142 = arith.constant 0 : i32
        %dma_wait3A_143 = tpu.memref_slice %arg9[%dma_wait3A, %dma_wait3A_141, %dma_wait3A_142] : memref<3x128x128xi32, #tpu.memory_space<vmem>> -> memref<1x128x128xi32, #tpu.memory_space<vmem>>
        %dma_wait3A_144 = tpu.memref_squeeze %dma_wait3A_143 : memref<1x128x128xi32, #tpu.memory_space<vmem>> -> memref<128x128xi32, #tpu.memory_space<vmem>>
        %dma_wait3A_145 = arith.constant 0 : i32
        %dma_wait3A_146 = tpu.memref_slice %arg8[%dma_wait3A_145] : memref<3584xi32, #tpu.memory_space<vmem>> -> memref<128xi32, #tpu.memory_space<vmem>>
        %dma_wait3A_147 = arith.constant 0 : i32
        %dma_wait3A_148 = arith.constant 0 : i32
        %dma_wait3A_149 = tpu.memref_slice %arg5[%dma_wait3A_147, %dma_wait3A_148] : memref<10000x128xi32, #tpu.memory_space<hbm>> -> memref<10000x128xi32, #tpu.memory_space<hbm>>
        tpu.wait_indirect_dma semaphore(%arg13 : memref<!tpu.dma_semaphore, #tpu.memory_space<semaphore_mem>>) src(%dma_wait3A_149 : memref<10000x128xi32, #tpu.memory_space<hbm>>) dst(%dma_wait3A_144 : memref<128x128xi32, #tpu.memory_space<vmem>>)
        %sub3A_150 = arith.constant 2 : i32
        %sub3A_151 = arith.subi %add3A_107, %sub3A_150 : i32
        %mul3A_152 = arith.constant 128 : i32
        %mul3A_153 = arith.muli %sub3A_151, %mul3A_152 : i32
        %add3A_154 = arith.addi %mul3A_9, %mul3A_153 : i32
        %dma_start3A = arith.constant 0 : i32
        %dma_start3A_155 = arith.constant 0 : i32
        %dma_start3A_156 = arith.constant 0 : i32
        %dma_start3A_157 = tpu.memref_slice %arg9[%dma_start3A, %dma_start3A_155, %dma_start3A_156] : memref<3x128x128xi32, #tpu.memory_space<vmem>> -> memref<1x128x128xi32, #tpu.memory_space<vmem>>
        %dma_start3A_158 = tpu.memref_squeeze %dma_start3A_157 : memref<1x128x128xi32, #tpu.memory_space<vmem>> -> memref<128x128xi32, #tpu.memory_space<vmem>>
        %dma_start3A_159 = arith.constant 0 : i32
        %dma_start3A_160 = tpu.memref_slice %arg6[%add3A_154, %dma_start3A_159] : memref<112000x128xi32, #tpu.memory_space<hbm>> -> memref<128x128xi32, #tpu.memory_space<hbm>>
        %dma_start3A_161 = arith.constant 0 : i32
        %dma_start3A_162 = tpu.memref_slice %arg6[%add3A_154, %dma_start3A_161] : memref<112000x128xi32, #tpu.memory_space<hbm>> -> memref<128x128xi32, #tpu.memory_space<hbm>>
        %dma_start3A_163 = arith.constant 0 : i32
        %dma_start3A_164 = arith.constant 0 : i32
        %dma_start3A_165 = tpu.memref_slice %arg9[%dma_start3A, %dma_start3A_163, %dma_start3A_164] : memref<3x128x128xi32, #tpu.memory_space<vmem>> -> memref<1x128x128xi32, #tpu.memory_space<vmem>>
        %dma_start3A_166 = tpu.memref_squeeze %dma_start3A_165 : memref<1x128x128xi32, #tpu.memory_space<vmem>> -> memref<128x128xi32, #tpu.memory_space<vmem>>
        tpu.enqueue_dma source(%dma_start3A_166 : memref<128x128xi32, #tpu.memory_space<vmem>>) target(%dma_start3A_162 : memref<128x128xi32, #tpu.memory_space<hbm>>) target_semaphore(%arg16 : memref<!tpu.dma_semaphore, #tpu.memory_space<semaphore_mem>>)
      } else {
      }
    }
    %scan3A_18 = arith.constant 10 : i32
    %gt3A = arith.constant 0 : i32
    %gt3A_19 = arith.cmpi sgt, %add3A_3, %gt3A : i32
    %convert_element_type3A_20 = arith.extui %gt3A_19 : i1 to i32
    %cond3A = arith.constant 0 : i32
    %cond3A_21 = arith.cmpi ne, %convert_element_type3A_20, %cond3A : i32
    scf.if %cond3A_21 {
      %dma_wait3A = arith.constant 0 : i32
      %dma_wait3A_32 = arith.constant 0 : i32
      %dma_wait3A_33 = arith.constant 0 : i32
      %dma_wait3A_34 = tpu.memref_slice %arg9[%dma_wait3A, %dma_wait3A_32, %dma_wait3A_33] : memref<3x128x128xi32, #tpu.memory_space<vmem>> -> memref<1x128x128xi32, #tpu.memory_space<vmem>>
      %dma_wait3A_35 = tpu.memref_squeeze %dma_wait3A_34 : memref<1x128x128xi32, #tpu.memory_space<vmem>> -> memref<128x128xi32, #tpu.memory_space<vmem>>
      %dma_wait3A_36 = arith.constant 0 : i32
      %dma_wait3A_37 = arith.constant 0 : i32
      %dma_wait3A_38 = tpu.memref_slice %arg6[%dma_wait3A_36, %dma_wait3A_37] : memref<112000x128xi32, #tpu.memory_space<hbm>> -> memref<128x128xi32, #tpu.memory_space<hbm>>
      %dma_wait3A_39 = arith.constant 0 : i32
      %dma_wait3A_40 = arith.constant 0 : i32
      %dma_wait3A_41 = tpu.memref_slice %arg6[%dma_wait3A_39, %dma_wait3A_40] : memref<112000x128xi32, #tpu.memory_space<hbm>> -> memref<128x128xi32, #tpu.memory_space<hbm>>
      %dma_wait3A_42 = arith.constant 0 : i32
      %dma_wait3A_43 = arith.constant 0 : i32
      %dma_wait3A_44 = tpu.memref_slice %arg9[%dma_wait3A, %dma_wait3A_42, %dma_wait3A_43] : memref<3x128x128xi32, #tpu.memory_space<vmem>> -> memref<1x128x128xi32, #tpu.memory_space<vmem>>
      %dma_wait3A_45 = tpu.memref_squeeze %dma_wait3A_44 : memref<1x128x128xi32, #tpu.memory_space<vmem>> -> memref<128x128xi32, #tpu.memory_space<vmem>>
      tpu.wait_dma2 semaphore(%arg16 : memref<!tpu.dma_semaphore, #tpu.memory_space<semaphore_mem>>) src(%dma_wait3A_45 : memref<128x128xi32, #tpu.memory_space<vmem>>) dst(%dma_wait3A_41 : memref<128x128xi32, #tpu.memory_space<hbm>>)
    } else {
    }
    %gt3A_22 = arith.constant 1 : i32
    %gt3A_23 = arith.cmpi sgt, %add3A_3, %gt3A_22 : i32
    %convert_element_type3A_24 = arith.extui %gt3A_23 : i1 to i32
    %cond3A_25 = arith.constant 0 : i32
    %cond3A_26 = arith.cmpi ne, %convert_element_type3A_24, %cond3A_25 : i32
    scf.if %cond3A_26 {
      %dma_wait3A = arith.constant 1 : i32
      %dma_wait3A_32 = arith.constant 0 : i32
      %dma_wait3A_33 = arith.constant 0 : i32
      %dma_wait3A_34 = tpu.memref_slice %arg9[%dma_wait3A, %dma_wait3A_32, %dma_wait3A_33] : memref<3x128x128xi32, #tpu.memory_space<vmem>> -> memref<1x128x128xi32, #tpu.memory_space<vmem>>
      %dma_wait3A_35 = tpu.memref_squeeze %dma_wait3A_34 : memref<1x128x128xi32, #tpu.memory_space<vmem>> -> memref<128x128xi32, #tpu.memory_space<vmem>>
      %dma_wait3A_36 = arith.constant 0 : i32
      %dma_wait3A_37 = arith.constant 0 : i32
      %dma_wait3A_38 = tpu.memref_slice %arg6[%dma_wait3A_36, %dma_wait3A_37] : memref<112000x128xi32, #tpu.memory_space<hbm>> -> memref<128x128xi32, #tpu.memory_space<hbm>>
      %dma_wait3A_39 = arith.constant 0 : i32
      %dma_wait3A_40 = arith.constant 0 : i32
      %dma_wait3A_41 = tpu.memref_slice %arg6[%dma_wait3A_39, %dma_wait3A_40] : memref<112000x128xi32, #tpu.memory_space<hbm>> -> memref<128x128xi32, #tpu.memory_space<hbm>>
      %dma_wait3A_42 = arith.constant 0 : i32
      %dma_wait3A_43 = arith.constant 0 : i32
      %dma_wait3A_44 = tpu.memref_slice %arg9[%dma_wait3A, %dma_wait3A_42, %dma_wait3A_43] : memref<3x128x128xi32, #tpu.memory_space<vmem>> -> memref<1x128x128xi32, #tpu.memory_space<vmem>>
      %dma_wait3A_45 = tpu.memref_squeeze %dma_wait3A_44 : memref<1x128x128xi32, #tpu.memory_space<vmem>> -> memref<128x128xi32, #tpu.memory_space<vmem>>
      tpu.wait_dma2 semaphore(%arg17 : memref<!tpu.dma_semaphore, #tpu.memory_space<semaphore_mem>>) src(%dma_wait3A_45 : memref<128x128xi32, #tpu.memory_space<vmem>>) dst(%dma_wait3A_41 : memref<128x128xi32, #tpu.memory_space<hbm>>)
    } else {
    }
    %gt3A_27 = arith.constant 2 : i32
    %gt3A_28 = arith.cmpi sgt, %add3A_3, %gt3A_27 : i32
    %convert_element_type3A_29 = arith.extui %gt3A_28 : i1 to i32
    %cond3A_30 = arith.constant 0 : i32
    %cond3A_31 = arith.cmpi ne, %convert_element_type3A_29, %cond3A_30 : i32
    scf.if %cond3A_31 {
      %dma_wait3A = arith.constant 2 : i32
      %dma_wait3A_32 = arith.constant 0 : i32
      %dma_wait3A_33 = arith.constant 0 : i32
      %dma_wait3A_34 = tpu.memref_slice %arg9[%dma_wait3A, %dma_wait3A_32, %dma_wait3A_33] : memref<3x128x128xi32, #tpu.memory_space<vmem>> -> memref<1x128x128xi32, #tpu.memory_space<vmem>>
      %dma_wait3A_35 = tpu.memref_squeeze %dma_wait3A_34 : memref<1x128x128xi32, #tpu.memory_space<vmem>> -> memref<128x128xi32, #tpu.memory_space<vmem>>
      %dma_wait3A_36 = arith.constant 0 : i32
      %dma_wait3A_37 = arith.constant 0 : i32
      %dma_wait3A_38 = tpu.memref_slice %arg6[%dma_wait3A_36, %dma_wait3A_37] : memref<112000x128xi32, #tpu.memory_space<hbm>> -> memref<128x128xi32, #tpu.memory_space<hbm>>
      %dma_wait3A_39 = arith.constant 0 : i32
      %dma_wait3A_40 = arith.constant 0 : i32
      %dma_wait3A_41 = tpu.memref_slice %arg6[%dma_wait3A_39, %dma_wait3A_40] : memref<112000x128xi32, #tpu.memory_space<hbm>> -> memref<128x128xi32, #tpu.memory_space<hbm>>
      %dma_wait3A_42 = arith.constant 0 : i32
      %dma_wait3A_43 = arith.constant 0 : i32
      %dma_wait3A_44 = tpu.memref_slice %arg9[%dma_wait3A, %dma_wait3A_42, %dma_wait3A_43] : memref<3x128x128xi32, #tpu.memory_space<vmem>> -> memref<1x128x128xi32, #tpu.memory_space<vmem>>
      %dma_wait3A_45 = tpu.memref_squeeze %dma_wait3A_44 : memref<1x128x128xi32, #tpu.memory_space<vmem>> -> memref<128x128xi32, #tpu.memory_space<vmem>>
      tpu.wait_dma2 semaphore(%arg18 : memref<!tpu.dma_semaphore, #tpu.memory_space<semaphore_mem>>) src(%dma_wait3A_45 : memref<128x128xi32, #tpu.memory_space<vmem>>) dst(%dma_wait3A_41 : memref<128x128xi32, #tpu.memory_space<hbm>>)
    } else {
    }
    return
  }
}

#map = affine_map<(d0, d1) -> (0)>
#map1 = affine_map<(d0, d1) -> (0, 0)>
module attributes {stable_mosaic.version = 14 : i64} {
  func.func @gather_k(%arg0: i32, %arg1: i32, %arg2: memref<9216xi32, #tpu.memory_space<hbm>>, %arg3: memref<9216xi32, #tpu.memory_space<hbm>>, %arg4: memref<10000x128xi32, #tpu.memory_space<hbm>>, %arg5: memref<10000x128xi32, #tpu.memory_space<hbm>>, %arg6: memref<5120x128xi32, #tpu.memory_space<hbm>>, %arg7: memref<256xi32, #tpu.memory_space<vmem>>, %arg8: memref<256xi32, #tpu.memory_space<vmem>>, %arg9: memref<3x128x128xi32, #tpu.memory_space<vmem>>, %arg10: memref<!tpu.dma_semaphore, #tpu.memory_space<semaphore_mem>>, %arg11: memref<!tpu.dma_semaphore, #tpu.memory_space<semaphore_mem>>, %arg12: memref<!tpu.dma_semaphore, #tpu.memory_space<semaphore_mem>>, %arg13: memref<!tpu.dma_semaphore, #tpu.memory_space<semaphore_mem>>, %arg14: memref<!tpu.dma_semaphore, #tpu.memory_space<semaphore_mem>>, %arg15: memref<!tpu.dma_semaphore, #tpu.memory_space<semaphore_mem>>, %arg16: memref<!tpu.dma_semaphore, #tpu.memory_space<semaphore_mem>>, %arg17: memref<!tpu.dma_semaphore, #tpu.memory_space<semaphore_mem>>, %arg18: memref<!tpu.dma_semaphore, #tpu.memory_space<semaphore_mem>>) attributes {dimension_semantics = [#tpu.dimension_semantics<core_parallel>, #tpu.dimension_semantics<subcore_parallel>], iteration_bounds = array<i64: 2, 16>, scalar_prefetch = 0 : i64, scratch_operands = 12 : i64, tpu.core_type = #tpu.core_type<sc_vector_subcore>, window_params = [{transform_indices = #map}, {transform_indices = #map}, {transform_indices = #map1}, {transform_indices = #map1}, {transform_indices = #map1}]} {
    %mul3A = arith.constant 2 : i32
    %mul3A_0 = arith.muli %arg1, %mul3A : i32
    %add3A = arith.addi %mul3A_0, %arg0 : i32
    %lt3A = arith.constant 8 : i32
    %lt3A_1 = arith.cmpi slt, %add3A, %lt3A : i32
    %convert_element_type3A = arith.extui %lt3A_1 : i1 to i32
    %add3A_2 = arith.constant 1 : i32
    %add3A_3 = arith.addi %add3A_2, %convert_element_type3A : i32
    %mul3A_4 = arith.constant 1 : i32
    %mul3A_5 = arith.muli %add3A, %mul3A_4 : i32
    %min3A = arith.constant 8 : i32
    %min3A_6 = arith.minsi %add3A, %min3A : i32
    %add3A_7 = arith.addi %mul3A_5, %min3A_6 : i32
    %mul3A_8 = arith.constant 128 : i32
    %mul3A_9 = arith.muli %add3A_7, %mul3A_8 : i32
    %add3A_10 = arith.constant 0 : i32
    %add3A_11 = arith.addi %add3A_10, %mul3A_9 : i32
    "tpu.region"() ({
      %run_scoped3A = tpu.sem_alloc : memref<!tpu.dma_semaphore, #tpu.memory_space<semaphore_mem>>
      %dma_start3A = tpu.memref_slice %arg2[%add3A_11] : memref<9216xi32, #tpu.memory_space<hbm>> -> memref<256xi32, #tpu.memory_space<hbm>>
      %dma_start3A_32 = tpu.memref_slice %arg2[%add3A_11] : memref<9216xi32, #tpu.memory_space<hbm>> -> memref<256xi32, #tpu.memory_space<hbm>>
      tpu.enqueue_dma source(%dma_start3A_32 : memref<256xi32, #tpu.memory_space<hbm>>) target(%arg7 : memref<256xi32, #tpu.memory_space<vmem>>) target_semaphore(%run_scoped3A : memref<!tpu.dma_semaphore, #tpu.memory_space<semaphore_mem>>)
      %dma_wait3A = tpu.memref_slice %arg2[%add3A_11] : memref<9216xi32, #tpu.memory_space<hbm>> -> memref<256xi32, #tpu.memory_space<hbm>>
      %dma_wait3A_33 = tpu.memref_slice %arg2[%add3A_11] : memref<9216xi32, #tpu.memory_space<hbm>> -> memref<256xi32, #tpu.memory_space<hbm>>
      tpu.wait_dma2 semaphore(%run_scoped3A : memref<!tpu.dma_semaphore, #tpu.memory_space<semaphore_mem>>) src(%dma_wait3A_33 : memref<256xi32, #tpu.memory_space<hbm>>) dst(%arg7 : memref<256xi32, #tpu.memory_space<vmem>>)
      tpu.yield
    }) : () -> ()
    %add3A_12 = arith.constant 0 : i32
    %add3A_13 = arith.addi %add3A_12, %mul3A_9 : i32
    "tpu.region"() ({
      %run_scoped3A = tpu.sem_alloc : memref<!tpu.dma_semaphore, #tpu.memory_space<semaphore_mem>>
      %dma_start3A = tpu.memref_slice %arg3[%add3A_13] : memref<9216xi32, #tpu.memory_space<hbm>> -> memref<256xi32, #tpu.memory_space<hbm>>
      %dma_start3A_32 = tpu.memref_slice %arg3[%add3A_13] : memref<9216xi32, #tpu.memory_space<hbm>> -> memref<256xi32, #tpu.memory_space<hbm>>
      tpu.enqueue_dma source(%dma_start3A_32 : memref<256xi32, #tpu.memory_space<hbm>>) target(%arg8 : memref<256xi32, #tpu.memory_space<vmem>>) target_semaphore(%run_scoped3A : memref<!tpu.dma_semaphore, #tpu.memory_space<semaphore_mem>>)
      %dma_wait3A = tpu.memref_slice %arg3[%add3A_13] : memref<9216xi32, #tpu.memory_space<hbm>> -> memref<256xi32, #tpu.memory_space<hbm>>
      %dma_wait3A_33 = tpu.memref_slice %arg3[%add3A_13] : memref<9216xi32, #tpu.memory_space<hbm>> -> memref<256xi32, #tpu.memory_space<hbm>>
      tpu.wait_dma2 semaphore(%run_scoped3A : memref<!tpu.dma_semaphore, #tpu.memory_space<semaphore_mem>>) src(%dma_wait3A_33 : memref<256xi32, #tpu.memory_space<hbm>>) dst(%arg8 : memref<256xi32, #tpu.memory_space<vmem>>)
      tpu.yield
    }) : () -> ()
    %scan3A = arith.constant 0 : i32
    %scan3A_14 = arith.constant 0 : i32
    %scan3A_15 = arith.constant 2 : i32
    %scan3A_16 = arith.addi %scan3A_14, %scan3A_15 : i32
    %scan3A_17 = arith.constant 1 : i32
    scf.for %scan3A_32 = %scan3A_14 to %scan3A_16 step %scan3A_17  : i32 {
      %mul3A_33 = arith.constant 3 : i32
      %mul3A_34 = arith.muli %mul3A_33, %scan3A_32 : i32
      %add3A_35 = arith.constant 0 : i32
      %add3A_36 = arith.addi %mul3A_34, %add3A_35 : i32
      %ge3A = arith.constant 3 : i32
      %ge3A_37 = arith.cmpi sge, %add3A_36, %ge3A : i32
      %lt3A_38 = arith.cmpi slt, %add3A_36, %add3A_3 : i32
      %and3A = arith.andi %ge3A_37, %lt3A_38 : i1
      %convert_element_type3A_39 = arith.extui %and3A : i1 to i32
      %cond3A_40 = arith.constant 0 : i32
      %cond3A_41 = arith.cmpi ne, %convert_element_type3A_39, %cond3A_40 : i32
      scf.if %cond3A_41 {
        %dma_wait3A = arith.constant 0 : i32
        %dma_wait3A_141 = arith.constant 0 : i32
        %dma_wait3A_142 = arith.constant 0 : i32
        %dma_wait3A_143 = tpu.memref_slice %arg9[%dma_wait3A, %dma_wait3A_141, %dma_wait3A_142] : memref<3x128x128xi32, #tpu.memory_space<vmem>> -> memref<1x128x128xi32, #tpu.memory_space<vmem>>
        %dma_wait3A_144 = tpu.memref_squeeze %dma_wait3A_143 : memref<1x128x128xi32, #tpu.memory_space<vmem>> -> memref<128x128xi32, #tpu.memory_space<vmem>>
        %dma_wait3A_145 = arith.constant 0 : i32
        %dma_wait3A_146 = arith.constant 0 : i32
        %dma_wait3A_147 = tpu.memref_slice %arg6[%dma_wait3A_145, %dma_wait3A_146] : memref<5120x128xi32, #tpu.memory_space<hbm>> -> memref<128x128xi32, #tpu.memory_space<hbm>>
        %dma_wait3A_148 = arith.constant 0 : i32
        %dma_wait3A_149 = arith.constant 0 : i32
        %dma_wait3A_150 = tpu.memref_slice %arg6[%dma_wait3A_148, %dma_wait3A_149] : memref<5120x128xi32, #tpu.memory_space<hbm>> -> memref<128x128xi32, #tpu.memory_space<hbm>>
        %dma_wait3A_151 = arith.constant 0 : i32
        %dma_wait3A_152 = arith.constant 0 : i32
        %dma_wait3A_153 = tpu.memref_slice %arg9[%dma_wait3A, %dma_wait3A_151, %dma_wait3A_152] : memref<3x128x128xi32, #tpu.memory_space<vmem>> -> memref<1x128x128xi32, #tpu.memory_space<vmem>>
        %dma_wait3A_154 = tpu.memref_squeeze %dma_wait3A_153 : memref<1x128x128xi32, #tpu.memory_space<vmem>> -> memref<128x128xi32, #tpu.memory_space<vmem>>
        tpu.wait_dma2 semaphore(%arg16 : memref<!tpu.dma_semaphore, #tpu.memory_space<semaphore_mem>>) src(%dma_wait3A_154 : memref<128x128xi32, #tpu.memory_space<vmem>>) dst(%dma_wait3A_150 : memref<128x128xi32, #tpu.memory_space<hbm>>)
      } else {
      }
      %lt3A_42 = arith.cmpi slt, %add3A_36, %add3A_3 : i32
      %convert_element_type3A_43 = arith.extui %lt3A_42 : i1 to i32
      %cond3A_44 = arith.constant 0 : i32
      %cond3A_45 = arith.cmpi ne, %convert_element_type3A_43, %cond3A_44 : i32
      scf.if %cond3A_45 {
        %mul3A_141 = arith.constant 128 : i32
        %mul3A_142 = arith.muli %add3A_36, %mul3A_141 : i32
        %dma_start3A = arith.constant 0 : i32
        %dma_start3A_143 = arith.constant 0 : i32
        %dma_start3A_144 = arith.constant 0 : i32
        %dma_start3A_145 = tpu.memref_slice %arg9[%dma_start3A, %dma_start3A_143, %dma_start3A_144] : memref<3x128x128xi32, #tpu.memory_space<vmem>> -> memref<1x128x128xi32, #tpu.memory_space<vmem>>
        %dma_start3A_146 = tpu.memref_squeeze %dma_start3A_145 : memref<1x128x128xi32, #tpu.memory_space<vmem>> -> memref<128x128xi32, #tpu.memory_space<vmem>>
        %dma_start3A_147 = tpu.memref_slice %arg7[%mul3A_142] : memref<256xi32, #tpu.memory_space<vmem>> -> memref<128xi32, #tpu.memory_space<vmem>>
        %dma_start3A_148 = arith.constant 0 : i32
        %dma_start3A_149 = arith.constant 0 : i32
        %dma_start3A_150 = tpu.memref_slice %arg4[%dma_start3A_148, %dma_start3A_149] : memref<10000x128xi32, #tpu.memory_space<hbm>> -> memref<10000x128xi32, #tpu.memory_space<hbm>>
        tpu.enqueue_indirect_dma source(%dma_start3A_150 : memref<10000x128xi32, #tpu.memory_space<hbm>>) target(%dma_start3A_146 : memref<128x128xi32, #tpu.memory_space<vmem>>) offsets(%dma_start3A_147 : memref<128xi32, #tpu.memory_space<vmem>>) semaphore(%arg10 : memref<!tpu.dma_semaphore, #tpu.memory_space<semaphore_mem>>)
      } else {
      }
      %sub3A = arith.constant 1 : i32
      %sub3A_46 = arith.subi %add3A_36, %sub3A : i32
      %ge3A_47 = arith.constant 0 : i32
      %ge3A_48 = arith.cmpi sge, %sub3A_46, %ge3A_47 : i32
      %sub3A_49 = arith.constant 1 : i32
      %sub3A_50 = arith.subi %add3A_36, %sub3A_49 : i32
      %lt3A_51 = arith.cmpi slt, %sub3A_50, %add3A_3 : i32
      %and3A_52 = arith.andi %ge3A_48, %lt3A_51 : i1
      %convert_element_type3A_53 = arith.extui %and3A_52 : i1 to i32
      %cond3A_54 = arith.constant 0 : i32
      %cond3A_55 = arith.cmpi ne, %convert_element_type3A_53, %cond3A_54 : i32
      scf.if %cond3A_55 {
        %dma_wait3A = arith.constant 2 : i32
        %dma_wait3A_141 = arith.constant 0 : i32
        %dma_wait3A_142 = arith.constant 0 : i32
        %dma_wait3A_143 = tpu.memref_slice %arg9[%dma_wait3A, %dma_wait3A_141, %dma_wait3A_142] : memref<3x128x128xi32, #tpu.memory_space<vmem>> -> memref<1x128x128xi32, #tpu.memory_space<vmem>>
        %dma_wait3A_144 = tpu.memref_squeeze %dma_wait3A_143 : memref<1x128x128xi32, #tpu.memory_space<vmem>> -> memref<128x128xi32, #tpu.memory_space<vmem>>
        %dma_wait3A_145 = arith.constant 0 : i32
        %dma_wait3A_146 = tpu.memref_slice %arg7[%dma_wait3A_145] : memref<256xi32, #tpu.memory_space<vmem>> -> memref<128xi32, #tpu.memory_space<vmem>>
        %dma_wait3A_147 = arith.constant 0 : i32
        %dma_wait3A_148 = arith.constant 0 : i32
        %dma_wait3A_149 = tpu.memref_slice %arg4[%dma_wait3A_147, %dma_wait3A_148] : memref<10000x128xi32, #tpu.memory_space<hbm>> -> memref<10000x128xi32, #tpu.memory_space<hbm>>
        tpu.wait_indirect_dma semaphore(%arg12 : memref<!tpu.dma_semaphore, #tpu.memory_space<semaphore_mem>>) src(%dma_wait3A_149 : memref<10000x128xi32, #tpu.memory_space<hbm>>) dst(%dma_wait3A_144 : memref<128x128xi32, #tpu.memory_space<vmem>>)
        %sub3A_150 = arith.constant 1 : i32
        %sub3A_151 = arith.subi %add3A_36, %sub3A_150 : i32
        %mul3A_152 = arith.constant 128 : i32
        %mul3A_153 = arith.muli %sub3A_151, %mul3A_152 : i32
        %dma_start3A = arith.constant 2 : i32
        %dma_start3A_154 = arith.constant 0 : i32
        %dma_start3A_155 = arith.constant 0 : i32
        %dma_start3A_156 = tpu.memref_slice %arg9[%dma_start3A, %dma_start3A_154, %dma_start3A_155] : memref<3x128x128xi32, #tpu.memory_space<vmem>> -> memref<1x128x128xi32, #tpu.memory_space<vmem>>
        %dma_start3A_157 = tpu.memref_squeeze %dma_start3A_156 : memref<1x128x128xi32, #tpu.memory_space<vmem>> -> memref<128x128xi32, #tpu.memory_space<vmem>>
        %dma_start3A_158 = tpu.memref_slice %arg8[%mul3A_153] : memref<256xi32, #tpu.memory_space<vmem>> -> memref<128xi32, #tpu.memory_space<vmem>>
        %dma_start3A_159 = arith.constant 0 : i32
        %dma_start3A_160 = arith.constant 0 : i32
        %dma_start3A_161 = tpu.memref_slice %arg5[%dma_start3A_159, %dma_start3A_160] : memref<10000x128xi32, #tpu.memory_space<hbm>> -> memref<10000x128xi32, #tpu.memory_space<hbm>>
        tpu.enqueue_indirect_dma source(%dma_start3A_161 : memref<10000x128xi32, #tpu.memory_space<hbm>>) target(%dma_start3A_157 : memref<128x128xi32, #tpu.memory_space<vmem>>) offsets(%dma_start3A_158 : memref<128xi32, #tpu.memory_space<vmem>>) semaphore(%arg15 : memref<!tpu.dma_semaphore, #tpu.memory_space<semaphore_mem>>) {add = true}
      } else {
      }
      %sub3A_56 = arith.constant 2 : i32
      %sub3A_57 = arith.subi %add3A_36, %sub3A_56 : i32
      %ge3A_58 = arith.constant 0 : i32
      %ge3A_59 = arith.cmpi sge, %sub3A_57, %ge3A_58 : i32
      %sub3A_60 = arith.constant 2 : i32
      %sub3A_61 = arith.subi %add3A_36, %sub3A_60 : i32
      %lt3A_62 = arith.cmpi slt, %sub3A_61, %add3A_3 : i32
      %and3A_63 = arith.andi %ge3A_59, %lt3A_62 : i1
      %convert_element_type3A_64 = arith.extui %and3A_63 : i1 to i32
      %cond3A_65 = arith.constant 0 : i32
      %cond3A_66 = arith.cmpi ne, %convert_element_type3A_64, %cond3A_65 : i32
      scf.if %cond3A_66 {
        %dma_wait3A = arith.constant 1 : i32
        %dma_wait3A_141 = arith.constant 0 : i32
        %dma_wait3A_142 = arith.constant 0 : i32
        %dma_wait3A_143 = tpu.memref_slice %arg9[%dma_wait3A, %dma_wait3A_141, %dma_wait3A_142] : memref<3x128x128xi32, #tpu.memory_space<vmem>> -> memref<1x128x128xi32, #tpu.memory_space<vmem>>
        %dma_wait3A_144 = tpu.memref_squeeze %dma_wait3A_143 : memref<1x128x128xi32, #tpu.memory_space<vmem>> -> memref<128x128xi32, #tpu.memory_space<vmem>>
        %dma_wait3A_145 = arith.constant 0 : i32
        %dma_wait3A_146 = tpu.memref_slice %arg8[%dma_wait3A_145] : memref<256xi32, #tpu.memory_space<vmem>> -> memref<128xi32, #tpu.memory_space<vmem>>
        %dma_wait3A_147 = arith.constant 0 : i32
        %dma_wait3A_148 = arith.constant 0 : i32
        %dma_wait3A_149 = tpu.memref_slice %arg5[%dma_wait3A_147, %dma_wait3A_148] : memref<10000x128xi32, #tpu.memory_space<hbm>> -> memref<10000x128xi32, #tpu.memory_space<hbm>>
        tpu.wait_indirect_dma semaphore(%arg14 : memref<!tpu.dma_semaphore, #tpu.memory_space<semaphore_mem>>) src(%dma_wait3A_149 : memref<10000x128xi32, #tpu.memory_space<hbm>>) dst(%dma_wait3A_144 : memref<128x128xi32, #tpu.memory_space<vmem>>)
        %sub3A_150 = arith.constant 2 : i32
        %sub3A_151 = arith.subi %add3A_36, %sub3A_150 : i32
        %mul3A_152 = arith.constant 128 : i32
        %mul3A_153 = arith.muli %sub3A_151, %mul3A_152 : i32
        %add3A_154 = arith.addi %mul3A_9, %mul3A_153 : i32
        %dma_start3A = arith.constant 1 : i32
        %dma_start3A_155 = arith.constant 0 : i32
        %dma_start3A_156 = arith.constant 0 : i32
        %dma_start3A_157 = tpu.memref_slice %arg9[%dma_start3A, %dma_start3A_155, %dma_start3A_156] : memref<3x128x128xi32, #tpu.memory_space<vmem>> -> memref<1x128x128xi32, #tpu.memory_space<vmem>>
        %dma_start3A_158 = tpu.memref_squeeze %dma_start3A_157 : memref<1x128x128xi32, #tpu.memory_space<vmem>> -> memref<128x128xi32, #tpu.memory_space<vmem>>
        %dma_start3A_159 = arith.constant 0 : i32
        %dma_start3A_160 = tpu.memref_slice %arg6[%add3A_154, %dma_start3A_159] : memref<5120x128xi32, #tpu.memory_space<hbm>> -> memref<128x128xi32, #tpu.memory_space<hbm>>
        %dma_start3A_161 = arith.constant 0 : i32
        %dma_start3A_162 = tpu.memref_slice %arg6[%add3A_154, %dma_start3A_161] : memref<5120x128xi32, #tpu.memory_space<hbm>> -> memref<128x128xi32, #tpu.memory_space<hbm>>
        %dma_start3A_163 = arith.constant 0 : i32
        %dma_start3A_164 = arith.constant 0 : i32
        %dma_start3A_165 = tpu.memref_slice %arg9[%dma_start3A, %dma_start3A_163, %dma_start3A_164] : memref<3x128x128xi32, #tpu.memory_space<vmem>> -> memref<1x128x128xi32, #tpu.memory_space<vmem>>
        %dma_start3A_166 = tpu.memref_squeeze %dma_start3A_165 : memref<1x128x128xi32, #tpu.memory_space<vmem>> -> memref<128x128xi32, #tpu.memory_space<vmem>>
        tpu.enqueue_dma source(%dma_start3A_166 : memref<128x128xi32, #tpu.memory_space<vmem>>) target(%dma_start3A_162 : memref<128x128xi32, #tpu.memory_space<hbm>>) target_semaphore(%arg17 : memref<!tpu.dma_semaphore, #tpu.memory_space<semaphore_mem>>)
      } else {
      }
      %mul3A_67 = arith.constant 3 : i32
      %mul3A_68 = arith.muli %mul3A_67, %scan3A_32 : i32
      %add3A_69 = arith.constant 1 : i32
      %add3A_70 = arith.addi %mul3A_68, %add3A_69 : i32
      %ge3A_71 = arith.constant 3 : i32
      %ge3A_72 = arith.cmpi sge, %add3A_70, %ge3A_71 : i32
      %lt3A_73 = arith.cmpi slt, %add3A_70, %add3A_3 : i32
      %and3A_74 = arith.andi %ge3A_72, %lt3A_73 : i1
      %convert_element_type3A_75 = arith.extui %and3A_74 : i1 to i32
      %cond3A_76 = arith.constant 0 : i32
      %cond3A_77 = arith.cmpi ne, %convert_element_type3A_75, %cond3A_76 : i32
      scf.if %cond3A_77 {
        %dma_wait3A = arith.constant 1 : i32
        %dma_wait3A_141 = arith.constant 0 : i32
        %dma_wait3A_142 = arith.constant 0 : i32
        %dma_wait3A_143 = tpu.memref_slice %arg9[%dma_wait3A, %dma_wait3A_141, %dma_wait3A_142] : memref<3x128x128xi32, #tpu.memory_space<vmem>> -> memref<1x128x128xi32, #tpu.memory_space<vmem>>
        %dma_wait3A_144 = tpu.memref_squeeze %dma_wait3A_143 : memref<1x128x128xi32, #tpu.memory_space<vmem>> -> memref<128x128xi32, #tpu.memory_space<vmem>>
        %dma_wait3A_145 = arith.constant 0 : i32
        %dma_wait3A_146 = arith.constant 0 : i32
        %dma_wait3A_147 = tpu.memref_slice %arg6[%dma_wait3A_145, %dma_wait3A_146] : memref<5120x128xi32, #tpu.memory_space<hbm>> -> memref<128x128xi32, #tpu.memory_space<hbm>>
        %dma_wait3A_148 = arith.constant 0 : i32
        %dma_wait3A_149 = arith.constant 0 : i32
        %dma_wait3A_150 = tpu.memref_slice %arg6[%dma_wait3A_148, %dma_wait3A_149] : memref<5120x128xi32, #tpu.memory_space<hbm>> -> memref<128x128xi32, #tpu.memory_space<hbm>>
        %dma_wait3A_151 = arith.constant 0 : i32
        %dma_wait3A_152 = arith.constant 0 : i32
        %dma_wait3A_153 = tpu.memref_slice %arg9[%dma_wait3A, %dma_wait3A_151, %dma_wait3A_152] : memref<3x128x128xi32, #tpu.memory_space<vmem>> -> memref<1x128x128xi32, #tpu.memory_space<vmem>>
        %dma_wait3A_154 = tpu.memref_squeeze %dma_wait3A_153 : memref<1x128x128xi32, #tpu.memory_space<vmem>> -> memref<128x128xi32, #tpu.memory_space<vmem>>
        tpu.wait_dma2 semaphore(%arg17 : memref<!tpu.dma_semaphore, #tpu.memory_space<semaphore_mem>>) src(%dma_wait3A_154 : memref<128x128xi32, #tpu.memory_space<vmem>>) dst(%dma_wait3A_150 : memref<128x128xi32, #tpu.memory_space<hbm>>)
      } else {
      }
      %lt3A_78 = arith.cmpi slt, %add3A_70, %add3A_3 : i32
      %convert_element_type3A_79 = arith.extui %lt3A_78 : i1 to i32
      %cond3A_80 = arith.constant 0 : i32
      %cond3A_81 = arith.cmpi ne, %convert_element_type3A_79, %cond3A_80 : i32
      scf.if %cond3A_81 {
        %mul3A_141 = arith.constant 128 : i32
        %mul3A_142 = arith.muli %add3A_70, %mul3A_141 : i32
        %dma_start3A = arith.constant 1 : i32
        %dma_start3A_143 = arith.constant 0 : i32
        %dma_start3A_144 = arith.constant 0 : i32
        %dma_start3A_145 = tpu.memref_slice %arg9[%dma_start3A, %dma_start3A_143, %dma_start3A_144] : memref<3x128x128xi32, #tpu.memory_space<vmem>> -> memref<1x128x128xi32, #tpu.memory_space<vmem>>
        %dma_start3A_146 = tpu.memref_squeeze %dma_start3A_145 : memref<1x128x128xi32, #tpu.memory_space<vmem>> -> memref<128x128xi32, #tpu.memory_space<vmem>>
        %dma_start3A_147 = tpu.memref_slice %arg7[%mul3A_142] : memref<256xi32, #tpu.memory_space<vmem>> -> memref<128xi32, #tpu.memory_space<vmem>>
        %dma_start3A_148 = arith.constant 0 : i32
        %dma_start3A_149 = arith.constant 0 : i32
        %dma_start3A_150 = tpu.memref_slice %arg4[%dma_start3A_148, %dma_start3A_149] : memref<10000x128xi32, #tpu.memory_space<hbm>> -> memref<10000x128xi32, #tpu.memory_space<hbm>>
        tpu.enqueue_indirect_dma source(%dma_start3A_150 : memref<10000x128xi32, #tpu.memory_space<hbm>>) target(%dma_start3A_146 : memref<128x128xi32, #tpu.memory_space<vmem>>) offsets(%dma_start3A_147 : memref<128xi32, #tpu.memory_space<vmem>>) semaphore(%arg11 : memref<!tpu.dma_semaphore, #tpu.memory_space<semaphore_mem>>)
      } else {
      }
      %sub3A_82 = arith.constant 1 : i32
      %sub3A_83 = arith.subi %add3A_70, %sub3A_82 : i32
      %ge3A_84 = arith.constant 0 : i32
      %ge3A_85 = arith.cmpi sge, %sub3A_83, %ge3A_84 : i32
      %sub3A_86 = arith.constant 1 : i32
      %sub3A_87 = arith.subi %add3A_70, %sub3A_86 : i32
      %lt3A_88 = arith.cmpi slt, %sub3A_87, %add3A_3 : i32
      %and3A_89 = arith.andi %ge3A_85, %lt3A_88 : i1
      %convert_element_type3A_90 = arith.extui %and3A_89 : i1 to i32
      %cond3A_91 = arith.constant 0 : i32
      %cond3A_92 = arith.cmpi ne, %convert_element_type3A_90, %cond3A_91 : i32
      scf.if %cond3A_92 {
        %dma_wait3A = arith.constant 0 : i32
        %dma_wait3A_141 = arith.constant 0 : i32
        %dma_wait3A_142 = arith.constant 0 : i32
        %dma_wait3A_143 = tpu.memref_slice %arg9[%dma_wait3A, %dma_wait3A_141, %dma_wait3A_142] : memref<3x128x128xi32, #tpu.memory_space<vmem>> -> memref<1x128x128xi32, #tpu.memory_space<vmem>>
        %dma_wait3A_144 = tpu.memref_squeeze %dma_wait3A_143 : memref<1x128x128xi32, #tpu.memory_space<vmem>> -> memref<128x128xi32, #tpu.memory_space<vmem>>
        %dma_wait3A_145 = arith.constant 0 : i32
        %dma_wait3A_146 = tpu.memref_slice %arg7[%dma_wait3A_145] : memref<256xi32, #tpu.memory_space<vmem>> -> memref<128xi32, #tpu.memory_space<vmem>>
        %dma_wait3A_147 = arith.constant 0 : i32
        %dma_wait3A_148 = arith.constant 0 : i32
        %dma_wait3A_149 = tpu.memref_slice %arg4[%dma_wait3A_147, %dma_wait3A_148] : memref<10000x128xi32, #tpu.memory_space<hbm>> -> memref<10000x128xi32, #tpu.memory_space<hbm>>
        tpu.wait_indirect_dma semaphore(%arg10 : memref<!tpu.dma_semaphore, #tpu.memory_space<semaphore_mem>>) src(%dma_wait3A_149 : memref<10000x128xi32, #tpu.memory_space<hbm>>) dst(%dma_wait3A_144 : memref<128x128xi32, #tpu.memory_space<vmem>>)
        %sub3A_150 = arith.constant 1 : i32
        %sub3A_151 = arith.subi %add3A_70, %sub3A_150 : i32
        %mul3A_152 = arith.constant 128 : i32
        %mul3A_153 = arith.muli %sub3A_151, %mul3A_152 : i32
        %dma_start3A = arith.constant 0 : i32
        %dma_start3A_154 = arith.constant 0 : i32
        %dma_start3A_155 = arith.constant 0 : i32
        %dma_start3A_156 = tpu.memref_slice %arg9[%dma_start3A, %dma_start3A_154, %dma_start3A_155] : memref<3x128x128xi32, #tpu.memory_space<vmem>> -> memref<1x128x128xi32, #tpu.memory_space<vmem>>
        %dma_start3A_157 = tpu.memref_squeeze %dma_start3A_156 : memref<1x128x128xi32, #tpu.memory_space<vmem>> -> memref<128x128xi32, #tpu.memory_space<vmem>>
        %dma_start3A_158 = tpu.memref_slice %arg8[%mul3A_153] : memref<256xi32, #tpu.memory_space<vmem>> -> memref<128xi32, #tpu.memory_space<vmem>>
        %dma_start3A_159 = arith.constant 0 : i32
        %dma_start3A_160 = arith.constant 0 : i32
        %dma_start3A_161 = tpu.memref_slice %arg5[%dma_start3A_159, %dma_start3A_160] : memref<10000x128xi32, #tpu.memory_space<hbm>> -> memref<10000x128xi32, #tpu.memory_space<hbm>>
        tpu.enqueue_indirect_dma source(%dma_start3A_161 : memref<10000x128xi32, #tpu.memory_space<hbm>>) target(%dma_start3A_157 : memref<128x128xi32, #tpu.memory_space<vmem>>) offsets(%dma_start3A_158 : memref<128xi32, #tpu.memory_space<vmem>>) semaphore(%arg13 : memref<!tpu.dma_semaphore, #tpu.memory_space<semaphore_mem>>) {add = true}
      } else {
      }
      %sub3A_93 = arith.constant 2 : i32
      %sub3A_94 = arith.subi %add3A_70, %sub3A_93 : i32
      %ge3A_95 = arith.constant 0 : i32
      %ge3A_96 = arith.cmpi sge, %sub3A_94, %ge3A_95 : i32
      %sub3A_97 = arith.constant 2 : i32
      %sub3A_98 = arith.subi %add3A_70, %sub3A_97 : i32
      %lt3A_99 = arith.cmpi slt, %sub3A_98, %add3A_3 : i32
      %and3A_100 = arith.andi %ge3A_96, %lt3A_99 : i1
      %convert_element_type3A_101 = arith.extui %and3A_100 : i1 to i32
      %cond3A_102 = arith.constant 0 : i32
      %cond3A_103 = arith.cmpi ne, %convert_element_type3A_101, %cond3A_102 : i32
      scf.if %cond3A_103 {
        %dma_wait3A = arith.constant 2 : i32
        %dma_wait3A_141 = arith.constant 0 : i32
        %dma_wait3A_142 = arith.constant 0 : i32
        %dma_wait3A_143 = tpu.memref_slice %arg9[%dma_wait3A, %dma_wait3A_141, %dma_wait3A_142] : memref<3x128x128xi32, #tpu.memory_space<vmem>> -> memref<1x128x128xi32, #tpu.memory_space<vmem>>
        %dma_wait3A_144 = tpu.memref_squeeze %dma_wait3A_143 : memref<1x128x128xi32, #tpu.memory_space<vmem>> -> memref<128x128xi32, #tpu.memory_space<vmem>>
        %dma_wait3A_145 = arith.constant 0 : i32
        %dma_wait3A_146 = tpu.memref_slice %arg8[%dma_wait3A_145] : memref<256xi32, #tpu.memory_space<vmem>> -> memref<128xi32, #tpu.memory_space<vmem>>
        %dma_wait3A_147 = arith.constant 0 : i32
        %dma_wait3A_148 = arith.constant 0 : i32
        %dma_wait3A_149 = tpu.memref_slice %arg5[%dma_wait3A_147, %dma_wait3A_148] : memref<10000x128xi32, #tpu.memory_space<hbm>> -> memref<10000x128xi32, #tpu.memory_space<hbm>>
        tpu.wait_indirect_dma semaphore(%arg15 : memref<!tpu.dma_semaphore, #tpu.memory_space<semaphore_mem>>) src(%dma_wait3A_149 : memref<10000x128xi32, #tpu.memory_space<hbm>>) dst(%dma_wait3A_144 : memref<128x128xi32, #tpu.memory_space<vmem>>)
        %sub3A_150 = arith.constant 2 : i32
        %sub3A_151 = arith.subi %add3A_70, %sub3A_150 : i32
        %mul3A_152 = arith.constant 128 : i32
        %mul3A_153 = arith.muli %sub3A_151, %mul3A_152 : i32
        %add3A_154 = arith.addi %mul3A_9, %mul3A_153 : i32
        %dma_start3A = arith.constant 2 : i32
        %dma_start3A_155 = arith.constant 0 : i32
        %dma_start3A_156 = arith.constant 0 : i32
        %dma_start3A_157 = tpu.memref_slice %arg9[%dma_start3A, %dma_start3A_155, %dma_start3A_156] : memref<3x128x128xi32, #tpu.memory_space<vmem>> -> memref<1x128x128xi32, #tpu.memory_space<vmem>>
        %dma_start3A_158 = tpu.memref_squeeze %dma_start3A_157 : memref<1x128x128xi32, #tpu.memory_space<vmem>> -> memref<128x128xi32, #tpu.memory_space<vmem>>
        %dma_start3A_159 = arith.constant 0 : i32
        %dma_start3A_160 = tpu.memref_slice %arg6[%add3A_154, %dma_start3A_159] : memref<5120x128xi32, #tpu.memory_space<hbm>> -> memref<128x128xi32, #tpu.memory_space<hbm>>
        %dma_start3A_161 = arith.constant 0 : i32
        %dma_start3A_162 = tpu.memref_slice %arg6[%add3A_154, %dma_start3A_161] : memref<5120x128xi32, #tpu.memory_space<hbm>> -> memref<128x128xi32, #tpu.memory_space<hbm>>
        %dma_start3A_163 = arith.constant 0 : i32
        %dma_start3A_164 = arith.constant 0 : i32
        %dma_start3A_165 = tpu.memref_slice %arg9[%dma_start3A, %dma_start3A_163, %dma_start3A_164] : memref<3x128x128xi32, #tpu.memory_space<vmem>> -> memref<1x128x128xi32, #tpu.memory_space<vmem>>
        %dma_start3A_166 = tpu.memref_squeeze %dma_start3A_165 : memref<1x128x128xi32, #tpu.memory_space<vmem>> -> memref<128x128xi32, #tpu.memory_space<vmem>>
        tpu.enqueue_dma source(%dma_start3A_166 : memref<128x128xi32, #tpu.memory_space<vmem>>) target(%dma_start3A_162 : memref<128x128xi32, #tpu.memory_space<hbm>>) target_semaphore(%arg18 : memref<!tpu.dma_semaphore, #tpu.memory_space<semaphore_mem>>)
      } else {
      }
      %mul3A_104 = arith.constant 3 : i32
      %mul3A_105 = arith.muli %mul3A_104, %scan3A_32 : i32
      %add3A_106 = arith.constant 2 : i32
      %add3A_107 = arith.addi %mul3A_105, %add3A_106 : i32
      %ge3A_108 = arith.constant 3 : i32
      %ge3A_109 = arith.cmpi sge, %add3A_107, %ge3A_108 : i32
      %lt3A_110 = arith.cmpi slt, %add3A_107, %add3A_3 : i32
      %and3A_111 = arith.andi %ge3A_109, %lt3A_110 : i1
      %convert_element_type3A_112 = arith.extui %and3A_111 : i1 to i32
      %cond3A_113 = arith.constant 0 : i32
      %cond3A_114 = arith.cmpi ne, %convert_element_type3A_112, %cond3A_113 : i32
      scf.if %cond3A_114 {
        %dma_wait3A = arith.constant 2 : i32
        %dma_wait3A_141 = arith.constant 0 : i32
        %dma_wait3A_142 = arith.constant 0 : i32
        %dma_wait3A_143 = tpu.memref_slice %arg9[%dma_wait3A, %dma_wait3A_141, %dma_wait3A_142] : memref<3x128x128xi32, #tpu.memory_space<vmem>> -> memref<1x128x128xi32, #tpu.memory_space<vmem>>
        %dma_wait3A_144 = tpu.memref_squeeze %dma_wait3A_143 : memref<1x128x128xi32, #tpu.memory_space<vmem>> -> memref<128x128xi32, #tpu.memory_space<vmem>>
        %dma_wait3A_145 = arith.constant 0 : i32
        %dma_wait3A_146 = arith.constant 0 : i32
        %dma_wait3A_147 = tpu.memref_slice %arg6[%dma_wait3A_145, %dma_wait3A_146] : memref<5120x128xi32, #tpu.memory_space<hbm>> -> memref<128x128xi32, #tpu.memory_space<hbm>>
        %dma_wait3A_148 = arith.constant 0 : i32
        %dma_wait3A_149 = arith.constant 0 : i32
        %dma_wait3A_150 = tpu.memref_slice %arg6[%dma_wait3A_148, %dma_wait3A_149] : memref<5120x128xi32, #tpu.memory_space<hbm>> -> memref<128x128xi32, #tpu.memory_space<hbm>>
        %dma_wait3A_151 = arith.constant 0 : i32
        %dma_wait3A_152 = arith.constant 0 : i32
        %dma_wait3A_153 = tpu.memref_slice %arg9[%dma_wait3A, %dma_wait3A_151, %dma_wait3A_152] : memref<3x128x128xi32, #tpu.memory_space<vmem>> -> memref<1x128x128xi32, #tpu.memory_space<vmem>>
        %dma_wait3A_154 = tpu.memref_squeeze %dma_wait3A_153 : memref<1x128x128xi32, #tpu.memory_space<vmem>> -> memref<128x128xi32, #tpu.memory_space<vmem>>
        tpu.wait_dma2 semaphore(%arg18 : memref<!tpu.dma_semaphore, #tpu.memory_space<semaphore_mem>>) src(%dma_wait3A_154 : memref<128x128xi32, #tpu.memory_space<vmem>>) dst(%dma_wait3A_150 : memref<128x128xi32, #tpu.memory_space<hbm>>)
      } else {
      }
      %lt3A_115 = arith.cmpi slt, %add3A_107, %add3A_3 : i32
      %convert_element_type3A_116 = arith.extui %lt3A_115 : i1 to i32
      %cond3A_117 = arith.constant 0 : i32
      %cond3A_118 = arith.cmpi ne, %convert_element_type3A_116, %cond3A_117 : i32
      scf.if %cond3A_118 {
        %mul3A_141 = arith.constant 128 : i32
        %mul3A_142 = arith.muli %add3A_107, %mul3A_141 : i32
        %dma_start3A = arith.constant 2 : i32
        %dma_start3A_143 = arith.constant 0 : i32
        %dma_start3A_144 = arith.constant 0 : i32
        %dma_start3A_145 = tpu.memref_slice %arg9[%dma_start3A, %dma_start3A_143, %dma_start3A_144] : memref<3x128x128xi32, #tpu.memory_space<vmem>> -> memref<1x128x128xi32, #tpu.memory_space<vmem>>
        %dma_start3A_146 = tpu.memref_squeeze %dma_start3A_145 : memref<1x128x128xi32, #tpu.memory_space<vmem>> -> memref<128x128xi32, #tpu.memory_space<vmem>>
        %dma_start3A_147 = tpu.memref_slice %arg7[%mul3A_142] : memref<256xi32, #tpu.memory_space<vmem>> -> memref<128xi32, #tpu.memory_space<vmem>>
        %dma_start3A_148 = arith.constant 0 : i32
        %dma_start3A_149 = arith.constant 0 : i32
        %dma_start3A_150 = tpu.memref_slice %arg4[%dma_start3A_148, %dma_start3A_149] : memref<10000x128xi32, #tpu.memory_space<hbm>> -> memref<10000x128xi32, #tpu.memory_space<hbm>>
        tpu.enqueue_indirect_dma source(%dma_start3A_150 : memref<10000x128xi32, #tpu.memory_space<hbm>>) target(%dma_start3A_146 : memref<128x128xi32, #tpu.memory_space<vmem>>) offsets(%dma_start3A_147 : memref<128xi32, #tpu.memory_space<vmem>>) semaphore(%arg12 : memref<!tpu.dma_semaphore, #tpu.memory_space<semaphore_mem>>)
      } else {
      }
      %sub3A_119 = arith.constant 1 : i32
      %sub3A_120 = arith.subi %add3A_107, %sub3A_119 : i32
      %ge3A_121 = arith.constant 0 : i32
      %ge3A_122 = arith.cmpi sge, %sub3A_120, %ge3A_121 : i32
      %sub3A_123 = arith.constant 1 : i32
      %sub3A_124 = arith.subi %add3A_107, %sub3A_123 : i32
      %lt3A_125 = arith.cmpi slt, %sub3A_124, %add3A_3 : i32
      %and3A_126 = arith.andi %ge3A_122, %lt3A_125 : i1
      %convert_element_type3A_127 = arith.extui %and3A_126 : i1 to i32
      %cond3A_128 = arith.constant 0 : i32
      %cond3A_129 = arith.cmpi ne, %convert_element_type3A_127, %cond3A_128 : i32
      scf.if %cond3A_129 {
        %dma_wait3A = arith.constant 1 : i32
        %dma_wait3A_141 = arith.constant 0 : i32
        %dma_wait3A_142 = arith.constant 0 : i32
        %dma_wait3A_143 = tpu.memref_slice %arg9[%dma_wait3A, %dma_wait3A_141, %dma_wait3A_142] : memref<3x128x128xi32, #tpu.memory_space<vmem>> -> memref<1x128x128xi32, #tpu.memory_space<vmem>>
        %dma_wait3A_144 = tpu.memref_squeeze %dma_wait3A_143 : memref<1x128x128xi32, #tpu.memory_space<vmem>> -> memref<128x128xi32, #tpu.memory_space<vmem>>
        %dma_wait3A_145 = arith.constant 0 : i32
        %dma_wait3A_146 = tpu.memref_slice %arg7[%dma_wait3A_145] : memref<256xi32, #tpu.memory_space<vmem>> -> memref<128xi32, #tpu.memory_space<vmem>>
        %dma_wait3A_147 = arith.constant 0 : i32
        %dma_wait3A_148 = arith.constant 0 : i32
        %dma_wait3A_149 = tpu.memref_slice %arg4[%dma_wait3A_147, %dma_wait3A_148] : memref<10000x128xi32, #tpu.memory_space<hbm>> -> memref<10000x128xi32, #tpu.memory_space<hbm>>
        tpu.wait_indirect_dma semaphore(%arg11 : memref<!tpu.dma_semaphore, #tpu.memory_space<semaphore_mem>>) src(%dma_wait3A_149 : memref<10000x128xi32, #tpu.memory_space<hbm>>) dst(%dma_wait3A_144 : memref<128x128xi32, #tpu.memory_space<vmem>>)
        %sub3A_150 = arith.constant 1 : i32
        %sub3A_151 = arith.subi %add3A_107, %sub3A_150 : i32
        %mul3A_152 = arith.constant 128 : i32
        %mul3A_153 = arith.muli %sub3A_151, %mul3A_152 : i32
        %dma_start3A = arith.constant 1 : i32
        %dma_start3A_154 = arith.constant 0 : i32
        %dma_start3A_155 = arith.constant 0 : i32
        %dma_start3A_156 = tpu.memref_slice %arg9[%dma_start3A, %dma_start3A_154, %dma_start3A_155] : memref<3x128x128xi32, #tpu.memory_space<vmem>> -> memref<1x128x128xi32, #tpu.memory_space<vmem>>
        %dma_start3A_157 = tpu.memref_squeeze %dma_start3A_156 : memref<1x128x128xi32, #tpu.memory_space<vmem>> -> memref<128x128xi32, #tpu.memory_space<vmem>>
        %dma_start3A_158 = tpu.memref_slice %arg8[%mul3A_153] : memref<256xi32, #tpu.memory_space<vmem>> -> memref<128xi32, #tpu.memory_space<vmem>>
        %dma_start3A_159 = arith.constant 0 : i32
        %dma_start3A_160 = arith.constant 0 : i32
        %dma_start3A_161 = tpu.memref_slice %arg5[%dma_start3A_159, %dma_start3A_160] : memref<10000x128xi32, #tpu.memory_space<hbm>> -> memref<10000x128xi32, #tpu.memory_space<hbm>>
        tpu.enqueue_indirect_dma source(%dma_start3A_161 : memref<10000x128xi32, #tpu.memory_space<hbm>>) target(%dma_start3A_157 : memref<128x128xi32, #tpu.memory_space<vmem>>) offsets(%dma_start3A_158 : memref<128xi32, #tpu.memory_space<vmem>>) semaphore(%arg14 : memref<!tpu.dma_semaphore, #tpu.memory_space<semaphore_mem>>) {add = true}
      } else {
      }
      %sub3A_130 = arith.constant 2 : i32
      %sub3A_131 = arith.subi %add3A_107, %sub3A_130 : i32
      %ge3A_132 = arith.constant 0 : i32
      %ge3A_133 = arith.cmpi sge, %sub3A_131, %ge3A_132 : i32
      %sub3A_134 = arith.constant 2 : i32
      %sub3A_135 = arith.subi %add3A_107, %sub3A_134 : i32
      %lt3A_136 = arith.cmpi slt, %sub3A_135, %add3A_3 : i32
      %and3A_137 = arith.andi %ge3A_133, %lt3A_136 : i1
      %convert_element_type3A_138 = arith.extui %and3A_137 : i1 to i32
      %cond3A_139 = arith.constant 0 : i32
      %cond3A_140 = arith.cmpi ne, %convert_element_type3A_138, %cond3A_139 : i32
      scf.if %cond3A_140 {
        %dma_wait3A = arith.constant 0 : i32
        %dma_wait3A_141 = arith.constant 0 : i32
        %dma_wait3A_142 = arith.constant 0 : i32
        %dma_wait3A_143 = tpu.memref_slice %arg9[%dma_wait3A, %dma_wait3A_141, %dma_wait3A_142] : memref<3x128x128xi32, #tpu.memory_space<vmem>> -> memref<1x128x128xi32, #tpu.memory_space<vmem>>
        %dma_wait3A_144 = tpu.memref_squeeze %dma_wait3A_143 : memref<1x128x128xi32, #tpu.memory_space<vmem>> -> memref<128x128xi32, #tpu.memory_space<vmem>>
        %dma_wait3A_145 = arith.constant 0 : i32
        %dma_wait3A_146 = tpu.memref_slice %arg8[%dma_wait3A_145] : memref<256xi32, #tpu.memory_space<vmem>> -> memref<128xi32, #tpu.memory_space<vmem>>
        %dma_wait3A_147 = arith.constant 0 : i32
        %dma_wait3A_148 = arith.constant 0 : i32
        %dma_wait3A_149 = tpu.memref_slice %arg5[%dma_wait3A_147, %dma_wait3A_148] : memref<10000x128xi32, #tpu.memory_space<hbm>> -> memref<10000x128xi32, #tpu.memory_space<hbm>>
        tpu.wait_indirect_dma semaphore(%arg13 : memref<!tpu.dma_semaphore, #tpu.memory_space<semaphore_mem>>) src(%dma_wait3A_149 : memref<10000x128xi32, #tpu.memory_space<hbm>>) dst(%dma_wait3A_144 : memref<128x128xi32, #tpu.memory_space<vmem>>)
        %sub3A_150 = arith.constant 2 : i32
        %sub3A_151 = arith.subi %add3A_107, %sub3A_150 : i32
        %mul3A_152 = arith.constant 128 : i32
        %mul3A_153 = arith.muli %sub3A_151, %mul3A_152 : i32
        %add3A_154 = arith.addi %mul3A_9, %mul3A_153 : i32
        %dma_start3A = arith.constant 0 : i32
        %dma_start3A_155 = arith.constant 0 : i32
        %dma_start3A_156 = arith.constant 0 : i32
        %dma_start3A_157 = tpu.memref_slice %arg9[%dma_start3A, %dma_start3A_155, %dma_start3A_156] : memref<3x128x128xi32, #tpu.memory_space<vmem>> -> memref<1x128x128xi32, #tpu.memory_space<vmem>>
        %dma_start3A_158 = tpu.memref_squeeze %dma_start3A_157 : memref<1x128x128xi32, #tpu.memory_space<vmem>> -> memref<128x128xi32, #tpu.memory_space<vmem>>
        %dma_start3A_159 = arith.constant 0 : i32
        %dma_start3A_160 = tpu.memref_slice %arg6[%add3A_154, %dma_start3A_159] : memref<5120x128xi32, #tpu.memory_space<hbm>> -> memref<128x128xi32, #tpu.memory_space<hbm>>
        %dma_start3A_161 = arith.constant 0 : i32
        %dma_start3A_162 = tpu.memref_slice %arg6[%add3A_154, %dma_start3A_161] : memref<5120x128xi32, #tpu.memory_space<hbm>> -> memref<128x128xi32, #tpu.memory_space<hbm>>
        %dma_start3A_163 = arith.constant 0 : i32
        %dma_start3A_164 = arith.constant 0 : i32
        %dma_start3A_165 = tpu.memref_slice %arg9[%dma_start3A, %dma_start3A_163, %dma_start3A_164] : memref<3x128x128xi32, #tpu.memory_space<vmem>> -> memref<1x128x128xi32, #tpu.memory_space<vmem>>
        %dma_start3A_166 = tpu.memref_squeeze %dma_start3A_165 : memref<1x128x128xi32, #tpu.memory_space<vmem>> -> memref<128x128xi32, #tpu.memory_space<vmem>>
        tpu.enqueue_dma source(%dma_start3A_166 : memref<128x128xi32, #tpu.memory_space<vmem>>) target(%dma_start3A_162 : memref<128x128xi32, #tpu.memory_space<hbm>>) target_semaphore(%arg16 : memref<!tpu.dma_semaphore, #tpu.memory_space<semaphore_mem>>)
      } else {
      }
    }
    %scan3A_18 = arith.constant 2 : i32
    %gt3A = arith.constant 0 : i32
    %gt3A_19 = arith.cmpi sgt, %add3A_3, %gt3A : i32
    %convert_element_type3A_20 = arith.extui %gt3A_19 : i1 to i32
    %cond3A = arith.constant 0 : i32
    %cond3A_21 = arith.cmpi ne, %convert_element_type3A_20, %cond3A : i32
    scf.if %cond3A_21 {
      %dma_wait3A = arith.constant 0 : i32
      %dma_wait3A_32 = arith.constant 0 : i32
      %dma_wait3A_33 = arith.constant 0 : i32
      %dma_wait3A_34 = tpu.memref_slice %arg9[%dma_wait3A, %dma_wait3A_32, %dma_wait3A_33] : memref<3x128x128xi32, #tpu.memory_space<vmem>> -> memref<1x128x128xi32, #tpu.memory_space<vmem>>
      %dma_wait3A_35 = tpu.memref_squeeze %dma_wait3A_34 : memref<1x128x128xi32, #tpu.memory_space<vmem>> -> memref<128x128xi32, #tpu.memory_space<vmem>>
      %dma_wait3A_36 = arith.constant 0 : i32
      %dma_wait3A_37 = arith.constant 0 : i32
      %dma_wait3A_38 = tpu.memref_slice %arg6[%dma_wait3A_36, %dma_wait3A_37] : memref<5120x128xi32, #tpu.memory_space<hbm>> -> memref<128x128xi32, #tpu.memory_space<hbm>>
      %dma_wait3A_39 = arith.constant 0 : i32
      %dma_wait3A_40 = arith.constant 0 : i32
      %dma_wait3A_41 = tpu.memref_slice %arg6[%dma_wait3A_39, %dma_wait3A_40] : memref<5120x128xi32, #tpu.memory_space<hbm>> -> memref<128x128xi32, #tpu.memory_space<hbm>>
      %dma_wait3A_42 = arith.constant 0 : i32
      %dma_wait3A_43 = arith.constant 0 : i32
      %dma_wait3A_44 = tpu.memref_slice %arg9[%dma_wait3A, %dma_wait3A_42, %dma_wait3A_43] : memref<3x128x128xi32, #tpu.memory_space<vmem>> -> memref<1x128x128xi32, #tpu.memory_space<vmem>>
      %dma_wait3A_45 = tpu.memref_squeeze %dma_wait3A_44 : memref<1x128x128xi32, #tpu.memory_space<vmem>> -> memref<128x128xi32, #tpu.memory_space<vmem>>
      tpu.wait_dma2 semaphore(%arg16 : memref<!tpu.dma_semaphore, #tpu.memory_space<semaphore_mem>>) src(%dma_wait3A_45 : memref<128x128xi32, #tpu.memory_space<vmem>>) dst(%dma_wait3A_41 : memref<128x128xi32, #tpu.memory_space<hbm>>)
    } else {
    }
    %gt3A_22 = arith.constant 1 : i32
    %gt3A_23 = arith.cmpi sgt, %add3A_3, %gt3A_22 : i32
    %convert_element_type3A_24 = arith.extui %gt3A_23 : i1 to i32
    %cond3A_25 = arith.constant 0 : i32
    %cond3A_26 = arith.cmpi ne, %convert_element_type3A_24, %cond3A_25 : i32
    scf.if %cond3A_26 {
      %dma_wait3A = arith.constant 1 : i32
      %dma_wait3A_32 = arith.constant 0 : i32
      %dma_wait3A_33 = arith.constant 0 : i32
      %dma_wait3A_34 = tpu.memref_slice %arg9[%dma_wait3A, %dma_wait3A_32, %dma_wait3A_33] : memref<3x128x128xi32, #tpu.memory_space<vmem>> -> memref<1x128x128xi32, #tpu.memory_space<vmem>>
      %dma_wait3A_35 = tpu.memref_squeeze %dma_wait3A_34 : memref<1x128x128xi32, #tpu.memory_space<vmem>> -> memref<128x128xi32, #tpu.memory_space<vmem>>
      %dma_wait3A_36 = arith.constant 0 : i32
      %dma_wait3A_37 = arith.constant 0 : i32
      %dma_wait3A_38 = tpu.memref_slice %arg6[%dma_wait3A_36, %dma_wait3A_37] : memref<5120x128xi32, #tpu.memory_space<hbm>> -> memref<128x128xi32, #tpu.memory_space<hbm>>
      %dma_wait3A_39 = arith.constant 0 : i32
      %dma_wait3A_40 = arith.constant 0 : i32
      %dma_wait3A_41 = tpu.memref_slice %arg6[%dma_wait3A_39, %dma_wait3A_40] : memref<5120x128xi32, #tpu.memory_space<hbm>> -> memref<128x128xi32, #tpu.memory_space<hbm>>
      %dma_wait3A_42 = arith.constant 0 : i32
      %dma_wait3A_43 = arith.constant 0 : i32
      %dma_wait3A_44 = tpu.memref_slice %arg9[%dma_wait3A, %dma_wait3A_42, %dma_wait3A_43] : memref<3x128x128xi32, #tpu.memory_space<vmem>> -> memref<1x128x128xi32, #tpu.memory_space<vmem>>
      %dma_wait3A_45 = tpu.memref_squeeze %dma_wait3A_44 : memref<1x128x128xi32, #tpu.memory_space<vmem>> -> memref<128x128xi32, #tpu.memory_space<vmem>>
      tpu.wait_dma2 semaphore(%arg17 : memref<!tpu.dma_semaphore, #tpu.memory_space<semaphore_mem>>) src(%dma_wait3A_45 : memref<128x128xi32, #tpu.memory_space<vmem>>) dst(%dma_wait3A_41 : memref<128x128xi32, #tpu.memory_space<hbm>>)
    } else {
    }
    %gt3A_27 = arith.constant 2 : i32
    %gt3A_28 = arith.cmpi sgt, %add3A_3, %gt3A_27 : i32
    %convert_element_type3A_29 = arith.extui %gt3A_28 : i1 to i32
    %cond3A_30 = arith.constant 0 : i32
    %cond3A_31 = arith.cmpi ne, %convert_element_type3A_29, %cond3A_30 : i32
    scf.if %cond3A_31 {
      %dma_wait3A = arith.constant 2 : i32
      %dma_wait3A_32 = arith.constant 0 : i32
      %dma_wait3A_33 = arith.constant 0 : i32
      %dma_wait3A_34 = tpu.memref_slice %arg9[%dma_wait3A, %dma_wait3A_32, %dma_wait3A_33] : memref<3x128x128xi32, #tpu.memory_space<vmem>> -> memref<1x128x128xi32, #tpu.memory_space<vmem>>
      %dma_wait3A_35 = tpu.memref_squeeze %dma_wait3A_34 : memref<1x128x128xi32, #tpu.memory_space<vmem>> -> memref<128x128xi32, #tpu.memory_space<vmem>>
      %dma_wait3A_36 = arith.constant 0 : i32
      %dma_wait3A_37 = arith.constant 0 : i32
      %dma_wait3A_38 = tpu.memref_slice %arg6[%dma_wait3A_36, %dma_wait3A_37] : memref<5120x128xi32, #tpu.memory_space<hbm>> -> memref<128x128xi32, #tpu.memory_space<hbm>>
      %dma_wait3A_39 = arith.constant 0 : i32
      %dma_wait3A_40 = arith.constant 0 : i32
      %dma_wait3A_41 = tpu.memref_slice %arg6[%dma_wait3A_39, %dma_wait3A_40] : memref<5120x128xi32, #tpu.memory_space<hbm>> -> memref<128x128xi32, #tpu.memory_space<hbm>>
      %dma_wait3A_42 = arith.constant 0 : i32
      %dma_wait3A_43 = arith.constant 0 : i32
      %dma_wait3A_44 = tpu.memref_slice %arg9[%dma_wait3A, %dma_wait3A_42, %dma_wait3A_43] : memref<3x128x128xi32, #tpu.memory_space<vmem>> -> memref<1x128x128xi32, #tpu.memory_space<vmem>>
      %dma_wait3A_45 = tpu.memref_squeeze %dma_wait3A_44 : memref<1x128x128xi32, #tpu.memory_space<vmem>> -> memref<128x128xi32, #tpu.memory_space<vmem>>
      tpu.wait_dma2 semaphore(%arg18 : memref<!tpu.dma_semaphore, #tpu.memory_space<semaphore_mem>>) src(%dma_wait3A_45 : memref<128x128xi32, #tpu.memory_space<vmem>>) dst(%dma_wait3A_41 : memref<128x128xi32, #tpu.memory_space<hbm>>)
    } else {
    }
    return
  }
}

module attributes {stable_mosaic.version = 14 : i64} {
  func.func @_edge_body(%arg0: i32, %arg1: memref<8x128xf32, #tpu.memory_space<vmem>>, %arg2: memref<1000x128xi32, #tpu.memory_space<vmem>>, %arg3: memref<256x256xbf16, #tpu.memory_space<vmem>>, %arg4: memref<1x256xf32, #tpu.memory_space<vmem>>, %arg5: memref<256x256xbf16, #tpu.memory_space<vmem>>, %arg6: memref<1x256xf32, #tpu.memory_space<vmem>>, %arg7: memref<2000x128xf32, #tpu.memory_space<vmem>>) attributes {dimension_semantics = [#tpu.dimension_semantics<arbitrary>], iteration_bounds = array<i64: 16>, scalar_prefetch = 0 : i64, scratch_operands = 0 : i64, tpu.core_type = #tpu.core_type<tc>, window_params = [{pipeline_mode = #tpu.pipeline_mode<synchronous>, transform_indices = @transform_0, window_bounds = array<i64: 8, 128>}, {transform_indices = @transform_1, window_bounds = array<i64: 1000, 128>}, {pipeline_mode = #tpu.pipeline_mode<synchronous>, transform_indices = @transform_2, window_bounds = array<i64: 256, 256>}, {pipeline_mode = #tpu.pipeline_mode<synchronous>, transform_indices = @transform_3, window_bounds = array<i64: 1, 256>}, {pipeline_mode = #tpu.pipeline_mode<synchronous>, transform_indices = @transform_4, window_bounds = array<i64: 256, 256>}, {pipeline_mode = #tpu.pipeline_mode<synchronous>, transform_indices = @transform_5, window_bounds = array<i64: 1, 256>}, {transform_indices = @transform_6, window_bounds = array<i64: 2000, 128>}]} {
    %get3A = arith.constant 0 : index
    %get3A_0 = arith.constant 0 : index
    %get3A_1 = vector.load %arg2[%get3A, %get3A_0] : memref<1000x128xi32, #tpu.memory_space<vmem>>, vector<1000x128xi32>
    %shift_left3A = arith.constant 16 : i32
    %shift_left3A_2 = vector.broadcast %shift_left3A : i32 to vector<1000x128xi32>
    %shift_left3A_3 = arith.shli %get3A_1, %shift_left3A_2 : vector<1000x128xi32>
    %bitcast_convert_type3A = tpu.bitcast %shift_left3A_3 : vector<1000x128xi32> -> vector<1000x128xf32>
    %and3A = arith.constant -65536 : i32
    %and3A_4 = vector.broadcast %and3A : i32 to vector<1000x128xi32>
    %and3A_5 = arith.andi %get3A_1, %and3A_4 : vector<1000x128xi32>
    %bitcast_convert_type3A_6 = tpu.bitcast %and3A_5 : vector<1000x128xi32> -> vector<1000x128xf32>
    %concatenate3A = tpu.concatenate %bitcast_convert_type3A, %bitcast_convert_type3A_6 in 1 : vector<1000x128xf32>, vector<1000x128xf32> -> vector<1000x256xf32>
    %get3A_7 = arith.constant 0 : index
    %get3A_8 = arith.constant 0 : index
    %get3A_9 = vector.load %arg3[%get3A_7, %get3A_8] : memref<256x256xbf16, #tpu.memory_space<vmem>>, vector<256x256xbf16>
    %get3A_10 = arith.constant 0 : index
    %get3A_11 = arith.constant 0 : index
    %get3A_12 = vector.load %arg4[%get3A_10, %get3A_11] : memref<1x256xf32, #tpu.memory_space<vmem>>, vector<1x256xf32>
    %get3A_13 = arith.constant 0 : index
    %get3A_14 = arith.constant 0 : index
    %get3A_15 = vector.load %arg5[%get3A_13, %get3A_14] : memref<256x256xbf16, #tpu.memory_space<vmem>>, vector<256x256xbf16>
    %get3A_16 = arith.constant 0 : index
    %get3A_17 = arith.constant 0 : index
    %get3A_18 = vector.load %arg6[%get3A_16, %get3A_17] : memref<1x256xf32, #tpu.memory_space<vmem>>, vector<1x256xf32>
    %convert_element_type3A = arith.truncf %concatenate3A : vector<1000x256xf32> to vector<1000x256xbf16>
    %dot_general3A = arith.constant dense<0.000000e+00> : vector<1000x256xf32>
    %dot_general3A_19 = tpu.matmul %convert_element_type3A, %get3A_9, %dot_general3A {dimension_numbers = #tpu.dot_dimension_numbers<[1], [1], [0], [0], [0, 0, 1, 0], [], []>, transpose_lhs_hint = false} : vector<1000x256xbf16>, vector<256x256xbf16>, vector<1000x256xf32> -> vector<1000x256xf32>
    %add3A = vector.broadcast %get3A_12 : vector<1x256xf32> to vector<1000x256xf32>
    %add3A_20 = arith.addf %dot_general3A_19, %add3A : vector<1000x256xf32>
    %exp3A = math.exp %add3A_20 : vector<1000x256xf32>
    %add3A_21 = arith.constant 2.000000e+00 : f32
    %add3A_22 = vector.broadcast %add3A_21 : f32 to vector<1000x256xf32>
    %add3A_23 = arith.addf %exp3A, %add3A_22 : vector<1000x256xf32>
    %mul3A = arith.mulf %exp3A, %add3A_23 : vector<1000x256xf32>
    %gt3A = arith.constant 2.000000e+01 : f32
    %gt3A_24 = vector.broadcast %gt3A : f32 to vector<1000x256xf32>
    %gt3A_25 = arith.cmpf ogt, %add3A_20, %gt3A_24 : vector<1000x256xf32>
    %add3A_26 = arith.constant 2.000000e+00 : f32
    %add3A_27 = vector.broadcast %add3A_26 : f32 to vector<1000x256xf32>
    %add3A_28 = arith.addf %mul3A, %add3A_27 : vector<1000x256xf32>
    %div3A = arith.divf %mul3A, %add3A_28 : vector<1000x256xf32>
    %mul3A_29 = arith.mulf %add3A_20, %div3A : vector<1000x256xf32>
    %select_n3A = arith.select %gt3A_25, %add3A_20, %mul3A_29 : vector<1000x256xi1>, vector<1000x256xf32>
    %convert_element_type3A_30 = arith.truncf %select_n3A : vector<1000x256xf32> to vector<1000x256xbf16>
    %dot_general3A_31 = arith.constant dense<0.000000e+00> : vector<1000x256xf32>
    %dot_general3A_32 = tpu.matmul %convert_element_type3A_30, %get3A_15, %dot_general3A_31 {dimension_numbers = #tpu.dot_dimension_numbers<[1], [1], [0], [0], [0, 0, 1, 0], [], []>, transpose_lhs_hint = false} : vector<1000x256xbf16>, vector<256x256xbf16>, vector<1000x256xf32> -> vector<1000x256xf32>
    %add3A_33 = vector.broadcast %get3A_18 : vector<1x256xf32> to vector<1000x256xf32>
    %add3A_34 = arith.addf %dot_general3A_32, %add3A_33 : vector<1000x256xf32>
    %add3A_35 = arith.addf %concatenate3A, %add3A_34 : vector<1000x256xf32>
    %reshape3A = vector.shape_cast %add3A_35 : vector<1000x256xf32> to vector<2000x128xf32>
    %swap3A = arith.constant 0 : index
    %swap3A_36 = arith.constant 0 : index
    %swap3A_37 = vector.load %arg7[%swap3A, %swap3A_36] : memref<2000x128xf32, #tpu.memory_space<vmem>>, vector<2000x128xf32>
    tpu.vector_store %arg7[%swap3A, %swap3A_36], %reshape3A {strides = array<i32>} : memref<2000x128xf32, #tpu.memory_space<vmem>>, vector<2000x128xf32>,
    return
  }
  func.func @transform_0(%arg0: i32) -> (i32, i32) {
    %c0_i32 = arith.constant 0 : i32
    %c0_i32_0 = arith.constant 0 : i32
    %c0_i32_1 = arith.constant 0 : i32
    return %c0_i32, %c0_i32_0 : i32, i32
  }
  func.func @transform_1(%arg0: i32) -> (i32, i32) {
    %add3A = arith.constant 0 : i32
    %add3A_0 = arith.addi %add3A, %arg0 : i32
    %c0_i32 = arith.constant 0 : i32
    %c0_i32_1 = arith.constant 0 : i32
    return %add3A_0, %c0_i32 : i32, i32
  }
  func.func @transform_2(%arg0: i32) -> (i32, i32) {
    %c0_i32 = arith.constant 0 : i32
    %c0_i32_0 = arith.constant 0 : i32
    %c0_i32_1 = arith.constant 0 : i32
    return %c0_i32, %c0_i32_0 : i32, i32
  }
  func.func @transform_3(%arg0: i32) -> (i32, i32) {
    %c0_i32 = arith.constant 0 : i32
    %c0_i32_0 = arith.constant 0 : i32
    %c0_i32_1 = arith.constant 0 : i32
    return %c0_i32, %c0_i32_0 : i32, i32
  }
  func.func @transform_4(%arg0: i32) -> (i32, i32) {
    %c0_i32 = arith.constant 0 : i32
    %c0_i32_0 = arith.constant 0 : i32
    %c0_i32_1 = arith.constant 0 : i32
    return %c0_i32, %c0_i32_0 : i32, i32
  }
  func.func @transform_5(%arg0: i32) -> (i32, i32) {
    %c0_i32 = arith.constant 0 : i32
    %c0_i32_0 = arith.constant 0 : i32
    %c0_i32_1 = arith.constant 0 : i32
    return %c0_i32, %c0_i32_0 : i32, i32
  }
  func.func @transform_6(%arg0: i32) -> (i32, i32) {
    %add3A = arith.constant 0 : i32
    %add3A_0 = arith.addi %add3A, %arg0 : i32
    %c0_i32 = arith.constant 0 : i32
    %c0_i32_1 = arith.constant 0 : i32
    return %add3A_0, %c0_i32 : i32, i32
  }
}

module attributes {stable_mosaic.version = 14 : i64} {
  func.func @_edge_body(%arg0: i32, %arg1: memref<8x128xf32, #tpu.memory_space<vmem>>, %arg2: memref<1000x128xi32, #tpu.memory_space<vmem>>, %arg3: memref<256x256xbf16, #tpu.memory_space<vmem>>, %arg4: memref<1x256xf32, #tpu.memory_space<vmem>>, %arg5: memref<256x256xbf16, #tpu.memory_space<vmem>>, %arg6: memref<1x256xf32, #tpu.memory_space<vmem>>, %arg7: memref<2000x128xf32, #tpu.memory_space<vmem>>) attributes {dimension_semantics = [#tpu.dimension_semantics<arbitrary>], iteration_bounds = array<i64: 112>, scalar_prefetch = 0 : i64, scratch_operands = 0 : i64, tpu.core_type = #tpu.core_type<tc>, window_params = [{transform_indices = @transform_0, window_bounds = array<i64: 8, 128>}, {transform_indices = @transform_1, window_bounds = array<i64: 1000, 128>}, {pipeline_mode = #tpu.pipeline_mode<synchronous>, transform_indices = @transform_2, window_bounds = array<i64: 256, 256>}, {pipeline_mode = #tpu.pipeline_mode<synchronous>, transform_indices = @transform_3, window_bounds = array<i64: 1, 256>}, {pipeline_mode = #tpu.pipeline_mode<synchronous>, transform_indices = @transform_4, window_bounds = array<i64: 256, 256>}, {pipeline_mode = #tpu.pipeline_mode<synchronous>, transform_indices = @transform_5, window_bounds = array<i64: 1, 256>}, {transform_indices = @transform_6, window_bounds = array<i64: 2000, 128>}]} {
    %get3A = arith.constant 0 : index
    %get3A_0 = arith.constant 0 : index
    %get3A_1 = vector.load %arg2[%get3A, %get3A_0] : memref<1000x128xi32, #tpu.memory_space<vmem>>, vector<1000x128xi32>
    %shift_left3A = arith.constant 16 : i32
    %shift_left3A_2 = vector.broadcast %shift_left3A : i32 to vector<1000x128xi32>
    %shift_left3A_3 = arith.shli %get3A_1, %shift_left3A_2 : vector<1000x128xi32>
    %bitcast_convert_type3A = tpu.bitcast %shift_left3A_3 : vector<1000x128xi32> -> vector<1000x128xf32>
    %and3A = arith.constant -65536 : i32
    %and3A_4 = vector.broadcast %and3A : i32 to vector<1000x128xi32>
    %and3A_5 = arith.andi %get3A_1, %and3A_4 : vector<1000x128xi32>
    %bitcast_convert_type3A_6 = tpu.bitcast %and3A_5 : vector<1000x128xi32> -> vector<1000x128xf32>
    %concatenate3A = tpu.concatenate %bitcast_convert_type3A, %bitcast_convert_type3A_6 in 1 : vector<1000x128xf32>, vector<1000x128xf32> -> vector<1000x256xf32>
    %get3A_7 = arith.constant 0 : index
    %get3A_8 = arith.constant 0 : index
    %get3A_9 = vector.load %arg3[%get3A_7, %get3A_8] : memref<256x256xbf16, #tpu.memory_space<vmem>>, vector<256x256xbf16>
    %get3A_10 = arith.constant 0 : index
    %get3A_11 = arith.constant 0 : index
    %get3A_12 = vector.load %arg4[%get3A_10, %get3A_11] : memref<1x256xf32, #tpu.memory_space<vmem>>, vector<1x256xf32>
    %get3A_13 = arith.constant 0 : index
    %get3A_14 = arith.constant 0 : index
    %get3A_15 = vector.load %arg5[%get3A_13, %get3A_14] : memref<256x256xbf16, #tpu.memory_space<vmem>>, vector<256x256xbf16>
    %get3A_16 = arith.constant 0 : index
    %get3A_17 = arith.constant 0 : index
    %get3A_18 = vector.load %arg6[%get3A_16, %get3A_17] : memref<1x256xf32, #tpu.memory_space<vmem>>, vector<1x256xf32>
    %convert_element_type3A = arith.truncf %concatenate3A : vector<1000x256xf32> to vector<1000x256xbf16>
    %dot_general3A = arith.constant dense<0.000000e+00> : vector<1000x256xf32>
    %dot_general3A_19 = tpu.matmul %convert_element_type3A, %get3A_9, %dot_general3A {dimension_numbers = #tpu.dot_dimension_numbers<[1], [1], [0], [0], [0, 0, 1, 0], [], []>, transpose_lhs_hint = false} : vector<1000x256xbf16>, vector<256x256xbf16>, vector<1000x256xf32> -> vector<1000x256xf32>
    %add3A = vector.broadcast %get3A_12 : vector<1x256xf32> to vector<1000x256xf32>
    %add3A_20 = arith.addf %dot_general3A_19, %add3A : vector<1000x256xf32>
    %exp3A = math.exp %add3A_20 : vector<1000x256xf32>
    %add3A_21 = arith.constant 2.000000e+00 : f32
    %add3A_22 = vector.broadcast %add3A_21 : f32 to vector<1000x256xf32>
    %add3A_23 = arith.addf %exp3A, %add3A_22 : vector<1000x256xf32>
    %mul3A = arith.mulf %exp3A, %add3A_23 : vector<1000x256xf32>
    %gt3A = arith.constant 2.000000e+01 : f32
    %gt3A_24 = vector.broadcast %gt3A : f32 to vector<1000x256xf32>
    %gt3A_25 = arith.cmpf ogt, %add3A_20, %gt3A_24 : vector<1000x256xf32>
    %add3A_26 = arith.constant 2.000000e+00 : f32
    %add3A_27 = vector.broadcast %add3A_26 : f32 to vector<1000x256xf32>
    %add3A_28 = arith.addf %mul3A, %add3A_27 : vector<1000x256xf32>
    %div3A = arith.divf %mul3A, %add3A_28 : vector<1000x256xf32>
    %mul3A_29 = arith.mulf %add3A_20, %div3A : vector<1000x256xf32>
    %select_n3A = arith.select %gt3A_25, %add3A_20, %mul3A_29 : vector<1000x256xi1>, vector<1000x256xf32>
    %convert_element_type3A_30 = arith.truncf %select_n3A : vector<1000x256xf32> to vector<1000x256xbf16>
    %dot_general3A_31 = arith.constant dense<0.000000e+00> : vector<1000x256xf32>
    %dot_general3A_32 = tpu.matmul %convert_element_type3A_30, %get3A_15, %dot_general3A_31 {dimension_numbers = #tpu.dot_dimension_numbers<[1], [1], [0], [0], [0, 0, 1, 0], [], []>, transpose_lhs_hint = false} : vector<1000x256xbf16>, vector<256x256xbf16>, vector<1000x256xf32> -> vector<1000x256xf32>
    %add3A_33 = vector.broadcast %get3A_18 : vector<1x256xf32> to vector<1000x256xf32>
    %add3A_34 = arith.addf %dot_general3A_32, %add3A_33 : vector<1000x256xf32>
    %add3A_35 = arith.addf %concatenate3A, %add3A_34 : vector<1000x256xf32>
    %reshape3A = vector.shape_cast %add3A_35 : vector<1000x256xf32> to vector<2000x128xf32>
    %swap3A = arith.constant 0 : index
    %swap3A_36 = arith.constant 0 : index
    %swap3A_37 = vector.load %arg7[%swap3A, %swap3A_36] : memref<2000x128xf32, #tpu.memory_space<vmem>>, vector<2000x128xf32>
    tpu.vector_store %arg7[%swap3A, %swap3A_36], %reshape3A {strides = array<i32>} : memref<2000x128xf32, #tpu.memory_space<vmem>>, vector<2000x128xf32>,
    return
  }
  func.func @transform_0(%arg0: i32) -> (i32, i32) {
    %c0_i32 = arith.constant 0 : i32
    %c0_i32_0 = arith.constant 0 : i32
    %c0_i32_1 = arith.constant 0 : i32
    return %c0_i32, %c0_i32_0 : i32, i32
  }
  func.func @transform_1(%arg0: i32) -> (i32, i32) {
    %add3A = arith.constant 0 : i32
    %add3A_0 = arith.addi %add3A, %arg0 : i32
    %c0_i32 = arith.constant 0 : i32
    %c0_i32_1 = arith.constant 0 : i32
    return %add3A_0, %c0_i32 : i32, i32
  }
  func.func @transform_2(%arg0: i32) -> (i32, i32) {
    %c0_i32 = arith.constant 0 : i32
    %c0_i32_0 = arith.constant 0 : i32
    %c0_i32_1 = arith.constant 0 : i32
    return %c0_i32, %c0_i32_0 : i32, i32
  }
  func.func @transform_3(%arg0: i32) -> (i32, i32) {
    %c0_i32 = arith.constant 0 : i32
    %c0_i32_0 = arith.constant 0 : i32
    %c0_i32_1 = arith.constant 0 : i32
    return %c0_i32, %c0_i32_0 : i32, i32
  }
  func.func @transform_4(%arg0: i32) -> (i32, i32) {
    %c0_i32 = arith.constant 0 : i32
    %c0_i32_0 = arith.constant 0 : i32
    %c0_i32_1 = arith.constant 0 : i32
    return %c0_i32, %c0_i32_0 : i32, i32
  }
  func.func @transform_5(%arg0: i32) -> (i32, i32) {
    %c0_i32 = arith.constant 0 : i32
    %c0_i32_0 = arith.constant 0 : i32
    %c0_i32_1 = arith.constant 0 : i32
    return %c0_i32, %c0_i32_0 : i32, i32
  }
  func.func @transform_6(%arg0: i32) -> (i32, i32) {
    %add3A = arith.constant 16 : i32
    %add3A_0 = arith.addi %add3A, %arg0 : i32
    %c0_i32 = arith.constant 0 : i32
    %c0_i32_1 = arith.constant 0 : i32
    return %add3A_0, %c0_i32 : i32, i32
  }
}

module attributes {stable_mosaic.version = 14 : i64} {
  func.func @_edge_body(%arg0: i32, %arg1: memref<8x128xf32, #tpu.memory_space<vmem>>, %arg2: memref<1000x128xi32, #tpu.memory_space<vmem>>, %arg3: memref<256x256xbf16, #tpu.memory_space<vmem>>, %arg4: memref<1x256xf32, #tpu.memory_space<vmem>>, %arg5: memref<256x256xbf16, #tpu.memory_space<vmem>>, %arg6: memref<1x256xf32, #tpu.memory_space<vmem>>, %arg7: memref<2000x128xf32, #tpu.memory_space<vmem>>) attributes {dimension_semantics = [#tpu.dimension_semantics<arbitrary>], iteration_bounds = array<i64: 96>, scalar_prefetch = 0 : i64, scratch_operands = 0 : i64, tpu.core_type = #tpu.core_type<tc>, window_params = [{transform_indices = @transform_0, window_bounds = array<i64: 8, 128>}, {transform_indices = @transform_1, window_bounds = array<i64: 1000, 128>}, {pipeline_mode = #tpu.pipeline_mode<synchronous>, transform_indices = @transform_2, window_bounds = array<i64: 256, 256>}, {pipeline_mode = #tpu.pipeline_mode<synchronous>, transform_indices = @transform_3, window_bounds = array<i64: 1, 256>}, {pipeline_mode = #tpu.pipeline_mode<synchronous>, transform_indices = @transform_4, window_bounds = array<i64: 256, 256>}, {pipeline_mode = #tpu.pipeline_mode<synchronous>, transform_indices = @transform_5, window_bounds = array<i64: 1, 256>}, {transform_indices = @transform_6, window_bounds = array<i64: 2000, 128>}]} {
    %get3A = arith.constant 0 : index
    %get3A_0 = arith.constant 0 : index
    %get3A_1 = vector.load %arg2[%get3A, %get3A_0] : memref<1000x128xi32, #tpu.memory_space<vmem>>, vector<1000x128xi32>
    %shift_left3A = arith.constant 16 : i32
    %shift_left3A_2 = vector.broadcast %shift_left3A : i32 to vector<1000x128xi32>
    %shift_left3A_3 = arith.shli %get3A_1, %shift_left3A_2 : vector<1000x128xi32>
    %bitcast_convert_type3A = tpu.bitcast %shift_left3A_3 : vector<1000x128xi32> -> vector<1000x128xf32>
    %and3A = arith.constant -65536 : i32
    %and3A_4 = vector.broadcast %and3A : i32 to vector<1000x128xi32>
    %and3A_5 = arith.andi %get3A_1, %and3A_4 : vector<1000x128xi32>
    %bitcast_convert_type3A_6 = tpu.bitcast %and3A_5 : vector<1000x128xi32> -> vector<1000x128xf32>
    %concatenate3A = tpu.concatenate %bitcast_convert_type3A, %bitcast_convert_type3A_6 in 1 : vector<1000x128xf32>, vector<1000x128xf32> -> vector<1000x256xf32>
    %get3A_7 = arith.constant 0 : index
    %get3A_8 = arith.constant 0 : index
    %get3A_9 = vector.load %arg3[%get3A_7, %get3A_8] : memref<256x256xbf16, #tpu.memory_space<vmem>>, vector<256x256xbf16>
    %get3A_10 = arith.constant 0 : index
    %get3A_11 = arith.constant 0 : index
    %get3A_12 = vector.load %arg4[%get3A_10, %get3A_11] : memref<1x256xf32, #tpu.memory_space<vmem>>, vector<1x256xf32>
    %get3A_13 = arith.constant 0 : index
    %get3A_14 = arith.constant 0 : index
    %get3A_15 = vector.load %arg5[%get3A_13, %get3A_14] : memref<256x256xbf16, #tpu.memory_space<vmem>>, vector<256x256xbf16>
    %get3A_16 = arith.constant 0 : index
    %get3A_17 = arith.constant 0 : index
    %get3A_18 = vector.load %arg6[%get3A_16, %get3A_17] : memref<1x256xf32, #tpu.memory_space<vmem>>, vector<1x256xf32>
    %convert_element_type3A = arith.truncf %concatenate3A : vector<1000x256xf32> to vector<1000x256xbf16>
    %dot_general3A = arith.constant dense<0.000000e+00> : vector<1000x256xf32>
    %dot_general3A_19 = tpu.matmul %convert_element_type3A, %get3A_9, %dot_general3A {dimension_numbers = #tpu.dot_dimension_numbers<[1], [1], [0], [0], [0, 0, 1, 0], [], []>, transpose_lhs_hint = false} : vector<1000x256xbf16>, vector<256x256xbf16>, vector<1000x256xf32> -> vector<1000x256xf32>
    %add3A = vector.broadcast %get3A_12 : vector<1x256xf32> to vector<1000x256xf32>
    %add3A_20 = arith.addf %dot_general3A_19, %add3A : vector<1000x256xf32>
    %exp3A = math.exp %add3A_20 : vector<1000x256xf32>
    %add3A_21 = arith.constant 2.000000e+00 : f32
    %add3A_22 = vector.broadcast %add3A_21 : f32 to vector<1000x256xf32>
    %add3A_23 = arith.addf %exp3A, %add3A_22 : vector<1000x256xf32>
    %mul3A = arith.mulf %exp3A, %add3A_23 : vector<1000x256xf32>
    %gt3A = arith.constant 2.000000e+01 : f32
    %gt3A_24 = vector.broadcast %gt3A : f32 to vector<1000x256xf32>
    %gt3A_25 = arith.cmpf ogt, %add3A_20, %gt3A_24 : vector<1000x256xf32>
    %add3A_26 = arith.constant 2.000000e+00 : f32
    %add3A_27 = vector.broadcast %add3A_26 : f32 to vector<1000x256xf32>
    %add3A_28 = arith.addf %mul3A, %add3A_27 : vector<1000x256xf32>
    %div3A = arith.divf %mul3A, %add3A_28 : vector<1000x256xf32>
    %mul3A_29 = arith.mulf %add3A_20, %div3A : vector<1000x256xf32>
    %select_n3A = arith.select %gt3A_25, %add3A_20, %mul3A_29 : vector<1000x256xi1>, vector<1000x256xf32>
    %convert_element_type3A_30 = arith.truncf %select_n3A : vector<1000x256xf32> to vector<1000x256xbf16>
    %dot_general3A_31 = arith.constant dense<0.000000e+00> : vector<1000x256xf32>
    %dot_general3A_32 = tpu.matmul %convert_element_type3A_30, %get3A_15, %dot_general3A_31 {dimension_numbers = #tpu.dot_dimension_numbers<[1], [1], [0], [0], [0, 0, 1, 0], [], []>, transpose_lhs_hint = false} : vector<1000x256xbf16>, vector<256x256xbf16>, vector<1000x256xf32> -> vector<1000x256xf32>
    %add3A_33 = vector.broadcast %get3A_18 : vector<1x256xf32> to vector<1000x256xf32>
    %add3A_34 = arith.addf %dot_general3A_32, %add3A_33 : vector<1000x256xf32>
    %add3A_35 = arith.addf %concatenate3A, %add3A_34 : vector<1000x256xf32>
    %reshape3A = vector.shape_cast %add3A_35 : vector<1000x256xf32> to vector<2000x128xf32>
    %swap3A = arith.constant 0 : index
    %swap3A_36 = arith.constant 0 : index
    %swap3A_37 = vector.load %arg7[%swap3A, %swap3A_36] : memref<2000x128xf32, #tpu.memory_space<vmem>>, vector<2000x128xf32>
    tpu.vector_store %arg7[%swap3A, %swap3A_36], %reshape3A {strides = array<i32>} : memref<2000x128xf32, #tpu.memory_space<vmem>>, vector<2000x128xf32>,
    return
  }
  func.func @transform_0(%arg0: i32) -> (i32, i32) {
    %c0_i32 = arith.constant 0 : i32
    %c0_i32_0 = arith.constant 0 : i32
    %c0_i32_1 = arith.constant 0 : i32
    return %c0_i32, %c0_i32_0 : i32, i32
  }
  func.func @transform_1(%arg0: i32) -> (i32, i32) {
    %add3A = arith.constant 0 : i32
    %add3A_0 = arith.addi %add3A, %arg0 : i32
    %c0_i32 = arith.constant 0 : i32
    %c0_i32_1 = arith.constant 0 : i32
    return %add3A_0, %c0_i32 : i32, i32
  }
  func.func @transform_2(%arg0: i32) -> (i32, i32) {
    %c0_i32 = arith.constant 0 : i32
    %c0_i32_0 = arith.constant 0 : i32
    %c0_i32_1 = arith.constant 0 : i32
    return %c0_i32, %c0_i32_0 : i32, i32
  }
  func.func @transform_3(%arg0: i32) -> (i32, i32) {
    %c0_i32 = arith.constant 0 : i32
    %c0_i32_0 = arith.constant 0 : i32
    %c0_i32_1 = arith.constant 0 : i32
    return %c0_i32, %c0_i32_0 : i32, i32
  }
  func.func @transform_4(%arg0: i32) -> (i32, i32) {
    %c0_i32 = arith.constant 0 : i32
    %c0_i32_0 = arith.constant 0 : i32
    %c0_i32_1 = arith.constant 0 : i32
    return %c0_i32, %c0_i32_0 : i32, i32
  }
  func.func @transform_5(%arg0: i32) -> (i32, i32) {
    %c0_i32 = arith.constant 0 : i32
    %c0_i32_0 = arith.constant 0 : i32
    %c0_i32_1 = arith.constant 0 : i32
    return %c0_i32, %c0_i32_0 : i32, i32
  }
  func.func @transform_6(%arg0: i32) -> (i32, i32) {
    %add3A = arith.constant 128 : i32
    %add3A_0 = arith.addi %add3A, %arg0 : i32
    %c0_i32 = arith.constant 0 : i32
    %c0_i32_1 = arith.constant 0 : i32
    return %add3A_0, %c0_i32 : i32, i32
  }
}

module attributes {stable_mosaic.version = 14 : i64} {
  func.func @_edge_body(%arg0: i32, %arg1: memref<8x128xf32, #tpu.memory_space<vmem>>, %arg2: memref<1000x128xi32, #tpu.memory_space<vmem>>, %arg3: memref<256x256xbf16, #tpu.memory_space<vmem>>, %arg4: memref<1x256xf32, #tpu.memory_space<vmem>>, %arg5: memref<256x256xbf16, #tpu.memory_space<vmem>>, %arg6: memref<1x256xf32, #tpu.memory_space<vmem>>, %arg7: memref<2000x128xf32, #tpu.memory_space<vmem>>) attributes {dimension_semantics = [#tpu.dimension_semantics<arbitrary>], iteration_bounds = array<i64: 96>, scalar_prefetch = 0 : i64, scratch_operands = 0 : i64, tpu.core_type = #tpu.core_type<tc>, window_params = [{transform_indices = @transform_0, window_bounds = array<i64: 8, 128>}, {transform_indices = @transform_1, window_bounds = array<i64: 1000, 128>}, {pipeline_mode = #tpu.pipeline_mode<synchronous>, transform_indices = @transform_2, window_bounds = array<i64: 256, 256>}, {pipeline_mode = #tpu.pipeline_mode<synchronous>, transform_indices = @transform_3, window_bounds = array<i64: 1, 256>}, {pipeline_mode = #tpu.pipeline_mode<synchronous>, transform_indices = @transform_4, window_bounds = array<i64: 256, 256>}, {pipeline_mode = #tpu.pipeline_mode<synchronous>, transform_indices = @transform_5, window_bounds = array<i64: 1, 256>}, {transform_indices = @transform_6, window_bounds = array<i64: 2000, 128>}]} {
    %get3A = arith.constant 0 : index
    %get3A_0 = arith.constant 0 : index
    %get3A_1 = vector.load %arg2[%get3A, %get3A_0] : memref<1000x128xi32, #tpu.memory_space<vmem>>, vector<1000x128xi32>
    %shift_left3A = arith.constant 16 : i32
    %shift_left3A_2 = vector.broadcast %shift_left3A : i32 to vector<1000x128xi32>
    %shift_left3A_3 = arith.shli %get3A_1, %shift_left3A_2 : vector<1000x128xi32>
    %bitcast_convert_type3A = tpu.bitcast %shift_left3A_3 : vector<1000x128xi32> -> vector<1000x128xf32>
    %and3A = arith.constant -65536 : i32
    %and3A_4 = vector.broadcast %and3A : i32 to vector<1000x128xi32>
    %and3A_5 = arith.andi %get3A_1, %and3A_4 : vector<1000x128xi32>
    %bitcast_convert_type3A_6 = tpu.bitcast %and3A_5 : vector<1000x128xi32> -> vector<1000x128xf32>
    %concatenate3A = tpu.concatenate %bitcast_convert_type3A, %bitcast_convert_type3A_6 in 1 : vector<1000x128xf32>, vector<1000x128xf32> -> vector<1000x256xf32>
    %get3A_7 = arith.constant 0 : index
    %get3A_8 = arith.constant 0 : index
    %get3A_9 = vector.load %arg3[%get3A_7, %get3A_8] : memref<256x256xbf16, #tpu.memory_space<vmem>>, vector<256x256xbf16>
    %get3A_10 = arith.constant 0 : index
    %get3A_11 = arith.constant 0 : index
    %get3A_12 = vector.load %arg4[%get3A_10, %get3A_11] : memref<1x256xf32, #tpu.memory_space<vmem>>, vector<1x256xf32>
    %get3A_13 = arith.constant 0 : index
    %get3A_14 = arith.constant 0 : index
    %get3A_15 = vector.load %arg5[%get3A_13, %get3A_14] : memref<256x256xbf16, #tpu.memory_space<vmem>>, vector<256x256xbf16>
    %get3A_16 = arith.constant 0 : index
    %get3A_17 = arith.constant 0 : index
    %get3A_18 = vector.load %arg6[%get3A_16, %get3A_17] : memref<1x256xf32, #tpu.memory_space<vmem>>, vector<1x256xf32>
    %convert_element_type3A = arith.truncf %concatenate3A : vector<1000x256xf32> to vector<1000x256xbf16>
    %dot_general3A = arith.constant dense<0.000000e+00> : vector<1000x256xf32>
    %dot_general3A_19 = tpu.matmul %convert_element_type3A, %get3A_9, %dot_general3A {dimension_numbers = #tpu.dot_dimension_numbers<[1], [1], [0], [0], [0, 0, 1, 0], [], []>, transpose_lhs_hint = false} : vector<1000x256xbf16>, vector<256x256xbf16>, vector<1000x256xf32> -> vector<1000x256xf32>
    %add3A = vector.broadcast %get3A_12 : vector<1x256xf32> to vector<1000x256xf32>
    %add3A_20 = arith.addf %dot_general3A_19, %add3A : vector<1000x256xf32>
    %exp3A = math.exp %add3A_20 : vector<1000x256xf32>
    %add3A_21 = arith.constant 2.000000e+00 : f32
    %add3A_22 = vector.broadcast %add3A_21 : f32 to vector<1000x256xf32>
    %add3A_23 = arith.addf %exp3A, %add3A_22 : vector<1000x256xf32>
    %mul3A = arith.mulf %exp3A, %add3A_23 : vector<1000x256xf32>
    %gt3A = arith.constant 2.000000e+01 : f32
    %gt3A_24 = vector.broadcast %gt3A : f32 to vector<1000x256xf32>
    %gt3A_25 = arith.cmpf ogt, %add3A_20, %gt3A_24 : vector<1000x256xf32>
    %add3A_26 = arith.constant 2.000000e+00 : f32
    %add3A_27 = vector.broadcast %add3A_26 : f32 to vector<1000x256xf32>
    %add3A_28 = arith.addf %mul3A, %add3A_27 : vector<1000x256xf32>
    %div3A = arith.divf %mul3A, %add3A_28 : vector<1000x256xf32>
    %mul3A_29 = arith.mulf %add3A_20, %div3A : vector<1000x256xf32>
    %select_n3A = arith.select %gt3A_25, %add3A_20, %mul3A_29 : vector<1000x256xi1>, vector<1000x256xf32>
    %convert_element_type3A_30 = arith.truncf %select_n3A : vector<1000x256xf32> to vector<1000x256xbf16>
    %dot_general3A_31 = arith.constant dense<0.000000e+00> : vector<1000x256xf32>
    %dot_general3A_32 = tpu.matmul %convert_element_type3A_30, %get3A_15, %dot_general3A_31 {dimension_numbers = #tpu.dot_dimension_numbers<[1], [1], [0], [0], [0, 0, 1, 0], [], []>, transpose_lhs_hint = false} : vector<1000x256xbf16>, vector<256x256xbf16>, vector<1000x256xf32> -> vector<1000x256xf32>
    %add3A_33 = vector.broadcast %get3A_18 : vector<1x256xf32> to vector<1000x256xf32>
    %add3A_34 = arith.addf %dot_general3A_32, %add3A_33 : vector<1000x256xf32>
    %add3A_35 = arith.addf %concatenate3A, %add3A_34 : vector<1000x256xf32>
    %reshape3A = vector.shape_cast %add3A_35 : vector<1000x256xf32> to vector<2000x128xf32>
    %swap3A = arith.constant 0 : index
    %swap3A_36 = arith.constant 0 : index
    %swap3A_37 = vector.load %arg7[%swap3A, %swap3A_36] : memref<2000x128xf32, #tpu.memory_space<vmem>>, vector<2000x128xf32>
    tpu.vector_store %arg7[%swap3A, %swap3A_36], %reshape3A {strides = array<i32>} : memref<2000x128xf32, #tpu.memory_space<vmem>>, vector<2000x128xf32>,
    return
  }
  func.func @transform_0(%arg0: i32) -> (i32, i32) {
    %c0_i32 = arith.constant 0 : i32
    %c0_i32_0 = arith.constant 0 : i32
    %c0_i32_1 = arith.constant 0 : i32
    return %c0_i32, %c0_i32_0 : i32, i32
  }
  func.func @transform_1(%arg0: i32) -> (i32, i32) {
    %add3A = arith.constant 0 : i32
    %add3A_0 = arith.addi %add3A, %arg0 : i32
    %c0_i32 = arith.constant 0 : i32
    %c0_i32_1 = arith.constant 0 : i32
    return %add3A_0, %c0_i32 : i32, i32
  }
  func.func @transform_2(%arg0: i32) -> (i32, i32) {
    %c0_i32 = arith.constant 0 : i32
    %c0_i32_0 = arith.constant 0 : i32
    %c0_i32_1 = arith.constant 0 : i32
    return %c0_i32, %c0_i32_0 : i32, i32
  }
  func.func @transform_3(%arg0: i32) -> (i32, i32) {
    %c0_i32 = arith.constant 0 : i32
    %c0_i32_0 = arith.constant 0 : i32
    %c0_i32_1 = arith.constant 0 : i32
    return %c0_i32, %c0_i32_0 : i32, i32
  }
  func.func @transform_4(%arg0: i32) -> (i32, i32) {
    %c0_i32 = arith.constant 0 : i32
    %c0_i32_0 = arith.constant 0 : i32
    %c0_i32_1 = arith.constant 0 : i32
    return %c0_i32, %c0_i32_0 : i32, i32
  }
  func.func @transform_5(%arg0: i32) -> (i32, i32) {
    %c0_i32 = arith.constant 0 : i32
    %c0_i32_0 = arith.constant 0 : i32
    %c0_i32_1 = arith.constant 0 : i32
    return %c0_i32, %c0_i32_0 : i32, i32
  }
  func.func @transform_6(%arg0: i32) -> (i32, i32) {
    %add3A = arith.constant 224 : i32
    %add3A_0 = arith.addi %add3A, %arg0 : i32
    %c0_i32 = arith.constant 0 : i32
    %c0_i32_1 = arith.constant 0 : i32
    return %add3A_0, %c0_i32 : i32, i32
  }
}

module attributes {stable_mosaic.version = 14 : i64} {
  func.func @_label_body(%arg0: i32, %arg1: memref<8x128xf32, #tpu.memory_space<vmem>>, %arg2: memref<1000x128xi32, #tpu.memory_space<vmem>>, %arg3: memref<128x128xbf16, #tpu.memory_space<vmem>>, %arg4: memref<1x128xf32, #tpu.memory_space<vmem>>, %arg5: memref<128x128xbf16, #tpu.memory_space<vmem>>, %arg6: memref<1x128xf32, #tpu.memory_space<vmem>>, %arg7: memref<2000x128xf32, #tpu.memory_space<vmem>>) attributes {dimension_semantics = [#tpu.dimension_semantics<arbitrary>], iteration_bounds = array<i64: 5>, scalar_prefetch = 0 : i64, scratch_operands = 0 : i64, tpu.core_type = #tpu.core_type<tc>, window_params = [{transform_indices = @transform_0, window_bounds = array<i64: 8, 128>}, {transform_indices = @transform_1, window_bounds = array<i64: 1000, 128>}, {pipeline_mode = #tpu.pipeline_mode<synchronous>, transform_indices = @transform_2, window_bounds = array<i64: 128, 128>}, {pipeline_mode = #tpu.pipeline_mode<synchronous>, transform_indices = @transform_3, window_bounds = array<i64: 1, 128>}, {pipeline_mode = #tpu.pipeline_mode<synchronous>, transform_indices = @transform_4, window_bounds = array<i64: 128, 128>}, {pipeline_mode = #tpu.pipeline_mode<synchronous>, transform_indices = @transform_5, window_bounds = array<i64: 1, 128>}, {transform_indices = @transform_6, window_bounds = array<i64: 2000, 128>}]} {
    %get3A = arith.constant 0 : index
    %get3A_0 = arith.constant 0 : index
    %get3A_1 = vector.load %arg2[%get3A, %get3A_0] : memref<1000x128xi32, #tpu.memory_space<vmem>>, vector<1000x128xi32>
    %shift_left3A = arith.constant 16 : i32
    %shift_left3A_2 = vector.broadcast %shift_left3A : i32 to vector<1000x128xi32>
    %shift_left3A_3 = arith.shli %get3A_1, %shift_left3A_2 : vector<1000x128xi32>
    %bitcast_convert_type3A = tpu.bitcast %shift_left3A_3 : vector<1000x128xi32> -> vector<1000x128xf32>
    %and3A = arith.constant -65536 : i32
    %and3A_4 = vector.broadcast %and3A : i32 to vector<1000x128xi32>
    %and3A_5 = arith.andi %get3A_1, %and3A_4 : vector<1000x128xi32>
    %bitcast_convert_type3A_6 = tpu.bitcast %and3A_5 : vector<1000x128xi32> -> vector<1000x128xf32>
    %get3A_7 = arith.constant 0 : index
    %get3A_8 = arith.constant 0 : index
    %get3A_9 = vector.load %arg3[%get3A_7, %get3A_8] : memref<128x128xbf16, #tpu.memory_space<vmem>>, vector<128x128xbf16>
    %get3A_10 = arith.constant 0 : index
    %get3A_11 = arith.constant 0 : index
    %get3A_12 = vector.load %arg4[%get3A_10, %get3A_11] : memref<1x128xf32, #tpu.memory_space<vmem>>, vector<1x128xf32>
    %get3A_13 = arith.constant 0 : index
    %get3A_14 = arith.constant 0 : index
    %get3A_15 = vector.load %arg5[%get3A_13, %get3A_14] : memref<128x128xbf16, #tpu.memory_space<vmem>>, vector<128x128xbf16>
    %get3A_16 = arith.constant 0 : index
    %get3A_17 = arith.constant 0 : index
    %get3A_18 = vector.load %arg6[%get3A_16, %get3A_17] : memref<1x128xf32, #tpu.memory_space<vmem>>, vector<1x128xf32>
    %convert_element_type3A = arith.truncf %bitcast_convert_type3A : vector<1000x128xf32> to vector<1000x128xbf16>
    %dot_general3A = arith.constant dense<0.000000e+00> : vector<1000x128xf32>
    %dot_general3A_19 = tpu.matmul %convert_element_type3A, %get3A_9, %dot_general3A {dimension_numbers = #tpu.dot_dimension_numbers<[1], [1], [0], [0], [0, 0, 1, 0], [], []>, transpose_lhs_hint = false} : vector<1000x128xbf16>, vector<128x128xbf16>, vector<1000x128xf32> -> vector<1000x128xf32>
    %add3A = vector.broadcast %get3A_12 : vector<1x128xf32> to vector<1000x128xf32>
    %add3A_20 = arith.addf %dot_general3A_19, %add3A : vector<1000x128xf32>
    %exp3A = math.exp %add3A_20 : vector<1000x128xf32>
    %add3A_21 = arith.constant 2.000000e+00 : f32
    %add3A_22 = vector.broadcast %add3A_21 : f32 to vector<1000x128xf32>
    %add3A_23 = arith.addf %exp3A, %add3A_22 : vector<1000x128xf32>
    %mul3A = arith.mulf %exp3A, %add3A_23 : vector<1000x128xf32>
    %gt3A = arith.constant 2.000000e+01 : f32
    %gt3A_24 = vector.broadcast %gt3A : f32 to vector<1000x128xf32>
    %gt3A_25 = arith.cmpf ogt, %add3A_20, %gt3A_24 : vector<1000x128xf32>
    %add3A_26 = arith.constant 2.000000e+00 : f32
    %add3A_27 = vector.broadcast %add3A_26 : f32 to vector<1000x128xf32>
    %add3A_28 = arith.addf %mul3A, %add3A_27 : vector<1000x128xf32>
    %div3A = arith.divf %mul3A, %add3A_28 : vector<1000x128xf32>
    %mul3A_29 = arith.mulf %add3A_20, %div3A : vector<1000x128xf32>
    %select_n3A = arith.select %gt3A_25, %add3A_20, %mul3A_29 : vector<1000x128xi1>, vector<1000x128xf32>
    %convert_element_type3A_30 = arith.truncf %select_n3A : vector<1000x128xf32> to vector<1000x128xbf16>
    %dot_general3A_31 = arith.constant dense<0.000000e+00> : vector<1000x128xf32>
    %dot_general3A_32 = tpu.matmul %convert_element_type3A_30, %get3A_15, %dot_general3A_31 {dimension_numbers = #tpu.dot_dimension_numbers<[1], [1], [0], [0], [0, 0, 1, 0], [], []>, transpose_lhs_hint = false} : vector<1000x128xbf16>, vector<128x128xbf16>, vector<1000x128xf32> -> vector<1000x128xf32>
    %add3A_33 = vector.broadcast %get3A_18 : vector<1x128xf32> to vector<1000x128xf32>
    %add3A_34 = arith.addf %dot_general3A_32, %add3A_33 : vector<1000x128xf32>
    %add3A_35 = arith.addf %bitcast_convert_type3A, %add3A_34 : vector<1000x128xf32>
    %get3A_36 = arith.constant 0 : index
    %get3A_37 = arith.constant 0 : index
    %get3A_38 = vector.load %arg3[%get3A_36, %get3A_37] : memref<128x128xbf16, #tpu.memory_space<vmem>>, vector<128x128xbf16>
    %get3A_39 = arith.constant 0 : index
    %get3A_40 = arith.constant 0 : index
    %get3A_41 = vector.load %arg4[%get3A_39, %get3A_40] : memref<1x128xf32, #tpu.memory_space<vmem>>, vector<1x128xf32>
    %get3A_42 = arith.constant 0 : index
    %get3A_43 = arith.constant 0 : index
    %get3A_44 = vector.load %arg5[%get3A_42, %get3A_43] : memref<128x128xbf16, #tpu.memory_space<vmem>>, vector<128x128xbf16>
    %get3A_45 = arith.constant 0 : index
    %get3A_46 = arith.constant 0 : index
    %get3A_47 = vector.load %arg6[%get3A_45, %get3A_46] : memref<1x128xf32, #tpu.memory_space<vmem>>, vector<1x128xf32>
    %convert_element_type3A_48 = arith.truncf %bitcast_convert_type3A_6 : vector<1000x128xf32> to vector<1000x128xbf16>
    %dot_general3A_49 = arith.constant dense<0.000000e+00> : vector<1000x128xf32>
    %dot_general3A_50 = tpu.matmul %convert_element_type3A_48, %get3A_38, %dot_general3A_49 {dimension_numbers = #tpu.dot_dimension_numbers<[1], [1], [0], [0], [0, 0, 1, 0], [], []>, transpose_lhs_hint = false} : vector<1000x128xbf16>, vector<128x128xbf16>, vector<1000x128xf32> -> vector<1000x128xf32>
    %add3A_51 = vector.broadcast %get3A_41 : vector<1x128xf32> to vector<1000x128xf32>
    %add3A_52 = arith.addf %dot_general3A_50, %add3A_51 : vector<1000x128xf32>
    %exp3A_53 = math.exp %add3A_52 : vector<1000x128xf32>
    %add3A_54 = arith.constant 2.000000e+00 : f32
    %add3A_55 = vector.broadcast %add3A_54 : f32 to vector<1000x128xf32>
    %add3A_56 = arith.addf %exp3A_53, %add3A_55 : vector<1000x128xf32>
    %mul3A_57 = arith.mulf %exp3A_53, %add3A_56 : vector<1000x128xf32>
    %gt3A_58 = arith.constant 2.000000e+01 : f32
    %gt3A_59 = vector.broadcast %gt3A_58 : f32 to vector<1000x128xf32>
    %gt3A_60 = arith.cmpf ogt, %add3A_52, %gt3A_59 : vector<1000x128xf32>
    %add3A_61 = arith.constant 2.000000e+00 : f32
    %add3A_62 = vector.broadcast %add3A_61 : f32 to vector<1000x128xf32>
    %add3A_63 = arith.addf %mul3A_57, %add3A_62 : vector<1000x128xf32>
    %div3A_64 = arith.divf %mul3A_57, %add3A_63 : vector<1000x128xf32>
    %mul3A_65 = arith.mulf %add3A_52, %div3A_64 : vector<1000x128xf32>
    %select_n3A_66 = arith.select %gt3A_60, %add3A_52, %mul3A_65 : vector<1000x128xi1>, vector<1000x128xf32>
    %convert_element_type3A_67 = arith.truncf %select_n3A_66 : vector<1000x128xf32> to vector<1000x128xbf16>
    %dot_general3A_68 = arith.constant dense<0.000000e+00> : vector<1000x128xf32>
    %dot_general3A_69 = tpu.matmul %convert_element_type3A_67, %get3A_44, %dot_general3A_68 {dimension_numbers = #tpu.dot_dimension_numbers<[1], [1], [0], [0], [0, 0, 1, 0], [], []>, transpose_lhs_hint = false} : vector<1000x128xbf16>, vector<128x128xbf16>, vector<1000x128xf32> -> vector<1000x128xf32>
    %add3A_70 = vector.broadcast %get3A_47 : vector<1x128xf32> to vector<1000x128xf32>
    %add3A_71 = arith.addf %dot_general3A_69, %add3A_70 : vector<1000x128xf32>
    %add3A_72 = arith.addf %bitcast_convert_type3A_6, %add3A_71 : vector<1000x128xf32>
    %stack3A = vector.shape_cast %add3A_35 : vector<1000x128xf32> to vector<1000x1x128xf32>
    %stack3A_73 = vector.shape_cast %add3A_72 : vector<1000x128xf32> to vector<1000x1x128xf32>
    %stack3A_74 = tpu.concatenate %stack3A, %stack3A_73 in 1 : vector<1000x1x128xf32>, vector<1000x1x128xf32> -> vector<1000x2x128xf32>
    %reshape3A = vector.shape_cast %stack3A_74 : vector<1000x2x128xf32> to vector<2000x128xf32>
    %swap3A = arith.constant 0 : index
    %swap3A_75 = arith.constant 0 : index
    %swap3A_76 = vector.load %arg7[%swap3A, %swap3A_75] : memref<2000x128xf32, #tpu.memory_space<vmem>>, vector<2000x128xf32>
    tpu.vector_store %arg7[%swap3A, %swap3A_75], %reshape3A {strides = array<i32>} : memref<2000x128xf32, #tpu.memory_space<vmem>>, vector<2000x128xf32>,
    return
  }
  func.func @transform_0(%arg0: i32) -> (i32, i32) {
    %c0_i32 = arith.constant 0 : i32
    %c0_i32_0 = arith.constant 0 : i32
    %c0_i32_1 = arith.constant 0 : i32
    return %c0_i32, %c0_i32_0 : i32, i32
  }
  func.func @transform_1(%arg0: i32) -> (i32, i32) {
    %add3A = arith.constant 0 : i32
    %add3A_0 = arith.addi %add3A, %arg0 : i32
    %c0_i32 = arith.constant 0 : i32
    %c0_i32_1 = arith.constant 0 : i32
    return %add3A_0, %c0_i32 : i32, i32
  }
  func.func @transform_2(%arg0: i32) -> (i32, i32) {
    %c0_i32 = arith.constant 0 : i32
    %c0_i32_0 = arith.constant 0 : i32
    %c0_i32_1 = arith.constant 0 : i32
    return %c0_i32, %c0_i32_0 : i32, i32
  }
  func.func @transform_3(%arg0: i32) -> (i32, i32) {
    %c0_i32 = arith.constant 0 : i32
    %c0_i32_0 = arith.constant 0 : i32
    %c0_i32_1 = arith.constant 0 : i32
    return %c0_i32, %c0_i32_0 : i32, i32
  }
  func.func @transform_4(%arg0: i32) -> (i32, i32) {
    %c0_i32 = arith.constant 0 : i32
    %c0_i32_0 = arith.constant 0 : i32
    %c0_i32_1 = arith.constant 0 : i32
    return %c0_i32, %c0_i32_0 : i32, i32
  }
  func.func @transform_5(%arg0: i32) -> (i32, i32) {
    %c0_i32 = arith.constant 0 : i32
    %c0_i32_0 = arith.constant 0 : i32
    %c0_i32_1 = arith.constant 0 : i32
    return %c0_i32, %c0_i32_0 : i32, i32
  }
  func.func @transform_6(%arg0: i32) -> (i32, i32) {
    %add3A = arith.constant 320 : i32
    %add3A_0 = arith.addi %add3A, %arg0 : i32
    %c0_i32 = arith.constant 0 : i32
    %c0_i32_1 = arith.constant 0 : i32
    return %add3A_0, %c0_i32 : i32, i32
  }
}

</mosaic_0001>

<sc_bundles>
// kernel: kernel.12.cloned.1.call-start
scs
__scs_entry_jumppad:
0x0: {  	(pc) =	sbr.rel $0x88, $3  }
0x1: {  	(tag) =	ssettag $0x0;
	lr =	simm.s32 $0x1  }
0x2: {  	[smem:$0x3F96] =	sst lr;
	_ =	strace $0xD0000000  }
0x3: {  	_ = 	snop  }
0x4: {  	_ = 	snop  }
0x5: {  	_ = 	snop  }
0x6: {  	_ = 	snop  }
0x7: {  	_ = 	snop  }
__scs_overlays_trampoline_lowered:
0x8: {  	[smem:$0x3FA5] =	sst s0  }
0x9: {  	[smem:$0x3FA6] =	sst s1  }
0xa: {  	[smem:$0x3FA7] =	sst s2  }
0xb: {  	[smem:$0x3FA8] =	sst s3  }
0xc: {  	[smem:$0x3FA9] =	sst s4  }
0xd: {  	[smem:$0x3FAA] =	sst s5  }
0xe: {  	[smem:$0x3FAB] =	sst s6  }
0xf: {  	[smem:$0x3FAC] =	sst s7  }
0x10: {  	[smem:$0x3FAD] =	sst s8  }
0x11: {  	[smem:$0x3FAE] =	sst s9;
	s0 =	simm.s32 @!p0 $0x0  }
0x12: {  	s1 =	sld [smem:$0x3F94];
	s0 =	simm.s32 @p0 $0x1  }
0x13: {  	[smem:$0x3FAF] =	sst s0;
	s0 =	simm.s32 @!p1 $0x0  }
0x14: {  	s2 =	sld [smem:$0x3F93];
	s0 =	simm.s32 @p1 $0x1  }
0x15: {  	[smem:$0x3FB0] =	sst s0;
	s0 =	simm.s32 @!p2 $0x0  }
0x16: {  	s3 =	sld [smem:$0x3FDB];
	s0 =	simm.s32 @p2 $0x1  }
0x17: {  	s4 =	simm.s32 $0x1BF5;
	[smem:$0x3FB2] =	sst s0  }
0x18: {  	s0 =	sld [smem:$0x3F95];
	_ =	swait.ge [sflag:s4], $0x0  }
0x19: {  	s7 =	sld [smem:$0x3F96]  }
0x1a: {  	s8 =	sadd.s32 $0xFFFFE003, lr  }
0x1b: {  	s9 =	sadd.s32 $0xFFFFFEF7, lr;
	s5 =	simm.s32 $0xFFFFFFFF;
	p2 =	slt.u32 s8, $0xFFFFF086  }
0x1c: {  	p1 =	slt.u32 s9, $0xF7A;
	s5 =	simm.s32 @!p2 $0x0  }
0x1d: {  	s5 =	simm.s32 @p1 $0x1;
	p0 =	seq.s32 s7, s2  }
0x1e: {  	s7 =	smul.u32 @!p0 $0xF7A, s2;
	p2 =	seq.s32 @!p0 s5, $0x0  }
0x1f: {  	s9 =	smul.u32 $0xF7A, s1;
	s8 =	simm.s32 @!p0 $0x1BF5;
	p2 =	por !p2, p0  }
0x20: {  	[sflag:s8] =	ssyncset.s32 @!p0 $0xFFFFF086;
	s6 =	sadd.s32 @!p0 s3, s7;
	s7 =	simm.s32 @!p0 $0x108  }
0x21: {  	s3 =	sadd.s32 s3, s9;
	s6 =	sadd.s32 @!p0 $0x88, s6;
	s7 =	simm.s32 @p2 $0x1082  }
0x22: {  	[simem:s7], [sflag:s8] =	dma.local @!p0 [hbm:s6], $0xF7A  }
0x23: {  	s9 =	sor.u32 $0xD0000000, s2;
	s6 =	simm.s32 $0x108;
	_ =	swait.ge @!p0 [sflag:s8], $0x0  }
0x24: {  	s3 =	sadd.s32 $0x88, s3;
	s6 =	simm.s32 @!p1 $0x1082;
	[sflag:s4] =	ssyncset.s32 $0xFFFFF086  }
0x25: {  	[simem:s6], [sflag:s4] =	dma.local [hbm:s3], $0xF7A  }
0x26: {  	[smem:$0x3F96] =	sst s1;
	(tag) =	ssettag s2;
	_ =	strace s9  }
0x27: {  	s1 =	sld [smem:$0x3FA6]  }
0x28: {  	s2 =	sld [smem:$0x3FA7]  }
0x29: {  	s4 =	sld [smem:$0x3FA9]  }
0x2a: {  	p0 =	seq.s32 s5, $0x0;
	s5 =	sld [smem:$0x3FAA]  }
0x2b: {  	s6 =	sld [smem:$0x3FAB]  }
0x2c: {  	s7 =	sld [smem:$0x3FAC]  }
0x2d: {  	s3 =	simm.s32 $0x108;
	s8 =	sld [smem:$0x3FAD]  }
0x2e: {  	s3 =	simm.s32 @!p0 $0x1082;
	s9 =	sld [smem:$0x3FAE]  }
0x2f: {  	lr =	sadd.s32 s0, s3;
	s0 =	sld [smem:$0x3FA5]  }
0x30: {  	s3 =	sld [smem:$0x3FA8]  }
0x31: {  	[smem:$0x3FB1] =	sst s10  }
0x32: {  	s10 =	sld [smem:$0x3FAF];
	_ =	sdelay $0x3  }
0x33: {  	p0 =	seq.s32 s10, $0x1;
	s10 =	sld [smem:$0x3FB1];
	_ =	sdelay $0x3  }
0x34: {  	[smem:$0x3FB1] =	sst s10  }
0x35: {  	s10 =	sld [smem:$0x3FB0];
	_ =	sdelay $0x3  }
0x36: {  	p1 =	seq.s32 s10, $0x1;
	s10 =	sld [smem:$0x3FB1];
	_ =	sdelay $0x3  }
0x37: {  	[smem:$0x3FB1] =	sst s10  }
0x38: {  	s10 =	sld [smem:$0x3FB2]  }
0x39: {  	_ = 	snop;
	(pc) =	sbr.ind lr, $3  }
0x3a: {  	_ = 	snop  }
0x3b: {  	_ = 	snop  }
0x3c: {  	p2 =	seq.s32 s10, $0x1;
	s10 =	sld [smem:$0x3FB1]  }
0x3d: {  	_ =	shalt  }
0x3e: {  	_ =	shalt  }
0x3f: {  	_ =	shalt  }
0x40: {  	_ =	shalt  }
0x41: {  	_ =	shalt  }
0x42: {  	_ =	shalt  }
0x43: {  	_ =	shalt  }
0x44: {  	_ =	shalt  }
0x45: {  	_ =	shalt  }
0x46: {  	_ =	shalt  }
0x47: {  	_ =	shalt  }
0x48: {  	_ =	shalt  }
0x49: {  	_ =	shalt  }
0x4a: {  	_ =	shalt  }
0x4b: {  	_ =	shalt  }
0x4c: {  	_ =	shalt  }
0x4d: {  	_ =	shalt  }
0x4e: {  	_ =	shalt  }
0x4f: {  	_ =	shalt  }
0x50: {  	_ =	shalt  }
0x51: {  	_ =	shalt  }
0x52: {  	_ =	shalt  }
0x53: {  	_ =	shalt  }
0x54: {  	_ =	shalt  }
0x55: {  	_ =	shalt  }
0x56: {  	_ =	shalt  }
0x57: {  	_ =	shalt  }
0x58: {  	_ =	shalt  }
0x59: {  	_ =	shalt  }
0x5a: {  	_ =	shalt  }
0x5b: {  	_ =	shalt  }
0x5c: {  	_ =	shalt  }
0x5d: {  	_ =	shalt  }
0x5e: {  	_ =	shalt  }
0x5f: {  	_ =	shalt  }
0x60: {  	_ =	shalt  }
0x61: {  	_ =	shalt  }
0x62: {  	_ =	shalt  }
0x63: {  	_ =	shalt  }
0x64: {  	_ =	shalt  }
0x65: {  	_ =	shalt  }
0x66: {  	_ =	shalt  }
0x67: {  	_ =	shalt  }
0x68: {  	_ =	shalt  }
0x69: {  	_ =	shalt  }
0x6a: {  	_ =	shalt  }
0x6b: {  	_ =	shalt  }
0x6c: {  	_ =	shalt  }
0x6d: {  	_ =	shalt  }
0x6e: {  	_ =	shalt  }
0x6f: {  	_ =	shalt  }
0x70: {  	_ =	shalt  }
0x71: {  	_ =	shalt  }
0x72: {  	_ =	shalt  }
0x73: {  	_ =	shalt  }
0x74: {  	_ =	shalt  }
0x75: {  	_ =	shalt  }
0x76: {  	_ =	shalt  }
0x77: {  	_ =	shalt  }
0x78: {  	_ =	shalt  }
0x79: {  	_ =	shalt  }
0x7a: {  	_ =	shalt  }
0x7b: {  	_ =	shalt  }
0x7c: {  	_ =	shalt  }
0x7d: {  	_ =	shalt  }
0x7e: {  	_ =	shalt  }
0x7f: {  	_ =	shalt  }
0x80: {  	_ =	shalt  }
0x81: {  	_ =	shalt  }
0x82: {  	_ =	shalt  }
0x83: {  	_ =	shalt  }
0x84: {  	_ =	shalt  }
0x85: {  	_ =	shalt  }
0x86: {  	_ =	shalt  }
0x87: {  	_ =	shalt  }
.Lfunc_end0:
.L_simem_size_0:
called_computation_lowered:
.L_overlay_start_0:
0x88: {  	s2 =	sld [smem:$0x3FD9]  }
0x89: {  	s3 =	sld [smem:$0x3FFE];
	_ =	sdelay $0x1  }
0x8a: {  	s1 =	srdreg.scid  }
0x8b: {  	s0 =	sand.u32 $0x1, s1  }
0x8c: {  	s14 =	sshll.u32 s0, $0xA;
	s2 =	sadd.s32 s3, s2  }
0x8d: {  	s2 =	sadd.s32 s2, s14  }
0x8e: {  	[smem:$0x3FBD] =	sst s2  }
0x8f: {  	_ = 	snop  }
0x90: {  	s2 =	sld [smem:$0x3FD0];
	_ =	sdelay $0x2  }
0x91: {  	s15 =	simm.s32 $0xE;
	s4 =	simm.s32 $0x10  }
0x92: {  	[smem:s4], [sflag:s15] =	dma.local [hbm:s2], $0x1  }
0x93: {  	_ =	swait.eq [sflag:s15], $0x1  }
0x94: {  	[sflag:s15] =	ssyncset.done $0x0  }
0x95: {  	[sflag:s15] =	ssyncadd.s32 $0xFFFFFFFF  }
0x96: {  	s16 =	sld [smem:$0x10];
	(tm) =	ssettm $0x1  }
0x97: {  	s17 =	sld [smem:$0x3FFB];
	_ =	sdelay $0x3  }
0x98: {  	_ =	strace s17  }
0x99: {  	s3 =	sld [smem:$0x3FFC];
	_ =	sdelay $0x3  }
0x9a: {  	_ =	strace s3  }
0x9b: {  	s3 =	sld [smem:$0x3FFD];
	_ =	sdelay $0x3  }
0x9c: {  	_ =	strace s3  }
0x9d: {  	_ =	strace $0x8FFFFFFF  }
0x9e: {  	s18 =	sld [smem:$0x3FDB];
	_ =	sdelay $0x1  }
0x9f: {  	s19 =	simm.s32 $_scs_section_size  }
0xa0: {  	s5 =	simm.s32 $_size__tile_overlayer_lowered;
	s6 =	simm.s32 $_tile_overlayer_lowered  }
0xa1: {  	s22 =	simm.s32 $0x1BFF;
	s21 =	sshll.u32 s6, $0x1;
	s3 =	sadd.s32 s19, s18  }
0xa2: {  	s7 =	simm.s32 $0x0;
	s20 =	sshll.u32 s5, $0x1;
	s5 =	sadd.s32 s21, s3  }
0xa3: {  	[timem:s7], [sflag:s22] =	dma.local [hbm:s5], s20  }
0xa4: {  	_ =	swait.ge [sflag:s22], s20  }
0xa5: {  	s4 =	ssub.s32 $0x0, s20;
	[sflag:s22] =	ssyncset.done $0x0  }
0xa6: {  	[sflag:s22] =	ssyncadd.s32 s4;
	_ =	sdelay $0x1  }
0xa7: {  	s23 =	simm.s32 $0x1B8B  }
0xa8: {  	_ =	swait.ge [sflag:s23], $0x1  }
0xa9: {  	[sflag:s23] =	ssyncset.done $0x0  }
0xaa: {  	s25 =	simm.s32 $0x1B8E;
	s24 =	sld [smem:$0x3FFE];
	[sflag:s23] =	ssyncadd.s32 $0xFFFFFFFF  }
0xab: {  	s26 =	simm.s32 $execute0_lowered;
	[smem:$0x3FD2] =	sst s25  }
0xac: {  	s5 =	sshll.u32 s26, $0x1;
	_ =	strace $0x80000046;
	[dreg:$0x1] =	wrdreg $0xFFFFFFFF  }
0xad: {  	s28 =	simm.s32 $_size_execute0_lowered;
	s3 =	sadd.s32 s3, s5;
	[dreg:$0x0] =	wrdreg $0x0  }
0xae: {  	s5 =	sshll.u32 s28, $0x1;
	[dreg:$0x2] =	wrdreg s3  }
0xaf: {  	[dreg:$0x3] =	wrdreg s5  }
0xb0: {  	[dreg:$0x4] =	wrdreg $0xC0  }
0xb1: {  	_ =	task [dreg:s7], $0x5FFFF  }
0xb2: {  	[dreg:$0x1] =	wrdreg $0xFFFFFFFF  }
0xb3: {  	[dreg:$0x0] =	wrdreg $0x60  }
0xb4: {  	[dreg:$0x2] =	wrdreg s24  }
0xb5: {  	[dreg:$0x3] =	wrdreg s16  }
0xb6: {  	[dreg:$0x4] =	wrdreg $0x9  }
0xb7: {  	_ =	task.clear_ibuf [dreg:s7], $0x5FFFF;
	_ =	strace $0x90000046  }
0xb8: {  	s29 =	simm.s32 $0x9;
	_ =	strace $0x80000048  }
0xb9: {  	_ =	swait.ge [sflag:s29], $0x1  }
0xba: {  	[sflag:s29] =	ssyncadd.s32 $0xFFFFFFFF  }
0xbb: {  	_ =	strace $0x90000048  }
0xbc: {  	_ =	sfence  }
0xbd: {  	s30 =	sld [smem:$0x0];
	_ =	sdelay $0x2  }
0xbe: {  	s31 =	sshll.u32 s1, $0xD;
	s1 =	sshrl.u32 s1, $0x2  }
0xbf: {  	s3 =	sand.u32 $0x4000, s31;
	s1 =	sadd.s32 s1, s30  }
0xc0: {  	s0 =	sor.u32 s3, s0;
	s1 =	sshll.u32 s1, $0x11  }
0xc1: {  	s0 =	sor.u32 s1, s0  }
0xc2: {  	s0 =	sadd.s32 $0x8F2B, s0  }
0xc3: {  	[sflag:s0] =	ssyncadd.remote.s32 $0x1  }
0xc4: {  	_ =	sfence.sel $0xFFFF  }
0xc5: {  	[dreg:$0x0] =	wrdreg $0xFFFFFFFF;
	(pc) =	sbr.abs _section_cstart, $3  }
0xc6: {  	[dreg:$0x1] =	wrdreg $0xFFFFFFFF  }
0xc7: {  	_ =	task.clear_ibuf [dreg:s7], $0x2FFFF;
	_ =	strace $0x9FFFFFFF  }
0xc8: {  	(tm) =	ssettm $0x7FFFFFFF  }
0xc9: {  	_ =	shalt  }
tec
execute0_lowered:
.L_overlay_start_1:
0x0: {  	(tag) =	ssettag $0x1  }
0x1: {  	s2 =	rddreg [dreg:$0x0]  }
0x2: {  	s0 =	srdreg.scid;
	s5 =	rddreg [dreg:$0x1]  }
0x3: {  	s21 =	stileid.u32;
	s22 =	rddreg [dreg:$0x2];
	s3 =	simm.s32 $0x0  }
0x4: {  	s19 =	simm.s32 $0xA;
	s16 =	simm.s32 $0x200;
	s10 =	simm.s32 $0x80  }
0x5: {  	s15 =	simm.s32 $0x400;
	s9 =	simm.s32 $0x4400;
	s26 =	simm.s32 $0x100  }
0x6: {  	s30 =	simm.s32 $0x280;
	s12 =	simm.s32 $0x8400;
	s18 =	simm.s32 $0x2  }
0x7: {  	s17 =	simm.s32 $0x4;
	s14 =	simm.s32 $0x3;
	s31 =	simm.s32 $0x300  }
0x8: {  	s13 =	simm.s32 $0x5;
	p1 =	por $0x0, $0x0;
	s0 =	sand.u32 $0x1, s0  }
0x9: {  	s1 =	sshll.u32 s21, $0x1;
	[smem:$0x7FF] =	sst s3;
	s7 =	sadd.s32 $0x2BA00, s2  }
0xa: {  	s1 =	sor.u32 s0, s1;
	_ =	strace $0x80000047;
	[dreg:$0x7] =	wrdreg s26  }
0xb: {  	s0 =	ssub.s32 $0x2, s0;
	[dreg:$0x8] =	wrdreg s30;
	s4 =	smul.u32 $0x3, s1  }
0xc: {  	[dreg:$0x9] =	wrdreg s31;
	s6 =	smin.u32 s1, $0x1D;
	s8 =	sshrl.u32 s0, $0x1  }
0xd: {  	p0 =	sgt.u32 s1, $0x1C;
	s0 =	ssub.s32 s0, s8;
	s4 =	sadd.s32 s6, s4  }
0xe: {  	s8 =	simm.s32 $0x7;
	s0 =	smax.u32 s0, $0x1;
	s6 =	sshll.u32 s4, $0x4  }
0xf: {  	s4 =	sshll.u32 s4, $0xB;
	s28 =	sadd.s32 $0xFFFFFFFF, s0;
	s6 =	sadd.s32 s6, s2  }
0x10: {  	s2 =	sadd.s32 $0x4800, s2;
	s23 =	sadd.s32 $0x800, s4;
	s11 =	sadd.s32 s5, s4  }
0x11: {  	s4 =	sadd.s32 $0x1000, s4;
	p2 =	sne.s32 s28, $0x0;
	s20 =	sadd.s32 $0x3400, s6  }
.Ltmp0:
0x12: {  	s6 =	sadd.s32 $0x3E00, s6;
	[dreg:$0x3] =	wrdreg s20;
	(pc) =	sbr.rel @!p2 .LBB2_5-.Ltmp0, $4  }
0x13: {  	s24 =	sand.u32 $0x1FFFF800, s23;
	s25 =	sadd.s32 $0x1800, s11;
	[dreg:$0x4] =	wrdreg s6  }
0x14: {  	s4 =	sand.u32 $0x1FFFF800, s4;
	s6 =	sadd.s32 s5, s24;
	[dreg:$0x6] =	wrdreg s25  }
0x15: {  	s4 =	sadd.s32 s5, s4;
	s20 =	simm.s32 $0x1;
	[dreg:$0x5] =	wrdreg s6  }
0x16: {  	s5 =	simm.s32 $0x9;
	s6 =	simm.s32 $0x8;
	s29 =	rddreg [dreg:$0x3]  }
0x17: {  	[tilespmem:s3], [sflag:$0xA] =	stream.linear.gather [hbm4b:s29+s3], $0x200, $0x38;
	[tilespmem:$0xC400] =	vst v63  }
0x18: {  	_ =	swait.ge [sflag:s19], $0x200  }
0x19: {  	[sflag:s19] =	ssyncset.done $0x0  }
0x1a: {  	s0 =	rddreg [dreg:$0x4];
	[sflag:s19] =	ssyncadd.s32 $0xFFFFFE00  }
0x1b: {  	[tilespmem:s16], [sflag:$0xA] =	stream.linear.gather [hbm4b:s0+s3], $0x200, $0x38;
	[tilespmem:$0xC400] =	vst v63  }
0x1c: {  	_ =	swait.ge [sflag:s19], $0x200  }
0x1d: {  	[sflag:s19] =	ssyncset.done $0x0  }
0x1e: {  	[sflag:s19] =	ssyncadd.s32 $0xFFFFFE00  }
0x1f: {  	[tilespmem:s15], [sflag:$0x1] =	stream.indirect.gather [hbm4b:s7+s10], $0x80, s3, s10, $0xb8;
	[tilespmem:$0xC400] =	vst v63  }
0x20: {  	_ = 	snop  }
0x21: {  	[tilespmem:s9], [sflag:$0x2] =	stream.indirect.gather [hbm4b:s7+s10], $0x80, s10, s10, $0xb8;
	[tilespmem:$0xC400] =	vst v63  }
0x22: {  	_ =	swait.ge [sflag:s20], $0x4000  }
0x23: {  	[sflag:s20] =	ssyncset.done $0x0  }
0x24: {  	[sflag:s20] =	ssyncadd.s32 $0xFFFFC000  }
0x25: {  	[tilespmem:s15], [sflag:$0x4] =	stream.indirect.gather.add.s32 [hbm:s2], $0x80, s16, s10, $0xb8;
	[tilespmem:$0xC400] =	vst v63  }
0x26: {  	s24 =	rddreg [dreg:$0x7]  }
0x27: {  	[tilespmem:s12], [sflag:$0x3] =	stream.indirect.gather [hbm4b:s7+s10], $0x80, s24, s10, $0xb8;
	[tilespmem:$0xC400] =	vst v63  }
0x28: {  	_ =	swait.ge [sflag:s18], $0x4000  }
0x29: {  	[sflag:s18] =	ssyncset.done $0x0  }
0x2a: {  	s25 =	rddreg [dreg:$0x8];
	[sflag:s18] =	ssyncadd.s32 $0xFFFFC000  }
0x2b: {  	[tilespmem:s9], [sflag:$0x5] =	stream.indirect.gather.add.s32 [hbm:s2], $0x80, s25, s10, $0xb8;
	[tilespmem:$0xC400] =	vst v63  }
0x2c: {  	_ =	swait.ge [sflag:s17], $0x4000  }
0x2d: {  	[sflag:s17] =	ssyncset.done $0x0  }
0x2e: {  	s21 =	simm.s32 @!p0 $0x7;
	[sflag:s17] =	ssyncadd.s32 $0xFFFFC000  }
0x2f: {  	[hbm4b:s11+s3] =	stream.linear.scatter [tilespmem:s15], [sflag:$0x7], $0x4000, $0x38;
	[tilespmem:$0xC400] =	vst v63  }
0x30: {  	_ =	swait.ge @!p0 [sflag:s21], $0x4000  }
0x31: {  	s22 =	simm.s32 @!p0 $0x400;
	[sflag:s21] =	ssyncset.done @!p0 $0x0  }
0x32: {  	s23 =	simm.s32 @!p0 $0x80;
	s0 =	simm.s32 @!p0 $0x180;
	[sflag:s21] =	ssyncadd.s32 @!p0 $0xFFFFC000  }
0x33: {  	[tilespmem:s22], [sflag:$0x1] =	stream.indirect.gather @!p0 [hbm4b:s7+s23], $0x80, s0, s23, $0xb8;
	[tilespmem:$0xC400] =	vst v63  }
0x34: {  	_ =	swait.ge [sflag:s14], $0x4000  }
0x35: {  	[sflag:s14] =	ssyncset.done $0x0  }
0x36: {  	s26 =	rddreg [dreg:$0x9];
	[sflag:s14] =	ssyncadd.s32 $0xFFFFC000  }
0x37: {  	[tilespmem:s12], [sflag:$0x6] =	stream.indirect.gather.add.s32 [hbm:s2], $0x80, s26, s10, $0xb8;
	[tilespmem:$0xC400] =	vst v63  }
0x38: {  	_ =	swait.ge [sflag:s13], $0x4000  }
0x39: {  	[sflag:s13] =	ssyncset.done $0x0  }
0x3a: {  	s25 =	simm.s32 @p0 $0x6;
	s30 =	rddreg [dreg:$0x5];
	[sflag:s13] =	ssyncadd.s32 $0xFFFFC000  }
0x3b: {  	[hbm4b:s30+s3] =	stream.linear.scatter [tilespmem:s9], [sflag:$0x8], $0x4000, $0x38;
	[tilespmem:$0xC400] =	vst v63  }
0x3c: {  	_ =	swait.ge @p0 [sflag:s25], $0x4000  }
0x3d: {  	s1 =	simm.s32 @p0 $0x8400;
	[sflag:s25] =	ssyncset.done @p0 $0x0  }
0x3e: {  	s0 =	simm.s32 @p0 $0x0;
	s26 =	simm.s32 @!p0 $0x1;
	[sflag:s25] =	ssyncadd.s32 @p0 $0xFFFFC000  }
0x3f: {  	[hbm4b:s4+s0] =	stream.linear.scatter @p0 [tilespmem:s1], [sflag:$0x9], $0x4000, $0x38;
	[tilespmem:$0xC400] =	vst v63  }
0x40: {  	_ =	swait.ge @!p0 [sflag:s26], $0x4000  }
0x41: {  	[sflag:s26] =	ssyncset.done @!p0 $0x0  }
0x42: {  	s31 =	simm.s32 @!p0 $0x6;
	s0 =	simm.s32 @!p0 $0x380;
	[sflag:s26] =	ssyncadd.s32 @!p0 $0xFFFFC000  }
0x43: {  	[tilespmem:s22], [sflag:$0x4] =	stream.indirect.gather.add.s32 @!p0 [hbm:s2], $0x80, s0, s23, $0xb8;
	[tilespmem:$0xC400] =	vst v63  }
0x44: {  	_ =	swait.ge @!p0 [sflag:s31], $0x4000  }
0x45: {  	s24 =	simm.s32 @!p0 $0x8400;
	[sflag:s31] =	ssyncset.done @!p0 $0x0  }
0x46: {  	s1 =	simm.s32 @!p0 $0x4;
	s0 =	simm.s32 @!p0 $0x0;
	[sflag:s31] =	ssyncadd.s32 @!p0 $0xFFFFC000  }
0x47: {  	[hbm4b:s4+s0] =	stream.linear.scatter @!p0 [tilespmem:s24], [sflag:$0x9], $0x4000, $0x38;
	[tilespmem:$0xC400] =	vst v63  }
0x48: {  	_ =	swait.ge @!p0 [sflag:s1], $0x4000  }
0x49: {  	[sflag:s1] =	ssyncset.done @!p0 $0x0  }
0x4a: {  	s29 =	rddreg [dreg:$0x6];
	[sflag:s1] =	ssyncadd.s32 @!p0 $0xFFFFC000  }
0x4b: {  	[hbm4b:s29+s0] =	stream.linear.scatter @!p0 [tilespmem:s22], [sflag:$0x7], $0x4000, $0x38;
	[tilespmem:$0xC400] =	vst v63  }
0x4c: {  	_ =	swait.ge [sflag:s8], $0x4000  }
0x4d: {  	s28 =	sadd.s32 $0xFFFFFFFF, s28;
	[sflag:s8] =	ssyncset.done $0x0  }
0x4e: {  	p2 =	sne.s32 s28, $0x0;
	[sflag:s8] =	ssyncadd.s32 $0xFFFFC000  }
.Ltmp1:
0x4f: {  	_ =	swait.ge [sflag:s6], $0x4000;
	(pc) =	sbr.rel @!p2 .LBB2_2-.Ltmp1, $4  }
0x50: {  	[sflag:s6] =	ssyncset.done $0x0  }
0x51: {  	[sflag:s6] =	ssyncadd.s32 $0xFFFFC000  }
0x52: {  	_ =	swait.ge [sflag:s5], $0x4000  }
0x53: {  	p1 =	por $0x1, $0x1;
	s29 =	rddreg [dreg:$0x3];
	[sflag:s5] =	ssyncset.done $0x0  }
.LBB2_3:
0x54: {  	[sflag:s5] =	ssyncadd.s32 $0xFFFFC000  }
0x55: {  	[tilespmem:s3], [sflag:$0xA] =	stream.linear.gather [hbm4b:s29+s3], $0x200, $0x38;
	[tilespmem:$0xC400] =	vst v63  }
0x56: {  	_ =	swait.ge [sflag:s19], $0x200  }
0x57: {  	[sflag:s19] =	ssyncset.done $0x0  }
0x58: {  	s29 =	rddreg [dreg:$0x4];
	[sflag:s19] =	ssyncadd.s32 $0xFFFFFE00  }
0x59: {  	[tilespmem:s16], [sflag:$0xA] =	stream.linear.gather [hbm4b:s29+s3], $0x200, $0x38;
	[tilespmem:$0xC400] =	vst v63  }
0x5a: {  	_ =	swait.ge [sflag:s19], $0x200  }
0x5b: {  	[sflag:s19] =	ssyncset.done $0x0  }
0x5c: {  	[sflag:s19] =	ssyncadd.s32 $0xFFFFFE00  }
0x5d: {  	[tilespmem:s15], [sflag:$0x1] =	stream.indirect.gather [hbm4b:s7+s10], $0x80, s3, s10, $0xb8;
	[tilespmem:$0xC400] =	vst v63  }
0x5e: {  	_ = 	snop  }
0x5f: {  	[tilespmem:s9], [sflag:$0x2] =	stream.indirect.gather [hbm4b:s7+s10], $0x80, s10, s10, $0xb8;
	[tilespmem:$0xC400] =	vst v63  }
0x60: {  	_ =	swait.ge [sflag:s20], $0x4000  }
0x61: {  	[sflag:s20] =	ssyncset.done $0x0  }
0x62: {  	[sflag:s20] =	ssyncadd.s32 $0xFFFFC000  }
0x63: {  	[tilespmem:s15], [sflag:$0x4] =	stream.indirect.gather.add.s32 [hbm:s2], $0x80, s16, s10, $0xb8;
	[tilespmem:$0xC400] =	vst v63  }
0x64: {  	s29 =	rddreg [dreg:$0x7]  }
0x65: {  	[tilespmem:s12], [sflag:$0x3] =	stream.indirect.gather [hbm4b:s7+s10], $0x80, s29, s10, $0xb8;
	[tilespmem:$0xC400] =	vst v63  }
0x66: {  	_ =	swait.ge [sflag:s18], $0x4000  }
0x67: {  	[sflag:s18] =	ssyncset.done $0x0  }
0x68: {  	s29 =	rddreg [dreg:$0x8];
	[sflag:s18] =	ssyncadd.s32 $0xFFFFC000  }
0x69: {  	[tilespmem:s9], [sflag:$0x5] =	stream.indirect.gather.add.s32 [hbm:s2], $0x80, s29, s10, $0xb8;
	[tilespmem:$0xC400] =	vst v63  }
0x6a: {  	_ =	swait.ge [sflag:s17], $0x4000  }
0x6b: {  	[sflag:s17] =	ssyncset.done $0x0  }
0x6c: {  	[sflag:s17] =	ssyncadd.s32 $0xFFFFC000  }
0x6d: {  	[hbm4b:s11+s3] =	stream.linear.scatter [tilespmem:s15], [sflag:$0x7], $0x4000, $0x38;
	[tilespmem:$0xC400] =	vst v63  }
0x6e: {  	_ =	swait.ge @!p0 [sflag:s21], $0x4000  }
0x6f: {  	[sflag:s21] =	ssyncset.done @!p0 $0x0  }
0x70: {  	s29 =	simm.s32 @!p0 $0x180;
	[sflag:s21] =	ssyncadd.s32 @!p0 $0xFFFFC000  }
0x71: {  	[tilespmem:s22], [sflag:$0x1] =	stream.indirect.gather @!p0 [hbm4b:s7+s23], $0x80, s29, s23, $0xb8;
	[tilespmem:$0xC400] =	vst v63  }
0x72: {  	_ =	swait.ge [sflag:s14], $0x4000  }
0x73: {  	[sflag:s14] =	ssyncset.done $0x0  }
0x74: {  	s29 =	rddreg [dreg:$0x9];
	[sflag:s14] =	ssyncadd.s32 $0xFFFFC000  }
0x75: {  	[tilespmem:s12], [sflag:$0x6] =	stream.indirect.gather.add.s32 [hbm:s2], $0x80, s29, s10, $0xb8;
	[tilespmem:$0xC400] =	vst v63  }
0x76: {  	_ =	swait.ge [sflag:s13], $0x4000  }
0x77: {  	[sflag:s13] =	ssyncset.done $0x0  }
0x78: {  	s29 =	rddreg [dreg:$0x5];
	[sflag:s13] =	ssyncadd.s32 $0xFFFFC000  }
0x79: {  	[hbm4b:s29+s3] =	stream.linear.scatter [tilespmem:s9], [sflag:$0x8], $0x4000, $0x38;
	[tilespmem:$0xC400] =	vst v63  }
0x7a: {  	_ =	swait.ge @p0 [sflag:s25], $0x4000  }
0x7b: {  	[sflag:s25] =	ssyncset.done @p0 $0x0  }
0x7c: {  	s30 =	simm.s32 @p0 $0x8400;
	s29 =	simm.s32 @p0 $0x0;
	[sflag:s25] =	ssyncadd.s32 @p0 $0xFFFFC000  }
0x7d: {  	[hbm4b:s4+s29] =	stream.linear.scatter @p0 [tilespmem:s30], [sflag:$0x9], $0x4000, $0x38;
	[tilespmem:$0xC400] =	vst v63  }
0x7e: {  	_ =	swait.ge @!p0 [sflag:s26], $0x4000  }
0x7f: {  	[sflag:s26] =	ssyncset.done @!p0 $0x0  }
0x80: {  	s29 =	simm.s32 @!p0 $0x380;
	[sflag:s26] =	ssyncadd.s32 @!p0 $0xFFFFC000  }
0x81: {  	[tilespmem:s22], [sflag:$0x4] =	stream.indirect.gather.add.s32 @!p0 [hbm:s2], $0x80, s29, s23, $0xb8;
	[tilespmem:$0xC400] =	vst v63  }
0x82: {  	_ =	swait.ge @!p0 [sflag:s31], $0x4000  }
0x83: {  	[sflag:s31] =	ssyncset.done @!p0 $0x0  }
0x84: {  	[sflag:s31] =	ssyncadd.s32 @!p0 $0xFFFFC000  }
0x85: {  	[hbm4b:s4+s0] =	stream.linear.scatter @!p0 [tilespmem:s24], [sflag:$0x9], $0x4000, $0x38;
	[tilespmem:$0xC400] =	vst v63  }
0x86: {  	_ =	swait.ge @!p0 [sflag:s1], $0x4000  }
0x87: {  	[sflag:s1] =	ssyncset.done @!p0 $0x0  }
0x88: {  	s29 =	rddreg [dreg:$0x6];
	[sflag:s1] =	ssyncadd.s32 @!p0 $0xFFFFC000  }
0x89: {  	[hbm4b:s29+s0] =	stream.linear.scatter @!p0 [tilespmem:s22], [sflag:$0x7], $0x4000, $0x38;
	[tilespmem:$0xC400] =	vst v63  }
0x8a: {  	_ =	swait.ge [sflag:s8], $0x4000  }
0x8b: {  	s28 =	sadd.s32 $0xFFFFFFFF, s28;
	[sflag:s8] =	ssyncset.done $0x0  }
0x8c: {  	p2 =	sne.s32 s28, $0x0;
	[sflag:s8] =	ssyncadd.s32 $0xFFFFC000  }
.Ltmp2:
0x8d: {  	_ =	swait.ge [sflag:s6], $0x4000;
	(pc) =	sbr.rel @p2 .LBB2_3-.Ltmp2, $4  }
0x8e: {  	[sflag:s6] =	ssyncset.done $0x0  }
0x8f: {  	[sflag:s6] =	ssyncadd.s32 $0xFFFFC000  }
0x90: {  	_ =	swait.ge [sflag:s5], $0x4000  }
0x91: {  	s29 =	rddreg [dreg:$0x3];
	[sflag:s5] =	ssyncset.done $0x0  }
0x92: {  	s21 =	stileid.u32;
	s22 =	rddreg [dreg:$0x2]  }
.LBB2_5:
0x93: {  	[sflag:s5] =	ssyncadd.s32 @p1 $0xFFFFC000  }
0x94: {  	[tilespmem:s3], [sflag:$0xA] =	stream.linear.gather [hbm4b:s29+s3], $0x200, $0x38;
	[tilespmem:$0xC400] =	vst v63  }
0x95: {  	_ =	swait.ge [sflag:s19], $0x200  }
0x96: {  	[sflag:s19] =	ssyncset.done $0x0  }
0x97: {  	s0 =	rddreg [dreg:$0x4];
	[sflag:s19] =	ssyncadd.s32 $0xFFFFFE00  }
0x98: {  	[tilespmem:s16], [sflag:$0xA] =	stream.linear.gather [hbm4b:s0+s3], $0x200, $0x38;
	[tilespmem:$0xC400] =	vst v63  }
0x99: {  	_ =	swait.ge [sflag:s19], $0x200  }
0x9a: {  	[sflag:s19] =	ssyncset.done $0x0  }
0x9b: {  	[sflag:s19] =	ssyncadd.s32 $0xFFFFFE00  }
0x9c: {  	[tilespmem:s15], [sflag:$0x1] =	stream.indirect.gather [hbm4b:s7+s10], $0x80, s3, s10, $0xb8;
	[tilespmem:$0xC400] =	vst v63  }
0x9d: {  	_ = 	snop  }
0x9e: {  	[tilespmem:s9], [sflag:$0x2] =	stream.indirect.gather [hbm4b:s7+s10], $0x80, s10, s10, $0xb8;
	[tilespmem:$0xC400] =	vst v63  }
0x9f: {  	_ =	swait.ge [sflag:s20], $0x4000  }
0xa0: {  	[sflag:s20] =	ssyncset.done $0x0  }
0xa1: {  	[sflag:s20] =	ssyncadd.s32 $0xFFFFC000  }
0xa2: {  	[tilespmem:s15], [sflag:$0x4] =	stream.indirect.gather.add.s32 [hbm:s2], $0x80, s16, s10, $0xb8;
	[tilespmem:$0xC400] =	vst v63  }
0xa3: {  	s28 =	rddreg [dreg:$0x7]  }
0xa4: {  	[tilespmem:s12], [sflag:$0x3] =	stream.indirect.gather [hbm4b:s7+s10], $0x80, s28, s10, $0xb8;
	[tilespmem:$0xC400] =	vst v63  }
0xa5: {  	_ =	swait.ge [sflag:s18], $0x4000  }
0xa6: {  	[sflag:s18] =	ssyncset.done $0x0  }
0xa7: {  	s29 =	rddreg [dreg:$0x8];
	[sflag:s18] =	ssyncadd.s32 $0xFFFFC000  }
0xa8: {  	[tilespmem:s9], [sflag:$0x5] =	stream.indirect.gather.add.s32 [hbm:s2], $0x80, s29, s10, $0xb8;
	[tilespmem:$0xC400] =	vst v63  }
0xa9: {  	_ =	swait.ge [sflag:s17], $0x4000  }
0xaa: {  	[sflag:s17] =	ssyncset.done $0x0  }
0xab: {  	s0 =	simm.s32 @!p0 $0x7;
	[sflag:s17] =	ssyncadd.s32 $0xFFFFC000  }
0xac: {  	[hbm4b:s11+s3] =	stream.linear.scatter [tilespmem:s15], [sflag:$0x7], $0x4000, $0x38;
	[tilespmem:$0xC400] =	vst v63  }
0xad: {  	_ =	swait.ge @!p0 [sflag:s0], $0x4000  }
0xae: {  	s1 =	simm.s32 @!p0 $0x400;
	[sflag:s0] =	ssyncset.done @!p0 $0x0  }
0xaf: {  	s11 =	simm.s32 @!p0 $0x180;
	[sflag:s0] =	ssyncadd.s32 @!p0 $0xFFFFC000;
	s0 =	simm.s32 @!p0 $0x80  }
0xb0: {  	[tilespmem:s1], [sflag:$0x1] =	stream.indirect.gather @!p0 [hbm4b:s7+s0], $0x80, s11, s0, $0xb8;
	[tilespmem:$0xC400] =	vst v63  }
0xb1: {  	_ =	swait.ge [sflag:s14], $0x4000  }
0xb2: {  	[sflag:s14] =	ssyncset.done $0x0  }
0xb3: {  	s30 =	rddreg [dreg:$0x9];
	[sflag:s14] =	ssyncadd.s32 $0xFFFFC000  }
0xb4: {  	[tilespmem:s12], [sflag:$0x6] =	stream.indirect.gather.add.s32 [hbm:s2], $0x80, s30, s10, $0xb8;
	[tilespmem:$0xC400] =	vst v63  }
0xb5: {  	_ =	swait.ge [sflag:s13], $0x4000  }
0xb6: {  	[sflag:s13] =	ssyncset.done $0x0  }
0xb7: {  	s10 =	simm.s32 @p0 $0x6;
	s31 =	rddreg [dreg:$0x5];
	[sflag:s13] =	ssyncadd.s32 $0xFFFFC000  }
0xb8: {  	[hbm4b:s31+s3] =	stream.linear.scatter [tilespmem:s9], [sflag:$0x8], $0x4000, $0x38;
	[tilespmem:$0xC400] =	vst v63  }
0xb9: {  	_ =	swait.ge @p0 [sflag:s10], $0x4000  }
0xba: {  	s7 =	simm.s32 @p0 $0x0;
	[sflag:s10] =	ssyncset.done @p0 $0x0  }
0xbb: {  	s3 =	simm.s32 @!p0 $0x1;
	s9 =	simm.s32 @p0 $0x8400;
	[sflag:s10] =	ssyncadd.s32 @p0 $0xFFFFC000  }
0xbc: {  	[hbm4b:s4+s7] =	stream.linear.scatter @p0 [tilespmem:s9], [sflag:$0x9], $0x4000, $0x38;
	[tilespmem:$0xC400] =	vst v63  }
0xbd: {  	_ =	swait.ge @!p0 [sflag:s3], $0x4000  }
0xbe: {  	[sflag:s3] =	ssyncset.done @!p0 $0x0  }
0xbf: {  	s7 =	simm.s32 @!p0 $0x6;
	[sflag:s3] =	ssyncadd.s32 @!p0 $0xFFFFC000;
	s3 =	simm.s32 @!p0 $0x380  }
0xc0: {  	[tilespmem:s1], [sflag:$0x4] =	stream.indirect.gather.add.s32 @!p0 [hbm:s2], $0x80, s3, s0, $0xb8;
	[tilespmem:$0xC400] =	vst v63  }
0xc1: {  	_ =	swait.ge @!p0 [sflag:s7], $0x4000  }
0xc2: {  	s0 =	simm.s32 @!p0 $0x4;
	[sflag:s7] =	ssyncset.done @!p0 $0x0  }
0xc3: {  	s2 =	simm.s32 @!p0 $0x0;
	s3 =	simm.s32 @!p0 $0x8400;
	[sflag:s7] =	ssyncadd.s32 @!p0 $0xFFFFC000  }
0xc4: {  	[hbm4b:s4+s2] =	stream.linear.scatter @!p0 [tilespmem:s3], [sflag:$0x9], $0x4000, $0x38;
	[tilespmem:$0xC400] =	vst v63  }
0xc5: {  	_ =	swait.ge @!p0 [sflag:s0], $0x4000  }
0xc6: {  	[sflag:s0] =	ssyncset.done @!p0 $0x0  }
0xc7: {  	s3 =	rddreg [dreg:$0x6];
	[sflag:s0] =	ssyncadd.s32 @!p0 $0xFFFFC000  }
0xc8: {  	[hbm4b:s3+s2] =	stream.linear.scatter @!p0 [tilespmem:s1], [sflag:$0x7], $0x4000, $0x38;
	[tilespmem:$0xC400] =	vst v63  }
0xc9: {  	_ =	swait.ge [sflag:s8], $0x4000  }
0xca: {  	[sflag:s8] =	ssyncset.done $0x0  }
0xcb: {  	[sflag:s8] =	ssyncadd.s32 $0xFFFFC000  }
0xcc: {  	_ =	swait.ge [sflag:s6], $0x4000  }
0xcd: {  	[sflag:s6] =	ssyncset.done $0x0  }
0xce: {  	[sflag:s6] =	ssyncadd.s32 $0xFFFFC000  }
0xcf: {  	_ =	swait.ge [sflag:s5], $0x4000  }
0xd0: {  	[sflag:s5] =	ssyncset.done $0x0  }
0xd1: {  	[sflag:s5] =	ssyncadd.s32 $0xFFFFC000  }
0xd2: {  	_ =	sfence.sel $0x180000  }
0xd3: {  	[bflag:$0x0] =	sbarrier.arrive $0xFFFF  }
0xd4: {  	p0 =	sne.s32 s21, $0x0;
	_ =	strace $0x90000047  }
0xd5: {  	s0 =	sadd.s32 @!p0 $0x100000, s22;
	[bflag:$0x2] =	sbarrier.arrive $0xFFFF  }
0xd6: {  	[sflag:s0] =	ssyncadd.tile.s32 @!p0 $0x1;
	_ =	shalt  }
.LBB2_2:
.Ltmp3:
0xd7: {  	(pc) =	sbr.rel .LBB2_5-.Ltmp3, $2  }
0xd8: {  	_ =	sdelay $0x2  }
0xd9: {  	s21 =	stileid.u32;
	s22 =	rddreg [dreg:$0x2]  }
.Lfunc_end2:
_tile_overlayer_lowered:
.L_overlay_start_2:
0xda: {  	(tag) =	ssettag $0x2  }
0xdb: {  	s0 =	rddreg [dreg:$0x0];
	s2 =	stileid.u32  }
0xdc: {  	s1 =	rddreg [dreg:$0x1];
	p0 =	sne.s32 s2, $0x0  }
0xdd: {  	s3 =	rddreg [dreg:$0x2];
	[bflag:$0x3] =	sbarrier.arrive $0xFFFF;
	s2 =	simm.s32 @!p0 $0x1C0A  }
0xde: {  	[timem:s3], [sflag:s2] =	dma.local @!p0 [hbm:s0], s1  }
0xdf: {  	s0 =	simm.s32 @!p0 $0xA  }
0xe0: {  	_ =	swait.ge @!p0 [sflag:s0], s1  }
0xe1: {  	s1 =	ssub.s32 @!p0 $0x0, s1;
	[sflag:s0] =	ssyncset.done @!p0 $0x0  }
0xe2: {  	[sflag:s0] =	ssyncadd.s32 @!p0 s1  }
0xe3: {  	[bflag:$0x3] =	sbarrier.arrive $0xFFFF  }
0xe4: {  	_ =	shalt  }

// kernel: kernel.15.cloned.1.call-start
scs
__scs_entry_jumppad:
0x0: {  	(pc) =	sbr.rel $0x88, $3  }
0x1: {  	(tag) =	ssettag $0x0;
	lr =	simm.s32 $0x1  }
0x2: {  	[smem:$0x3F96] =	sst lr;
	_ =	strace $0xD0000000  }
0x3: {  	_ = 	snop  }
0x4: {  	_ = 	snop  }
0x5: {  	_ = 	snop  }
0x6: {  	_ = 	snop  }
0x7: {  	_ = 	snop  }
__scs_overlays_trampoline_lowered:
0x8: {  	[smem:$0x3FA5] =	sst s0  }
0x9: {  	[smem:$0x3FA6] =	sst s1  }
0xa: {  	[smem:$0x3FA7] =	sst s2  }
0xb: {  	[smem:$0x3FA8] =	sst s3  }
0xc: {  	[smem:$0x3FA9] =	sst s4  }
0xd: {  	[smem:$0x3FAA] =	sst s5  }
0xe: {  	[smem:$0x3FAB] =	sst s6  }
0xf: {  	[smem:$0x3FAC] =	sst s7  }
0x10: {  	[smem:$0x3FAD] =	sst s8  }
0x11: {  	[smem:$0x3FAE] =	sst s9;
	s0 =	simm.s32 @!p0 $0x0  }
0x12: {  	s1 =	sld [smem:$0x3F94];
	s0 =	simm.s32 @p0 $0x1  }
0x13: {  	[smem:$0x3FAF] =	sst s0;
	s0 =	simm.s32 @!p1 $0x0  }
0x14: {  	s2 =	sld [smem:$0x3F93];
	s0 =	simm.s32 @p1 $0x1  }
0x15: {  	[smem:$0x3FB0] =	sst s0;
	s0 =	simm.s32 @!p2 $0x0  }
0x16: {  	s3 =	sld [smem:$0x3FDB];
	s0 =	simm.s32 @p2 $0x1  }
0x17: {  	s4 =	simm.s32 $0x1BF5;
	[smem:$0x3FB2] =	sst s0  }
0x18: {  	s0 =	sld [smem:$0x3F95];
	_ =	swait.ge [sflag:s4], $0x0  }
0x19: {  	s7 =	sld [smem:$0x3F96]  }
0x1a: {  	s8 =	sadd.s32 $0xFFFFE003, lr  }
0x1b: {  	s9 =	sadd.s32 $0xFFFFFEF7, lr;
	s5 =	simm.s32 $0xFFFFFFFF;
	p2 =	slt.u32 s8, $0xFFFFF086  }
0x1c: {  	p1 =	slt.u32 s9, $0xF7A;
	s5 =	simm.s32 @!p2 $0x0  }
0x1d: {  	s5 =	simm.s32 @p1 $0x1;
	p0 =	seq.s32 s7, s2  }
0x1e: {  	s7 =	smul.u32 @!p0 $0xF7A, s2;
	p2 =	seq.s32 @!p0 s5, $0x0  }
0x1f: {  	s9 =	smul.u32 $0xF7A, s1;
	s8 =	simm.s32 @!p0 $0x1BF5;
	p2 =	por !p2, p0  }
0x20: {  	[sflag:s8] =	ssyncset.s32 @!p0 $0xFFFFF086;
	s6 =	sadd.s32 @!p0 s3, s7;
	s7 =	simm.s32 @!p0 $0x108  }
0x21: {  	s3 =	sadd.s32 s3, s9;
	s6 =	sadd.s32 @!p0 $0x88, s6;
	s7 =	simm.s32 @p2 $0x1082  }
0x22: {  	[simem:s7], [sflag:s8] =	dma.local @!p0 [hbm:s6], $0xF7A  }
0x23: {  	s9 =	sor.u32 $0xD0000000, s2;
	s6 =	simm.s32 $0x108;
	_ =	swait.ge @!p0 [sflag:s8], $0x0  }
0x24: {  	s3 =	sadd.s32 $0x88, s3;
	s6 =	simm.s32 @!p1 $0x1082;
	[sflag:s4] =	ssyncset.s32 $0xFFFFF086  }
0x25: {  	[simem:s6], [sflag:s4] =	dma.local [hbm:s3], $0xF7A  }
0x26: {  	[smem:$0x3F96] =	sst s1;
	(tag) =	ssettag s2;
	_ =	strace s9  }
0x27: {  	s1 =	sld [smem:$0x3FA6]  }
0x28: {  	s2 =	sld [smem:$0x3FA7]  }
0x29: {  	s4 =	sld [smem:$0x3FA9]  }
0x2a: {  	p0 =	seq.s32 s5, $0x0;
	s5 =	sld [smem:$0x3FAA]  }
0x2b: {  	s6 =	sld [smem:$0x3FAB]  }
0x2c: {  	s7 =	sld [smem:$0x3FAC]  }
0x2d: {  	s3 =	simm.s32 $0x108;
	s8 =	sld [smem:$0x3FAD]  }
0x2e: {  	s3 =	simm.s32 @!p0 $0x1082;
	s9 =	sld [smem:$0x3FAE]  }
0x2f: {  	lr =	sadd.s32 s0, s3;
	s0 =	sld [smem:$0x3FA5]  }
0x30: {  	s3 =	sld [smem:$0x3FA8]  }
0x31: {  	[smem:$0x3FB1] =	sst s10  }
0x32: {  	s10 =	sld [smem:$0x3FAF];
	_ =	sdelay $0x3  }
0x33: {  	p0 =	seq.s32 s10, $0x1;
	s10 =	sld [smem:$0x3FB1];
	_ =	sdelay $0x3  }
0x34: {  	[smem:$0x3FB1] =	sst s10  }
0x35: {  	s10 =	sld [smem:$0x3FB0];
	_ =	sdelay $0x3  }
0x36: {  	p1 =	seq.s32 s10, $0x1;
	s10 =	sld [smem:$0x3FB1];
	_ =	sdelay $0x3  }
0x37: {  	[smem:$0x3FB1] =	sst s10  }
0x38: {  	s10 =	sld [smem:$0x3FB2]  }
0x39: {  	_ = 	snop;
	(pc) =	sbr.ind lr, $3  }
0x3a: {  	_ = 	snop  }
0x3b: {  	_ = 	snop  }
0x3c: {  	p2 =	seq.s32 s10, $0x1;
	s10 =	sld [smem:$0x3FB1]  }
0x3d: {  	_ =	shalt  }
0x3e: {  	_ =	shalt  }
0x3f: {  	_ =	shalt  }
0x40: {  	_ =	shalt  }
0x41: {  	_ =	shalt  }
0x42: {  	_ =	shalt  }
0x43: {  	_ =	shalt  }
0x44: {  	_ =	shalt  }
0x45: {  	_ =	shalt  }
0x46: {  	_ =	shalt  }
0x47: {  	_ =	shalt  }
0x48: {  	_ =	shalt  }
0x49: {  	_ =	shalt  }
0x4a: {  	_ =	shalt  }
0x4b: {  	_ =	shalt  }
0x4c: {  	_ =	shalt  }
0x4d: {  	_ =	shalt  }
0x4e: {  	_ =	shalt  }
0x4f: {  	_ =	shalt  }
0x50: {  	_ =	shalt  }
0x51: {  	_ =	shalt  }
0x52: {  	_ =	shalt  }
0x53: {  	_ =	shalt  }
0x54: {  	_ =	shalt  }
0x55: {  	_ =	shalt  }
0x56: {  	_ =	shalt  }
0x57: {  	_ =	shalt  }
0x58: {  	_ =	shalt  }
0x59: {  	_ =	shalt  }
0x5a: {  	_ =	shalt  }
0x5b: {  	_ =	shalt  }
0x5c: {  	_ =	shalt  }
0x5d: {  	_ =	shalt  }
0x5e: {  	_ =	shalt  }
0x5f: {  	_ =	shalt  }
0x60: {  	_ =	shalt  }
0x61: {  	_ =	shalt  }
0x62: {  	_ =	shalt  }
0x63: {  	_ =	shalt  }
0x64: {  	_ =	shalt  }
0x65: {  	_ =	shalt  }
0x66: {  	_ =	shalt  }
0x67: {  	_ =	shalt  }
0x68: {  	_ =	shalt  }
0x69: {  	_ =	shalt  }
0x6a: {  	_ =	shalt  }
0x6b: {  	_ =	shalt  }
0x6c: {  	_ =	shalt  }
0x6d: {  	_ =	shalt  }
0x6e: {  	_ =	shalt  }
0x6f: {  	_ =	shalt  }
0x70: {  	_ =	shalt  }
0x71: {  	_ =	shalt  }
0x72: {  	_ =	shalt  }
0x73: {  	_ =	shalt  }
0x74: {  	_ =	shalt  }
0x75: {  	_ =	shalt  }
0x76: {  	_ =	shalt  }
0x77: {  	_ =	shalt  }
0x78: {  	_ =	shalt  }
0x79: {  	_ =	shalt  }
0x7a: {  	_ =	shalt  }
0x7b: {  	_ =	shalt  }
0x7c: {  	_ =	shalt  }
0x7d: {  	_ =	shalt  }
0x7e: {  	_ =	shalt  }
0x7f: {  	_ =	shalt  }
0x80: {  	_ =	shalt  }
0x81: {  	_ =	shalt  }
0x82: {  	_ =	shalt  }
0x83: {  	_ =	shalt  }
0x84: {  	_ =	shalt  }
0x85: {  	_ =	shalt  }
0x86: {  	_ =	shalt  }
0x87: {  	_ =	shalt  }
.Lfunc_end0:
.L_simem_size_0:
called_computation.1_lowered:
.L_overlay_start_0:
0x88: {  	s2 =	sld [smem:$0x3FD9]  }
0x89: {  	s3 =	sld [smem:$0x3FFE];
	_ =	sdelay $0x1  }
0x8a: {  	s1 =	srdreg.scid  }
0x8b: {  	s0 =	sand.u32 $0x1, s1  }
0x8c: {  	s17 =	sshll.u32 s0, $0xA;
	s2 =	sadd.s32 s3, s2  }
0x8d: {  	s2 =	sadd.s32 s2, s17  }
0x8e: {  	[smem:$0x3FBD] =	sst s2  }
0x8f: {  	_ = 	snop  }
0x90: {  	(tm) =	ssettm $0x1  }
0x91: {  	s18 =	sld [smem:$0x3FFB];
	_ =	sdelay $0x3  }
0x92: {  	_ =	strace s18  }
0x93: {  	s2 =	sld [smem:$0x3FFC];
	_ =	sdelay $0x3  }
0x94: {  	_ =	strace s2  }
0x95: {  	s2 =	sld [smem:$0x3FFD];
	_ =	sdelay $0x3  }
0x96: {  	_ =	strace s2  }
0x97: {  	_ =	strace $0x8FFFFFFF  }
0x98: {  	s19 =	sld [smem:$0x3FDB];
	_ =	sdelay $0x1  }
0x99: {  	s20 =	simm.s32 $_scs_section_size  }
0x9a: {  	s4 =	simm.s32 $_size__tile_overlayer_lowered;
	s5 =	simm.s32 $_tile_overlayer_lowered  }
0x9b: {  	s6 =	simm.s32 $0x1BFF;
	s21 =	sshll.u32 s5, $0x1;
	s3 =	sadd.s32 s20, s19  }
0x9c: {  	s22 =	simm.s32 $0x0;
	s4 =	sshll.u32 s4, $0x1;
	s5 =	sadd.s32 s21, s3  }
0x9d: {  	[timem:s22], [sflag:s6] =	dma.local [hbm:s5], s4  }
0x9e: {  	_ =	swait.ge [sflag:s6], s4  }
0x9f: {  	s4 =	ssub.s32 $0x0, s4;
	[sflag:s6] =	ssyncset.done $0x0  }
0xa0: {  	[sflag:s6] =	ssyncadd.s32 s4;
	_ =	sdelay $0x1  }
0xa1: {  	s23 =	simm.s32 $0x1B8B  }
0xa2: {  	_ =	swait.ge [sflag:s23], $0x1  }
0xa3: {  	[sflag:s23] =	ssyncset.done $0x0  }
0xa4: {  	[sflag:s23] =	ssyncadd.s32 $0xFFFFFFFF  }
0xa5: {  	s4 =	sld [smem:$0x0]  }
0xa6: {  	s5 =	sand.u32 $0xFFFFFFFE, s1  }
0xa7: {  	p0 =	sne.s32 s1, s5  }
0xa8: {  	s5 =	sshll.u32 @p0 s5, $0xE  }
0xa9: {  	s5 =	sadd.s32 @p0 $0x11B8D, s5;
	s6 =	sshll.u32 @p0 s4, $0x11  }
0xaa: {  	s5 =	sor.u32 @p0 s6, s5  }
0xab: {  	[sflag:s5] =	ssyncadd.remote.s32 @p0 $0x1;
	_ =	sdelay $0x1  }
0xac: {  	s5 =	simm.s32 @p0 $0x1B8D  }
0xad: {  	_ =	swait.eq @p0 [sflag:s5], $0x1  }
0xae: {  	[sflag:s5] =	ssyncadd.s32 @p0 $0xFFFFFFFF  }
0xaf: {  	s6 =	sshll.u32 @!p0 s1, $0xE  }
0xb0: {  	s6 =	sor.u32 @!p0 $0x4000, s6;
	s5 =	simm.s32 @!p0 $0x1B8D  }
0xb1: {  	s4 =	sshll.u32 @!p0 s4, $0x11;
	s6 =	sadd.s32 @!p0 $0x11B8D, s6;
	_ =	swait.eq @!p0 [sflag:s5], $0x1  }
0xb2: {  	s4 =	sor.u32 @!p0 s4, s6;
	[sflag:s5] =	ssyncadd.s32 @!p0 $0xFFFFFFFF  }
0xb3: {  	s25 =	simm.s32 $0x1B8E;
	s24 =	sld [smem:$0x3FFE];
	[sflag:s4] =	ssyncadd.remote.s32 @!p0 $0x1  }
0xb4: {  	s26 =	simm.s32 $execute0_lowered;
	[smem:$0x3FD2] =	sst s25  }
0xb5: {  	s5 =	sshll.u32 s26, $0x1;
	_ =	strace $0x80000049;
	[dreg:$0x1] =	wrdreg $0xFFFFFFFF  }
0xb6: {  	s28 =	simm.s32 $_size_execute0_lowered;
	s3 =	sadd.s32 s3, s5;
	[dreg:$0x0] =	wrdreg $0x0  }
0xb7: {  	s5 =	sshll.u32 s28, $0x1;
	[dreg:$0x2] =	wrdreg s3  }
0xb8: {  	[dreg:$0x3] =	wrdreg s5  }
0xb9: {  	[dreg:$0x4] =	wrdreg $0xC0  }
0xba: {  	_ =	task [dreg:s22], $0x5FFFF  }
0xbb: {  	[dreg:$0x1] =	wrdreg $0xFFFFFFFF  }
0xbc: {  	[dreg:$0x0] =	wrdreg $0x60  }
0xbd: {  	[dreg:$0x2] =	wrdreg s24  }
0xbe: {  	[dreg:$0x3] =	wrdreg $0xA  }
0xbf: {  	_ =	task.clear_ibuf [dreg:s22], $0x4FFFF;
	_ =	strace $0x90000049  }
0xc0: {  	s29 =	simm.s32 $0xA;
	_ =	strace $0x8000004B  }
0xc1: {  	_ =	swait.ge [sflag:s29], $0x1  }
0xc2: {  	[sflag:s29] =	ssyncadd.s32 $0xFFFFFFFF  }
0xc3: {  	_ =	strace $0x9000004B  }
0xc4: {  	_ =	sfence  }
0xc5: {  	s30 =	sld [smem:$0x0];
	_ =	sdelay $0x2  }
0xc6: {  	s31 =	sshll.u32 s1, $0xD;
	s1 =	sshrl.u32 s1, $0x2  }
0xc7: {  	s4 =	sand.u32 $0x4000, s31;
	s1 =	sadd.s32 s1, s30  }
0xc8: {  	s0 =	sor.u32 s4, s0;
	s1 =	sshll.u32 s1, $0x11  }
0xc9: {  	s0 =	sor.u32 s1, s0  }
0xca: {  	s0 =	sadd.s32 $0x8F2B, s0  }
0xcb: {  	[sflag:s0] =	ssyncadd.remote.s32 $0x1  }
0xcc: {  	_ =	sfence.sel $0xFFFF  }
0xcd: {  	[dreg:$0x0] =	wrdreg $0xFFFFFFFF;
	(pc) =	sbr.abs _section_cstart, $3  }
0xce: {  	[dreg:$0x1] =	wrdreg $0xFFFFFFFF  }
0xcf: {  	_ =	task.clear_ibuf [dreg:s22], $0x2FFFF;
	_ =	strace $0x9FFFFFFF  }
0xd0: {  	(tm) =	ssettm $0x7FFFFFFF  }
0xd1: {  	_ =	shalt  }
tec
execute0_lowered:
.L_overlay_start_1:
0x0: {  	(tag) =	ssettag $0x1  }
0x1: {  	s0 =	srdreg.scid;
	s11 =	stileid.u32  }
0x2: {  	s2 =	rddreg [dreg:$0x0];
	s4 =	simm.s32 $0x0;
	s12 =	simm.s32 $0xA  }
0x3: {  	s15 =	simm.s32 $0x8;
	s16 =	simm.s32 $0x9;
	s17 =	simm.s32 $0x0  }
0x4: {  	s0 =	sand.u32 $0x1, s0;
	s1 =	sshll.u32 s11, $0x1;
	s10 =	smul.u32 $0x36, s11  }
0x5: {  	[smem:$0x7FF] =	sst s4;
	s4 =	sadd.s32 $0x4800, s2;
	s28 =	smul.u32 $0x1B000, s11  }
0x6: {  	s5 =	sadd.s32 $0x5A000, s2;
	s1 =	sor.u32 s0, s1;
	s26 =	smul.u32 $0x1B, s0  }
0x7: {  	_ =	strace $0x8000004A;
	s6 =	ssub.s32 $0x2, s0;
	s0 =	smul.u32 $0xD800, s0  }
0x8: {  	s3 =	smul.u32 $0x1B, s1;
	s7 =	smin.u32 s1, $0xB;
	s9 =	sshrl.u32 s6, $0x1  }
0x9: {  	p0 =	slt.u32 s1, $0xB;
	s25 =	ssub.s32 s6, s9;
	s6 =	simm.s32 $0x1C  }
0xa: {  	s10 =	sadd.s32 s10, s7;
	s1 =	sadd.s32 s0, s28;
	s3 =	sadd.s32 s7, s3  }
0xb: {  	s6 =	simm.s32 @!p0 $0x1B;
	s30 =	sadd.s32 s26, s10;
	s3 =	sshll.u32 s3, $0x4  }
0xc: {  	s7 =	sshll.u32 s7, $0xB;
	s31 =	smax.u32 s25, $0x1;
	s8 =	sadd.s32 s3, s2  }
0xd: {  	[dreg:$0x4] =	wrdreg s31;
	s29 =	sadd.s32 $0x52C00, s8;
	s8 =	sadd.s32 $0x56600, s8  }
0xe: {  	s11 =	sadd.s32 s7, s1;
	[dreg:$0x3] =	wrdreg s8;
	s8 =	sshll.u32 s30, $0xB  }
0xf: {  	s3 =	sadd.s32 $0x2BA00, s2;
	[dreg:$0x2] =	wrdreg s29;
	s0 =	sadd.s32 s8, s5  }
.LBB2_1:
0x10: {  	s1 =	simm.s32 $0x0  }
0x11: {  	s2 =	rddreg [dreg:$0x2];
	s7 =	simm.s32 $0xE00;
	p0 =	por $0x1, $0x1  }
0x12: {  	[tilespmem:s1], [sflag:$0xA] =	stream.linear.gather [hbm4b:s2+s1], $0xE00, $0x38;
	[tilespmem:$0xDC00] =	vst v63  }
0x13: {  	s18 =	simm.s32 $0x600;
	s22 =	simm.s32 $0x5;
	_ =	swait.ge [sflag:s12], $0xE00  }
0x14: {  	p2 =	sle.u32 s6, $0x0;
	s23 =	simm.s32 $0x3;
	[sflag:s12] =	ssyncset.done $0x0  }
0x15: {  	s24 =	simm.s32 $0xC00;
	s31 =	rddreg [dreg:$0x3];
	[sflag:s12] =	ssyncadd.s32 $0xFFFFF200  }
0x16: {  	[tilespmem:s7], [sflag:$0xA] =	stream.linear.gather [hbm4b:s31+s1], $0xE00, $0x38;
	[tilespmem:$0xDC00] =	vst v63  }
0x17: {  	s21 =	sadd.s32 $0x1800, s11;
	p1 =	sle.u32 @!p0 s6, $0x0;
	_ =	swait.ge [sflag:s12], $0xE00  }
0x18: {  	p5 =	sle.u32 s6, $0x2;
	p1 =	por p1, p0;
	[sflag:s12] =	ssyncset.done $0x0  }
0x19: {  	p3 =	sle.u32 @!p0 s6, $0x1;
	s1 =	simm.s32 @!p1 $0x7;
	[sflag:s12] =	ssyncadd.s32 $0xFFFFF200  }
0x1a: {  	s2 =	simm.s32 @!p2 $0x0;
	s20 =	simm.s32 @!p2 $0x1C00;
	_ =	swait.ge @!p1 [sflag:s1], $0x4000  }
0x1b: {  	p4 =	por p3, p0;
	p3 =	sle.u32 s6, $0xFFFFFFFF;
	[sflag:s1] =	ssyncset.done @!p1 $0x0  }
0x1c: {  	s8 =	simm.s32 @!p3 $0x3;
	s7 =	simm.s32 @!p2 $0x80;
	[sflag:s1] =	ssyncadd.s32 @!p1 $0xFFFFC000  }
0x1d: {  	[tilespmem:s20], [sflag:$0x1] =	stream.indirect.gather @!p2 [hbm4b:s3+s7], $0x80, s2, s7, $0xb8;
	[tilespmem:$0xDC00] =	vst v63  }
0x1e: {  	s28 =	simm.s32 $0x4;
	s10 =	simm.s32 @!p3 $0x80;
	_ =	swait.ge @!p3 [sflag:s8], $0x4000  }
0x1f: {  	s13 =	simm.s32 @!p3 $0x9C00;
	p1 =	sle.u32 s6, $0xFFFFFFFE;
	[sflag:s8] =	ssyncset.done @!p3 $0x0  }
0x20: {  	s1 =	simm.s32 @!p3 $0xD80;
	s2 =	simm.s32 @!p1 $0x5;
	[sflag:s8] =	ssyncadd.s32 @!p3 $0xFFFFC000  }
0x21: {  	[tilespmem:s13], [sflag:$0x6] =	stream.indirect.gather.add.s32 @!p3 [hbm:s4], $0x80, s1, s10, $0xb8;
	[tilespmem:$0xDC00] =	vst v63  }
0x22: {  	s19 =	simm.s32 @!p1 $0x0;
	s8 =	sadd.s32 @!p1 $0xFFFFF000, s11;
	_ =	swait.ge @!p1 [sflag:s2], $0x4000  }
0x23: {  	s1 =	simm.s32 @!p4 $0x8;
	s8 =	sand.u32 @!p1 $0x1FFFF800, s8;
	[sflag:s2] =	ssyncset.done @!p1 $0x0  }
0x24: {  	s10 =	simm.s32 @!p1 $0x5C00;
	s8 =	sadd.s32 @!p1 s5, s8;
	[sflag:s2] =	ssyncadd.s32 @!p1 $0xFFFFC000  }
0x25: {  	[hbm4b:s8+s19] =	stream.linear.scatter @!p1 [tilespmem:s10], [sflag:$0x8], $0x4000, $0x38;
	[tilespmem:$0xDC00] =	vst v63  }
0x26: {  	s2 =	sadd.s32 @!p3 $0xFFFFF800, s11;
	p1 =	sle.u32 s6, $0x1;
	_ =	swait.ge @!p4 [sflag:s1], $0x4000  }
0x27: {  	s26 =	simm.s32 @!p1 $0x80;
	s29 =	simm.s32 @!p1 $0x5C00;
	[sflag:s1] =	ssyncset.done @!p4 $0x0  }
0x28: {  	s8 =	simm.s32 @!p1 $0x80;
	[sflag:s1] =	ssyncadd.s32 @!p4 $0xFFFFC000;
	s1 =	simm.s32 @!p2 $0x1  }
0x29: {  	[tilespmem:s29], [sflag:$0x2] =	stream.indirect.gather @!p1 [hbm4b:s3+s26], $0x80, s8, s26, $0xb8;
	[tilespmem:$0xDC00] =	vst v63  }
0x2a: {  	s25 =	simm.s32 $0x8;
	s2 =	sand.u32 @!p3 $0x1FFFF800, s2;
	_ =	swait.ge @!p2 [sflag:s1], $0x4000  }
0x2b: {  	s8 =	simm.s32 @!p2 $0xE00;
	[sflag:s1] =	ssyncset.done @!p2 $0x0;
	p2 =	por p2, p2  }
0x2c: {  	s10 =	simm.s32 @!p3 $0x6;
	s19 =	sadd.s32 $0x1800, s0;
	[sflag:s1] =	ssyncadd.s32 @!p2 $0xFFFFC000  }
0x2d: {  	[tilespmem:s20], [sflag:$0x4] =	stream.indirect.gather.add.s32 @!p2 [hbm:s4], $0x80, s8, s7, $0xb8;
	[tilespmem:$0xDC00] =	vst v63  }
0x2e: {  	s2 =	sadd.s32 @!p3 s5, s2;
	p4 =	sle.u32 @!p0 s6, $0x2;
	_ =	swait.ge @!p3 [sflag:s10], $0x4000  }
0x2f: {  	s30 =	simm.s32 @!p1 $0xE80;
	p4 =	por p4, p0;
	[sflag:s10] =	ssyncset.done @!p3 $0x0  }
0x30: {  	s1 =	simm.s32 @!p4 $0x9;
	s7 =	simm.s32 @!p3 $0x0;
	[sflag:s10] =	ssyncadd.s32 @!p3 $0xFFFFC000  }
0x31: {  	[hbm4b:s2+s7] =	stream.linear.scatter @!p3 [tilespmem:s13], [sflag:$0x9], $0x4000, $0x38;
	[tilespmem:$0xDC00] =	vst v63  }
0x32: {  	p0 =	por $0x0, $0x0;
	s8 =	simm.s32 @!p5 $0x80;
	_ =	swait.ge @!p4 [sflag:s1], $0x4000  }
0x33: {  	s10 =	simm.s32 @!p5 $0x9C00;
	s13 =	simm.s32 $0x2;
	[sflag:s1] =	ssyncset.done @!p4 $0x0  }
0x34: {  	s2 =	simm.s32 @!p5 $0x100;
	s7 =	simm.s32 @!p1 $0x2;
	[sflag:s1] =	ssyncadd.s32 @!p4 $0xFFFFC000  }
0x35: {  	[tilespmem:s10], [sflag:$0x3] =	stream.indirect.gather @!p5 [hbm4b:s3+s8], $0x80, s2, s8, $0xb8;
	[tilespmem:$0xDC00] =	vst v63  }
0x36: {  	p4 =	sle.u32 @!p0 s6, $0x3;
	p5 =	sle.u32 @!p0 s6, $0x4;
	_ =	swait.ge @!p1 [sflag:s7], $0x4000  }
0x37: {  	s2 =	simm.s32 @!p2 $0x0;
	s10 =	smov.u32 s0;
	[sflag:s7] =	ssyncset.done @!p1 $0x0  }
.LBB2_2:
0x38: {  	p3 =	sge.u32 s23, s6;
	s8 =	sadd.s32 $0xFFFFFFFC, s22;
	p5 =	por p5, p0  }
0x39: {  	s31 =	smov.u32 s18;
	s18 =	smov.u32 s24;
	s1 =	smov.u32 s22  }
0x3a: {  	[sflag:s7] =	ssyncadd.s32 @!p1 $0xFFFFC000;
	s7 =	simm.s32 @!p2 $0x4;
	s23 =	sadd.s32 $0xFFFFFFFE, s25  }
0x3b: {  	[tilespmem:s29], [sflag:$0x5] =	stream.indirect.gather.add.s32 @!p1 [hbm:s4], $0x80, s30, s26, $0xb8;
	[tilespmem:$0xDC00] =	vst v63  }
0x3c: {  	s24 =	sadd.s32 $0x600, s24;
	s9 =	sshra.s32 @!p3 s31, $0x2;
	s22 =	simm.s32 @!p5 $0x8  }
0x3d: {  	p1 =	por p4, p0;
	p6 =	sge.u32 s8, s6;
	p4 =	sge.u32 s13, s6  }
0x3e: {  	_ =	swait.ge @!p2 [sflag:s7], $0x4000;
	s8 =	simm.s32 @!p1 $0x7;
	s13 =	sadd.s32 @!p3 $0xE00, s9  }
0x3f: {  	s26 =	simm.s32 @!p4 $0x3;
	s29 =	sadd.s32 @!p4 $0xFFFFF800, s21;
	[sflag:s7] =	ssyncset.done @!p2 $0x0  }
0x40: {  	s14 =	simm.s32 @!p6 $0x5C00;
	[sflag:s7] =	ssyncadd.s32 @!p2 $0xFFFFC000;
	s7 =	simm.s32 @!p3 $0x80  }
0x41: {  	[hbm4b:s10+s2] =	stream.linear.scatter @!p2 [tilespmem:s20], [sflag:$0x7], $0x4000, $0x38;
	[tilespmem:$0xDC00] =	vst v63  }
0x42: {  	s20 =	simm.s32 @!p3 $0x1C00;
	s10 =	sadd.s32 @!p6 $0xFFFFF000, s21;
	_ =	swait.ge @!p1 [sflag:s8], $0x4000  }
0x43: {  	s2 =	sshra.s32 @!p4 s31, $0x2;
	p2 =	sge.u32 @!p0 s1, s6;
	[sflag:s8] =	ssyncset.done @!p1 $0x0  }
0x44: {  	s21 =	sadd.s32 $0x1800, s21;
	s30 =	sadd.s32 @!p4 $0xD80, s2;
	[sflag:s8] =	ssyncadd.s32 @!p1 $0xFFFFC000  }
0x45: {  	[tilespmem:s20], [sflag:$0x1] =	stream.indirect.gather @!p3 [hbm4b:s3+s7], $0x80, s9, s7, $0xb8;
	[tilespmem:$0xDC00] =	vst v63  }
0x46: {  	s2 =	sand.u32 @!p4 $0x1FFFF800, s29;
	s29 =	simm.s32 @!p4 $0x80;
	_ =	swait.ge @!p4 [sflag:s26], $0x4000  }
0x47: {  	s10 =	sand.u32 @!p6 $0x1FFFF800, s10;
	s2 =	sadd.s32 @!p4 s5, s2;
	[sflag:s26] =	ssyncset.done @!p4 $0x0  }
0x48: {  	s8 =	simm.s32 @!p4 $0x9C00;
	s9 =	simm.s32 @!p6 $0x5;
	[sflag:s26] =	ssyncadd.s32 @!p4 $0xFFFFC000  }
0x49: {  	[tilespmem:s8], [sflag:$0x6] =	stream.indirect.gather.add.s32 @!p4 [hbm:s4], $0x80, s30, s29, $0xb8;
	[tilespmem:$0xDC00] =	vst v63  }
0x4a: {  	s10 =	sadd.s32 @!p6 s5, s10;
	s26 =	simm.s32 @!p2 $0x0;
	_ =	swait.ge @!p6 [sflag:s9], $0x4000  }
0x4b: {  	p1 =	sge.u32 s28, s6;
	s26 =	simm.s32 @p2 $0x1;
	[sflag:s9] =	ssyncset.done @!p6 $0x0  }
0x4c: {  	s28 =	simm.s32 @!p6 $0x0;
	[smem:$0x7FD] =	sst s26;
	[sflag:s9] =	ssyncadd.s32 @!p6 $0xFFFFC000  }
0x4d: {  	[hbm4b:s10+s28] =	stream.linear.scatter @!p6 [tilespmem:s14], [sflag:$0x8], $0x4000, $0x38;
	[tilespmem:$0xDC00] =	vst v63  }
0x4e: {  	s29 =	simm.s32 @!p1 $0x5C00;
	s9 =	sshra.s32 @!p1 s31, $0x2;
	_ =	swait.ge @!p5 [sflag:s22], $0x4000  }
0x4f: {  	s26 =	simm.s32 @!p1 $0x80;
	s30 =	sadd.s32 @!p1 $0xE80, s9;
	[sflag:s22] =	ssyncset.done @!p5 $0x0  }
0x50: {  	s9 =	sadd.s32 @!p1 $0x80, s9;
	s14 =	simm.s32 @!p3 $0x1;
	[sflag:s22] =	ssyncadd.s32 @!p5 $0xFFFFC000  }
0x51: {  	[tilespmem:s29], [sflag:$0x2] =	stream.indirect.gather @!p1 [hbm4b:s3+s26], $0x80, s9, s26, $0xb8;
	[tilespmem:$0xDC00] =	vst v63  }
0x52: {  	p2 =	por p3, p3;
	p6 =	sne.s32 s24, $0x3C00;
	_ =	swait.ge @!p3 [sflag:s14], $0x4000  }
0x53: {  	s10 =	smov.u32 s19;
	s19 =	sadd.s32 $0x1800, s19;
	[sflag:s14] =	ssyncset.done @!p3 $0x0  }
0x54: {  	s9 =	simm.s32 @!p4 $0x6;
	[sflag:s14] =	ssyncadd.s32 @!p2 $0xFFFFC000;
	s14 =	sld [smem:$0x7FD]  }
0x55: {  	[tilespmem:s20], [sflag:$0x4] =	stream.indirect.gather.add.s32 @!p2 [hbm:s4], $0x80, s13, s7, $0xb8;
	[tilespmem:$0xDC00] =	vst v63  }
0x56: {  	s28 =	sadd.s32 $0xFFFFFFFF, s25;
	s22 =	smov.u32 s25;
	_ =	swait.ge @!p4 [sflag:s9], $0x4000  }
0x57: {  	s13 =	sadd.s32 $0xFFFFFFFD, s25;
	p5 =	seq.s32 s14, $0x1;
	[sflag:s9] =	ssyncset.done @!p4 $0x0  }
0x58: {  	p3 =	por p5, p0;
	[sflag:s9] =	ssyncadd.s32 @!p4 $0xFFFFC000;
	s9 =	simm.s32 @!p4 $0x0  }
0x59: {  	p5 =	sge.u32 s1, s6;
	p0 =	seq.s32 s18, $0x0;
	s7 =	simm.s32 @!p3 $0x9  }
0x5a: {  	[hbm4b:s2+s9] =	stream.linear.scatter @!p4 [tilespmem:s8], [sflag:$0x9], $0x4000, $0x38;
	[tilespmem:$0xDC00] =	vst v63  }
0x5b: {  	s1 =	sshra.s32 @!p5 s31, $0x2;
	s14 =	simm.s32 @!p5 $0x80;
	_ =	swait.ge @!p3 [sflag:s7], $0x4000  }
.Ltmp0:
0x5c: {  	s2 =	simm.s32 @!p5 $0x9C00;
	[sflag:s7] =	ssyncset.done @!p3 $0x0;
	(pc) =	sbr.rel @p6 .LBB2_2-.Ltmp0, $4  }
0x5d: {  	s1 =	sadd.s32 @!p5 $0x100, s1;
	[sflag:s7] =	ssyncadd.s32 @!p3 $0xFFFFC000;
	s7 =	simm.s32 @!p1 $0x2  }
0x5e: {  	[tilespmem:s2], [sflag:$0x3] =	stream.indirect.gather @!p5 [hbm4b:s3+s14], $0x80, s1, s14, $0xb8;
	[tilespmem:$0xDC00] =	vst v63  }
0x5f: {  	s25 =	sadd.s32 $0x3, s25;
	p4 =	sge.u32 @!p0 s23, s6;
	_ =	swait.ge @!p1 [sflag:s7], $0x4000  }
0x60: {  	p5 =	sge.u32 @!p0 s28, s6;
	s2 =	simm.s32 @!p2 $0x0;
	[sflag:s7] =	ssyncset.done @!p1 $0x0  }
0x61: {  	[sflag:s7] =	ssyncadd.s32 @!p1 $0xFFFFC000;
	s1 =	simm.s32 @!p2 $0x4  }
0x62: {  	[tilespmem:s29], [sflag:$0x5] =	stream.indirect.gather.add.s32 @!p1 [hbm:s4], $0x80, s30, s26, $0xb8;
	[tilespmem:$0xDC00] =	vst v63  }
0x63: {  	p3 =	sge.u32 s23, s6;
	_ =	swait.ge @!p2 [sflag:s1], $0x4000  }
0x64: {  	p6 =	por p4, p0;
	p4 =	por p5, p0;
	[sflag:s1] =	ssyncset.done @!p2 $0x0  }
0x65: {  	s29 =	sadd.s32 $0xFFFFFFFC, s22;
	s8 =	simm.s32 @!p6 $0x7;
	[sflag:s1] =	ssyncadd.s32 @!p2 $0xFFFFC000  }
0x66: {  	[hbm4b:s10+s2] =	stream.linear.scatter @!p2 [tilespmem:s20], [sflag:$0x7], $0x4000, $0x38;
	[tilespmem:$0xDC00] =	vst v63  }
0x67: {  	p1 =	sge.u32 s13, s6;
	s7 =	simm.s32 @!p3 $0x80;
	_ =	swait.ge @!p6 [sflag:s8], $0x4000  }
0x68: {  	p5 =	sge.u32 s29, s6;
	s9 =	simm.s32 @!p1 $0x3;
	[sflag:s8] =	ssyncset.done @!p6 $0x0  }
0x69: {  	s1 =	simm.s32 @!p3 $0x1C00;
	s2 =	sshra.s32 @!p3 s18, $0x2;
	[sflag:s8] =	ssyncadd.s32 @!p6 $0xFFFFC000  }
0x6a: {  	[tilespmem:s1], [sflag:$0x1] =	stream.indirect.gather @!p3 [hbm4b:s3+s7], $0x80, s2, s7, $0xb8;
	[tilespmem:$0xDC00] =	vst v63  }
0x6b: {  	s14 =	simm.s32 @!p1 $0x80;
	s13 =	simm.s32 @!p5 $0x5;
	_ =	swait.ge @!p1 [sflag:s9], $0x4000  }
0x6c: {  	s10 =	sshra.s32 @!p1 s18, $0x2;
	s20 =	simm.s32 @!p1 $0x9C00;
	[sflag:s9] =	ssyncset.done @!p1 $0x0  }
0x6d: {  	s10 =	sadd.s32 @!p1 $0xD80, s10;
	s8 =	sadd.s32 @!p5 $0xFFFFF000, s21;
	[sflag:s9] =	ssyncadd.s32 @!p1 $0xFFFFC000  }
0x6e: {  	[tilespmem:s20], [sflag:$0x6] =	stream.indirect.gather.add.s32 @!p1 [hbm:s4], $0x80, s10, s14, $0xb8;
	[tilespmem:$0xDC00] =	vst v63  }
0x6f: {  	p2 =	sge.u32 s28, s6;
	s8 =	sand.u32 @!p5 $0x1FFFF800, s8;
	_ =	swait.ge @!p5 [sflag:s13], $0x4000  }
0x70: {  	s8 =	sadd.s32 @!p5 s5, s8;
	s9 =	simm.s32 @!p4 $0x8;
	[sflag:s13] =	ssyncset.done @!p5 $0x0  }
0x71: {  	s10 =	simm.s32 @!p5 $0x5C00;
	s14 =	simm.s32 @!p5 $0x0;
	[sflag:s13] =	ssyncadd.s32 @!p5 $0xFFFFC000  }
0x72: {  	[hbm4b:s8+s14] =	stream.linear.scatter @!p5 [tilespmem:s10], [sflag:$0x8], $0x4000, $0x38;
	[tilespmem:$0xDC00] =	vst v63  }
0x73: {  	s13 =	simm.s32 @!p2 $0x5C00;
	_ =	swait.ge @!p4 [sflag:s9], $0x4000  }
0x74: {  	s8 =	sshra.s32 @!p2 s18, $0x2;
	s10 =	simm.s32 @!p2 $0x80;
	[sflag:s9] =	ssyncset.done @!p4 $0x0  }
0x75: {  	s14 =	sadd.s32 @!p2 $0x80, s8;
	[sflag:s9] =	ssyncadd.s32 @!p4 $0xFFFFC000;
	s9 =	simm.s32 @!p3 $0x1  }
0x76: {  	[tilespmem:s13], [sflag:$0x2] =	stream.indirect.gather @!p2 [hbm4b:s3+s10], $0x80, s14, s10, $0xb8;
	[tilespmem:$0xDC00] =	vst v63  }
0x77: {  	s2 =	sadd.s32 @!p3 $0xE00, s2;
	_ =	swait.ge @!p3 [sflag:s9], $0x4000  }
0x78: {  	p4 =	sge.u32 @!p0 s22, s6;
	[sflag:s9] =	ssyncset.done @!p3 $0x0;
	p3 =	por p3, p3  }
0x79: {  	s14 =	sadd.s32 @!p1 $0xFFFFF800, s21;
	s21 =	simm.s32 @!p1 $0x6;
	[sflag:s9] =	ssyncadd.s32 @!p3 $0xFFFFC000  }
0x7a: {  	[tilespmem:s1], [sflag:$0x4] =	stream.indirect.gather.add.s32 @!p3 [hbm:s4], $0x80, s2, s7, $0xb8;
	[tilespmem:$0xDC00] =	vst v63  }
0x7b: {  	p0 =	por p4, p0;
	p4 =	sge.u32 s22, s6;
	_ =	swait.ge @!p1 [sflag:s21], $0x4000  }
0x7c: {  	s9 =	simm.s32 @!p1 $0x0;
	s2 =	sand.u32 @!p1 $0x1FFFF800, s14;
	[sflag:s21] =	ssyncset.done @!p1 $0x0  }
0x7d: {  	s7 =	simm.s32 @!p0 $0x9;
	s2 =	sadd.s32 @!p1 s5, s2;
	[sflag:s21] =	ssyncadd.s32 @!p1 $0xFFFFC000  }
0x7e: {  	[hbm4b:s2+s9] =	stream.linear.scatter @!p1 [tilespmem:s20], [sflag:$0x9], $0x4000, $0x38;
	[tilespmem:$0xDC00] =	vst v63  }
0x7f: {  	s14 =	simm.s32 @!p4 $0x9C00;
	_ =	swait.ge @!p0 [sflag:s7], $0x4000  }
0x80: {  	s2 =	sshra.s32 @!p4 s18, $0x2;
	s9 =	simm.s32 @!p4 $0x80;
	[sflag:s7] =	ssyncset.done @!p0 $0x0  }
0x81: {  	s2 =	sadd.s32 @!p4 $0x100, s2;
	[sflag:s7] =	ssyncadd.s32 @!p0 $0xFFFFC000;
	s7 =	simm.s32 @!p2 $0x2  }
0x82: {  	[tilespmem:s14], [sflag:$0x3] =	stream.indirect.gather @!p4 [hbm4b:s3+s9], $0x80, s2, s9, $0xb8;
	[tilespmem:$0xDC00] =	vst v63  }
0x83: {  	_ =	swait.ge @!p2 [sflag:s7], $0x4000  }
0x84: {  	[sflag:s7] =	ssyncset.done @!p2 $0x0  }
0x85: {  	s2 =	sadd.s32 @!p2 $0xE80, s8;
	[sflag:s7] =	ssyncadd.s32 @!p2 $0xFFFFC000;
	s7 =	simm.s32 @!p3 $0x4  }
0x86: {  	[tilespmem:s13], [sflag:$0x5] =	stream.indirect.gather.add.s32 @!p2 [hbm:s4], $0x80, s2, s10, $0xb8;
	[tilespmem:$0xDC00] =	vst v63  }
0x87: {  	_ =	swait.ge @!p3 [sflag:s7], $0x4000  }
0x88: {  	[sflag:s7] =	ssyncset.done @!p3 $0x0  }
0x89: {  	s30 =	simm.s32 $0x7;
	s2 =	simm.s32 @!p3 $0x0;
	[sflag:s7] =	ssyncadd.s32 @!p3 $0xFFFFC000  }
0x8a: {  	[hbm4b:s19+s2] =	stream.linear.scatter @!p3 [tilespmem:s1], [sflag:$0x7], $0x4000, $0x38;
	[tilespmem:$0xDC00] =	vst v63  }
0x8b: {  	_ =	swait.ge [sflag:s30], $0x4000  }
0x8c: {  	[sflag:s30] =	ssyncset.done $0x0  }
0x8d: {  	[sflag:s30] =	ssyncadd.s32 $0xFFFFC000  }
0x8e: {  	_ =	swait.ge [sflag:s15], $0x4000  }
0x8f: {  	[sflag:s15] =	ssyncset.done $0x0  }
0x90: {  	[sflag:s15] =	ssyncadd.s32 $0xFFFFC000  }
0x91: {  	_ =	swait.ge [sflag:s16], $0x4000  }
0x92: {  	s17 =	sadd.s32 $0x1, s17;
	s31 =	rddreg [dreg:$0x4]  }
0x93: {  	p0 =	sne.s32 s17, s31  }
.Ltmp1:
0x94: {  	_ = 	snop;
	(pc) =	sbr.rel @p0 .LBB2_1-.Ltmp1, $3  }
0x95: {  	_ =	sdelay $0x1  }
0x96: {  	[sflag:s16] =	ssyncset.done $0x0  }
0x97: {  	[sflag:s16] =	ssyncadd.s32 $0xFFFFC000  }
0x98: {  	_ =	sfence.sel $0x180000  }
0x99: {  	[bflag:$0x0] =	sbarrier.arrive $0xFFFF  }
0x9a: {  	_ =	strace $0x9000004A  }
0x9b: {  	s0 =	stileid.u32;
	[bflag:$0x2] =	sbarrier.arrive $0xFFFF  }
0x9c: {  	p0 =	sne.s32 s0, $0x0;
	s0 =	rddreg [dreg:$0x1]  }
0x9d: {  	s0 =	sadd.s32 @!p0 $0x100000, s0  }
0x9e: {  	[sflag:s0] =	ssyncadd.tile.s32 @!p0 $0x1;
	_ =	shalt  }
.Lfunc_end2:
_tile_overlayer_lowered:
.L_overlay_start_2:
0x9f: {  	(tag) =	ssettag $0x2  }
0xa0: {  	s0 =	rddreg [dreg:$0x0];
	s2 =	stileid.u32  }
0xa1: {  	s1 =	rddreg [dreg:$0x1];
	p0 =	sne.s32 s2, $0x0  }
0xa2: {  	s3 =	rddreg [dreg:$0x2];
	[bflag:$0x3] =	sbarrier.arrive $0xFFFF;
	s2 =	simm.s32 @!p0 $0x1C0A  }
0xa3: {  	[timem:s3], [sflag:s2] =	dma.local @!p0 [hbm:s0], s1  }
0xa4: {  	s0 =	simm.s32 @!p0 $0xA  }
0xa5: {  	_ =	swait.ge @!p0 [sflag:s0], s1  }
0xa6: {  	s1 =	ssub.s32 @!p0 $0x0, s1;
	[sflag:s0] =	ssyncset.done @!p0 $0x0  }
0xa7: {  	[sflag:s0] =	ssyncadd.s32 @!p0 s1  }
0xa8: {  	[bflag:$0x3] =	sbarrier.arrive $0xFFFF  }
0xa9: {  	_ =	shalt  }

// kernel: kernel.18.cloned.1.call-start
scs
__scs_entry_jumppad:
0x0: {  	(pc) =	sbr.rel $0x88, $3  }
0x1: {  	(tag) =	ssettag $0x0;
	lr =	simm.s32 $0x1  }
0x2: {  	[smem:$0x3F96] =	sst lr;
	_ =	strace $0xD0000000  }
0x3: {  	_ = 	snop  }
0x4: {  	_ = 	snop  }
0x5: {  	_ = 	snop  }
0x6: {  	_ = 	snop  }
0x7: {  	_ = 	snop  }
__scs_overlays_trampoline_lowered:
0x8: {  	[smem:$0x3FA5] =	sst s0  }
0x9: {  	[smem:$0x3FA6] =	sst s1  }
0xa: {  	[smem:$0x3FA7] =	sst s2  }
0xb: {  	[smem:$0x3FA8] =	sst s3  }
0xc: {  	[smem:$0x3FA9] =	sst s4  }
0xd: {  	[smem:$0x3FAA] =	sst s5  }
0xe: {  	[smem:$0x3FAB] =	sst s6  }
0xf: {  	[smem:$0x3FAC] =	sst s7  }
0x10: {  	[smem:$0x3FAD] =	sst s8  }
0x11: {  	[smem:$0x3FAE] =	sst s9;
	s0 =	simm.s32 @!p0 $0x0  }
0x12: {  	s1 =	sld [smem:$0x3F94];
	s0 =	simm.s32 @p0 $0x1  }
0x13: {  	[smem:$0x3FAF] =	sst s0;
	s0 =	simm.s32 @!p1 $0x0  }
0x14: {  	s2 =	sld [smem:$0x3F93];
	s0 =	simm.s32 @p1 $0x1  }
0x15: {  	[smem:$0x3FB0] =	sst s0;
	s0 =	simm.s32 @!p2 $0x0  }
0x16: {  	s3 =	sld [smem:$0x3FDB];
	s0 =	simm.s32 @p2 $0x1  }
0x17: {  	s4 =	simm.s32 $0x1BF5;
	[smem:$0x3FB2] =	sst s0  }
0x18: {  	s0 =	sld [smem:$0x3F95];
	_ =	swait.ge [sflag:s4], $0x0  }
0x19: {  	s7 =	sld [smem:$0x3F96]  }
0x1a: {  	s8 =	sadd.s32 $0xFFFFE003, lr  }
0x1b: {  	s9 =	sadd.s32 $0xFFFFFEF7, lr;
	s5 =	simm.s32 $0xFFFFFFFF;
	p2 =	slt.u32 s8, $0xFFFFF086  }
0x1c: {  	p1 =	slt.u32 s9, $0xF7A;
	s5 =	simm.s32 @!p2 $0x0  }
0x1d: {  	s5 =	simm.s32 @p1 $0x1;
	p0 =	seq.s32 s7, s2  }
0x1e: {  	s7 =	smul.u32 @!p0 $0xF7A, s2;
	p2 =	seq.s32 @!p0 s5, $0x0  }
0x1f: {  	s9 =	smul.u32 $0xF7A, s1;
	s8 =	simm.s32 @!p0 $0x1BF5;
	p2 =	por !p2, p0  }
0x20: {  	[sflag:s8] =	ssyncset.s32 @!p0 $0xFFFFF086;
	s6 =	sadd.s32 @!p0 s3, s7;
	s7 =	simm.s32 @!p0 $0x108  }
0x21: {  	s3 =	sadd.s32 s3, s9;
	s6 =	sadd.s32 @!p0 $0x88, s6;
	s7 =	simm.s32 @p2 $0x1082  }
0x22: {  	[simem:s7], [sflag:s8] =	dma.local @!p0 [hbm:s6], $0xF7A  }
0x23: {  	s9 =	sor.u32 $0xD0000000, s2;
	s6 =	simm.s32 $0x108;
	_ =	swait.ge @!p0 [sflag:s8], $0x0  }
0x24: {  	s3 =	sadd.s32 $0x88, s3;
	s6 =	simm.s32 @!p1 $0x1082;
	[sflag:s4] =	ssyncset.s32 $0xFFFFF086  }
0x25: {  	[simem:s6], [sflag:s4] =	dma.local [hbm:s3], $0xF7A  }
0x26: {  	[smem:$0x3F96] =	sst s1;
	(tag) =	ssettag s2;
	_ =	strace s9  }
0x27: {  	s1 =	sld [smem:$0x3FA6]  }
0x28: {  	s2 =	sld [smem:$0x3FA7]  }
0x29: {  	s4 =	sld [smem:$0x3FA9]  }
0x2a: {  	p0 =	seq.s32 s5, $0x0;
	s5 =	sld [smem:$0x3FAA]  }
0x2b: {  	s6 =	sld [smem:$0x3FAB]  }
0x2c: {  	s7 =	sld [smem:$0x3FAC]  }
0x2d: {  	s3 =	simm.s32 $0x108;
	s8 =	sld [smem:$0x3FAD]  }
0x2e: {  	s3 =	simm.s32 @!p0 $0x1082;
	s9 =	sld [smem:$0x3FAE]  }
0x2f: {  	lr =	sadd.s32 s0, s3;
	s0 =	sld [smem:$0x3FA5]  }
0x30: {  	s3 =	sld [smem:$0x3FA8]  }
0x31: {  	[smem:$0x3FB1] =	sst s10  }
0x32: {  	s10 =	sld [smem:$0x3FAF];
	_ =	sdelay $0x3  }
0x33: {  	p0 =	seq.s32 s10, $0x1;
	s10 =	sld [smem:$0x3FB1];
	_ =	sdelay $0x3  }
0x34: {  	[smem:$0x3FB1] =	sst s10  }
0x35: {  	s10 =	sld [smem:$0x3FB0];
	_ =	sdelay $0x3  }
0x36: {  	p1 =	seq.s32 s10, $0x1;
	s10 =	sld [smem:$0x3FB1];
	_ =	sdelay $0x3  }
0x37: {  	[smem:$0x3FB1] =	sst s10  }
0x38: {  	s10 =	sld [smem:$0x3FB2]  }
0x39: {  	_ = 	snop;
	(pc) =	sbr.ind lr, $3  }
0x3a: {  	_ = 	snop  }
0x3b: {  	_ = 	snop  }
0x3c: {  	p2 =	seq.s32 s10, $0x1;
	s10 =	sld [smem:$0x3FB1]  }
0x3d: {  	_ =	shalt  }
0x3e: {  	_ =	shalt  }
0x3f: {  	_ =	shalt  }
0x40: {  	_ =	shalt  }
0x41: {  	_ =	shalt  }
0x42: {  	_ =	shalt  }
0x43: {  	_ =	shalt  }
0x44: {  	_ =	shalt  }
0x45: {  	_ =	shalt  }
0x46: {  	_ =	shalt  }
0x47: {  	_ =	shalt  }
0x48: {  	_ =	shalt  }
0x49: {  	_ =	shalt  }
0x4a: {  	_ =	shalt  }
0x4b: {  	_ =	shalt  }
0x4c: {  	_ =	shalt  }
0x4d: {  	_ =	shalt  }
0x4e: {  	_ =	shalt  }
0x4f: {  	_ =	shalt  }
0x50: {  	_ =	shalt  }
0x51: {  	_ =	shalt  }
0x52: {  	_ =	shalt  }
0x53: {  	_ =	shalt  }
0x54: {  	_ =	shalt  }
0x55: {  	_ =	shalt  }
0x56: {  	_ =	shalt  }
0x57: {  	_ =	shalt  }
0x58: {  	_ =	shalt  }
0x59: {  	_ =	shalt  }
0x5a: {  	_ =	shalt  }
0x5b: {  	_ =	shalt  }
0x5c: {  	_ =	shalt  }
0x5d: {  	_ =	shalt  }
0x5e: {  	_ =	shalt  }
0x5f: {  	_ =	shalt  }
0x60: {  	_ =	shalt  }
0x61: {  	_ =	shalt  }
0x62: {  	_ =	shalt  }
0x63: {  	_ =	shalt  }
0x64: {  	_ =	shalt  }
0x65: {  	_ =	shalt  }
0x66: {  	_ =	shalt  }
0x67: {  	_ =	shalt  }
0x68: {  	_ =	shalt  }
0x69: {  	_ =	shalt  }
0x6a: {  	_ =	shalt  }
0x6b: {  	_ =	shalt  }
0x6c: {  	_ =	shalt  }
0x6d: {  	_ =	shalt  }
0x6e: {  	_ =	shalt  }
0x6f: {  	_ =	shalt  }
0x70: {  	_ =	shalt  }
0x71: {  	_ =	shalt  }
0x72: {  	_ =	shalt  }
0x73: {  	_ =	shalt  }
0x74: {  	_ =	shalt  }
0x75: {  	_ =	shalt  }
0x76: {  	_ =	shalt  }
0x77: {  	_ =	shalt  }
0x78: {  	_ =	shalt  }
0x79: {  	_ =	shalt  }
0x7a: {  	_ =	shalt  }
0x7b: {  	_ =	shalt  }
0x7c: {  	_ =	shalt  }
0x7d: {  	_ =	shalt  }
0x7e: {  	_ =	shalt  }
0x7f: {  	_ =	shalt  }
0x80: {  	_ =	shalt  }
0x81: {  	_ =	shalt  }
0x82: {  	_ =	shalt  }
0x83: {  	_ =	shalt  }
0x84: {  	_ =	shalt  }
0x85: {  	_ =	shalt  }
0x86: {  	_ =	shalt  }
0x87: {  	_ =	shalt  }
.Lfunc_end0:
.L_simem_size_0:
called_computation.2_lowered:
.L_overlay_start_0:
0x88: {  	s2 =	sld [smem:$0x3FD9]  }
0x89: {  	s3 =	sld [smem:$0x3FFE];
	_ =	sdelay $0x1  }
0x8a: {  	s1 =	srdreg.scid  }
0x8b: {  	s0 =	sand.u32 $0x1, s1  }
0x8c: {  	s17 =	sshll.u32 s0, $0xA;
	s2 =	sadd.s32 s3, s2  }
0x8d: {  	s2 =	sadd.s32 s2, s17  }
0x8e: {  	[smem:$0x3FBD] =	sst s2  }
0x8f: {  	_ = 	snop  }
0x90: {  	(tm) =	ssettm $0x1  }
0x91: {  	s18 =	sld [smem:$0x3FFB];
	_ =	sdelay $0x3  }
0x92: {  	_ =	strace s18  }
0x93: {  	s2 =	sld [smem:$0x3FFC];
	_ =	sdelay $0x3  }
0x94: {  	_ =	strace s2  }
0x95: {  	s2 =	sld [smem:$0x3FFD];
	_ =	sdelay $0x3  }
0x96: {  	_ =	strace s2  }
0x97: {  	_ =	strace $0x8FFFFFFF  }
0x98: {  	s19 =	sld [smem:$0x3FDB];
	_ =	sdelay $0x1  }
0x99: {  	s20 =	simm.s32 $_scs_section_size  }
0x9a: {  	s4 =	simm.s32 $_size__tile_overlayer_lowered;
	s5 =	simm.s32 $_tile_overlayer_lowered  }
0x9b: {  	s6 =	simm.s32 $0x1BFF;
	s21 =	sshll.u32 s5, $0x1;
	s3 =	sadd.s32 s20, s19  }
0x9c: {  	s22 =	simm.s32 $0x0;
	s4 =	sshll.u32 s4, $0x1;
	s5 =	sadd.s32 s21, s3  }
0x9d: {  	[timem:s22], [sflag:s6] =	dma.local [hbm:s5], s4  }
0x9e: {  	_ =	swait.ge [sflag:s6], s4  }
0x9f: {  	s4 =	ssub.s32 $0x0, s4;
	[sflag:s6] =	ssyncset.done $0x0  }
0xa0: {  	[sflag:s6] =	ssyncadd.s32 s4;
	_ =	sdelay $0x1  }
0xa1: {  	s23 =	simm.s32 $0x1B8B  }
0xa2: {  	_ =	swait.ge [sflag:s23], $0x1  }
0xa3: {  	[sflag:s23] =	ssyncset.done $0x0  }
0xa4: {  	[sflag:s23] =	ssyncadd.s32 $0xFFFFFFFF  }
0xa5: {  	s4 =	sld [smem:$0x0]  }
0xa6: {  	s5 =	sand.u32 $0xFFFFFFFE, s1  }
0xa7: {  	p0 =	sne.s32 s1, s5  }
0xa8: {  	s5 =	sshll.u32 @p0 s5, $0xE  }
0xa9: {  	s5 =	sadd.s32 @p0 $0x11B8D, s5;
	s6 =	sshll.u32 @p0 s4, $0x11  }
0xaa: {  	s5 =	sor.u32 @p0 s6, s5  }
0xab: {  	[sflag:s5] =	ssyncadd.remote.s32 @p0 $0x1;
	_ =	sdelay $0x1  }
0xac: {  	s5 =	simm.s32 @p0 $0x1B8D  }
0xad: {  	_ =	swait.eq @p0 [sflag:s5], $0x1  }
0xae: {  	[sflag:s5] =	ssyncadd.s32 @p0 $0xFFFFFFFF  }
0xaf: {  	s6 =	sshll.u32 @!p0 s1, $0xE  }
0xb0: {  	s6 =	sor.u32 @!p0 $0x4000, s6;
	s5 =	simm.s32 @!p0 $0x1B8D  }
0xb1: {  	s4 =	sshll.u32 @!p0 s4, $0x11;
	s6 =	sadd.s32 @!p0 $0x11B8D, s6;
	_ =	swait.eq @!p0 [sflag:s5], $0x1  }
0xb2: {  	s4 =	sor.u32 @!p0 s4, s6;
	[sflag:s5] =	ssyncadd.s32 @!p0 $0xFFFFFFFF  }
0xb3: {  	s25 =	simm.s32 $0x1B8E;
	s24 =	sld [smem:$0x3FFE];
	[sflag:s4] =	ssyncadd.remote.s32 @!p0 $0x1  }
0xb4: {  	s26 =	simm.s32 $execute0_lowered;
	[smem:$0x3FD2] =	sst s25  }
0xb5: {  	s5 =	sshll.u32 s26, $0x1;
	_ =	strace $0x8000004C;
	[dreg:$0x1] =	wrdreg $0xFFFFFFFF  }
0xb6: {  	s28 =	simm.s32 $_size_execute0_lowered;
	s3 =	sadd.s32 s3, s5;
	[dreg:$0x0] =	wrdreg $0x0  }
0xb7: {  	s5 =	sshll.u32 s28, $0x1;
	[dreg:$0x2] =	wrdreg s3  }
0xb8: {  	[dreg:$0x3] =	wrdreg s5  }
0xb9: {  	[dreg:$0x4] =	wrdreg $0xC0  }
0xba: {  	_ =	task [dreg:s22], $0x5FFFF  }
0xbb: {  	[dreg:$0x1] =	wrdreg $0xFFFFFFFF  }
0xbc: {  	[dreg:$0x0] =	wrdreg $0x60  }
0xbd: {  	[dreg:$0x2] =	wrdreg s24  }
0xbe: {  	[dreg:$0x3] =	wrdreg $0xB  }
0xbf: {  	_ =	task.clear_ibuf [dreg:s22], $0x4FFFF;
	_ =	strace $0x9000004C  }
0xc0: {  	s29 =	simm.s32 $0xB;
	_ =	strace $0x8000004E  }
0xc1: {  	_ =	swait.ge [sflag:s29], $0x1  }
0xc2: {  	[sflag:s29] =	ssyncadd.s32 $0xFFFFFFFF  }
0xc3: {  	_ =	strace $0x9000004E  }
0xc4: {  	_ =	sfence  }
0xc5: {  	s30 =	sld [smem:$0x0];
	_ =	sdelay $0x2  }
0xc6: {  	s31 =	sshll.u32 s1, $0xD;
	s1 =	sshrl.u32 s1, $0x2  }
0xc7: {  	s4 =	sand.u32 $0x4000, s31;
	s1 =	sadd.s32 s1, s30  }
0xc8: {  	s0 =	sor.u32 s4, s0;
	s1 =	sshll.u32 s1, $0x11  }
0xc9: {  	s0 =	sor.u32 s1, s0  }
0xca: {  	s0 =	sadd.s32 $0x8F2B, s0  }
0xcb: {  	[sflag:s0] =	ssyncadd.remote.s32 $0x1  }
0xcc: {  	_ =	sfence.sel $0xFFFF  }
0xcd: {  	[dreg:$0x0] =	wrdreg $0xFFFFFFFF;
	(pc) =	sbr.abs _section_cstart, $3  }
0xce: {  	[dreg:$0x1] =	wrdreg $0xFFFFFFFF  }
0xcf: {  	_ =	task.clear_ibuf [dreg:s22], $0x2FFFF;
	_ =	strace $0x9FFFFFFF  }
0xd0: {  	(tm) =	ssettm $0x7FFFFFFF  }
0xd1: {  	_ =	shalt  }
tec
execute0_lowered:
.L_overlay_start_1:
0x0: {  	(tag) =	ssettag $0x1  }
0x1: {  	s0 =	srdreg.scid;
	s10 =	stileid.u32  }
0x2: {  	s2 =	rddreg [dreg:$0x0];
	s4 =	simm.s32 $0x0;
	s12 =	simm.s32 $0xA  }
0x3: {  	s15 =	simm.s32 $0x8;
	s16 =	simm.s32 $0x9;
	s17 =	simm.s32 $0x0  }
0x4: {  	s0 =	sand.u32 $0x1, s0;
	s1 =	sshll.u32 s10, $0x1;
	s9 =	smul.u32 $0x2E, s10  }
0x5: {  	[smem:$0x7FF] =	sst s4;
	p0 =	slt.u32 s10, $0x7;
	s10 =	smul.u32 $0x17000, s10  }
0x6: {  	s4 =	sadd.s32 $0x4800, s2;
	s5 =	sadd.s32 $0x215C00, s2;
	s28 =	smul.u32 $0x17, s0  }
0x7: {  	s1 =	sor.u32 s0, s1;
	s6 =	ssub.s32 $0x2, s0;
	s0 =	smul.u32 $0xB800, s0  }
0x8: {  	_ =	strace $0x8000004D;
	s3 =	smul.u32 $0x17, s1;
	s8 =	sshrl.u32 s6, $0x1  }
0x9: {  	s1 =	smin.u32 s1, $0xE;
	s26 =	ssub.s32 s6, s8;
	s6 =	simm.s32 $0x18  }
0xa: {  	s9 =	sadd.s32 s9, s1;
	s30 =	sadd.s32 s0, s10;
	s3 =	sadd.s32 s1, s3  }
0xb: {  	s6 =	simm.s32 @!p0 $0x17;
	s29 =	sadd.s32 s28, s9;
	s3 =	sshll.u32 s3, $0x4  }
0xc: {  	s1 =	sshll.u32 s1, $0xB;
	s31 =	smax.u32 s26, $0x1;
	s7 =	sadd.s32 s3, s2  }
0xd: {  	[dreg:$0x4] =	wrdreg s31;
	s11 =	sadd.s32 $0x20F800, s7;
	s7 =	sadd.s32 $0x212A00, s7  }
0xe: {  	s3 =	sadd.s32 $0x2BA00, s2;
	[dreg:$0x3] =	wrdreg s7;
	s7 =	sshll.u32 s29, $0xB  }
0xf: {  	[dreg:$0x2] =	wrdreg s11;
	s11 =	sadd.s32 s1, s30;
	s0 =	sadd.s32 s7, s5  }
.LBB2_1:
0x10: {  	s1 =	simm.s32 $0x0  }
0x11: {  	s2 =	rddreg [dreg:$0x2];
	s7 =	simm.s32 $0xC00;
	p0 =	por $0x1, $0x1  }
0x12: {  	[tilespmem:s1], [sflag:$0xA] =	stream.linear.gather [hbm4b:s2+s1], $0xC00, $0x38;
	[tilespmem:$0xD800] =	vst v63  }
0x13: {  	s18 =	simm.s32 $0x600;
	s22 =	simm.s32 $0x5;
	_ =	swait.ge [sflag:s12], $0xC00  }
0x14: {  	p2 =	sle.u32 s6, $0x0;
	s23 =	simm.s32 $0x3;
	[sflag:s12] =	ssyncset.done $0x0  }
0x15: {  	s24 =	simm.s32 $0xC00;
	s31 =	rddreg [dreg:$0x3];
	[sflag:s12] =	ssyncadd.s32 $0xFFFFF400  }
0x16: {  	[tilespmem:s7], [sflag:$0xA] =	stream.linear.gather [hbm4b:s31+s1], $0xC00, $0x38;
	[tilespmem:$0xD800] =	vst v63  }
0x17: {  	s21 =	sadd.s32 $0x1800, s11;
	p1 =	sle.u32 @!p0 s6, $0x0;
	_ =	swait.ge [sflag:s12], $0xC00  }
0x18: {  	p5 =	sle.u32 s6, $0x2;
	p1 =	por p1, p0;
	[sflag:s12] =	ssyncset.done $0x0  }
0x19: {  	p3 =	sle.u32 @!p0 s6, $0x1;
	s1 =	simm.s32 @!p1 $0x7;
	[sflag:s12] =	ssyncadd.s32 $0xFFFFF400  }
0x1a: {  	s2 =	simm.s32 @!p2 $0x0;
	s20 =	simm.s32 @!p2 $0x1800;
	_ =	swait.ge @!p1 [sflag:s1], $0x4000  }
0x1b: {  	p4 =	por p3, p0;
	p3 =	sle.u32 s6, $0xFFFFFFFF;
	[sflag:s1] =	ssyncset.done @!p1 $0x0  }
0x1c: {  	s8 =	simm.s32 @!p3 $0x3;
	s7 =	simm.s32 @!p2 $0x80;
	[sflag:s1] =	ssyncadd.s32 @!p1 $0xFFFFC000  }
0x1d: {  	[tilespmem:s20], [sflag:$0x1] =	stream.indirect.gather @!p2 [hbm4b:s3+s7], $0x80, s2, s7, $0xb8;
	[tilespmem:$0xD800] =	vst v63  }
0x1e: {  	s28 =	simm.s32 $0x4;
	s10 =	simm.s32 @!p3 $0x80;
	_ =	swait.ge @!p3 [sflag:s8], $0x4000  }
0x1f: {  	s13 =	simm.s32 @!p3 $0x9800;
	p1 =	sle.u32 s6, $0xFFFFFFFE;
	[sflag:s8] =	ssyncset.done @!p3 $0x0  }
0x20: {  	s1 =	simm.s32 @!p3 $0xB80;
	s2 =	simm.s32 @!p1 $0x5;
	[sflag:s8] =	ssyncadd.s32 @!p3 $0xFFFFC000  }
0x21: {  	[tilespmem:s13], [sflag:$0x6] =	stream.indirect.gather.add.s32 @!p3 [hbm:s4], $0x80, s1, s10, $0xb8;
	[tilespmem:$0xD800] =	vst v63  }
0x22: {  	s19 =	simm.s32 @!p1 $0x0;
	s8 =	sadd.s32 @!p1 $0xFFFFF000, s11;
	_ =	swait.ge @!p1 [sflag:s2], $0x4000  }
0x23: {  	s1 =	simm.s32 @!p4 $0x8;
	s8 =	sand.u32 @!p1 $0x1FFFF800, s8;
	[sflag:s2] =	ssyncset.done @!p1 $0x0  }
0x24: {  	s10 =	simm.s32 @!p1 $0x5800;
	s8 =	sadd.s32 @!p1 s5, s8;
	[sflag:s2] =	ssyncadd.s32 @!p1 $0xFFFFC000  }
0x25: {  	[hbm4b:s8+s19] =	stream.linear.scatter @!p1 [tilespmem:s10], [sflag:$0x8], $0x4000, $0x38;
	[tilespmem:$0xD800] =	vst v63  }
0x26: {  	s2 =	sadd.s32 @!p3 $0xFFFFF800, s11;
	p1 =	sle.u32 s6, $0x1;
	_ =	swait.ge @!p4 [sflag:s1], $0x4000  }
0x27: {  	s26 =	simm.s32 @!p1 $0x80;
	s29 =	simm.s32 @!p1 $0x5800;
	[sflag:s1] =	ssyncset.done @!p4 $0x0  }
0x28: {  	s8 =	simm.s32 @!p1 $0x80;
	[sflag:s1] =	ssyncadd.s32 @!p4 $0xFFFFC000;
	s1 =	simm.s32 @!p2 $0x1  }
0x29: {  	[tilespmem:s29], [sflag:$0x2] =	stream.indirect.gather @!p1 [hbm4b:s3+s26], $0x80, s8, s26, $0xb8;
	[tilespmem:$0xD800] =	vst v63  }
0x2a: {  	s25 =	simm.s32 $0x8;
	s2 =	sand.u32 @!p3 $0x1FFFF800, s2;
	_ =	swait.ge @!p2 [sflag:s1], $0x4000  }
0x2b: {  	s8 =	simm.s32 @!p2 $0xC00;
	[sflag:s1] =	ssyncset.done @!p2 $0x0;
	p2 =	por p2, p2  }
0x2c: {  	s10 =	simm.s32 @!p3 $0x6;
	s19 =	sadd.s32 $0x1800, s0;
	[sflag:s1] =	ssyncadd.s32 @!p2 $0xFFFFC000  }
0x2d: {  	[tilespmem:s20], [sflag:$0x4] =	stream.indirect.gather.add.s32 @!p2 [hbm:s4], $0x80, s8, s7, $0xb8;
	[tilespmem:$0xD800] =	vst v63  }
0x2e: {  	s2 =	sadd.s32 @!p3 s5, s2;
	p4 =	sle.u32 @!p0 s6, $0x2;
	_ =	swait.ge @!p3 [sflag:s10], $0x4000  }
0x2f: {  	s30 =	simm.s32 @!p1 $0xC80;
	p4 =	por p4, p0;
	[sflag:s10] =	ssyncset.done @!p3 $0x0  }
0x30: {  	s1 =	simm.s32 @!p4 $0x9;
	s7 =	simm.s32 @!p3 $0x0;
	[sflag:s10] =	ssyncadd.s32 @!p3 $0xFFFFC000  }
0x31: {  	[hbm4b:s2+s7] =	stream.linear.scatter @!p3 [tilespmem:s13], [sflag:$0x9], $0x4000, $0x38;
	[tilespmem:$0xD800] =	vst v63  }
0x32: {  	p0 =	por $0x0, $0x0;
	s8 =	simm.s32 @!p5 $0x80;
	_ =	swait.ge @!p4 [sflag:s1], $0x4000  }
0x33: {  	s10 =	simm.s32 @!p5 $0x9800;
	s13 =	simm.s32 $0x2;
	[sflag:s1] =	ssyncset.done @!p4 $0x0  }
0x34: {  	s2 =	simm.s32 @!p5 $0x100;
	s7 =	simm.s32 @!p1 $0x2;
	[sflag:s1] =	ssyncadd.s32 @!p4 $0xFFFFC000  }
0x35: {  	[tilespmem:s10], [sflag:$0x3] =	stream.indirect.gather @!p5 [hbm4b:s3+s8], $0x80, s2, s8, $0xb8;
	[tilespmem:$0xD800] =	vst v63  }
0x36: {  	p4 =	sle.u32 @!p0 s6, $0x3;
	p5 =	sle.u32 @!p0 s6, $0x4;
	_ =	swait.ge @!p1 [sflag:s7], $0x4000  }
0x37: {  	s2 =	simm.s32 @!p2 $0x0;
	s10 =	smov.u32 s0;
	[sflag:s7] =	ssyncset.done @!p1 $0x0  }
.LBB2_2:
0x38: {  	p3 =	sge.u32 s23, s6;
	s8 =	sadd.s32 $0xFFFFFFFC, s22;
	p5 =	por p5, p0  }
0x39: {  	s31 =	smov.u32 s18;
	s18 =	smov.u32 s24;
	s1 =	smov.u32 s22  }
0x3a: {  	[sflag:s7] =	ssyncadd.s32 @!p1 $0xFFFFC000;
	s7 =	simm.s32 @!p2 $0x4;
	s23 =	sadd.s32 $0xFFFFFFFE, s25  }
0x3b: {  	[tilespmem:s29], [sflag:$0x5] =	stream.indirect.gather.add.s32 @!p1 [hbm:s4], $0x80, s30, s26, $0xb8;
	[tilespmem:$0xD800] =	vst v63  }
0x3c: {  	s24 =	sadd.s32 $0x600, s24;
	s9 =	sshra.s32 @!p3 s31, $0x2;
	s22 =	simm.s32 @!p5 $0x8  }
0x3d: {  	p1 =	por p4, p0;
	p6 =	sge.u32 s8, s6;
	p4 =	sge.u32 s13, s6  }
0x3e: {  	_ =	swait.ge @!p2 [sflag:s7], $0x4000;
	s8 =	simm.s32 @!p1 $0x7;
	s13 =	sadd.s32 @!p3 $0xC00, s9  }
0x3f: {  	s26 =	simm.s32 @!p4 $0x3;
	s29 =	sadd.s32 @!p4 $0xFFFFF800, s21;
	[sflag:s7] =	ssyncset.done @!p2 $0x0  }
0x40: {  	s14 =	simm.s32 @!p6 $0x5800;
	[sflag:s7] =	ssyncadd.s32 @!p2 $0xFFFFC000;
	s7 =	simm.s32 @!p3 $0x80  }
0x41: {  	[hbm4b:s10+s2] =	stream.linear.scatter @!p2 [tilespmem:s20], [sflag:$0x7], $0x4000, $0x38;
	[tilespmem:$0xD800] =	vst v63  }
0x42: {  	s20 =	simm.s32 @!p3 $0x1800;
	s10 =	sadd.s32 @!p6 $0xFFFFF000, s21;
	_ =	swait.ge @!p1 [sflag:s8], $0x4000  }
0x43: {  	s2 =	sshra.s32 @!p4 s31, $0x2;
	p2 =	sge.u32 @!p0 s1, s6;
	[sflag:s8] =	ssyncset.done @!p1 $0x0  }
0x44: {  	s21 =	sadd.s32 $0x1800, s21;
	s30 =	sadd.s32 @!p4 $0xB80, s2;
	[sflag:s8] =	ssyncadd.s32 @!p1 $0xFFFFC000  }
0x45: {  	[tilespmem:s20], [sflag:$0x1] =	stream.indirect.gather @!p3 [hbm4b:s3+s7], $0x80, s9, s7, $0xb8;
	[tilespmem:$0xD800] =	vst v63  }
0x46: {  	s2 =	sand.u32 @!p4 $0x1FFFF800, s29;
	s29 =	simm.s32 @!p4 $0x80;
	_ =	swait.ge @!p4 [sflag:s26], $0x4000  }
0x47: {  	s10 =	sand.u32 @!p6 $0x1FFFF800, s10;
	s2 =	sadd.s32 @!p4 s5, s2;
	[sflag:s26] =	ssyncset.done @!p4 $0x0  }
0x48: {  	s8 =	simm.s32 @!p4 $0x9800;
	s9 =	simm.s32 @!p6 $0x5;
	[sflag:s26] =	ssyncadd.s32 @!p4 $0xFFFFC000  }
0x49: {  	[tilespmem:s8], [sflag:$0x6] =	stream.indirect.gather.add.s32 @!p4 [hbm:s4], $0x80, s30, s29, $0xb8;
	[tilespmem:$0xD800] =	vst v63  }
0x4a: {  	s10 =	sadd.s32 @!p6 s5, s10;
	s26 =	simm.s32 @!p2 $0x0;
	_ =	swait.ge @!p6 [sflag:s9], $0x4000  }
0x4b: {  	p1 =	sge.u32 s28, s6;
	s26 =	simm.s32 @p2 $0x1;
	[sflag:s9] =	ssyncset.done @!p6 $0x0  }
0x4c: {  	s28 =	simm.s32 @!p6 $0x0;
	[smem:$0x7FD] =	sst s26;
	[sflag:s9] =	ssyncadd.s32 @!p6 $0xFFFFC000  }
0x4d: {  	[hbm4b:s10+s28] =	stream.linear.scatter @!p6 [tilespmem:s14], [sflag:$0x8], $0x4000, $0x38;
	[tilespmem:$0xD800] =	vst v63  }
0x4e: {  	s29 =	simm.s32 @!p1 $0x5800;
	s9 =	sshra.s32 @!p1 s31, $0x2;
	_ =	swait.ge @!p5 [sflag:s22], $0x4000  }
0x4f: {  	s26 =	simm.s32 @!p1 $0x80;
	s30 =	sadd.s32 @!p1 $0xC80, s9;
	[sflag:s22] =	ssyncset.done @!p5 $0x0  }
0x50: {  	s9 =	sadd.s32 @!p1 $0x80, s9;
	s14 =	simm.s32 @!p3 $0x1;
	[sflag:s22] =	ssyncadd.s32 @!p5 $0xFFFFC000  }
0x51: {  	[tilespmem:s29], [sflag:$0x2] =	stream.indirect.gather @!p1 [hbm4b:s3+s26], $0x80, s9, s26, $0xb8;
	[tilespmem:$0xD800] =	vst v63  }
0x52: {  	p2 =	por p3, p3;
	p6 =	sne.s32 s24, $0x3600;
	_ =	swait.ge @!p3 [sflag:s14], $0x4000  }
0x53: {  	s10 =	smov.u32 s19;
	s19 =	sadd.s32 $0x1800, s19;
	[sflag:s14] =	ssyncset.done @!p3 $0x0  }
0x54: {  	s9 =	simm.s32 @!p4 $0x6;
	[sflag:s14] =	ssyncadd.s32 @!p2 $0xFFFFC000;
	s14 =	sld [smem:$0x7FD]  }
0x55: {  	[tilespmem:s20], [sflag:$0x4] =	stream.indirect.gather.add.s32 @!p2 [hbm:s4], $0x80, s13, s7, $0xb8;
	[tilespmem:$0xD800] =	vst v63  }
0x56: {  	s28 =	sadd.s32 $0xFFFFFFFF, s25;
	s22 =	smov.u32 s25;
	_ =	swait.ge @!p4 [sflag:s9], $0x4000  }
0x57: {  	s13 =	sadd.s32 $0xFFFFFFFD, s25;
	p5 =	seq.s32 s14, $0x1;
	[sflag:s9] =	ssyncset.done @!p4 $0x0  }
0x58: {  	p3 =	por p5, p0;
	[sflag:s9] =	ssyncadd.s32 @!p4 $0xFFFFC000;
	s9 =	simm.s32 @!p4 $0x0  }
0x59: {  	p5 =	sge.u32 s1, s6;
	p0 =	seq.s32 s18, $0x0;
	s7 =	simm.s32 @!p3 $0x9  }
0x5a: {  	[hbm4b:s2+s9] =	stream.linear.scatter @!p4 [tilespmem:s8], [sflag:$0x9], $0x4000, $0x38;
	[tilespmem:$0xD800] =	vst v63  }
0x5b: {  	s1 =	sshra.s32 @!p5 s31, $0x2;
	s14 =	simm.s32 @!p5 $0x80;
	_ =	swait.ge @!p3 [sflag:s7], $0x4000  }
.Ltmp0:
0x5c: {  	s2 =	simm.s32 @!p5 $0x9800;
	[sflag:s7] =	ssyncset.done @!p3 $0x0;
	(pc) =	sbr.rel @p6 .LBB2_2-.Ltmp0, $4  }
0x5d: {  	s1 =	sadd.s32 @!p5 $0x100, s1;
	[sflag:s7] =	ssyncadd.s32 @!p3 $0xFFFFC000;
	s7 =	simm.s32 @!p1 $0x2  }
0x5e: {  	[tilespmem:s2], [sflag:$0x3] =	stream.indirect.gather @!p5 [hbm4b:s3+s14], $0x80, s1, s14, $0xb8;
	[tilespmem:$0xD800] =	vst v63  }
0x5f: {  	s25 =	sadd.s32 $0x3, s25;
	p4 =	sge.u32 @!p0 s23, s6;
	_ =	swait.ge @!p1 [sflag:s7], $0x4000  }
0x60: {  	p5 =	sge.u32 @!p0 s28, s6;
	s2 =	simm.s32 @!p2 $0x0;
	[sflag:s7] =	ssyncset.done @!p1 $0x0  }
0x61: {  	[sflag:s7] =	ssyncadd.s32 @!p1 $0xFFFFC000;
	s1 =	simm.s32 @!p2 $0x4  }
0x62: {  	[tilespmem:s29], [sflag:$0x5] =	stream.indirect.gather.add.s32 @!p1 [hbm:s4], $0x80, s30, s26, $0xb8;
	[tilespmem:$0xD800] =	vst v63  }
0x63: {  	p3 =	sge.u32 s23, s6;
	_ =	swait.ge @!p2 [sflag:s1], $0x4000  }
0x64: {  	p6 =	por p4, p0;
	p4 =	por p5, p0;
	[sflag:s1] =	ssyncset.done @!p2 $0x0  }
0x65: {  	s29 =	sadd.s32 $0xFFFFFFFC, s22;
	s8 =	simm.s32 @!p6 $0x7;
	[sflag:s1] =	ssyncadd.s32 @!p2 $0xFFFFC000  }
0x66: {  	[hbm4b:s10+s2] =	stream.linear.scatter @!p2 [tilespmem:s20], [sflag:$0x7], $0x4000, $0x38;
	[tilespmem:$0xD800] =	vst v63  }
0x67: {  	p1 =	sge.u32 s13, s6;
	s7 =	simm.s32 @!p3 $0x80;
	_ =	swait.ge @!p6 [sflag:s8], $0x4000  }
0x68: {  	p5 =	sge.u32 s29, s6;
	s9 =	simm.s32 @!p1 $0x3;
	[sflag:s8] =	ssyncset.done @!p6 $0x0  }
0x69: {  	s1 =	simm.s32 @!p3 $0x1800;
	s2 =	sshra.s32 @!p3 s18, $0x2;
	[sflag:s8] =	ssyncadd.s32 @!p6 $0xFFFFC000  }
0x6a: {  	[tilespmem:s1], [sflag:$0x1] =	stream.indirect.gather @!p3 [hbm4b:s3+s7], $0x80, s2, s7, $0xb8;
	[tilespmem:$0xD800] =	vst v63  }
0x6b: {  	s14 =	simm.s32 @!p1 $0x80;
	s13 =	simm.s32 @!p5 $0x5;
	_ =	swait.ge @!p1 [sflag:s9], $0x4000  }
0x6c: {  	s10 =	sshra.s32 @!p1 s18, $0x2;
	s20 =	simm.s32 @!p1 $0x9800;
	[sflag:s9] =	ssyncset.done @!p1 $0x0  }
0x6d: {  	s10 =	sadd.s32 @!p1 $0xB80, s10;
	s8 =	sadd.s32 @!p5 $0xFFFFF000, s21;
	[sflag:s9] =	ssyncadd.s32 @!p1 $0xFFFFC000  }
0x6e: {  	[tilespmem:s20], [sflag:$0x6] =	stream.indirect.gather.add.s32 @!p1 [hbm:s4], $0x80, s10, s14, $0xb8;
	[tilespmem:$0xD800] =	vst v63  }
0x6f: {  	p2 =	sge.u32 s28, s6;
	s8 =	sand.u32 @!p5 $0x1FFFF800, s8;
	_ =	swait.ge @!p5 [sflag:s13], $0x4000  }
0x70: {  	s8 =	sadd.s32 @!p5 s5, s8;
	s9 =	simm.s32 @!p4 $0x8;
	[sflag:s13] =	ssyncset.done @!p5 $0x0  }
0x71: {  	s10 =	simm.s32 @!p5 $0x5800;
	s14 =	simm.s32 @!p5 $0x0;
	[sflag:s13] =	ssyncadd.s32 @!p5 $0xFFFFC000  }
0x72: {  	[hbm4b:s8+s14] =	stream.linear.scatter @!p5 [tilespmem:s10], [sflag:$0x8], $0x4000, $0x38;
	[tilespmem:$0xD800] =	vst v63  }
0x73: {  	s13 =	simm.s32 @!p2 $0x5800;
	_ =	swait.ge @!p4 [sflag:s9], $0x4000  }
0x74: {  	s8 =	sshra.s32 @!p2 s18, $0x2;
	s10 =	simm.s32 @!p2 $0x80;
	[sflag:s9] =	ssyncset.done @!p4 $0x0  }
0x75: {  	s14 =	sadd.s32 @!p2 $0x80, s8;
	[sflag:s9] =	ssyncadd.s32 @!p4 $0xFFFFC000;
	s9 =	simm.s32 @!p3 $0x1  }
0x76: {  	[tilespmem:s13], [sflag:$0x2] =	stream.indirect.gather @!p2 [hbm4b:s3+s10], $0x80, s14, s10, $0xb8;
	[tilespmem:$0xD800] =	vst v63  }
0x77: {  	s2 =	sadd.s32 @!p3 $0xC00, s2;
	_ =	swait.ge @!p3 [sflag:s9], $0x4000  }
0x78: {  	p4 =	sge.u32 @!p0 s22, s6;
	[sflag:s9] =	ssyncset.done @!p3 $0x0;
	p3 =	por p3, p3  }
0x79: {  	s14 =	sadd.s32 @!p1 $0xFFFFF800, s21;
	s21 =	simm.s32 @!p1 $0x6;
	[sflag:s9] =	ssyncadd.s32 @!p3 $0xFFFFC000  }
0x7a: {  	[tilespmem:s1], [sflag:$0x4] =	stream.indirect.gather.add.s32 @!p3 [hbm:s4], $0x80, s2, s7, $0xb8;
	[tilespmem:$0xD800] =	vst v63  }
0x7b: {  	p0 =	por p4, p0;
	p4 =	sge.u32 s22, s6;
	_ =	swait.ge @!p1 [sflag:s21], $0x4000  }
0x7c: {  	s9 =	simm.s32 @!p1 $0x0;
	s2 =	sand.u32 @!p1 $0x1FFFF800, s14;
	[sflag:s21] =	ssyncset.done @!p1 $0x0  }
0x7d: {  	s7 =	simm.s32 @!p0 $0x9;
	s2 =	sadd.s32 @!p1 s5, s2;
	[sflag:s21] =	ssyncadd.s32 @!p1 $0xFFFFC000  }
0x7e: {  	[hbm4b:s2+s9] =	stream.linear.scatter @!p1 [tilespmem:s20], [sflag:$0x9], $0x4000, $0x38;
	[tilespmem:$0xD800] =	vst v63  }
0x7f: {  	s14 =	simm.s32 @!p4 $0x9800;
	_ =	swait.ge @!p0 [sflag:s7], $0x4000  }
0x80: {  	s2 =	sshra.s32 @!p4 s18, $0x2;
	s9 =	simm.s32 @!p4 $0x80;
	[sflag:s7] =	ssyncset.done @!p0 $0x0  }
0x81: {  	s2 =	sadd.s32 @!p4 $0x100, s2;
	[sflag:s7] =	ssyncadd.s32 @!p0 $0xFFFFC000;
	s7 =	simm.s32 @!p2 $0x2  }
0x82: {  	[tilespmem:s14], [sflag:$0x3] =	stream.indirect.gather @!p4 [hbm4b:s3+s9], $0x80, s2, s9, $0xb8;
	[tilespmem:$0xD800] =	vst v63  }
0x83: {  	_ =	swait.ge @!p2 [sflag:s7], $0x4000  }
0x84: {  	[sflag:s7] =	ssyncset.done @!p2 $0x0  }
0x85: {  	s2 =	sadd.s32 @!p2 $0xC80, s8;
	[sflag:s7] =	ssyncadd.s32 @!p2 $0xFFFFC000;
	s7 =	simm.s32 @!p3 $0x4  }
0x86: {  	[tilespmem:s13], [sflag:$0x5] =	stream.indirect.gather.add.s32 @!p2 [hbm:s4], $0x80, s2, s10, $0xb8;
	[tilespmem:$0xD800] =	vst v63  }
0x87: {  	_ =	swait.ge @!p3 [sflag:s7], $0x4000  }
0x88: {  	[sflag:s7] =	ssyncset.done @!p3 $0x0  }
0x89: {  	s30 =	simm.s32 $0x7;
	s2 =	simm.s32 @!p3 $0x0;
	[sflag:s7] =	ssyncadd.s32 @!p3 $0xFFFFC000  }
0x8a: {  	[hbm4b:s19+s2] =	stream.linear.scatter @!p3 [tilespmem:s1], [sflag:$0x7], $0x4000, $0x38;
	[tilespmem:$0xD800] =	vst v63  }
0x8b: {  	_ =	swait.ge [sflag:s30], $0x4000  }
0x8c: {  	[sflag:s30] =	ssyncset.done $0x0  }
0x8d: {  	[sflag:s30] =	ssyncadd.s32 $0xFFFFC000  }
0x8e: {  	_ =	swait.ge [sflag:s15], $0x4000  }
0x8f: {  	[sflag:s15] =	ssyncset.done $0x0  }
0x90: {  	[sflag:s15] =	ssyncadd.s32 $0xFFFFC000  }
0x91: {  	_ =	swait.ge [sflag:s16], $0x4000  }
0x92: {  	s17 =	sadd.s32 $0x1, s17;
	s31 =	rddreg [dreg:$0x4]  }
0x93: {  	p0 =	sne.s32 s17, s31  }
.Ltmp1:
0x94: {  	_ = 	snop;
	(pc) =	sbr.rel @p0 .LBB2_1-.Ltmp1, $3  }
0x95: {  	_ =	sdelay $0x1  }
0x96: {  	[sflag:s16] =	ssyncset.done $0x0  }
0x97: {  	[sflag:s16] =	ssyncadd.s32 $0xFFFFC000  }
0x98: {  	_ =	sfence.sel $0x180000  }
0x99: {  	[bflag:$0x0] =	sbarrier.arrive $0xFFFF  }
0x9a: {  	_ =	strace $0x9000004D  }
0x9b: {  	s0 =	stileid.u32;
	[bflag:$0x2] =	sbarrier.arrive $0xFFFF  }
0x9c: {  	p0 =	sne.s32 s0, $0x0;
	s0 =	rddreg [dreg:$0x1]  }
0x9d: {  	s0 =	sadd.s32 @!p0 $0x100000, s0  }
0x9e: {  	[sflag:s0] =	ssyncadd.tile.s32 @!p0 $0x1;
	_ =	shalt  }
.Lfunc_end2:
_tile_overlayer_lowered:
.L_overlay_start_2:
0x9f: {  	(tag) =	ssettag $0x2  }
0xa0: {  	s0 =	rddreg [dreg:$0x0];
	s2 =	stileid.u32  }
0xa1: {  	s1 =	rddreg [dreg:$0x1];
	p0 =	sne.s32 s2, $0x0  }
0xa2: {  	s3 =	rddreg [dreg:$0x2];
	[bflag:$0x3] =	sbarrier.arrive $0xFFFF;
	s2 =	simm.s32 @!p0 $0x1C0A  }
0xa3: {  	[timem:s3], [sflag:s2] =	dma.local @!p0 [hbm:s0], s1  }
0xa4: {  	s0 =	simm.s32 @!p0 $0xA  }
0xa5: {  	_ =	swait.ge @!p0 [sflag:s0], s1  }
0xa6: {  	s1 =	ssub.s32 @!p0 $0x0, s1;
	[sflag:s0] =	ssyncset.done @!p0 $0x0  }
0xa7: {  	[sflag:s0] =	ssyncadd.s32 @!p0 s1  }
0xa8: {  	[bflag:$0x3] =	sbarrier.arrive $0xFFFF  }
0xa9: {  	_ =	shalt  }

// kernel: kernel.21.cloned.1.call-start
scs
__scs_entry_jumppad:
0x0: {  	(pc) =	sbr.rel $0x88, $3  }
0x1: {  	(tag) =	ssettag $0x0;
	lr =	simm.s32 $0x1  }
0x2: {  	[smem:$0x3F96] =	sst lr;
	_ =	strace $0xD0000000  }
0x3: {  	_ = 	snop  }
0x4: {  	_ = 	snop  }
0x5: {  	_ = 	snop  }
0x6: {  	_ = 	snop  }
0x7: {  	_ = 	snop  }
__scs_overlays_trampoline_lowered:
0x8: {  	[smem:$0x3FA5] =	sst s0  }
0x9: {  	[smem:$0x3FA6] =	sst s1  }
0xa: {  	[smem:$0x3FA7] =	sst s2  }
0xb: {  	[smem:$0x3FA8] =	sst s3  }
0xc: {  	[smem:$0x3FA9] =	sst s4  }
0xd: {  	[smem:$0x3FAA] =	sst s5  }
0xe: {  	[smem:$0x3FAB] =	sst s6  }
0xf: {  	[smem:$0x3FAC] =	sst s7  }
0x10: {  	[smem:$0x3FAD] =	sst s8  }
0x11: {  	[smem:$0x3FAE] =	sst s9;
	s0 =	simm.s32 @!p0 $0x0  }
0x12: {  	s1 =	sld [smem:$0x3F94];
	s0 =	simm.s32 @p0 $0x1  }
0x13: {  	[smem:$0x3FAF] =	sst s0;
	s0 =	simm.s32 @!p1 $0x0  }
0x14: {  	s2 =	sld [smem:$0x3F93];
	s0 =	simm.s32 @p1 $0x1  }
0x15: {  	[smem:$0x3FB0] =	sst s0;
	s0 =	simm.s32 @!p2 $0x0  }
0x16: {  	s3 =	sld [smem:$0x3FDB];
	s0 =	simm.s32 @p2 $0x1  }
0x17: {  	s4 =	simm.s32 $0x1BF5;
	[smem:$0x3FB2] =	sst s0  }
0x18: {  	s0 =	sld [smem:$0x3F95];
	_ =	swait.ge [sflag:s4], $0x0  }
0x19: {  	s7 =	sld [smem:$0x3F96]  }
0x1a: {  	s8 =	sadd.s32 $0xFFFFE003, lr  }
0x1b: {  	s9 =	sadd.s32 $0xFFFFFEF7, lr;
	s5 =	simm.s32 $0xFFFFFFFF;
	p2 =	slt.u32 s8, $0xFFFFF086  }
0x1c: {  	p1 =	slt.u32 s9, $0xF7A;
	s5 =	simm.s32 @!p2 $0x0  }
0x1d: {  	s5 =	simm.s32 @p1 $0x1;
	p0 =	seq.s32 s7, s2  }
0x1e: {  	s7 =	smul.u32 @!p0 $0xF7A, s2;
	p2 =	seq.s32 @!p0 s5, $0x0  }
0x1f: {  	s9 =	smul.u32 $0xF7A, s1;
	s8 =	simm.s32 @!p0 $0x1BF5;
	p2 =	por !p2, p0  }
0x20: {  	[sflag:s8] =	ssyncset.s32 @!p0 $0xFFFFF086;
	s6 =	sadd.s32 @!p0 s3, s7;
	s7 =	simm.s32 @!p0 $0x108  }
0x21: {  	s3 =	sadd.s32 s3, s9;
	s6 =	sadd.s32 @!p0 $0x88, s6;
	s7 =	simm.s32 @p2 $0x1082  }
0x22: {  	[simem:s7], [sflag:s8] =	dma.local @!p0 [hbm:s6], $0xF7A  }
0x23: {  	s9 =	sor.u32 $0xD0000000, s2;
	s6 =	simm.s32 $0x108;
	_ =	swait.ge @!p0 [sflag:s8], $0x0  }
0x24: {  	s3 =	sadd.s32 $0x88, s3;
	s6 =	simm.s32 @!p1 $0x1082;
	[sflag:s4] =	ssyncset.s32 $0xFFFFF086  }
0x25: {  	[simem:s6], [sflag:s4] =	dma.local [hbm:s3], $0xF7A  }
0x26: {  	[smem:$0x3F96] =	sst s1;
	(tag) =	ssettag s2;
	_ =	strace s9  }
0x27: {  	s1 =	sld [smem:$0x3FA6]  }
0x28: {  	s2 =	sld [smem:$0x3FA7]  }
0x29: {  	s4 =	sld [smem:$0x3FA9]  }
0x2a: {  	p0 =	seq.s32 s5, $0x0;
	s5 =	sld [smem:$0x3FAA]  }
0x2b: {  	s6 =	sld [smem:$0x3FAB]  }
0x2c: {  	s7 =	sld [smem:$0x3FAC]  }
0x2d: {  	s3 =	simm.s32 $0x108;
	s8 =	sld [smem:$0x3FAD]  }
0x2e: {  	s3 =	simm.s32 @!p0 $0x1082;
	s9 =	sld [smem:$0x3FAE]  }
0x2f: {  	lr =	sadd.s32 s0, s3;
	s0 =	sld [smem:$0x3FA5]  }
0x30: {  	s3 =	sld [smem:$0x3FA8]  }
0x31: {  	[smem:$0x3FB1] =	sst s10  }
0x32: {  	s10 =	sld [smem:$0x3FAF];
	_ =	sdelay $0x3  }
0x33: {  	p0 =	seq.s32 s10, $0x1;
	s10 =	sld [smem:$0x3FB1];
	_ =	sdelay $0x3  }
0x34: {  	[smem:$0x3FB1] =	sst s10  }
0x35: {  	s10 =	sld [smem:$0x3FB0];
	_ =	sdelay $0x3  }
0x36: {  	p1 =	seq.s32 s10, $0x1;
	s10 =	sld [smem:$0x3FB1];
	_ =	sdelay $0x3  }
0x37: {  	[smem:$0x3FB1] =	sst s10  }
0x38: {  	s10 =	sld [smem:$0x3FB2]  }
0x39: {  	_ = 	snop;
	(pc) =	sbr.ind lr, $3  }
0x3a: {  	_ = 	snop  }
0x3b: {  	_ = 	snop  }
0x3c: {  	p2 =	seq.s32 s10, $0x1;
	s10 =	sld [smem:$0x3FB1]  }
0x3d: {  	_ =	shalt  }
0x3e: {  	_ =	shalt  }
0x3f: {  	_ =	shalt  }
0x40: {  	_ =	shalt  }
0x41: {  	_ =	shalt  }
0x42: {  	_ =	shalt  }
0x43: {  	_ =	shalt  }
0x44: {  	_ =	shalt  }
0x45: {  	_ =	shalt  }
0x46: {  	_ =	shalt  }
0x47: {  	_ =	shalt  }
0x48: {  	_ =	shalt  }
0x49: {  	_ =	shalt  }
0x4a: {  	_ =	shalt  }
0x4b: {  	_ =	shalt  }
0x4c: {  	_ =	shalt  }
0x4d: {  	_ =	shalt  }
0x4e: {  	_ =	shalt  }
0x4f: {  	_ =	shalt  }
0x50: {  	_ =	shalt  }
0x51: {  	_ =	shalt  }
0x52: {  	_ =	shalt  }
0x53: {  	_ =	shalt  }
0x54: {  	_ =	shalt  }
0x55: {  	_ =	shalt  }
0x56: {  	_ =	shalt  }
0x57: {  	_ =	shalt  }
0x58: {  	_ =	shalt  }
0x59: {  	_ =	shalt  }
0x5a: {  	_ =	shalt  }
0x5b: {  	_ =	shalt  }
0x5c: {  	_ =	shalt  }
0x5d: {  	_ =	shalt  }
0x5e: {  	_ =	shalt  }
0x5f: {  	_ =	shalt  }
0x60: {  	_ =	shalt  }
0x61: {  	_ =	shalt  }
0x62: {  	_ =	shalt  }
0x63: {  	_ =	shalt  }
0x64: {  	_ =	shalt  }
0x65: {  	_ =	shalt  }
0x66: {  	_ =	shalt  }
0x67: {  	_ =	shalt  }
0x68: {  	_ =	shalt  }
0x69: {  	_ =	shalt  }
0x6a: {  	_ =	shalt  }
0x6b: {  	_ =	shalt  }
0x6c: {  	_ =	shalt  }
0x6d: {  	_ =	shalt  }
0x6e: {  	_ =	shalt  }
0x6f: {  	_ =	shalt  }
0x70: {  	_ =	shalt  }
0x71: {  	_ =	shalt  }
0x72: {  	_ =	shalt  }
0x73: {  	_ =	shalt  }
0x74: {  	_ =	shalt  }
0x75: {  	_ =	shalt  }
0x76: {  	_ =	shalt  }
0x77: {  	_ =	shalt  }
0x78: {  	_ =	shalt  }
0x79: {  	_ =	shalt  }
0x7a: {  	_ =	shalt  }
0x7b: {  	_ =	shalt  }
0x7c: {  	_ =	shalt  }
0x7d: {  	_ =	shalt  }
0x7e: {  	_ =	shalt  }
0x7f: {  	_ =	shalt  }
0x80: {  	_ =	shalt  }
0x81: {  	_ =	shalt  }
0x82: {  	_ =	shalt  }
0x83: {  	_ =	shalt  }
0x84: {  	_ =	shalt  }
0x85: {  	_ =	shalt  }
0x86: {  	_ =	shalt  }
0x87: {  	_ =	shalt  }
.Lfunc_end0:
.L_simem_size_0:
called_computation.3_lowered:
.L_overlay_start_0:
0x88: {  	s2 =	sld [smem:$0x3FD9]  }
0x89: {  	s3 =	sld [smem:$0x3FFE];
	_ =	sdelay $0x1  }
0x8a: {  	s1 =	srdreg.scid  }
0x8b: {  	s0 =	sand.u32 $0x1, s1  }
0x8c: {  	s17 =	sshll.u32 s0, $0xA;
	s2 =	sadd.s32 s3, s2  }
0x8d: {  	s2 =	sadd.s32 s2, s17  }
0x8e: {  	[smem:$0x3FBD] =	sst s2  }
0x8f: {  	_ = 	snop  }
0x90: {  	(tm) =	ssettm $0x1  }
0x91: {  	s18 =	sld [smem:$0x3FFB];
	_ =	sdelay $0x3  }
0x92: {  	_ =	strace s18  }
0x93: {  	s2 =	sld [smem:$0x3FFC];
	_ =	sdelay $0x3  }
0x94: {  	_ =	strace s2  }
0x95: {  	s2 =	sld [smem:$0x3FFD];
	_ =	sdelay $0x3  }
0x96: {  	_ =	strace s2  }
0x97: {  	_ =	strace $0x8FFFFFFF  }
0x98: {  	s19 =	sld [smem:$0x3FDB];
	_ =	sdelay $0x1  }
0x99: {  	s20 =	simm.s32 $_scs_section_size  }
0x9a: {  	s4 =	simm.s32 $_size__tile_overlayer_lowered;
	s5 =	simm.s32 $_tile_overlayer_lowered  }
0x9b: {  	s6 =	simm.s32 $0x1BFF;
	s21 =	sshll.u32 s5, $0x1;
	s3 =	sadd.s32 s20, s19  }
0x9c: {  	s22 =	simm.s32 $0x0;
	s4 =	sshll.u32 s4, $0x1;
	s5 =	sadd.s32 s21, s3  }
0x9d: {  	[timem:s22], [sflag:s6] =	dma.local [hbm:s5], s4  }
0x9e: {  	_ =	swait.ge [sflag:s6], s4  }
0x9f: {  	s4 =	ssub.s32 $0x0, s4;
	[sflag:s6] =	ssyncset.done $0x0  }
0xa0: {  	[sflag:s6] =	ssyncadd.s32 s4;
	_ =	sdelay $0x1  }
0xa1: {  	s23 =	simm.s32 $0x1B8B  }
0xa2: {  	_ =	swait.ge [sflag:s23], $0x1  }
0xa3: {  	[sflag:s23] =	ssyncset.done $0x0  }
0xa4: {  	[sflag:s23] =	ssyncadd.s32 $0xFFFFFFFF  }
0xa5: {  	s4 =	sld [smem:$0x0]  }
0xa6: {  	s5 =	sand.u32 $0xFFFFFFFE, s1  }
0xa7: {  	p0 =	sne.s32 s1, s5  }
0xa8: {  	s5 =	sshll.u32 @p0 s5, $0xE  }
0xa9: {  	s5 =	sadd.s32 @p0 $0x11B8D, s5;
	s6 =	sshll.u32 @p0 s4, $0x11  }
0xaa: {  	s5 =	sor.u32 @p0 s6, s5  }
0xab: {  	[sflag:s5] =	ssyncadd.remote.s32 @p0 $0x1;
	_ =	sdelay $0x1  }
0xac: {  	s5 =	simm.s32 @p0 $0x1B8D  }
0xad: {  	_ =	swait.eq @p0 [sflag:s5], $0x1  }
0xae: {  	[sflag:s5] =	ssyncadd.s32 @p0 $0xFFFFFFFF  }
0xaf: {  	s6 =	sshll.u32 @!p0 s1, $0xE  }
0xb0: {  	s6 =	sor.u32 @!p0 $0x4000, s6;
	s5 =	simm.s32 @!p0 $0x1B8D  }
0xb1: {  	s4 =	sshll.u32 @!p0 s4, $0x11;
	s6 =	sadd.s32 @!p0 $0x11B8D, s6;
	_ =	swait.eq @!p0 [sflag:s5], $0x1  }
0xb2: {  	s4 =	sor.u32 @!p0 s4, s6;
	[sflag:s5] =	ssyncadd.s32 @!p0 $0xFFFFFFFF  }
0xb3: {  	s25 =	simm.s32 $0x1B8E;
	s24 =	sld [smem:$0x3FFE];
	[sflag:s4] =	ssyncadd.remote.s32 @!p0 $0x1  }
0xb4: {  	s26 =	simm.s32 $execute0_lowered;
	[smem:$0x3FD2] =	sst s25  }
0xb5: {  	s5 =	sshll.u32 s26, $0x1;
	_ =	strace $0x8000004F;
	[dreg:$0x1] =	wrdreg $0xFFFFFFFF  }
0xb6: {  	s28 =	simm.s32 $_size_execute0_lowered;
	s3 =	sadd.s32 s3, s5;
	[dreg:$0x0] =	wrdreg $0x0  }
0xb7: {  	s5 =	sshll.u32 s28, $0x1;
	[dreg:$0x2] =	wrdreg s3  }
0xb8: {  	[dreg:$0x3] =	wrdreg s5  }
0xb9: {  	[dreg:$0x4] =	wrdreg $0xC0  }
0xba: {  	_ =	task [dreg:s22], $0x5FFFF  }
0xbb: {  	[dreg:$0x1] =	wrdreg $0xFFFFFFFF  }
0xbc: {  	[dreg:$0x0] =	wrdreg $0x60  }
0xbd: {  	[dreg:$0x2] =	wrdreg s24  }
0xbe: {  	[dreg:$0x3] =	wrdreg $0xC  }
0xbf: {  	_ =	task.clear_ibuf [dreg:s22], $0x4FFFF;
	_ =	strace $0x9000004F  }
0xc0: {  	s29 =	simm.s32 $0xC;
	_ =	strace $0x80000051  }
0xc1: {  	_ =	swait.ge [sflag:s29], $0x1  }
0xc2: {  	[sflag:s29] =	ssyncadd.s32 $0xFFFFFFFF  }
0xc3: {  	_ =	strace $0x90000051  }
0xc4: {  	_ =	sfence  }
0xc5: {  	s30 =	sld [smem:$0x0];
	_ =	sdelay $0x2  }
0xc6: {  	s31 =	sshll.u32 s1, $0xD;
	s1 =	sshrl.u32 s1, $0x2  }
0xc7: {  	s4 =	sand.u32 $0x4000, s31;
	s1 =	sadd.s32 s1, s30  }
0xc8: {  	s0 =	sor.u32 s4, s0;
	s1 =	sshll.u32 s1, $0x11  }
0xc9: {  	s0 =	sor.u32 s1, s0  }
0xca: {  	s0 =	sadd.s32 $0x8F2B, s0  }
0xcb: {  	[sflag:s0] =	ssyncadd.remote.s32 $0x1  }
0xcc: {  	_ =	sfence.sel $0xFFFF  }
0xcd: {  	[dreg:$0x0] =	wrdreg $0xFFFFFFFF;
	(pc) =	sbr.abs _section_cstart, $3  }
0xce: {  	[dreg:$0x1] =	wrdreg $0xFFFFFFFF  }
0xcf: {  	_ =	task.clear_ibuf [dreg:s22], $0x2FFFF;
	_ =	strace $0x9FFFFFFF  }
0xd0: {  	(tm) =	ssettm $0x7FFFFFFF  }
0xd1: {  	_ =	shalt  }
tec
execute0_lowered:
.L_overlay_start_1:
0x0: {  	(tag) =	ssettag $0x1  }
0x1: {  	s0 =	srdreg.scid;
	s10 =	stileid.u32  }
0x2: {  	s2 =	rddreg [dreg:$0x0];
	s4 =	simm.s32 $0x0;
	s12 =	simm.s32 $0xA  }
0x3: {  	s15 =	simm.s32 $0x8;
	s16 =	simm.s32 $0x9;
	s17 =	simm.s32 $0x0  }
0x4: {  	s0 =	sand.u32 $0x1, s0;
	s1 =	sshll.u32 s10, $0x1;
	s9 =	smul.u32 $0x2E, s10  }
0x5: {  	[smem:$0x7FF] =	sst s4;
	p0 =	slt.u32 s10, $0x7;
	s10 =	smul.u32 $0x17000, s10  }
0x6: {  	s4 =	sadd.s32 $0x4800, s2;
	s5 =	sadd.s32 $0x393000, s2;
	s28 =	smul.u32 $0x17, s0  }
0x7: {  	s1 =	sor.u32 s0, s1;
	s6 =	ssub.s32 $0x2, s0;
	s0 =	smul.u32 $0xB800, s0  }
0x8: {  	_ =	strace $0x80000050;
	s3 =	smul.u32 $0x17, s1;
	s8 =	sshrl.u32 s6, $0x1  }
0x9: {  	s1 =	smin.u32 s1, $0xE;
	s26 =	ssub.s32 s6, s8;
	s6 =	simm.s32 $0x18  }
0xa: {  	s9 =	sadd.s32 s9, s1;
	s30 =	sadd.s32 s0, s10;
	s3 =	sadd.s32 s1, s3  }
0xb: {  	s6 =	simm.s32 @!p0 $0x17;
	s29 =	sadd.s32 s28, s9;
	s3 =	sshll.u32 s3, $0x4  }
0xc: {  	s1 =	sshll.u32 s1, $0xB;
	s31 =	smax.u32 s26, $0x1;
	s7 =	sadd.s32 s3, s2  }
0xd: {  	[dreg:$0x4] =	wrdreg s31;
	s11 =	sadd.s32 $0x38CC00, s7;
	s7 =	sadd.s32 $0x38FE00, s7  }
0xe: {  	s3 =	sadd.s32 $0x2BA00, s2;
	[dreg:$0x3] =	wrdreg s7;
	s7 =	sshll.u32 s29, $0xB  }
0xf: {  	[dreg:$0x2] =	wrdreg s11;
	s11 =	sadd.s32 s1, s30;
	s0 =	sadd.s32 s7, s5  }
.LBB2_1:
0x10: {  	s1 =	simm.s32 $0x0  }
0x11: {  	s2 =	rddreg [dreg:$0x2];
	s7 =	simm.s32 $0xC00;
	p0 =	por $0x1, $0x1  }
0x12: {  	[tilespmem:s1], [sflag:$0xA] =	stream.linear.gather [hbm4b:s2+s1], $0xC00, $0x38;
	[tilespmem:$0xD800] =	vst v63  }
0x13: {  	s18 =	simm.s32 $0x600;
	s22 =	simm.s32 $0x5;
	_ =	swait.ge [sflag:s12], $0xC00  }
0x14: {  	p2 =	sle.u32 s6, $0x0;
	s23 =	simm.s32 $0x3;
	[sflag:s12] =	ssyncset.done $0x0  }
0x15: {  	s24 =	simm.s32 $0xC00;
	s31 =	rddreg [dreg:$0x3];
	[sflag:s12] =	ssyncadd.s32 $0xFFFFF400  }
0x16: {  	[tilespmem:s7], [sflag:$0xA] =	stream.linear.gather [hbm4b:s31+s1], $0xC00, $0x38;
	[tilespmem:$0xD800] =	vst v63  }
0x17: {  	s21 =	sadd.s32 $0x1800, s11;
	p1 =	sle.u32 @!p0 s6, $0x0;
	_ =	swait.ge [sflag:s12], $0xC00  }
0x18: {  	p5 =	sle.u32 s6, $0x2;
	p1 =	por p1, p0;
	[sflag:s12] =	ssyncset.done $0x0  }
0x19: {  	p3 =	sle.u32 @!p0 s6, $0x1;
	s1 =	simm.s32 @!p1 $0x7;
	[sflag:s12] =	ssyncadd.s32 $0xFFFFF400  }
0x1a: {  	s2 =	simm.s32 @!p2 $0x0;
	s20 =	simm.s32 @!p2 $0x1800;
	_ =	swait.ge @!p1 [sflag:s1], $0x4000  }
0x1b: {  	p4 =	por p3, p0;
	p3 =	sle.u32 s6, $0xFFFFFFFF;
	[sflag:s1] =	ssyncset.done @!p1 $0x0  }
0x1c: {  	s8 =	simm.s32 @!p3 $0x3;
	s7 =	simm.s32 @!p2 $0x80;
	[sflag:s1] =	ssyncadd.s32 @!p1 $0xFFFFC000  }
0x1d: {  	[tilespmem:s20], [sflag:$0x1] =	stream.indirect.gather @!p2 [hbm4b:s3+s7], $0x80, s2, s7, $0xb8;
	[tilespmem:$0xD800] =	vst v63  }
0x1e: {  	s28 =	simm.s32 $0x4;
	s10 =	simm.s32 @!p3 $0x80;
	_ =	swait.ge @!p3 [sflag:s8], $0x4000  }
0x1f: {  	s13 =	simm.s32 @!p3 $0x9800;
	p1 =	sle.u32 s6, $0xFFFFFFFE;
	[sflag:s8] =	ssyncset.done @!p3 $0x0  }
0x20: {  	s1 =	simm.s32 @!p3 $0xB80;
	s2 =	simm.s32 @!p1 $0x5;
	[sflag:s8] =	ssyncadd.s32 @!p3 $0xFFFFC000  }
0x21: {  	[tilespmem:s13], [sflag:$0x6] =	stream.indirect.gather.add.s32 @!p3 [hbm:s4], $0x80, s1, s10, $0xb8;
	[tilespmem:$0xD800] =	vst v63  }
0x22: {  	s19 =	simm.s32 @!p1 $0x0;
	s8 =	sadd.s32 @!p1 $0xFFFFF000, s11;
	_ =	swait.ge @!p1 [sflag:s2], $0x4000  }
0x23: {  	s1 =	simm.s32 @!p4 $0x8;
	s8 =	sand.u32 @!p1 $0x1FFFF800, s8;
	[sflag:s2] =	ssyncset.done @!p1 $0x0  }
0x24: {  	s10 =	simm.s32 @!p1 $0x5800;
	s8 =	sadd.s32 @!p1 s5, s8;
	[sflag:s2] =	ssyncadd.s32 @!p1 $0xFFFFC000  }
0x25: {  	[hbm4b:s8+s19] =	stream.linear.scatter @!p1 [tilespmem:s10], [sflag:$0x8], $0x4000, $0x38;
	[tilespmem:$0xD800] =	vst v63  }
0x26: {  	s2 =	sadd.s32 @!p3 $0xFFFFF800, s11;
	p1 =	sle.u32 s6, $0x1;
	_ =	swait.ge @!p4 [sflag:s1], $0x4000  }
0x27: {  	s26 =	simm.s32 @!p1 $0x80;
	s29 =	simm.s32 @!p1 $0x5800;
	[sflag:s1] =	ssyncset.done @!p4 $0x0  }
0x28: {  	s8 =	simm.s32 @!p1 $0x80;
	[sflag:s1] =	ssyncadd.s32 @!p4 $0xFFFFC000;
	s1 =	simm.s32 @!p2 $0x1  }
0x29: {  	[tilespmem:s29], [sflag:$0x2] =	stream.indirect.gather @!p1 [hbm4b:s3+s26], $0x80, s8, s26, $0xb8;
	[tilespmem:$0xD800] =	vst v63  }
0x2a: {  	s25 =	simm.s32 $0x8;
	s2 =	sand.u32 @!p3 $0x1FFFF800, s2;
	_ =	swait.ge @!p2 [sflag:s1], $0x4000  }
0x2b: {  	s8 =	simm.s32 @!p2 $0xC00;
	[sflag:s1] =	ssyncset.done @!p2 $0x0;
	p2 =	por p2, p2  }
0x2c: {  	s10 =	simm.s32 @!p3 $0x6;
	s19 =	sadd.s32 $0x1800, s0;
	[sflag:s1] =	ssyncadd.s32 @!p2 $0xFFFFC000  }
0x2d: {  	[tilespmem:s20], [sflag:$0x4] =	stream.indirect.gather.add.s32 @!p2 [hbm:s4], $0x80, s8, s7, $0xb8;
	[tilespmem:$0xD800] =	vst v63  }
0x2e: {  	s2 =	sadd.s32 @!p3 s5, s2;
	p4 =	sle.u32 @!p0 s6, $0x2;
	_ =	swait.ge @!p3 [sflag:s10], $0x4000  }
0x2f: {  	s30 =	simm.s32 @!p1 $0xC80;
	p4 =	por p4, p0;
	[sflag:s10] =	ssyncset.done @!p3 $0x0  }
0x30: {  	s1 =	simm.s32 @!p4 $0x9;
	s7 =	simm.s32 @!p3 $0x0;
	[sflag:s10] =	ssyncadd.s32 @!p3 $0xFFFFC000  }
0x31: {  	[hbm4b:s2+s7] =	stream.linear.scatter @!p3 [tilespmem:s13], [sflag:$0x9], $0x4000, $0x38;
	[tilespmem:$0xD800] =	vst v63  }
0x32: {  	p0 =	por $0x0, $0x0;
	s8 =	simm.s32 @!p5 $0x80;
	_ =	swait.ge @!p4 [sflag:s1], $0x4000  }
0x33: {  	s10 =	simm.s32 @!p5 $0x9800;
	s13 =	simm.s32 $0x2;
	[sflag:s1] =	ssyncset.done @!p4 $0x0  }
0x34: {  	s2 =	simm.s32 @!p5 $0x100;
	s7 =	simm.s32 @!p1 $0x2;
	[sflag:s1] =	ssyncadd.s32 @!p4 $0xFFFFC000  }
0x35: {  	[tilespmem:s10], [sflag:$0x3] =	stream.indirect.gather @!p5 [hbm4b:s3+s8], $0x80, s2, s8, $0xb8;
	[tilespmem:$0xD800] =	vst v63  }
0x36: {  	p4 =	sle.u32 @!p0 s6, $0x3;
	p5 =	sle.u32 @!p0 s6, $0x4;
	_ =	swait.ge @!p1 [sflag:s7], $0x4000  }
0x37: {  	s2 =	simm.s32 @!p2 $0x0;
	s10 =	smov.u32 s0;
	[sflag:s7] =	ssyncset.done @!p1 $0x0  }
.LBB2_2:
0x38: {  	p3 =	sge.u32 s23, s6;
	s8 =	sadd.s32 $0xFFFFFFFC, s22;
	p5 =	por p5, p0  }
0x39: {  	s31 =	smov.u32 s18;
	s18 =	smov.u32 s24;
	s1 =	smov.u32 s22  }
0x3a: {  	[sflag:s7] =	ssyncadd.s32 @!p1 $0xFFFFC000;
	s7 =	simm.s32 @!p2 $0x4;
	s23 =	sadd.s32 $0xFFFFFFFE, s25  }
0x3b: {  	[tilespmem:s29], [sflag:$0x5] =	stream.indirect.gather.add.s32 @!p1 [hbm:s4], $0x80, s30, s26, $0xb8;
	[tilespmem:$0xD800] =	vst v63  }
0x3c: {  	s24 =	sadd.s32 $0x600, s24;
	s9 =	sshra.s32 @!p3 s31, $0x2;
	s22 =	simm.s32 @!p5 $0x8  }
0x3d: {  	p1 =	por p4, p0;
	p6 =	sge.u32 s8, s6;
	p4 =	sge.u32 s13, s6  }
0x3e: {  	_ =	swait.ge @!p2 [sflag:s7], $0x4000;
	s8 =	simm.s32 @!p1 $0x7;
	s13 =	sadd.s32 @!p3 $0xC00, s9  }
0x3f: {  	s26 =	simm.s32 @!p4 $0x3;
	s29 =	sadd.s32 @!p4 $0xFFFFF800, s21;
	[sflag:s7] =	ssyncset.done @!p2 $0x0  }
0x40: {  	s14 =	simm.s32 @!p6 $0x5800;
	[sflag:s7] =	ssyncadd.s32 @!p2 $0xFFFFC000;
	s7 =	simm.s32 @!p3 $0x80  }
0x41: {  	[hbm4b:s10+s2] =	stream.linear.scatter @!p2 [tilespmem:s20], [sflag:$0x7], $0x4000, $0x38;
	[tilespmem:$0xD800] =	vst v63  }
0x42: {  	s20 =	simm.s32 @!p3 $0x1800;
	s10 =	sadd.s32 @!p6 $0xFFFFF000, s21;
	_ =	swait.ge @!p1 [sflag:s8], $0x4000  }
0x43: {  	s2 =	sshra.s32 @!p4 s31, $0x2;
	p2 =	sge.u32 @!p0 s1, s6;
	[sflag:s8] =	ssyncset.done @!p1 $0x0  }
0x44: {  	s21 =	sadd.s32 $0x1800, s21;
	s30 =	sadd.s32 @!p4 $0xB80, s2;
	[sflag:s8] =	ssyncadd.s32 @!p1 $0xFFFFC000  }
0x45: {  	[tilespmem:s20], [sflag:$0x1] =	stream.indirect.gather @!p3 [hbm4b:s3+s7], $0x80, s9, s7, $0xb8;
	[tilespmem:$0xD800] =	vst v63  }
0x46: {  	s2 =	sand.u32 @!p4 $0x1FFFF800, s29;
	s29 =	simm.s32 @!p4 $0x80;
	_ =	swait.ge @!p4 [sflag:s26], $0x4000  }
0x47: {  	s10 =	sand.u32 @!p6 $0x1FFFF800, s10;
	s2 =	sadd.s32 @!p4 s5, s2;
	[sflag:s26] =	ssyncset.done @!p4 $0x0  }
0x48: {  	s8 =	simm.s32 @!p4 $0x9800;
	s9 =	simm.s32 @!p6 $0x5;
	[sflag:s26] =	ssyncadd.s32 @!p4 $0xFFFFC000  }
0x49: {  	[tilespmem:s8], [sflag:$0x6] =	stream.indirect.gather.add.s32 @!p4 [hbm:s4], $0x80, s30, s29, $0xb8;
	[tilespmem:$0xD800] =	vst v63  }
0x4a: {  	s10 =	sadd.s32 @!p6 s5, s10;
	s26 =	simm.s32 @!p2 $0x0;
	_ =	swait.ge @!p6 [sflag:s9], $0x4000  }
0x4b: {  	p1 =	sge.u32 s28, s6;
	s26 =	simm.s32 @p2 $0x1;
	[sflag:s9] =	ssyncset.done @!p6 $0x0  }
0x4c: {  	s28 =	simm.s32 @!p6 $0x0;
	[smem:$0x7FD] =	sst s26;
	[sflag:s9] =	ssyncadd.s32 @!p6 $0xFFFFC000  }
0x4d: {  	[hbm4b:s10+s28] =	stream.linear.scatter @!p6 [tilespmem:s14], [sflag:$0x8], $0x4000, $0x38;
	[tilespmem:$0xD800] =	vst v63  }
0x4e: {  	s29 =	simm.s32 @!p1 $0x5800;
	s9 =	sshra.s32 @!p1 s31, $0x2;
	_ =	swait.ge @!p5 [sflag:s22], $0x4000  }
0x4f: {  	s26 =	simm.s32 @!p1 $0x80;
	s30 =	sadd.s32 @!p1 $0xC80, s9;
	[sflag:s22] =	ssyncset.done @!p5 $0x0  }
0x50: {  	s9 =	sadd.s32 @!p1 $0x80, s9;
	s14 =	simm.s32 @!p3 $0x1;
	[sflag:s22] =	ssyncadd.s32 @!p5 $0xFFFFC000  }
0x51: {  	[tilespmem:s29], [sflag:$0x2] =	stream.indirect.gather @!p1 [hbm4b:s3+s26], $0x80, s9, s26, $0xb8;
	[tilespmem:$0xD800] =	vst v63  }
0x52: {  	p2 =	por p3, p3;
	p6 =	sne.s32 s24, $0x3600;
	_ =	swait.ge @!p3 [sflag:s14], $0x4000  }
0x53: {  	s10 =	smov.u32 s19;
	s19 =	sadd.s32 $0x1800, s19;
	[sflag:s14] =	ssyncset.done @!p3 $0x0  }
0x54: {  	s9 =	simm.s32 @!p4 $0x6;
	[sflag:s14] =	ssyncadd.s32 @!p2 $0xFFFFC000;
	s14 =	sld [smem:$0x7FD]  }
0x55: {  	[tilespmem:s20], [sflag:$0x4] =	stream.indirect.gather.add.s32 @!p2 [hbm:s4], $0x80, s13, s7, $0xb8;
	[tilespmem:$0xD800] =	vst v63  }
0x56: {  	s28 =	sadd.s32 $0xFFFFFFFF, s25;
	s22 =	smov.u32 s25;
	_ =	swait.ge @!p4 [sflag:s9], $0x4000  }
0x57: {  	s13 =	sadd.s32 $0xFFFFFFFD, s25;
	p5 =	seq.s32 s14, $0x1;
	[sflag:s9] =	ssyncset.done @!p4 $0x0  }
0x58: {  	p3 =	por p5, p0;
	[sflag:s9] =	ssyncadd.s32 @!p4 $0xFFFFC000;
	s9 =	simm.s32 @!p4 $0x0  }
0x59: {  	p5 =	sge.u32 s1, s6;
	p0 =	seq.s32 s18, $0x0;
	s7 =	simm.s32 @!p3 $0x9  }
0x5a: {  	[hbm4b:s2+s9] =	stream.linear.scatter @!p4 [tilespmem:s8], [sflag:$0x9], $0x4000, $0x38;
	[tilespmem:$0xD800] =	vst v63  }
0x5b: {  	s1 =	sshra.s32 @!p5 s31, $0x2;
	s14 =	simm.s32 @!p5 $0x80;
	_ =	swait.ge @!p3 [sflag:s7], $0x4000  }
.Ltmp0:
0x5c: {  	s2 =	simm.s32 @!p5 $0x9800;
	[sflag:s7] =	ssyncset.done @!p3 $0x0;
	(pc) =	sbr.rel @p6 .LBB2_2-.Ltmp0, $4  }
0x5d: {  	s1 =	sadd.s32 @!p5 $0x100, s1;
	[sflag:s7] =	ssyncadd.s32 @!p3 $0xFFFFC000;
	s7 =	simm.s32 @!p1 $0x2  }
0x5e: {  	[tilespmem:s2], [sflag:$0x3] =	stream.indirect.gather @!p5 [hbm4b:s3+s14], $0x80, s1, s14, $0xb8;
	[tilespmem:$0xD800] =	vst v63  }
0x5f: {  	s25 =	sadd.s32 $0x3, s25;
	p4 =	sge.u32 @!p0 s23, s6;
	_ =	swait.ge @!p1 [sflag:s7], $0x4000  }
0x60: {  	p5 =	sge.u32 @!p0 s28, s6;
	s2 =	simm.s32 @!p2 $0x0;
	[sflag:s7] =	ssyncset.done @!p1 $0x0  }
0x61: {  	[sflag:s7] =	ssyncadd.s32 @!p1 $0xFFFFC000;
	s1 =	simm.s32 @!p2 $0x4  }
0x62: {  	[tilespmem:s29], [sflag:$0x5] =	stream.indirect.gather.add.s32 @!p1 [hbm:s4], $0x80, s30, s26, $0xb8;
	[tilespmem:$0xD800] =	vst v63  }
0x63: {  	p3 =	sge.u32 s23, s6;
	_ =	swait.ge @!p2 [sflag:s1], $0x4000  }
0x64: {  	p6 =	por p4, p0;
	p4 =	por p5, p0;
	[sflag:s1] =	ssyncset.done @!p2 $0x0  }
0x65: {  	s29 =	sadd.s32 $0xFFFFFFFC, s22;
	s8 =	simm.s32 @!p6 $0x7;
	[sflag:s1] =	ssyncadd.s32 @!p2 $0xFFFFC000  }
0x66: {  	[hbm4b:s10+s2] =	stream.linear.scatter @!p2 [tilespmem:s20], [sflag:$0x7], $0x4000, $0x38;
	[tilespmem:$0xD800] =	vst v63  }
0x67: {  	p1 =	sge.u32 s13, s6;
	s7 =	simm.s32 @!p3 $0x80;
	_ =	swait.ge @!p6 [sflag:s8], $0x4000  }
0x68: {  	p5 =	sge.u32 s29, s6;
	s9 =	simm.s32 @!p1 $0x3;
	[sflag:s8] =	ssyncset.done @!p6 $0x0  }
0x69: {  	s1 =	simm.s32 @!p3 $0x1800;
	s2 =	sshra.s32 @!p3 s18, $0x2;
	[sflag:s8] =	ssyncadd.s32 @!p6 $0xFFFFC000  }
0x6a: {  	[tilespmem:s1], [sflag:$0x1] =	stream.indirect.gather @!p3 [hbm4b:s3+s7], $0x80, s2, s7, $0xb8;
	[tilespmem:$0xD800] =	vst v63  }
0x6b: {  	s14 =	simm.s32 @!p1 $0x80;
	s13 =	simm.s32 @!p5 $0x5;
	_ =	swait.ge @!p1 [sflag:s9], $0x4000  }
0x6c: {  	s10 =	sshra.s32 @!p1 s18, $0x2;
	s20 =	simm.s32 @!p1 $0x9800;
	[sflag:s9] =	ssyncset.done @!p1 $0x0  }
0x6d: {  	s10 =	sadd.s32 @!p1 $0xB80, s10;
	s8 =	sadd.s32 @!p5 $0xFFFFF000, s21;
	[sflag:s9] =	ssyncadd.s32 @!p1 $0xFFFFC000  }
0x6e: {  	[tilespmem:s20], [sflag:$0x6] =	stream.indirect.gather.add.s32 @!p1 [hbm:s4], $0x80, s10, s14, $0xb8;
	[tilespmem:$0xD800] =	vst v63  }
0x6f: {  	p2 =	sge.u32 s28, s6;
	s8 =	sand.u32 @!p5 $0x1FFFF800, s8;
	_ =	swait.ge @!p5 [sflag:s13], $0x4000  }
0x70: {  	s8 =	sadd.s32 @!p5 s5, s8;
	s9 =	simm.s32 @!p4 $0x8;
	[sflag:s13] =	ssyncset.done @!p5 $0x0  }
0x71: {  	s10 =	simm.s32 @!p5 $0x5800;
	s14 =	simm.s32 @!p5 $0x0;
	[sflag:s13] =	ssyncadd.s32 @!p5 $0xFFFFC000  }
0x72: {  	[hbm4b:s8+s14] =	stream.linear.scatter @!p5 [tilespmem:s10], [sflag:$0x8], $0x4000, $0x38;
	[tilespmem:$0xD800] =	vst v63  }
0x73: {  	s13 =	simm.s32 @!p2 $0x5800;
	_ =	swait.ge @!p4 [sflag:s9], $0x4000  }
0x74: {  	s8 =	sshra.s32 @!p2 s18, $0x2;
	s10 =	simm.s32 @!p2 $0x80;
	[sflag:s9] =	ssyncset.done @!p4 $0x0  }
0x75: {  	s14 =	sadd.s32 @!p2 $0x80, s8;
	[sflag:s9] =	ssyncadd.s32 @!p4 $0xFFFFC000;
	s9 =	simm.s32 @!p3 $0x1  }
0x76: {  	[tilespmem:s13], [sflag:$0x2] =	stream.indirect.gather @!p2 [hbm4b:s3+s10], $0x80, s14, s10, $0xb8;
	[tilespmem:$0xD800] =	vst v63  }
0x77: {  	s2 =	sadd.s32 @!p3 $0xC00, s2;
	_ =	swait.ge @!p3 [sflag:s9], $0x4000  }
0x78: {  	p4 =	sge.u32 @!p0 s22, s6;
	[sflag:s9] =	ssyncset.done @!p3 $0x0;
	p3 =	por p3, p3  }
0x79: {  	s14 =	sadd.s32 @!p1 $0xFFFFF800, s21;
	s21 =	simm.s32 @!p1 $0x6;
	[sflag:s9] =	ssyncadd.s32 @!p3 $0xFFFFC000  }
0x7a: {  	[tilespmem:s1], [sflag:$0x4] =	stream.indirect.gather.add.s32 @!p3 [hbm:s4], $0x80, s2, s7, $0xb8;
	[tilespmem:$0xD800] =	vst v63  }
0x7b: {  	p0 =	por p4, p0;
	p4 =	sge.u32 s22, s6;
	_ =	swait.ge @!p1 [sflag:s21], $0x4000  }
0x7c: {  	s9 =	simm.s32 @!p1 $0x0;
	s2 =	sand.u32 @!p1 $0x1FFFF800, s14;
	[sflag:s21] =	ssyncset.done @!p1 $0x0  }
0x7d: {  	s7 =	simm.s32 @!p0 $0x9;
	s2 =	sadd.s32 @!p1 s5, s2;
	[sflag:s21] =	ssyncadd.s32 @!p1 $0xFFFFC000  }
0x7e: {  	[hbm4b:s2+s9] =	stream.linear.scatter @!p1 [tilespmem:s20], [sflag:$0x9], $0x4000, $0x38;
	[tilespmem:$0xD800] =	vst v63  }
0x7f: {  	s14 =	simm.s32 @!p4 $0x9800;
	_ =	swait.ge @!p0 [sflag:s7], $0x4000  }
0x80: {  	s2 =	sshra.s32 @!p4 s18, $0x2;
	s9 =	simm.s32 @!p4 $0x80;
	[sflag:s7] =	ssyncset.done @!p0 $0x0  }
0x81: {  	s2 =	sadd.s32 @!p4 $0x100, s2;
	[sflag:s7] =	ssyncadd.s32 @!p0 $0xFFFFC000;
	s7 =	simm.s32 @!p2 $0x2  }
0x82: {  	[tilespmem:s14], [sflag:$0x3] =	stream.indirect.gather @!p4 [hbm4b:s3+s9], $0x80, s2, s9, $0xb8;
	[tilespmem:$0xD800] =	vst v63  }
0x83: {  	_ =	swait.ge @!p2 [sflag:s7], $0x4000  }
0x84: {  	[sflag:s7] =	ssyncset.done @!p2 $0x0  }
0x85: {  	s2 =	sadd.s32 @!p2 $0xC80, s8;
	[sflag:s7] =	ssyncadd.s32 @!p2 $0xFFFFC000;
	s7 =	simm.s32 @!p3 $0x4  }
0x86: {  	[tilespmem:s13], [sflag:$0x5] =	stream.indirect.gather.add.s32 @!p2 [hbm:s4], $0x80, s2, s10, $0xb8;
	[tilespmem:$0xD800] =	vst v63  }
0x87: {  	_ =	swait.ge @!p3 [sflag:s7], $0x4000  }
0x88: {  	[sflag:s7] =	ssyncset.done @!p3 $0x0  }
0x89: {  	s30 =	simm.s32 $0x7;
	s2 =	simm.s32 @!p3 $0x0;
	[sflag:s7] =	ssyncadd.s32 @!p3 $0xFFFFC000  }
0x8a: {  	[hbm4b:s19+s2] =	stream.linear.scatter @!p3 [tilespmem:s1], [sflag:$0x7], $0x4000, $0x38;
	[tilespmem:$0xD800] =	vst v63  }
0x8b: {  	_ =	swait.ge [sflag:s30], $0x4000  }
0x8c: {  	[sflag:s30] =	ssyncset.done $0x0  }
0x8d: {  	[sflag:s30] =	ssyncadd.s32 $0xFFFFC000  }
0x8e: {  	_ =	swait.ge [sflag:s15], $0x4000  }
0x8f: {  	[sflag:s15] =	ssyncset.done $0x0  }
0x90: {  	[sflag:s15] =	ssyncadd.s32 $0xFFFFC000  }
0x91: {  	_ =	swait.ge [sflag:s16], $0x4000  }
0x92: {  	s17 =	sadd.s32 $0x1, s17;
	s31 =	rddreg [dreg:$0x4]  }
0x93: {  	p0 =	sne.s32 s17, s31  }
.Ltmp1:
0x94: {  	_ = 	snop;
	(pc) =	sbr.rel @p0 .LBB2_1-.Ltmp1, $3  }
0x95: {  	_ =	sdelay $0x1  }
0x96: {  	[sflag:s16] =	ssyncset.done $0x0  }
0x97: {  	[sflag:s16] =	ssyncadd.s32 $0xFFFFC000  }
0x98: {  	_ =	sfence.sel $0x180000  }
0x99: {  	[bflag:$0x0] =	sbarrier.arrive $0xFFFF  }
0x9a: {  	_ =	strace $0x90000050  }
0x9b: {  	s0 =	stileid.u32;
	[bflag:$0x2] =	sbarrier.arrive $0xFFFF  }
0x9c: {  	p0 =	sne.s32 s0, $0x0;
	s0 =	rddreg [dreg:$0x1]  }
0x9d: {  	s0 =	sadd.s32 @!p0 $0x100000, s0  }
0x9e: {  	[sflag:s0] =	ssyncadd.tile.s32 @!p0 $0x1;
	_ =	shalt  }
.Lfunc_end2:
_tile_overlayer_lowered:
.L_overlay_start_2:
0x9f: {  	(tag) =	ssettag $0x2  }
0xa0: {  	s0 =	rddreg [dreg:$0x0];
	s2 =	stileid.u32  }
0xa1: {  	s1 =	rddreg [dreg:$0x1];
	p0 =	sne.s32 s2, $0x0  }
0xa2: {  	s3 =	rddreg [dreg:$0x2];
	[bflag:$0x3] =	sbarrier.arrive $0xFFFF;
	s2 =	simm.s32 @!p0 $0x1C0A  }
0xa3: {  	[timem:s3], [sflag:s2] =	dma.local @!p0 [hbm:s0], s1  }
0xa4: {  	s0 =	simm.s32 @!p0 $0xA  }
0xa5: {  	_ =	swait.ge @!p0 [sflag:s0], s1  }
0xa6: {  	s1 =	ssub.s32 @!p0 $0x0, s1;
	[sflag:s0] =	ssyncset.done @!p0 $0x0  }
0xa7: {  	[sflag:s0] =	ssyncadd.s32 @!p0 s1  }
0xa8: {  	[bflag:$0x3] =	sbarrier.arrive $0xFFFF  }
0xa9: {  	_ =	shalt  }

// kernel: kernel.24.cloned.1.call-start
scs
__scs_entry_jumppad:
0x0: {  	(pc) =	sbr.rel $0x88, $3  }
0x1: {  	(tag) =	ssettag $0x0;
	lr =	simm.s32 $0x1  }
0x2: {  	[smem:$0x3F96] =	sst lr;
	_ =	strace $0xD0000000  }
0x3: {  	_ = 	snop  }
0x4: {  	_ = 	snop  }
0x5: {  	_ = 	snop  }
0x6: {  	_ = 	snop  }
0x7: {  	_ = 	snop  }
__scs_overlays_trampoline_lowered:
0x8: {  	[smem:$0x3FA5] =	sst s0  }
0x9: {  	[smem:$0x3FA6] =	sst s1  }
0xa: {  	[smem:$0x3FA7] =	sst s2  }
0xb: {  	[smem:$0x3FA8] =	sst s3  }
0xc: {  	[smem:$0x3FA9] =	sst s4  }
0xd: {  	[smem:$0x3FAA] =	sst s5  }
0xe: {  	[smem:$0x3FAB] =	sst s6  }
0xf: {  	[smem:$0x3FAC] =	sst s7  }
0x10: {  	[smem:$0x3FAD] =	sst s8  }
0x11: {  	[smem:$0x3FAE] =	sst s9;
	s0 =	simm.s32 @!p0 $0x0  }
0x12: {  	s1 =	sld [smem:$0x3F94];
	s0 =	simm.s32 @p0 $0x1  }
0x13: {  	[smem:$0x3FAF] =	sst s0;
	s0 =	simm.s32 @!p1 $0x0  }
0x14: {  	s2 =	sld [smem:$0x3F93];
	s0 =	simm.s32 @p1 $0x1  }
0x15: {  	[smem:$0x3FB0] =	sst s0;
	s0 =	simm.s32 @!p2 $0x0  }
0x16: {  	s3 =	sld [smem:$0x3FDB];
	s0 =	simm.s32 @p2 $0x1  }
0x17: {  	s4 =	simm.s32 $0x1BF5;
	[smem:$0x3FB2] =	sst s0  }
0x18: {  	s0 =	sld [smem:$0x3F95];
	_ =	swait.ge [sflag:s4], $0x0  }
0x19: {  	s7 =	sld [smem:$0x3F96]  }
0x1a: {  	s8 =	sadd.s32 $0xFFFFE003, lr  }
0x1b: {  	s9 =	sadd.s32 $0xFFFFFEF7, lr;
	s5 =	simm.s32 $0xFFFFFFFF;
	p2 =	slt.u32 s8, $0xFFFFF086  }
0x1c: {  	p1 =	slt.u32 s9, $0xF7A;
	s5 =	simm.s32 @!p2 $0x0  }
0x1d: {  	s5 =	simm.s32 @p1 $0x1;
	p0 =	seq.s32 s7, s2  }
0x1e: {  	s7 =	smul.u32 @!p0 $0xF7A, s2;
	p2 =	seq.s32 @!p0 s5, $0x0  }
0x1f: {  	s9 =	smul.u32 $0xF7A, s1;
	s8 =	simm.s32 @!p0 $0x1BF5;
	p2 =	por !p2, p0  }
0x20: {  	[sflag:s8] =	ssyncset.s32 @!p0 $0xFFFFF086;
	s6 =	sadd.s32 @!p0 s3, s7;
	s7 =	simm.s32 @!p0 $0x108  }
0x21: {  	s3 =	sadd.s32 s3, s9;
	s6 =	sadd.s32 @!p0 $0x88, s6;
	s7 =	simm.s32 @p2 $0x1082  }
0x22: {  	[simem:s7], [sflag:s8] =	dma.local @!p0 [hbm:s6], $0xF7A  }
0x23: {  	s9 =	sor.u32 $0xD0000000, s2;
	s6 =	simm.s32 $0x108;
	_ =	swait.ge @!p0 [sflag:s8], $0x0  }
0x24: {  	s3 =	sadd.s32 $0x88, s3;
	s6 =	simm.s32 @!p1 $0x1082;
	[sflag:s4] =	ssyncset.s32 $0xFFFFF086  }
0x25: {  	[simem:s6], [sflag:s4] =	dma.local [hbm:s3], $0xF7A  }
0x26: {  	[smem:$0x3F96] =	sst s1;
	(tag) =	ssettag s2;
	_ =	strace s9  }
0x27: {  	s1 =	sld [smem:$0x3FA6]  }
0x28: {  	s2 =	sld [smem:$0x3FA7]  }
0x29: {  	s4 =	sld [smem:$0x3FA9]  }
0x2a: {  	p0 =	seq.s32 s5, $0x0;
	s5 =	sld [smem:$0x3FAA]  }
0x2b: {  	s6 =	sld [smem:$0x3FAB]  }
0x2c: {  	s7 =	sld [smem:$0x3FAC]  }
0x2d: {  	s3 =	simm.s32 $0x108;
	s8 =	sld [smem:$0x3FAD]  }
0x2e: {  	s3 =	simm.s32 @!p0 $0x1082;
	s9 =	sld [smem:$0x3FAE]  }
0x2f: {  	lr =	sadd.s32 s0, s3;
	s0 =	sld [smem:$0x3FA5]  }
0x30: {  	s3 =	sld [smem:$0x3FA8]  }
0x31: {  	[smem:$0x3FB1] =	sst s10  }
0x32: {  	s10 =	sld [smem:$0x3FAF];
	_ =	sdelay $0x3  }
0x33: {  	p0 =	seq.s32 s10, $0x1;
	s10 =	sld [smem:$0x3FB1];
	_ =	sdelay $0x3  }
0x34: {  	[smem:$0x3FB1] =	sst s10  }
0x35: {  	s10 =	sld [smem:$0x3FB0];
	_ =	sdelay $0x3  }
0x36: {  	p1 =	seq.s32 s10, $0x1;
	s10 =	sld [smem:$0x3FB1];
	_ =	sdelay $0x3  }
0x37: {  	[smem:$0x3FB1] =	sst s10  }
0x38: {  	s10 =	sld [smem:$0x3FB2]  }
0x39: {  	_ = 	snop;
	(pc) =	sbr.ind lr, $3  }
0x3a: {  	_ = 	snop  }
0x3b: {  	_ = 	snop  }
0x3c: {  	p2 =	seq.s32 s10, $0x1;
	s10 =	sld [smem:$0x3FB1]  }
0x3d: {  	_ =	shalt  }
0x3e: {  	_ =	shalt  }
0x3f: {  	_ =	shalt  }
0x40: {  	_ =	shalt  }
0x41: {  	_ =	shalt  }
0x42: {  	_ =	shalt  }
0x43: {  	_ =	shalt  }
0x44: {  	_ =	shalt  }
0x45: {  	_ =	shalt  }
0x46: {  	_ =	shalt  }
0x47: {  	_ =	shalt  }
0x48: {  	_ =	shalt  }
0x49: {  	_ =	shalt  }
0x4a: {  	_ =	shalt  }
0x4b: {  	_ =	shalt  }
0x4c: {  	_ =	shalt  }
0x4d: {  	_ =	shalt  }
0x4e: {  	_ =	shalt  }
0x4f: {  	_ =	shalt  }
0x50: {  	_ =	shalt  }
0x51: {  	_ =	shalt  }
0x52: {  	_ =	shalt  }
0x53: {  	_ =	shalt  }
0x54: {  	_ =	shalt  }
0x55: {  	_ =	shalt  }
0x56: {  	_ =	shalt  }
0x57: {  	_ =	shalt  }
0x58: {  	_ =	shalt  }
0x59: {  	_ =	shalt  }
0x5a: {  	_ =	shalt  }
0x5b: {  	_ =	shalt  }
0x5c: {  	_ =	shalt  }
0x5d: {  	_ =	shalt  }
0x5e: {  	_ =	shalt  }
0x5f: {  	_ =	shalt  }
0x60: {  	_ =	shalt  }
0x61: {  	_ =	shalt  }
0x62: {  	_ =	shalt  }
0x63: {  	_ =	shalt  }
0x64: {  	_ =	shalt  }
0x65: {  	_ =	shalt  }
0x66: {  	_ =	shalt  }
0x67: {  	_ =	shalt  }
0x68: {  	_ =	shalt  }
0x69: {  	_ =	shalt  }
0x6a: {  	_ =	shalt  }
0x6b: {  	_ =	shalt  }
0x6c: {  	_ =	shalt  }
0x6d: {  	_ =	shalt  }
0x6e: {  	_ =	shalt  }
0x6f: {  	_ =	shalt  }
0x70: {  	_ =	shalt  }
0x71: {  	_ =	shalt  }
0x72: {  	_ =	shalt  }
0x73: {  	_ =	shalt  }
0x74: {  	_ =	shalt  }
0x75: {  	_ =	shalt  }
0x76: {  	_ =	shalt  }
0x77: {  	_ =	shalt  }
0x78: {  	_ =	shalt  }
0x79: {  	_ =	shalt  }
0x7a: {  	_ =	shalt  }
0x7b: {  	_ =	shalt  }
0x7c: {  	_ =	shalt  }
0x7d: {  	_ =	shalt  }
0x7e: {  	_ =	shalt  }
0x7f: {  	_ =	shalt  }
0x80: {  	_ =	shalt  }
0x81: {  	_ =	shalt  }
0x82: {  	_ =	shalt  }
0x83: {  	_ =	shalt  }
0x84: {  	_ =	shalt  }
0x85: {  	_ =	shalt  }
0x86: {  	_ =	shalt  }
0x87: {  	_ =	shalt  }
.Lfunc_end0:
.L_simem_size_0:
called_computation.4_lowered:
.L_overlay_start_0:
0x88: {  	s2 =	sld [smem:$0x3FD9]  }
0x89: {  	s3 =	sld [smem:$0x3FFE];
	_ =	sdelay $0x1  }
0x8a: {  	s1 =	srdreg.scid  }
0x8b: {  	s0 =	sand.u32 $0x1, s1  }
0x8c: {  	s17 =	sshll.u32 s0, $0xA;
	s2 =	sadd.s32 s3, s2  }
0x8d: {  	s2 =	sadd.s32 s2, s17  }
0x8e: {  	[smem:$0x3FBD] =	sst s2  }
0x8f: {  	_ = 	snop  }
0x90: {  	(tm) =	ssettm $0x1  }
0x91: {  	s18 =	sld [smem:$0x3FFB];
	_ =	sdelay $0x3  }
0x92: {  	_ =	strace s18  }
0x93: {  	s2 =	sld [smem:$0x3FFC];
	_ =	sdelay $0x3  }
0x94: {  	_ =	strace s2  }
0x95: {  	s2 =	sld [smem:$0x3FFD];
	_ =	sdelay $0x3  }
0x96: {  	_ =	strace s2  }
0x97: {  	_ =	strace $0x8FFFFFFF  }
0x98: {  	s19 =	sld [smem:$0x3FDB];
	_ =	sdelay $0x1  }
0x99: {  	s20 =	simm.s32 $_scs_section_size  }
0x9a: {  	s4 =	simm.s32 $_size__tile_overlayer_lowered;
	s5 =	simm.s32 $_tile_overlayer_lowered  }
0x9b: {  	s6 =	simm.s32 $0x1BFF;
	s21 =	sshll.u32 s5, $0x1;
	s3 =	sadd.s32 s20, s19  }
0x9c: {  	s22 =	simm.s32 $0x0;
	s4 =	sshll.u32 s4, $0x1;
	s5 =	sadd.s32 s21, s3  }
0x9d: {  	[timem:s22], [sflag:s6] =	dma.local [hbm:s5], s4  }
0x9e: {  	_ =	swait.ge [sflag:s6], s4  }
0x9f: {  	s4 =	ssub.s32 $0x0, s4;
	[sflag:s6] =	ssyncset.done $0x0  }
0xa0: {  	[sflag:s6] =	ssyncadd.s32 s4;
	_ =	sdelay $0x1  }
0xa1: {  	s23 =	simm.s32 $0x1B8B  }
0xa2: {  	_ =	swait.ge [sflag:s23], $0x1  }
0xa3: {  	[sflag:s23] =	ssyncset.done $0x0  }
0xa4: {  	[sflag:s23] =	ssyncadd.s32 $0xFFFFFFFF  }
0xa5: {  	s4 =	sld [smem:$0x0]  }
0xa6: {  	s5 =	sand.u32 $0xFFFFFFFE, s1  }
0xa7: {  	p0 =	sne.s32 s1, s5  }
0xa8: {  	s5 =	sshll.u32 @p0 s5, $0xE  }
0xa9: {  	s5 =	sadd.s32 @p0 $0x11B8D, s5;
	s6 =	sshll.u32 @p0 s4, $0x11  }
0xaa: {  	s5 =	sor.u32 @p0 s6, s5  }
0xab: {  	[sflag:s5] =	ssyncadd.remote.s32 @p0 $0x1;
	_ =	sdelay $0x1  }
0xac: {  	s5 =	simm.s32 @p0 $0x1B8D  }
0xad: {  	_ =	swait.eq @p0 [sflag:s5], $0x1  }
0xae: {  	[sflag:s5] =	ssyncadd.s32 @p0 $0xFFFFFFFF  }
0xaf: {  	s6 =	sshll.u32 @!p0 s1, $0xE  }
0xb0: {  	s6 =	sor.u32 @!p0 $0x4000, s6;
	s5 =	simm.s32 @!p0 $0x1B8D  }
0xb1: {  	s4 =	sshll.u32 @!p0 s4, $0x11;
	s6 =	sadd.s32 @!p0 $0x11B8D, s6;
	_ =	swait.eq @!p0 [sflag:s5], $0x1  }
0xb2: {  	s4 =	sor.u32 @!p0 s4, s6;
	[sflag:s5] =	ssyncadd.s32 @!p0 $0xFFFFFFFF  }
0xb3: {  	s25 =	simm.s32 $0x1B8E;
	s24 =	sld [smem:$0x3FFE];
	[sflag:s4] =	ssyncadd.remote.s32 @!p0 $0x1  }
0xb4: {  	s26 =	simm.s32 $execute0_lowered;
	[smem:$0x3FD2] =	sst s25  }
0xb5: {  	s5 =	sshll.u32 s26, $0x1;
	_ =	strace $0x80000052;
	[dreg:$0x1] =	wrdreg $0xFFFFFFFF  }
0xb6: {  	s28 =	simm.s32 $_size_execute0_lowered;
	s3 =	sadd.s32 s3, s5;
	[dreg:$0x0] =	wrdreg $0x0  }
0xb7: {  	s5 =	sshll.u32 s28, $0x1;
	[dreg:$0x2] =	wrdreg s3  }
0xb8: {  	[dreg:$0x3] =	wrdreg s5  }
0xb9: {  	[dreg:$0x4] =	wrdreg $0xC0  }
0xba: {  	_ =	task [dreg:s22], $0x5FFFF  }
0xbb: {  	[dreg:$0x1] =	wrdreg $0xFFFFFFFF  }
0xbc: {  	[dreg:$0x0] =	wrdreg $0x60  }
0xbd: {  	[dreg:$0x2] =	wrdreg s24  }
0xbe: {  	[dreg:$0x3] =	wrdreg $0xD  }
0xbf: {  	_ =	task.clear_ibuf [dreg:s22], $0x4FFFF;
	_ =	strace $0x90000052  }
0xc0: {  	s29 =	simm.s32 $0xD;
	_ =	strace $0x80000054  }
0xc1: {  	_ =	swait.ge [sflag:s29], $0x1  }
0xc2: {  	[sflag:s29] =	ssyncadd.s32 $0xFFFFFFFF  }
0xc3: {  	_ =	strace $0x90000054  }
0xc4: {  	_ =	sfence  }
0xc5: {  	s30 =	sld [smem:$0x0];
	_ =	sdelay $0x2  }
0xc6: {  	s31 =	sshll.u32 s1, $0xD;
	s1 =	sshrl.u32 s1, $0x2  }
0xc7: {  	s4 =	sand.u32 $0x4000, s31;
	s1 =	sadd.s32 s1, s30  }
0xc8: {  	s0 =	sor.u32 s4, s0;
	s1 =	sshll.u32 s1, $0x11  }
0xc9: {  	s0 =	sor.u32 s1, s0  }
0xca: {  	s0 =	sadd.s32 $0x8F2B, s0  }
0xcb: {  	[sflag:s0] =	ssyncadd.remote.s32 $0x1  }
0xcc: {  	_ =	sfence.sel $0xFFFF  }
0xcd: {  	[dreg:$0x0] =	wrdreg $0xFFFFFFFF;
	(pc) =	sbr.abs _section_cstart, $3  }
0xce: {  	[dreg:$0x1] =	wrdreg $0xFFFFFFFF  }
0xcf: {  	_ =	task.clear_ibuf [dreg:s22], $0x2FFFF;
	_ =	strace $0x9FFFFFFF  }
0xd0: {  	(tm) =	ssettm $0x7FFFFFFF  }
0xd1: {  	_ =	shalt  }
tec
execute0_lowered:
.L_overlay_start_1:
0x0: {  	(tag) =	ssettag $0x1  }
0x1: {  	s1 =	srdreg.scid;
	s0 =	stileid.u32  }
0x2: {  	s25 =	sand.u32 $0x1, s1;
	s31 =	sshll.u32 s0, $0x1  }
0x3: {  	s1 =	sor.u32 s25, s31  }
0x4: {  	s2 =	smin.u32 s1, $0x8  }
0x5: {  	s24 =	sadd.s32 s1, s2  }
0x6: {  	s23 =	rddreg [dreg:$0x0];
	s2 =	simm.s32 $0x0;
	s3 =	sshll.u32 s24, $0x4  }
0x7: {  	s4 =	simm.s32 $0xA;
	[smem:$0x7FF] =	sst s2;
	s5 =	sadd.s32 s3, s23  }
0x8: {  	s1 =	rddreg [dreg:$0x1];
	_ =	strace $0x80000053;
	s3 =	sadd.s32 $0x50A000, s5  }
0x9: {  	[tilespmem:s2], [sflag:$0xA] =	stream.linear.gather [hbm4b:s3+s2], $0x100, $0x38;
	[tilespmem:$0xC200] =	vst v63  }
0xa: {  	_ =	swait.ge [sflag:s4], $0x100  }
0xb: {  	[sflag:s4] =	ssyncset.done $0x0  }
0xc: {  	s6 =	simm.s32 $0x100;
	s5 =	sadd.s32 $0x50A600, s5;
	[sflag:s4] =	ssyncadd.s32 $0xFFFFFF00  }
0xd: {  	[tilespmem:s6], [sflag:$0xA] =	stream.linear.gather [hbm4b:s5+s2], $0x100, $0x38;
	[tilespmem:$0xC200] =	vst v63  }
0xe: {  	s8 =	simm.s32 $0x80;
	_ =	swait.ge [sflag:s4], $0x100  }
0xf: {  	s9 =	simm.s32 $0x200;
	p0 =	sgt.u32 s0, $0x3;
	[sflag:s4] =	ssyncset.done $0x0  }
0x10: {  	s7 =	sadd.s32 $0x2BA00, s23;
	s10 =	simm.s32 @p0 $0x1;
	[sflag:s4] =	ssyncadd.s32 $0xFFFFFF00  }
0x11: {  	[tilespmem:s9], [sflag:$0x1] =	stream.indirect.gather [hbm4b:s7+s8], $0x80, s2, s8, $0xb8;
	[tilespmem:$0xC200] =	vst v63  }
0x12: {  	_ =	swait.ge @p0 [sflag:s10], $0x4000  }
0x13: {  	s11 =	sadd.s32 $0x4800, s23;
	s12 =	simm.s32 @p0 $0x200;
	[sflag:s10] =	ssyncset.done @p0 $0x0  }
0x14: {  	s13 =	simm.s32 @p0 $0x80;
	s14 =	simm.s32 @p0 $0x100;
	[sflag:s10] =	ssyncadd.s32 @p0 $0xFFFFC000  }
0x15: {  	[tilespmem:s12], [sflag:$0x4] =	stream.indirect.gather.add.s32 @p0 [hbm:s11], $0x80, s14, s13, $0xb8;
	[tilespmem:$0xC200] =	vst v63  }
0x16: {  	s15 =	simm.s32 @!p0 $0x80;
	s16 =	simm.s32 @!p0 $0x4200;
	s17 =	simm.s32 @!p0 $0x1  }
0x17: {  	[tilespmem:s16], [sflag:$0x2] =	stream.indirect.gather @!p0 [hbm4b:s7+s15], $0x80, s15, s15, $0xb8;
	[tilespmem:$0xC200] =	vst v63  }
0x18: {  	_ =	swait.ge @!p0 [sflag:s17], $0x4000  }
0x19: {  	s18 =	simm.s32 @!p0 $0x2;
	[sflag:s17] =	ssyncset.done @!p0 $0x0  }
0x1a: {  	s19 =	simm.s32 @!p0 $0x100;
	s20 =	simm.s32 @!p0 $0x200;
	[sflag:s17] =	ssyncadd.s32 @!p0 $0xFFFFC000  }
0x1b: {  	[tilespmem:s20], [sflag:$0x4] =	stream.indirect.gather.add.s32 @!p0 [hbm:s11], $0x80, s19, s15, $0xb8;
	[tilespmem:$0xC200] =	vst v63  }
0x1c: {  	_ =	swait.ge @!p0 [sflag:s18], $0x4000  }
0x1d: {  	s21 =	simm.s32 $0x4;
	[sflag:s18] =	ssyncset.done @!p0 $0x0  }
0x1e: {  	s22 =	simm.s32 @!p0 $0x180;
	s29 =	ssub.s32 $0x2, s25;
	[sflag:s18] =	ssyncadd.s32 @!p0 $0xFFFFC000  }
0x1f: {  	[tilespmem:s16], [sflag:$0x5] =	stream.indirect.gather.add.s32 @!p0 [hbm:s11], $0x80, s22, s15, $0xb8;
	[tilespmem:$0xC200] =	vst v63  }
0x20: {  	s30 =	sshrl.u32 s29, $0x1;
	s24 =	sshll.u32 s24, $0xB;
	_ =	swait.ge [sflag:s21], $0x4000  }
0x21: {  	s29 =	ssub.s32 s29, s30;
	s26 =	sadd.s32 s24, s23;
	[sflag:s21] =	ssyncset.done $0x0  }
0x22: {  	s24 =	simm.s32 @!p0 $0x5;
	s23 =	sadd.s32 $0x50AC00, s26;
	[sflag:s21] =	ssyncadd.s32 $0xFFFFC000  }
0x23: {  	[hbm4b:s23+s2] =	stream.linear.scatter [tilespmem:s9], [sflag:$0x7], $0x4000, $0x38;
	[tilespmem:$0xC200] =	vst v63  }
0x24: {  	s28 =	simm.s32 @!p0 $0x7;
	s30 =	smax.u32 s29, $0x1;
	_ =	swait.ge @!p0 [sflag:s24], $0x4000  }
0x25: {  	s30 =	sadd.s32 $0xFFFFFFFF, s30;
	s25 =	sadd.s32 $0x50B400, s26;
	[sflag:s24] =	ssyncset.done @!p0 $0x0  }
0x26: {  	s26 =	simm.s32 @!p0 $0x0;
	p1 =	sne.s32 s30, $0x0;
	[sflag:s24] =	ssyncadd.s32 @!p0 $0xFFFFC000  }
0x27: {  	[hbm4b:s25+s26] =	stream.linear.scatter @!p0 [tilespmem:s16], [sflag:$0x8], $0x4000, $0x38;
	[tilespmem:$0xC200] =	vst v63  }
.Ltmp0:
0x28: {  	_ =	swait.ge @!p0 [sflag:s28], $0x4000;
	(pc) =	sbr.rel @!p1 .LBB2_2-.Ltmp0, $4  }
0x29: {  	s29 =	simm.s32 @!p0 $0x8;
	[sflag:s28] =	ssyncset.done @!p0 $0x0  }
0x2a: {  	s29 =	simm.s32 @p0 $0x7;
	[sflag:s28] =	ssyncadd.s32 @!p0 $0xFFFFC000  }
0x2b: {  	_ =	swait.ge [sflag:s29], $0x4000  }
0x2c: {  	[sflag:s29] =	ssyncset.done $0x0  }
.LBB2_1:
0x2d: {  	s30 =	sadd.s32 $0xFFFFFFFF, s30;
	[sflag:s29] =	ssyncadd.s32 $0xFFFFC000  }
0x2e: {  	[tilespmem:s2], [sflag:$0xA] =	stream.linear.gather [hbm4b:s3+s2], $0x100, $0x38;
	[tilespmem:$0xC200] =	vst v63  }
0x2f: {  	p1 =	sne.s32 s30, $0x0;
	_ =	swait.ge [sflag:s4], $0x100  }
0x30: {  	[sflag:s4] =	ssyncset.done $0x0  }
0x31: {  	[sflag:s4] =	ssyncadd.s32 $0xFFFFFF00  }
0x32: {  	[tilespmem:s6], [sflag:$0xA] =	stream.linear.gather [hbm4b:s5+s2], $0x100, $0x38;
	[tilespmem:$0xC200] =	vst v63  }
0x33: {  	_ =	swait.ge [sflag:s4], $0x100  }
0x34: {  	[sflag:s4] =	ssyncset.done $0x0  }
0x35: {  	[sflag:s4] =	ssyncadd.s32 $0xFFFFFF00  }
0x36: {  	[tilespmem:s9], [sflag:$0x1] =	stream.indirect.gather [hbm4b:s7+s8], $0x80, s2, s8, $0xb8;
	[tilespmem:$0xC200] =	vst v63  }
0x37: {  	_ =	swait.ge @p0 [sflag:s10], $0x4000  }
0x38: {  	[sflag:s10] =	ssyncset.done @p0 $0x0  }
0x39: {  	[sflag:s10] =	ssyncadd.s32 @p0 $0xFFFFC000  }
0x3a: {  	[tilespmem:s12], [sflag:$0x4] =	stream.indirect.gather.add.s32 @p0 [hbm:s11], $0x80, s14, s13, $0xb8;
	[tilespmem:$0xC200] =	vst v63  }
0x3b: {  	_ = 	snop  }
0x3c: {  	[tilespmem:s16], [sflag:$0x2] =	stream.indirect.gather @!p0 [hbm4b:s7+s15], $0x80, s15, s15, $0xb8;
	[tilespmem:$0xC200] =	vst v63  }
0x3d: {  	_ =	swait.ge @!p0 [sflag:s17], $0x4000  }
0x3e: {  	[sflag:s17] =	ssyncset.done @!p0 $0x0  }
0x3f: {  	[sflag:s17] =	ssyncadd.s32 @!p0 $0xFFFFC000  }
0x40: {  	[tilespmem:s20], [sflag:$0x4] =	stream.indirect.gather.add.s32 @!p0 [hbm:s11], $0x80, s19, s15, $0xb8;
	[tilespmem:$0xC200] =	vst v63  }
0x41: {  	_ =	swait.ge @!p0 [sflag:s18], $0x4000  }
0x42: {  	[sflag:s18] =	ssyncset.done @!p0 $0x0  }
0x43: {  	[sflag:s18] =	ssyncadd.s32 @!p0 $0xFFFFC000  }
0x44: {  	[tilespmem:s16], [sflag:$0x5] =	stream.indirect.gather.add.s32 @!p0 [hbm:s11], $0x80, s22, s15, $0xb8;
	[tilespmem:$0xC200] =	vst v63  }
0x45: {  	_ =	swait.ge [sflag:s21], $0x4000  }
0x46: {  	[sflag:s21] =	ssyncset.done $0x0  }
0x47: {  	[sflag:s21] =	ssyncadd.s32 $0xFFFFC000  }
0x48: {  	[hbm4b:s23+s2] =	stream.linear.scatter [tilespmem:s9], [sflag:$0x7], $0x4000, $0x38;
	[tilespmem:$0xC200] =	vst v63  }
0x49: {  	_ =	swait.ge @!p0 [sflag:s24], $0x4000  }
0x4a: {  	[sflag:s24] =	ssyncset.done @!p0 $0x0  }
0x4b: {  	[sflag:s24] =	ssyncadd.s32 @!p0 $0xFFFFC000  }
0x4c: {  	[hbm4b:s25+s26] =	stream.linear.scatter @!p0 [tilespmem:s16], [sflag:$0x8], $0x4000, $0x38;
	[tilespmem:$0xC200] =	vst v63  }
.Ltmp1:
0x4d: {  	_ =	swait.ge @!p0 [sflag:s28], $0x4000;
	(pc) =	sbr.rel @p1 .LBB2_1-.Ltmp1, $4  }
0x4e: {  	[sflag:s28] =	ssyncset.done @!p0 $0x0  }
0x4f: {  	[sflag:s28] =	ssyncadd.s32 @!p0 $0xFFFFC000  }
0x50: {  	_ =	swait.ge [sflag:s29], $0x4000  }
0x51: {  	[sflag:s29] =	ssyncset.done $0x0  }
.LBB2_2:
0x52: {  	[sflag:s29] =	ssyncadd.s32 $0xFFFFC000  }
0x53: {  	_ =	sfence.sel $0x180000  }
0x54: {  	[bflag:$0x0] =	sbarrier.arrive $0xFFFF  }
0x55: {  	p0 =	sne.s32 s0, $0x0;
	_ =	strace $0x90000053  }
0x56: {  	s0 =	sadd.s32 @!p0 $0x100000, s1;
	[bflag:$0x2] =	sbarrier.arrive $0xFFFF  }
0x57: {  	[sflag:s0] =	ssyncadd.tile.s32 @!p0 $0x1;
	_ =	shalt  }
.Lfunc_end2:
_tile_overlayer_lowered:
.L_overlay_start_2:
0x58: {  	(tag) =	ssettag $0x2  }
0x59: {  	s0 =	rddreg [dreg:$0x0];
	s2 =	stileid.u32  }
0x5a: {  	s1 =	rddreg [dreg:$0x1];
	p0 =	sne.s32 s2, $0x0  }
0x5b: {  	s3 =	rddreg [dreg:$0x2];
	[bflag:$0x3] =	sbarrier.arrive $0xFFFF;
	s2 =	simm.s32 @!p0 $0x1C0A  }
0x5c: {  	[timem:s3], [sflag:s2] =	dma.local @!p0 [hbm:s0], s1  }
0x5d: {  	s0 =	simm.s32 @!p0 $0xA  }
0x5e: {  	_ =	swait.ge @!p0 [sflag:s0], s1  }
0x5f: {  	s1 =	ssub.s32 @!p0 $0x0, s1;
	[sflag:s0] =	ssyncset.done @!p0 $0x0  }
0x60: {  	[sflag:s0] =	ssyncadd.s32 @!p0 s1  }
0x61: {  	[bflag:$0x3] =	sbarrier.arrive $0xFFFF  }
0x62: {  	_ =	shalt  }

</sc_bundles>
